<compile_context>
chip_gen: v7x
topology: tpu7x:2x2x1
jax: 0.10.2.dev20260603
libtpu: 0.0.44.dev20260713+nightly
codegen_flags: <defaults>
</compile_context>

<pallas_src>
import functools

import jax
import jax.numpy as jnp
from jax import lax
from jax.experimental import pallas as pl
from jax.experimental.pallas import tpu as pltpu
from jax.experimental.pallas import tpu_sc as plsc

N_NODES = 10000
N_EDGES = 320000
X_SIZE = 128
H_SIZE = 128

NC, NS = 2, 16
NW = NC * NS
NP = 10240
NPA = 10112
RPT = NPA // NS
EMB_ROWS_PER_TILE = NP // NW
EMB_CHUNK = 80

CA = 64
CB = 48
EP_A = 323584
EP_B = 321024
NCH_A = EP_A // (NW * CA)
NCH_B = EP_B // (NW * CB)
N0_A = 260
N0_B = 222
EMB_CH0 = 5

_MESH = plsc.VectorSubcoreMesh(core_axis_name="c", subcore_axis_name="s")


@functools.partial(
    pl.kernel,
    out_type=jax.ShapeDtypeStruct((NP, X_SIZE), jnp.float32),
    mesh=_MESH,
    scratch_types=[
        pltpu.VMEM((EMB_CHUNK,), jnp.int32),
        pltpu.VMEM((EMB_CHUNK, X_SIZE), jnp.float32),
        pltpu.SemaphoreType.DMA,
    ],
)
def _emb_gather(wid_hbm, emb_hbm, x_hbm, idx_v, rows_v, sem):
    c = lax.axis_index("c")
    s = lax.axis_index("s")
    nch = jnp.where(c == 0, EMB_CH0, 8 - EMB_CH0)
    base = jnp.where(c == 0, s * EMB_CH0,
                     NS * EMB_CH0 + s * (8 - EMB_CH0)) * EMB_CHUNK

    def body(ci, carry):
        off = base + ci * EMB_CHUNK
        pltpu.sync_copy(wid_hbm.at[pl.ds(off, EMB_CHUNK)], idx_v)
        pltpu.async_copy(emb_hbm.at[idx_v], rows_v, sem).wait()
        pltpu.sync_copy(rows_v, x_hbm.at[pl.ds(off, EMB_CHUNK)])
        return carry

    lax.fori_loop(0, nch, body, 0)


@functools.partial(
    pl.kernel,
    out_type=jax.ShapeDtypeStruct((NC * NPA, H_SIZE), jnp.float32),
    mesh=_MESH,
    scratch_types=[
        pltpu.VMEM((4, 2, CA), jnp.int32),
        pltpu.VMEM((2, CA, H_SIZE), jnp.float32),
        pltpu.VMEM_SHARED((NPA, H_SIZE), jnp.float32),
        pltpu.SemaphoreType.DMA((4,)),
        pltpu.SemaphoreType.DMA((2,)),
        pltpu.SemaphoreType.DMA((2,)),
    ],
)
def _edge_a(eidx_hbm, h_hbm, part_hbm, idx4, hbuf, acc_sh,
            semi, semg, sems):
    c = lax.axis_index("c")
    s = lax.axis_index("s")
    n0 = N0_A
    n1 = 2 * NCH_A - N0_A
    ncth = jnp.where(c == 0, n0, n1)
    kbase = jnp.where(c == 0, s * n0, NS * n0 + s * n1)
    rbase = s * RPT

    @plsc.parallel_loop(0, CA, step=1, unroll=4)
    def _zrow(r):
        for j in range(H_SIZE // 16):
            hbuf[0, r, pl.ds(j * 16, 16)] = jnp.zeros((16,), jnp.float32)

    for i in range(RPT // CA):
        pltpu.sync_copy(hbuf.at[0], acc_sh.at[pl.ds(rbase + i * CA, CA)])
    pltpu.sync_copy(hbuf.at[0, pl.ds(0, RPT % CA)],
                    acc_sh.at[pl.ds(rbase + (RPT // CA) * CA, RPT % CA)])
    plsc.subcore_barrier()

    def idx_start(k):
        pltpu.async_copy(eidx_hbm.at[kbase + k], idx4.at[lax.rem(k, 4)],
                         semi.at[lax.rem(k, 4)])

    def idx_wait(k):
        pltpu.make_async_copy(eidx_hbm.at[kbase + k], idx4.at[lax.rem(k, 4)],
                              semi.at[lax.rem(k, 4)]).wait()

    def gather_start(k):
        pltpu.async_copy(h_hbm.at[idx4.at[lax.rem(k, 4), 0]],
                         hbuf.at[lax.rem(k, 2)], semg.at[lax.rem(k, 2)])

    def gather_wait(k):
        pltpu.make_async_copy(h_hbm.at[idx4.at[lax.rem(k, 4), 0]],
                              hbuf.at[lax.rem(k, 2)], semg.at[lax.rem(k, 2)]).wait()

    def scat_start(k):
        pltpu.async_copy(hbuf.at[lax.rem(k, 2)],
                         acc_sh.at[idx4.at[lax.rem(k, 4), 1]],
                         sems.at[lax.rem(k, 2)], add=True)

    def scat_wait(k):
        pltpu.make_async_copy(hbuf.at[lax.rem(k, 2)],
                              acc_sh.at[idx4.at[lax.rem(k, 4), 1]],
                              sems.at[lax.rem(k, 2)]).wait()

    idx_start(0)
    idx_start(1)
    idx_wait(0)
    gather_start(0)

    def body(k, carry):
        @pl.when(k >= 1)
        def _():
            scat_wait(k - 1)

        @pl.when(k + 2 < ncth)
        def _():
            idx_start(k + 2)

        @pl.when(k + 1 < ncth)
        def _():
            idx_wait(k + 1)
            gather_start(k + 1)

        gather_wait(k)
        scat_start(k)
        return carry

    lax.fori_loop(0, ncth, body, 0)
    scat_wait(ncth - 1)
    plsc.subcore_barrier()
    pltpu.sync_copy(acc_sh.at[pl.ds(rbase, RPT)],
                    part_hbm.at[pl.ds(c * NPA + rbase, RPT)])


@functools.partial(
    pl.kernel,
    out_type=jax.ShapeDtypeStruct((NC * NPA, H_SIZE), jnp.float32),
    mesh=_MESH,
    scratch_types=[
        pltpu.VMEM((4, 2, CB), jnp.int32),
        pltpu.VMEM((2, CB, 2 * H_SIZE), jnp.float32),
        pltpu.VMEM((2, CB, H_SIZE), jnp.float32),
        pltpu.VMEM((2, CB, H_SIZE), jnp.float32),
        pltpu.VMEM_SHARED((NPA, H_SIZE), jnp.float32),
        pltpu.SemaphoreType.DMA((4,)),
        pltpu.SemaphoreType.DMA((2,)),
        pltpu.SemaphoreType.DMA((2,)),
        pltpu.SemaphoreType.DMA((2,)),
    ],
)
def _edge_b(eidx_hbm, p2_hbm, wx_hbm, part_hbm,
            idx3, rbuf, vbuf, obuf, acc_sh, semi, semr, semw, sems):
    c = lax.axis_index("c")
    s = lax.axis_index("s")
    n0 = N0_B
    n1 = 2 * NCH_B - N0_B
    ncth = jnp.where(c == 0, n0, n1)
    kbase = jnp.where(c == 0, s * n0, NS * n0 + s * n1)
    rbase = s * RPT

    @plsc.parallel_loop(0, CB, step=1, unroll=4)
    def _zrow(r):
        for j in range(H_SIZE // 16):
            obuf[0, r, pl.ds(j * 16, 16)] = jnp.zeros((16,), jnp.float32)

    for i in range(RPT // CB):
        pltpu.sync_copy(obuf.at[0], acc_sh.at[pl.ds(rbase + i * CB, CB)])
    pltpu.sync_copy(obuf.at[0, pl.ds(0, RPT % CB)],
                    acc_sh.at[pl.ds(rbase + (RPT // CB) * CB, RPT % CB)])
    plsc.subcore_barrier()

    def idx_start(k):
        pltpu.async_copy(eidx_hbm.at[kbase + k], idx3.at[lax.rem(k, 4)],
                         semi.at[lax.rem(k, 4)])

    def idx_wait(k):
        pltpu.make_async_copy(eidx_hbm.at[kbase + k], idx3.at[lax.rem(k, 4)],
                              semi.at[lax.rem(k, 4)]).wait()

    def gather_start(k):
        pltpu.async_copy(p2_hbm.at[idx3.at[lax.rem(k, 4), 0]],
                         rbuf.at[lax.rem(k, 2)], semr.at[lax.rem(k, 2)])
        pltpu.async_copy(wx_hbm.at[idx3.at[lax.rem(k, 4), 1]],
                         vbuf.at[lax.rem(k, 2)], semw.at[lax.rem(k, 2)])

    def gather_wait(k):
        pltpu.make_async_copy(p2_hbm.at[idx3.at[lax.rem(k, 4), 0]],
                              rbuf.at[lax.rem(k, 2)], semr.at[lax.rem(k, 2)]).wait()
        pltpu.make_async_copy(wx_hbm.at[idx3.at[lax.rem(k, 4), 1]],
                              vbuf.at[lax.rem(k, 2)], semw.at[lax.rem(k, 2)]).wait()

    def scat_start(k):
        pltpu.async_copy(obuf.at[lax.rem(k, 2)],
                         acc_sh.at[idx3.at[lax.rem(k, 4), 1]],
                         sems.at[lax.rem(k, 2)], add=True)

    def scat_wait(k):
        pltpu.make_async_copy(obuf.at[lax.rem(k, 2)],
                              acc_sh.at[idx3.at[lax.rem(k, 4), 1]],
                              sems.at[lax.rem(k, 2)]).wait()

    idx_start(0)
    idx_start(1)
    idx_wait(0)
    gather_start(0)

    def body(k, carry):
        slot = lax.rem(k, 2)

        @pl.when(k >= 2)
        def _():
            scat_wait(k - 2)

        @pl.when(k + 2 < ncth)
        def _():
            idx_start(k + 2)

        @pl.when(k + 1 < ncth)
        def _():
            idx_wait(k + 1)
            gather_start(k + 1)

        gather_wait(k)

        @plsc.parallel_loop(0, CB, step=1, unroll=4)
        def _row(r):
            for j in range(H_SIZE // 16):
                sl = pl.ds(j * 16, 16)
                wx = vbuf[slot, r, sl]
                uh = rbuf[slot, r, sl]
                cc = rbuf[slot, r, pl.ds(H_SIZE + j * 16, 16)]
                f = 1.0 / (1.0 + jnp.exp(-(uh + wx)))
                obuf[slot, r, sl] = f * cc
        scat_start(k)
        return carry

    lax.fori_loop(0, ncth, body, 0)
    scat_wait(ncth - 2)
    scat_wait(ncth - 1)
    plsc.subcore_barrier()
    pltpu.sync_copy(acc_sh.at[pl.ds(rbase, RPT)],
                    part_hbm.at[pl.ds(c * NPA + rbase, RPT)])


_BR = 512


def _pre_body(x_r, h_r, c_r, wf_r, bwf_r, uf_r, buf_r, wiou_r, biou_r, buiou_r,
              wx_o, p2_o, xiou_o):
    x = x_r[...]
    wx_o[...] = jnp.dot(x, wf_r[...], preferred_element_type=jnp.float32) + bwf_r[...]
    uh = jnp.dot(h_r[...], uf_r[...], preferred_element_type=jnp.float32) + buf_r[...]
    p2_o[:, :H_SIZE] = uh
    p2_o[:, H_SIZE:] = c_r[...]
    xiou_o[...] = (jnp.dot(x, wiou_r[...], preferred_element_type=jnp.float32)
                   + biou_r[...] + buiou_r[...])


def _pre_call(x, h_p, c_p, W_f, b_Wf, U_f, b_Uf, W_iou, b_iou, b_Uiou):
    grid = (NP // _BR,)
    row = lambda w: pl.BlockSpec((_BR, w), lambda i: (i, 0))
    full = lambda a, b: pl.BlockSpec((a, b), lambda i: (0, 0))
    return pl.pallas_call(
        _pre_body,
        grid=grid,
        in_specs=[
            row(X_SIZE), row(H_SIZE), row(H_SIZE),
            full(X_SIZE, H_SIZE), full(1, H_SIZE),
            full(H_SIZE, H_SIZE), full(1, H_SIZE),
            full(X_SIZE, 3 * H_SIZE), full(1, 3 * H_SIZE), full(1, 3 * H_SIZE),
        ],
        out_specs=[row(H_SIZE), row(2 * H_SIZE), row(3 * H_SIZE)],
        out_shape=[
            jax.ShapeDtypeStruct((NP, H_SIZE), jnp.float32),
            jax.ShapeDtypeStruct((NP, 2 * H_SIZE), jnp.float32),
            jax.ShapeDtypeStruct((NP, 3 * H_SIZE), jnp.float32),
        ],
    )(x, h_p, c_p, W_f, b_Wf, U_f, b_Uf, W_iou, b_iou, b_Uiou)


_BF = 128


def _fin_body(hp0_r, hp1_r, cp0_r, cp1_r, xiou_r, uiou_r, wout_r, bout_r, out_o):
    h_t = hp0_r[...] + hp1_r[...]
    c_t = cp0_r[...] + cp1_r[...]
    iou = xiou_r[...] + jnp.dot(h_t, uiou_r[...], preferred_element_type=jnp.float32)
    i = jax.nn.sigmoid(iou[:, :H_SIZE])
    o = jax.nn.sigmoid(iou[:, H_SIZE:2 * H_SIZE])
    u = jnp.tanh(iou[:, 2 * H_SIZE:])
    c_new = i * u + c_t
    h_new = o * jnp.tanh(c_new)
    out_o[...] = jnp.dot(h_new, wout_r[...], preferred_element_type=jnp.float32) + bout_r[...]


def _fin_call(hp0, hp1, cp0, cp1, xiou, U_iou, W_out_p, b_out_p):
    grid = (NPA // _BF,)
    row = lambda w: pl.BlockSpec((_BF, w), lambda i: (i, 0))
    full = lambda a, b: pl.BlockSpec((a, b), lambda i: (0, 0))
    return pl.pallas_call(
        _fin_body,
        grid=grid,
        in_specs=[
            row(H_SIZE), row(H_SIZE), row(H_SIZE), row(H_SIZE), row(3 * H_SIZE),
            full(H_SIZE, 3 * H_SIZE), full(H_SIZE, 128), full(1, 128),
        ],
        out_specs=row(128),
        out_shape=jax.ShapeDtypeStruct((NPA, 128), jnp.float32),
    )(hp0, hp1, cp0, cp1, xiou, U_iou, W_out_p, b_out_p)


def kernel(wordid, edge_index, h, c, emb, W_iou, b_iou, U_iou, b_Uiou,
           W_f, b_Wf, U_f, b_Uf, W_out, b_out):
    f32 = jnp.float32
    wid = wordid.astype(jnp.int32)
    wid_p = jnp.concatenate([wid, jnp.zeros((NP - N_NODES,), jnp.int32)])

    src = edge_index[0].astype(jnp.int32)
    dst = edge_index[1].astype(jnp.int32)

    def pack_idx(ep, cw):
        pe = ep - N_EDGES
        sp = jnp.concatenate([src, jnp.zeros((pe,), jnp.int32)])
        dp = jnp.concatenate([dst, jnp.full((pe,), NPA - 1, jnp.int32)])
        return jnp.stack([sp.reshape(-1, cw), dp.reshape(-1, cw)], axis=1)

    eidx_a = pack_idx(EP_A, CA)
    eidx_b = pack_idx(EP_B, CB)

    hpart = _edge_a(eidx_a, h)

    x = _emb_gather(wid_p, emb)

    h_p = jnp.pad(h, ((0, NP - N_NODES), (0, 0)))
    c_p = jnp.pad(c, ((0, NP - N_NODES), (0, 0)))
    wx, p2, xiou = _pre_call(
        x, h_p, c_p,
        W_f, b_Wf.reshape(1, -1).astype(f32),
        U_f, b_Uf.reshape(1, -1).astype(f32),
        W_iou, b_iou.reshape(1, -1).astype(f32), b_Uiou.reshape(1, -1).astype(f32),
    )

    cpart = _edge_b(eidx_b, p2, wx)

    W_out_p = jnp.pad(W_out, ((0, 0), (0, 128 - W_out.shape[1])))
    b_out_p = jnp.pad(b_out, (0, 128 - b_out.shape[0])).reshape(1, -1)
    out = _fin_call(hpart[:NPA], hpart[NPA:], cpart[:NPA], cpart[NPA:],
                    xiou[:NPA], U_iou, W_out_p, b_out_p)
    return out[:N_NODES, :b_out.shape[0]]

# --- scband reference (transcript-rebuilt; emitter-appended) ---
"""Pipeline reference for scband-tree-lstm-81243601371885 (READ-ONLY COPY).

The authoritative reference and input builder live on the scoring server;
editing this copy changes nothing except your own understanding.
"""

import jax, jax.numpy as jnp
import numpy as np

N_NODES = 10000
N_EDGES = 320000
VOCAB = 100000
X_SIZE = 128
H_SIZE = 128
N_CLASSES = 5
PAD_WORD = -1


def setup_inputs(seed: int = 0) -> dict:
    key = jax.random.key(seed)
    ks = jax.random.split(key, 16)
    wordid = jax.random.randint(ks[0], (N_NODES,), 0, VOCAB, dtype=jnp.int64)
    edge_index = jax.random.randint(ks[1], (2, N_EDGES), 0, N_NODES, dtype=jnp.int64)
    h = jax.random.normal(ks[2], (N_NODES, H_SIZE), dtype=jnp.float32)
    c = jax.random.normal(ks[3], (N_NODES, H_SIZE), dtype=jnp.float32)
    s = 0.05
    emb = jax.random.normal(ks[4], (VOCAB, X_SIZE), dtype=jnp.float32) * s
    W_iou = jax.random.normal(ks[5], (X_SIZE, 3 * H_SIZE), dtype=jnp.float32) * s
    b_iou = jax.random.normal(ks[6], (3 * H_SIZE,), dtype=jnp.float32) * s
    U_iou = jax.random.normal(ks[7], (H_SIZE, 3 * H_SIZE), dtype=jnp.float32) * s
    b_Uiou = jax.random.normal(ks[8], (3 * H_SIZE,), dtype=jnp.float32) * s
    W_f = jax.random.normal(ks[9], (X_SIZE, H_SIZE), dtype=jnp.float32) * s
    b_Wf = jax.random.normal(ks[10], (H_SIZE,), dtype=jnp.float32) * s
    U_f = jax.random.normal(ks[11], (H_SIZE, H_SIZE), dtype=jnp.float32) * s
    b_Uf = jax.random.normal(ks[12], (H_SIZE,), dtype=jnp.float32) * s
    W_out = jax.random.normal(ks[13], (H_SIZE, N_CLASSES), dtype=jnp.float32) * s
    b_out = jax.random.normal(ks[14], (N_CLASSES,), dtype=jnp.float32) * s
    return {"wordid": wordid, "edge_index": edge_index, "h": h, "c": c,
            "emb": emb, "W_iou": W_iou, "b_iou": b_iou, "U_iou": U_iou, "b_Uiou": b_Uiou,
            "W_f": W_f, "b_Wf": b_Wf, "U_f": U_f, "b_Uf": b_Uf,
            "W_out": W_out, "b_out": b_out}


def reference(wordid, edge_index, h, c, emb, W_iou, b_iou, U_iou, b_Uiou,
              W_f, b_Wf, U_f, b_Uf, W_out, b_out):
    # embedding with PAD masking (dgl.data.SST.PAD_WORD == -1)
    mask = (wordid != PAD_WORD)
    wid = wordid * mask.astype(wordid.dtype)
    x = jnp.take(emb, wid, axis=0) * mask[:, None].astype(jnp.float32)

    src = edge_index[0]
    dst = edge_index[1]

    # message_func: gather child h, c along edges
    h_src = jnp.take(h, src, axis=0)
    c_src = jnp.take(c, src, axis=0)

    # reduce_func: child-sum over incoming edges per dst node
    h_tild = jax.ops.segment_sum(h_src, dst, num_segments=N_NODES)
    wx = x @ W_f + b_Wf                      # [N, h]
    uh = h_src @ U_f + b_Uf                  # [E, h]
    f = jax.nn.sigmoid(jnp.take(wx, dst, axis=0) + uh)   # [E, h]
    c_tild = jax.ops.segment_sum(f * c_src, dst, num_segments=N_NODES)

    # apply_func
    iou = (x @ W_iou + b_iou) + (h_tild @ U_iou + b_Uiou)
    i, o, u = jnp.split(iou, 3, axis=1)
    i = jax.nn.sigmoid(i)
    o = jax.nn.sigmoid(o)
    u = jnp.tanh(u)
    c_new = i * u + c_tild
    h_new = o * jnp.tanh(c_new)

    # dropout=0.0 -> identity; final classifier
    logits = h_new @ W_out + b_out
    return logits

if __name__ == "__main__":
    import jax
    _d = setup_inputs()
    print(jax.jit(kernel)(*tuple(_d.values())))

</pallas_src>

<mosaic_0001>
#map = affine_map<(d0, d1) -> (0, 0, 0)>
#map1 = affine_map<(d0, d1) -> (0, 0)>
module attributes {stable_mosaic.version = 14 : i64} {
  func.func @_edge_b(%arg0: i32, %arg1: i32, %arg2: memref<6688x2x48xi32, #tpu.memory_space<hbm>>, %arg3: memref<10240x256xf32, #tpu.memory_space<hbm>>, %arg4: memref<10240x128xf32, #tpu.memory_space<hbm>>, %arg5: memref<20224x128xf32, #tpu.memory_space<hbm>>, %arg6: memref<4x2x48xi32, #tpu.memory_space<vmem>>, %arg7: memref<2x48x256xf32, #tpu.memory_space<vmem>>, %arg8: memref<2x48x128xf32, #tpu.memory_space<vmem>>, %arg9: memref<2x48x128xf32, #tpu.memory_space<vmem>>, %arg10: memref<10112x128xf32, #tpu.memory_space<vmem_shared>>, %arg11: memref<4x!tpu.dma_semaphore, #tpu.memory_space<semaphore_mem>>, %arg12: memref<2x!tpu.dma_semaphore, #tpu.memory_space<semaphore_mem>>, %arg13: memref<2x!tpu.dma_semaphore, #tpu.memory_space<semaphore_mem>>, %arg14: memref<2x!tpu.dma_semaphore, #tpu.memory_space<semaphore_mem>>) attributes {dimension_semantics = [#tpu.dimension_semantics<core_parallel>, #tpu.dimension_semantics<subcore_parallel>], iteration_bounds = array<i64: 2, 16>, scalar_prefetch = 0 : i64, scratch_operands = 9 : i64, tpu.core_type = #tpu.core_type<sc_vector_subcore>, window_params = [{transform_indices = #map}, {transform_indices = #map1}, {transform_indices = #map1}, {transform_indices = #map1}]} {
    %eq3A = arith.constant 0 : i32
    %eq3A_0 = arith.cmpi eq, %arg0, %eq3A : i32
    %jit3A = arith.constant 222 : i32
    %jit3A_1 = arith.constant 196 : i32
    %select_n3A = arith.select %eq3A_0, %jit3A, %jit3A_1 : i32
    %eq3A_2 = arith.constant 0 : i32
    %eq3A_3 = arith.cmpi eq, %arg0, %eq3A_2 : i32
    %mul3A = arith.constant 222 : i32
    %mul3A_4 = arith.muli %arg1, %mul3A : i32
    %mul3A_5 = arith.constant 196 : i32
    %mul3A_6 = arith.muli %arg1, %mul3A_5 : i32
    %add3A = arith.constant 3552 : i32
    %add3A_7 = arith.addi %add3A, %mul3A_6 : i32
    %select_n3A_8 = arith.select %eq3A_3, %mul3A_4, %add3A_7 : i32
    %mul3A_9 = arith.constant 632 : i32
    %mul3A_10 = arith.muli %arg1, %mul3A_9 : i32
    %parallel_loop3A = arith.constant 0 : i32
    %parallel_loop3A_11 = arith.constant 48 : i32
    %parallel_loop3A_12 = arith.constant 1 : i32
    scf.for %parallel_loop3A_227 = %parallel_loop3A to %parallel_loop3A_11 step %parallel_loop3A_12  : i32 {
      %parallel_loop3A_228 = arith.constant 0.000000e+00 : f32
      %parallel_loop3A_229 = vector.broadcast %parallel_loop3A_228 : f32 to vector<16xf32>
      %parallel_loop3A_230 = arith.constant 0 : i32
      %parallel_loop3A_231 = arith.index_cast %parallel_loop3A_230 : i32 to index
      %parallel_loop3A_232 = arith.index_cast %parallel_loop3A_227 : i32 to index
      %parallel_loop3A_233 = arith.constant 0 : index
      %parallel_loop3A_234 = tpu.vector_load %arg9[%parallel_loop3A_231, %parallel_loop3A_232, %parallel_loop3A_233] {strides = array<i32>} : memref<2x48x128xf32, #tpu.memory_space<vmem>>, vector<1x1x16xf32>,
      %parallel_loop3A_235 = vector.shape_cast %parallel_loop3A_234 : vector<1x1x16xf32> to vector<16xf32>
      %parallel_loop3A_236 = vector.shape_cast %parallel_loop3A_229 : vector<16xf32> to vector<1x1x16xf32>
      tpu.vector_store %arg9[%parallel_loop3A_231, %parallel_loop3A_232, %parallel_loop3A_233], %parallel_loop3A_236 {strides = array<i32>} : memref<2x48x128xf32, #tpu.memory_space<vmem>>, vector<1x1x16xf32>,
      %parallel_loop3A_237 = arith.constant 0.000000e+00 : f32
      %parallel_loop3A_238 = vector.broadcast %parallel_loop3A_237 : f32 to vector<16xf32>
      %parallel_loop3A_239 = arith.constant 0 : i32
      %parallel_loop3A_240 = arith.index_cast %parallel_loop3A_239 : i32 to index
      %parallel_loop3A_241 = arith.index_cast %parallel_loop3A_227 : i32 to index
      %parallel_loop3A_242 = arith.constant 16 : index
      %parallel_loop3A_243 = tpu.vector_load %arg9[%parallel_loop3A_240, %parallel_loop3A_241, %parallel_loop3A_242] {strides = array<i32>} : memref<2x48x128xf32, #tpu.memory_space<vmem>>, vector<1x1x16xf32>,
      %parallel_loop3A_244 = vector.shape_cast %parallel_loop3A_243 : vector<1x1x16xf32> to vector<16xf32>
      %parallel_loop3A_245 = vector.shape_cast %parallel_loop3A_238 : vector<16xf32> to vector<1x1x16xf32>
      tpu.vector_store %arg9[%parallel_loop3A_240, %parallel_loop3A_241, %parallel_loop3A_242], %parallel_loop3A_245 {strides = array<i32>} : memref<2x48x128xf32, #tpu.memory_space<vmem>>, vector<1x1x16xf32>,
      %parallel_loop3A_246 = arith.constant 0.000000e+00 : f32
      %parallel_loop3A_247 = vector.broadcast %parallel_loop3A_246 : f32 to vector<16xf32>
      %parallel_loop3A_248 = arith.constant 0 : i32
      %parallel_loop3A_249 = arith.index_cast %parallel_loop3A_248 : i32 to index
      %parallel_loop3A_250 = arith.index_cast %parallel_loop3A_227 : i32 to index
      %parallel_loop3A_251 = arith.constant 32 : index
      %parallel_loop3A_252 = tpu.vector_load %arg9[%parallel_loop3A_249, %parallel_loop3A_250, %parallel_loop3A_251] {strides = array<i32>} : memref<2x48x128xf32, #tpu.memory_space<vmem>>, vector<1x1x16xf32>,
      %parallel_loop3A_253 = vector.shape_cast %parallel_loop3A_252 : vector<1x1x16xf32> to vector<16xf32>
      %parallel_loop3A_254 = vector.shape_cast %parallel_loop3A_247 : vector<16xf32> to vector<1x1x16xf32>
      tpu.vector_store %arg9[%parallel_loop3A_249, %parallel_loop3A_250, %parallel_loop3A_251], %parallel_loop3A_254 {strides = array<i32>} : memref<2x48x128xf32, #tpu.memory_space<vmem>>, vector<1x1x16xf32>,
      %parallel_loop3A_255 = arith.constant 0.000000e+00 : f32
      %parallel_loop3A_256 = vector.broadcast %parallel_loop3A_255 : f32 to vector<16xf32>
      %parallel_loop3A_257 = arith.constant 0 : i32
      %parallel_loop3A_258 = arith.index_cast %parallel_loop3A_257 : i32 to index
      %parallel_loop3A_259 = arith.index_cast %parallel_loop3A_227 : i32 to index
      %parallel_loop3A_260 = arith.constant 48 : index
      %parallel_loop3A_261 = tpu.vector_load %arg9[%parallel_loop3A_258, %parallel_loop3A_259, %parallel_loop3A_260] {strides = array<i32>} : memref<2x48x128xf32, #tpu.memory_space<vmem>>, vector<1x1x16xf32>,
      %parallel_loop3A_262 = vector.shape_cast %parallel_loop3A_261 : vector<1x1x16xf32> to vector<16xf32>
      %parallel_loop3A_263 = vector.shape_cast %parallel_loop3A_256 : vector<16xf32> to vector<1x1x16xf32>
      tpu.vector_store %arg9[%parallel_loop3A_258, %parallel_loop3A_259, %parallel_loop3A_260], %parallel_loop3A_263 {strides = array<i32>} : memref<2x48x128xf32, #tpu.memory_space<vmem>>, vector<1x1x16xf32>,
      %parallel_loop3A_264 = arith.constant 0.000000e+00 : f32
      %parallel_loop3A_265 = vector.broadcast %parallel_loop3A_264 : f32 to vector<16xf32>
      %parallel_loop3A_266 = arith.constant 0 : i32
      %parallel_loop3A_267 = arith.index_cast %parallel_loop3A_266 : i32 to index
      %parallel_loop3A_268 = arith.index_cast %parallel_loop3A_227 : i32 to index
      %parallel_loop3A_269 = arith.constant 64 : index
      %parallel_loop3A_270 = tpu.vector_load %arg9[%parallel_loop3A_267, %parallel_loop3A_268, %parallel_loop3A_269] {strides = array<i32>} : memref<2x48x128xf32, #tpu.memory_space<vmem>>, vector<1x1x16xf32>,
      %parallel_loop3A_271 = vector.shape_cast %parallel_loop3A_270 : vector<1x1x16xf32> to vector<16xf32>
      %parallel_loop3A_272 = vector.shape_cast %parallel_loop3A_265 : vector<16xf32> to vector<1x1x16xf32>
      tpu.vector_store %arg9[%parallel_loop3A_267, %parallel_loop3A_268, %parallel_loop3A_269], %parallel_loop3A_272 {strides = array<i32>} : memref<2x48x128xf32, #tpu.memory_space<vmem>>, vector<1x1x16xf32>,
      %parallel_loop3A_273 = arith.constant 0.000000e+00 : f32
      %parallel_loop3A_274 = vector.broadcast %parallel_loop3A_273 : f32 to vector<16xf32>
      %parallel_loop3A_275 = arith.constant 0 : i32
      %parallel_loop3A_276 = arith.index_cast %parallel_loop3A_275 : i32 to index
      %parallel_loop3A_277 = arith.index_cast %parallel_loop3A_227 : i32 to index
      %parallel_loop3A_278 = arith.constant 80 : index
      %parallel_loop3A_279 = tpu.vector_load %arg9[%parallel_loop3A_276, %parallel_loop3A_277, %parallel_loop3A_278] {strides = array<i32>} : memref<2x48x128xf32, #tpu.memory_space<vmem>>, vector<1x1x16xf32>,
      %parallel_loop3A_280 = vector.shape_cast %parallel_loop3A_279 : vector<1x1x16xf32> to vector<16xf32>
      %parallel_loop3A_281 = vector.shape_cast %parallel_loop3A_274 : vector<16xf32> to vector<1x1x16xf32>
      tpu.vector_store %arg9[%parallel_loop3A_276, %parallel_loop3A_277, %parallel_loop3A_278], %parallel_loop3A_281 {strides = array<i32>} : memref<2x48x128xf32, #tpu.memory_space<vmem>>, vector<1x1x16xf32>,
      %parallel_loop3A_282 = arith.constant 0.000000e+00 : f32
      %parallel_loop3A_283 = vector.broadcast %parallel_loop3A_282 : f32 to vector<16xf32>
      %parallel_loop3A_284 = arith.constant 0 : i32
      %parallel_loop3A_285 = arith.index_cast %parallel_loop3A_284 : i32 to index
      %parallel_loop3A_286 = arith.index_cast %parallel_loop3A_227 : i32 to index
      %parallel_loop3A_287 = arith.constant 96 : index
      %parallel_loop3A_288 = tpu.vector_load %arg9[%parallel_loop3A_285, %parallel_loop3A_286, %parallel_loop3A_287] {strides = array<i32>} : memref<2x48x128xf32, #tpu.memory_space<vmem>>, vector<1x1x16xf32>,
      %parallel_loop3A_289 = vector.shape_cast %parallel_loop3A_288 : vector<1x1x16xf32> to vector<16xf32>
      %parallel_loop3A_290 = vector.shape_cast %parallel_loop3A_283 : vector<16xf32> to vector<1x1x16xf32>
      tpu.vector_store %arg9[%parallel_loop3A_285, %parallel_loop3A_286, %parallel_loop3A_287], %parallel_loop3A_290 {strides = array<i32>} : memref<2x48x128xf32, #tpu.memory_space<vmem>>, vector<1x1x16xf32>,
      %parallel_loop3A_291 = arith.constant 0.000000e+00 : f32
      %parallel_loop3A_292 = vector.broadcast %parallel_loop3A_291 : f32 to vector<16xf32>
      %parallel_loop3A_293 = arith.constant 0 : i32
      %parallel_loop3A_294 = arith.index_cast %parallel_loop3A_293 : i32 to index
      %parallel_loop3A_295 = arith.index_cast %parallel_loop3A_227 : i32 to index
      %parallel_loop3A_296 = arith.constant 112 : index
      %parallel_loop3A_297 = tpu.vector_load %arg9[%parallel_loop3A_294, %parallel_loop3A_295, %parallel_loop3A_296] {strides = array<i32>} : memref<2x48x128xf32, #tpu.memory_space<vmem>>, vector<1x1x16xf32>,
      %parallel_loop3A_298 = vector.shape_cast %parallel_loop3A_297 : vector<1x1x16xf32> to vector<16xf32>
      %parallel_loop3A_299 = vector.shape_cast %parallel_loop3A_292 : vector<16xf32> to vector<1x1x16xf32>
      tpu.vector_store %arg9[%parallel_loop3A_294, %parallel_loop3A_295, %parallel_loop3A_296], %parallel_loop3A_299 {strides = array<i32>} : memref<2x48x128xf32, #tpu.memory_space<vmem>>, vector<1x1x16xf32>,
    } {sc.loop_unroll_factor = 4 : i64, sc.parallel_access}
    %add3A_13 = arith.constant 0 : i32
    %add3A_14 = arith.addi %mul3A_10, %add3A_13 : i32
    %run_scoped3A = arith.constant 0 : i32
    "tpu.region"() ({
      %run_scoped3A_227 = tpu.sem_alloc : memref<!tpu.dma_semaphore, #tpu.memory_space<semaphore_mem>>
      %dma_start3A_228 = arith.constant 0 : i32
      %dma_start3A_229 = arith.constant 0 : i32
      %dma_start3A_230 = tpu.memref_slice %arg9[%run_scoped3A, %dma_start3A_228, %dma_start3A_229] : memref<2x48x128xf32, #tpu.memory_space<vmem>> -> memref<1x48x128xf32, #tpu.memory_space<vmem>>
      %dma_start3A_231 = tpu.memref_squeeze %dma_start3A_230 : memref<1x48x128xf32, #tpu.memory_space<vmem>> -> memref<48x128xf32, #tpu.memory_space<vmem>>
      %dma_start3A_232 = arith.constant 0 : i32
      %dma_start3A_233 = tpu.memref_slice %arg10[%add3A_14, %dma_start3A_232] : memref<10112x128xf32, #tpu.memory_space<vmem_shared>> -> memref<48x128xf32, #tpu.memory_space<vmem_shared>>
      %dma_start3A_234 = arith.constant 0 : i32
      %dma_start3A_235 = tpu.memref_slice %arg10[%add3A_14, %dma_start3A_234] : memref<10112x128xf32, #tpu.memory_space<vmem_shared>> -> memref<48x128xf32, #tpu.memory_space<vmem_shared>>
      %dma_start3A_236 = arith.constant 0 : i32
      %dma_start3A_237 = arith.constant 0 : i32
      %dma_start3A_238 = tpu.memref_slice %arg9[%run_scoped3A, %dma_start3A_236, %dma_start3A_237] : memref<2x48x128xf32, #tpu.memory_space<vmem>> -> memref<1x48x128xf32, #tpu.memory_space<vmem>>
      %dma_start3A_239 = tpu.memref_squeeze %dma_start3A_238 : memref<1x48x128xf32, #tpu.memory_space<vmem>> -> memref<48x128xf32, #tpu.memory_space<vmem>>
      tpu.enqueue_dma source(%dma_start3A_239 : memref<48x128xf32, #tpu.memory_space<vmem>>) target(%dma_start3A_235 : memref<48x128xf32, #tpu.memory_space<vmem_shared>>) target_semaphore(%run_scoped3A_227 : memref<!tpu.dma_semaphore, #tpu.memory_space<semaphore_mem>>)
      %dma_wait3A_240 = arith.constant 0 : i32
      %dma_wait3A_241 = arith.constant 0 : i32
      %dma_wait3A_242 = tpu.memref_slice %arg9[%run_scoped3A, %dma_wait3A_240, %dma_wait3A_241] : memref<2x48x128xf32, #tpu.memory_space<vmem>> -> memref<1x48x128xf32, #tpu.memory_space<vmem>>
      %dma_wait3A_243 = tpu.memref_squeeze %dma_wait3A_242 : memref<1x48x128xf32, #tpu.memory_space<vmem>> -> memref<48x128xf32, #tpu.memory_space<vmem>>
      %dma_wait3A_244 = arith.constant 0 : i32
      %dma_wait3A_245 = tpu.memref_slice %arg10[%add3A_14, %dma_wait3A_244] : memref<10112x128xf32, #tpu.memory_space<vmem_shared>> -> memref<48x128xf32, #tpu.memory_space<vmem_shared>>
      %dma_wait3A_246 = arith.constant 0 : i32
      %dma_wait3A_247 = tpu.memref_slice %arg10[%add3A_14, %dma_wait3A_246] : memref<10112x128xf32, #tpu.memory_space<vmem_shared>> -> memref<48x128xf32, #tpu.memory_space<vmem_shared>>
      %dma_wait3A_248 = arith.constant 0 : i32
      %dma_wait3A_249 = arith.constant 0 : i32
      %dma_wait3A_250 = tpu.memref_slice %arg9[%run_scoped3A, %dma_wait3A_248, %dma_wait3A_249] : memref<2x48x128xf32, #tpu.memory_space<vmem>> -> memref<1x48x128xf32, #tpu.memory_space<vmem>>
      %dma_wait3A_251 = tpu.memref_squeeze %dma_wait3A_250 : memref<1x48x128xf32, #tpu.memory_space<vmem>> -> memref<48x128xf32, #tpu.memory_space<vmem>>
      tpu.wait_dma2 semaphore(%run_scoped3A_227 : memref<!tpu.dma_semaphore, #tpu.memory_space<semaphore_mem>>) src(%dma_wait3A_251 : memref<48x128xf32, #tpu.memory_space<vmem>>) dst(%dma_wait3A_247 : memref<48x128xf32, #tpu.memory_space<vmem_shared>>)
      tpu.yield
    }) : () -> ()
    %add3A_15 = arith.constant 48 : i32
    %add3A_16 = arith.addi %mul3A_10, %add3A_15 : i32
    %run_scoped3A_17 = arith.constant 0 : i32
    "tpu.region"() ({
      %run_scoped3A_227 = tpu.sem_alloc : memref<!tpu.dma_semaphore, #tpu.memory_space<semaphore_mem>>
      %dma_start3A_228 = arith.constant 0 : i32
      %dma_start3A_229 = arith.constant 0 : i32
      %dma_start3A_230 = tpu.memref_slice %arg9[%run_scoped3A_17, %dma_start3A_228, %dma_start3A_229] : memref<2x48x128xf32, #tpu.memory_space<vmem>> -> memref<1x48x128xf32, #tpu.memory_space<vmem>>
      %dma_start3A_231 = tpu.memref_squeeze %dma_start3A_230 : memref<1x48x128xf32, #tpu.memory_space<vmem>> -> memref<48x128xf32, #tpu.memory_space<vmem>>
      %dma_start3A_232 = arith.constant 0 : i32
      %dma_start3A_233 = tpu.memref_slice %arg10[%add3A_16, %dma_start3A_232] : memref<10112x128xf32, #tpu.memory_space<vmem_shared>> -> memref<48x128xf32, #tpu.memory_space<vmem_shared>>
      %dma_start3A_234 = arith.constant 0 : i32
      %dma_start3A_235 = tpu.memref_slice %arg10[%add3A_16, %dma_start3A_234] : memref<10112x128xf32, #tpu.memory_space<vmem_shared>> -> memref<48x128xf32, #tpu.memory_space<vmem_shared>>
      %dma_start3A_236 = arith.constant 0 : i32
      %dma_start3A_237 = arith.constant 0 : i32
      %dma_start3A_238 = tpu.memref_slice %arg9[%run_scoped3A_17, %dma_start3A_236, %dma_start3A_237] : memref<2x48x128xf32, #tpu.memory_space<vmem>> -> memref<1x48x128xf32, #tpu.memory_space<vmem>>
      %dma_start3A_239 = tpu.memref_squeeze %dma_start3A_238 : memref<1x48x128xf32, #tpu.memory_space<vmem>> -> memref<48x128xf32, #tpu.memory_space<vmem>>
      tpu.enqueue_dma source(%dma_start3A_239 : memref<48x128xf32, #tpu.memory_space<vmem>>) target(%dma_start3A_235 : memref<48x128xf32, #tpu.memory_space<vmem_shared>>) target_semaphore(%run_scoped3A_227 : memref<!tpu.dma_semaphore, #tpu.memory_space<semaphore_mem>>)
      %dma_wait3A_240 = arith.constant 0 : i32
      %dma_wait3A_241 = arith.constant 0 : i32
      %dma_wait3A_242 = tpu.memref_slice %arg9[%run_scoped3A_17, %dma_wait3A_240, %dma_wait3A_241] : memref<2x48x128xf32, #tpu.memory_space<vmem>> -> memref<1x48x128xf32, #tpu.memory_space<vmem>>
      %dma_wait3A_243 = tpu.memref_squeeze %dma_wait3A_242 : memref<1x48x128xf32, #tpu.memory_space<vmem>> -> memref<48x128xf32, #tpu.memory_space<vmem>>
      %dma_wait3A_244 = arith.constant 0 : i32
      %dma_wait3A_245 = tpu.memref_slice %arg10[%add3A_16, %dma_wait3A_244] : memref<10112x128xf32, #tpu.memory_space<vmem_shared>> -> memref<48x128xf32, #tpu.memory_space<vmem_shared>>
      %dma_wait3A_246 = arith.constant 0 : i32
      %dma_wait3A_247 = tpu.memref_slice %arg10[%add3A_16, %dma_wait3A_246] : memref<10112x128xf32, #tpu.memory_space<vmem_shared>> -> memref<48x128xf32, #tpu.memory_space<vmem_shared>>
      %dma_wait3A_248 = arith.constant 0 : i32
      %dma_wait3A_249 = arith.constant 0 : i32
      %dma_wait3A_250 = tpu.memref_slice %arg9[%run_scoped3A_17, %dma_wait3A_248, %dma_wait3A_249] : memref<2x48x128xf32, #tpu.memory_space<vmem>> -> memref<1x48x128xf32, #tpu.memory_space<vmem>>
      %dma_wait3A_251 = tpu.memref_squeeze %dma_wait3A_250 : memref<1x48x128xf32, #tpu.memory_space<vmem>> -> memref<48x128xf32, #tpu.memory_space<vmem>>
      tpu.wait_dma2 semaphore(%run_scoped3A_227 : memref<!tpu.dma_semaphore, #tpu.memory_space<semaphore_mem>>) src(%dma_wait3A_251 : memref<48x128xf32, #tpu.memory_space<vmem>>) dst(%dma_wait3A_247 : memref<48x128xf32, #tpu.memory_space<vmem_shared>>)
      tpu.yield
    }) : () -> ()
    %add3A_18 = arith.constant 96 : i32
    %add3A_19 = arith.addi %mul3A_10, %add3A_18 : i32
    %run_scoped3A_20 = arith.constant 0 : i32
    "tpu.region"() ({
      %run_scoped3A_227 = tpu.sem_alloc : memref<!tpu.dma_semaphore, #tpu.memory_space<semaphore_mem>>
      %dma_start3A_228 = arith.constant 0 : i32
      %dma_start3A_229 = arith.constant 0 : i32
      %dma_start3A_230 = tpu.memref_slice %arg9[%run_scoped3A_20, %dma_start3A_228, %dma_start3A_229] : memref<2x48x128xf32, #tpu.memory_space<vmem>> -> memref<1x48x128xf32, #tpu.memory_space<vmem>>
      %dma_start3A_231 = tpu.memref_squeeze %dma_start3A_230 : memref<1x48x128xf32, #tpu.memory_space<vmem>> -> memref<48x128xf32, #tpu.memory_space<vmem>>
      %dma_start3A_232 = arith.constant 0 : i32
      %dma_start3A_233 = tpu.memref_slice %arg10[%add3A_19, %dma_start3A_232] : memref<10112x128xf32, #tpu.memory_space<vmem_shared>> -> memref<48x128xf32, #tpu.memory_space<vmem_shared>>
      %dma_start3A_234 = arith.constant 0 : i32
      %dma_start3A_235 = tpu.memref_slice %arg10[%add3A_19, %dma_start3A_234] : memref<10112x128xf32, #tpu.memory_space<vmem_shared>> -> memref<48x128xf32, #tpu.memory_space<vmem_shared>>
      %dma_start3A_236 = arith.constant 0 : i32
      %dma_start3A_237 = arith.constant 0 : i32
      %dma_start3A_238 = tpu.memref_slice %arg9[%run_scoped3A_20, %dma_start3A_236, %dma_start3A_237] : memref<2x48x128xf32, #tpu.memory_space<vmem>> -> memref<1x48x128xf32, #tpu.memory_space<vmem>>
      %dma_start3A_239 = tpu.memref_squeeze %dma_start3A_238 : memref<1x48x128xf32, #tpu.memory_space<vmem>> -> memref<48x128xf32, #tpu.memory_space<vmem>>
      tpu.enqueue_dma source(%dma_start3A_239 : memref<48x128xf32, #tpu.memory_space<vmem>>) target(%dma_start3A_235 : memref<48x128xf32, #tpu.memory_space<vmem_shared>>) target_semaphore(%run_scoped3A_227 : memref<!tpu.dma_semaphore, #tpu.memory_space<semaphore_mem>>)
      %dma_wait3A_240 = arith.constant 0 : i32
      %dma_wait3A_241 = arith.constant 0 : i32
      %dma_wait3A_242 = tpu.memref_slice %arg9[%run_scoped3A_20, %dma_wait3A_240, %dma_wait3A_241] : memref<2x48x128xf32, #tpu.memory_space<vmem>> -> memref<1x48x128xf32, #tpu.memory_space<vmem>>
      %dma_wait3A_243 = tpu.memref_squeeze %dma_wait3A_242 : memref<1x48x128xf32, #tpu.memory_space<vmem>> -> memref<48x128xf32, #tpu.memory_space<vmem>>
      %dma_wait3A_244 = arith.constant 0 : i32
      %dma_wait3A_245 = tpu.memref_slice %arg10[%add3A_19, %dma_wait3A_244] : memref<10112x128xf32, #tpu.memory_space<vmem_shared>> -> memref<48x128xf32, #tpu.memory_space<vmem_shared>>
      %dma_wait3A_246 = arith.constant 0 : i32
      %dma_wait3A_247 = tpu.memref_slice %arg10[%add3A_19, %dma_wait3A_246] : memref<10112x128xf32, #tpu.memory_space<vmem_shared>> -> memref<48x128xf32, #tpu.memory_space<vmem_shared>>
      %dma_wait3A_248 = arith.constant 0 : i32
      %dma_wait3A_249 = arith.constant 0 : i32
      %dma_wait3A_250 = tpu.memref_slice %arg9[%run_scoped3A_20, %dma_wait3A_248, %dma_wait3A_249] : memref<2x48x128xf32, #tpu.memory_space<vmem>> -> memref<1x48x128xf32, #tpu.memory_space<vmem>>
      %dma_wait3A_251 = tpu.memref_squeeze %dma_wait3A_250 : memref<1x48x128xf32, #tpu.memory_space<vmem>> -> memref<48x128xf32, #tpu.memory_space<vmem>>
      tpu.wait_dma2 semaphore(%run_scoped3A_227 : memref<!tpu.dma_semaphore, #tpu.memory_space<semaphore_mem>>) src(%dma_wait3A_251 : memref<48x128xf32, #tpu.memory_space<vmem>>) dst(%dma_wait3A_247 : memref<48x128xf32, #tpu.memory_space<vmem_shared>>)
      tpu.yield
    }) : () -> ()
    %add3A_21 = arith.constant 144 : i32
    %add3A_22 = arith.addi %mul3A_10, %add3A_21 : i32
    %run_scoped3A_23 = arith.constant 0 : i32
    "tpu.region"() ({
      %run_scoped3A_227 = tpu.sem_alloc : memref<!tpu.dma_semaphore, #tpu.memory_space<semaphore_mem>>
      %dma_start3A_228 = arith.constant 0 : i32
      %dma_start3A_229 = arith.constant 0 : i32
      %dma_start3A_230 = tpu.memref_slice %arg9[%run_scoped3A_23, %dma_start3A_228, %dma_start3A_229] : memref<2x48x128xf32, #tpu.memory_space<vmem>> -> memref<1x48x128xf32, #tpu.memory_space<vmem>>
      %dma_start3A_231 = tpu.memref_squeeze %dma_start3A_230 : memref<1x48x128xf32, #tpu.memory_space<vmem>> -> memref<48x128xf32, #tpu.memory_space<vmem>>
      %dma_start3A_232 = arith.constant 0 : i32
      %dma_start3A_233 = tpu.memref_slice %arg10[%add3A_22, %dma_start3A_232] : memref<10112x128xf32, #tpu.memory_space<vmem_shared>> -> memref<48x128xf32, #tpu.memory_space<vmem_shared>>
      %dma_start3A_234 = arith.constant 0 : i32
      %dma_start3A_235 = tpu.memref_slice %arg10[%add3A_22, %dma_start3A_234] : memref<10112x128xf32, #tpu.memory_space<vmem_shared>> -> memref<48x128xf32, #tpu.memory_space<vmem_shared>>
      %dma_start3A_236 = arith.constant 0 : i32
      %dma_start3A_237 = arith.constant 0 : i32
      %dma_start3A_238 = tpu.memref_slice %arg9[%run_scoped3A_23, %dma_start3A_236, %dma_start3A_237] : memref<2x48x128xf32, #tpu.memory_space<vmem>> -> memref<1x48x128xf32, #tpu.memory_space<vmem>>
      %dma_start3A_239 = tpu.memref_squeeze %dma_start3A_238 : memref<1x48x128xf32, #tpu.memory_space<vmem>> -> memref<48x128xf32, #tpu.memory_space<vmem>>
      tpu.enqueue_dma source(%dma_start3A_239 : memref<48x128xf32, #tpu.memory_space<vmem>>) target(%dma_start3A_235 : memref<48x128xf32, #tpu.memory_space<vmem_shared>>) target_semaphore(%run_scoped3A_227 : memref<!tpu.dma_semaphore, #tpu.memory_space<semaphore_mem>>)
      %dma_wait3A_240 = arith.constant 0 : i32
      %dma_wait3A_241 = arith.constant 0 : i32
      %dma_wait3A_242 = tpu.memref_slice %arg9[%run_scoped3A_23, %dma_wait3A_240, %dma_wait3A_241] : memref<2x48x128xf32, #tpu.memory_space<vmem>> -> memref<1x48x128xf32, #tpu.memory_space<vmem>>
      %dma_wait3A_243 = tpu.memref_squeeze %dma_wait3A_242 : memref<1x48x128xf32, #tpu.memory_space<vmem>> -> memref<48x128xf32, #tpu.memory_space<vmem>>
      %dma_wait3A_244 = arith.constant 0 : i32
      %dma_wait3A_245 = tpu.memref_slice %arg10[%add3A_22, %dma_wait3A_244] : memref<10112x128xf32, #tpu.memory_space<vmem_shared>> -> memref<48x128xf32, #tpu.memory_space<vmem_shared>>
      %dma_wait3A_246 = arith.constant 0 : i32
      %dma_wait3A_247 = tpu.memref_slice %arg10[%add3A_22, %dma_wait3A_246] : memref<10112x128xf32, #tpu.memory_space<vmem_shared>> -> memref<48x128xf32, #tpu.memory_space<vmem_shared>>
      %dma_wait3A_248 = arith.constant 0 : i32
      %dma_wait3A_249 = arith.constant 0 : i32
      %dma_wait3A_250 = tpu.memref_slice %arg9[%run_scoped3A_23, %dma_wait3A_248, %dma_wait3A_249] : memref<2x48x128xf32, #tpu.memory_space<vmem>> -> memref<1x48x128xf32, #tpu.memory_space<vmem>>
      %dma_wait3A_251 = tpu.memref_squeeze %dma_wait3A_250 : memref<1x48x128xf32, #tpu.memory_space<vmem>> -> memref<48x128xf32, #tpu.memory_space<vmem>>
      tpu.wait_dma2 semaphore(%run_scoped3A_227 : memref<!tpu.dma_semaphore, #tpu.memory_space<semaphore_mem>>) src(%dma_wait3A_251 : memref<48x128xf32, #tpu.memory_space<vmem>>) dst(%dma_wait3A_247 : memref<48x128xf32, #tpu.memory_space<vmem_shared>>)
      tpu.yield
    }) : () -> ()
    %add3A_24 = arith.constant 192 : i32
    %add3A_25 = arith.addi %mul3A_10, %add3A_24 : i32
    %run_scoped3A_26 = arith.constant 0 : i32
    "tpu.region"() ({
      %run_scoped3A_227 = tpu.sem_alloc : memref<!tpu.dma_semaphore, #tpu.memory_space<semaphore_mem>>
      %dma_start3A_228 = arith.constant 0 : i32
      %dma_start3A_229 = arith.constant 0 : i32
      %dma_start3A_230 = tpu.memref_slice %arg9[%run_scoped3A_26, %dma_start3A_228, %dma_start3A_229] : memref<2x48x128xf32, #tpu.memory_space<vmem>> -> memref<1x48x128xf32, #tpu.memory_space<vmem>>
      %dma_start3A_231 = tpu.memref_squeeze %dma_start3A_230 : memref<1x48x128xf32, #tpu.memory_space<vmem>> -> memref<48x128xf32, #tpu.memory_space<vmem>>
      %dma_start3A_232 = arith.constant 0 : i32
      %dma_start3A_233 = tpu.memref_slice %arg10[%add3A_25, %dma_start3A_232] : memref<10112x128xf32, #tpu.memory_space<vmem_shared>> -> memref<48x128xf32, #tpu.memory_space<vmem_shared>>
      %dma_start3A_234 = arith.constant 0 : i32
      %dma_start3A_235 = tpu.memref_slice %arg10[%add3A_25, %dma_start3A_234] : memref<10112x128xf32, #tpu.memory_space<vmem_shared>> -> memref<48x128xf32, #tpu.memory_space<vmem_shared>>
      %dma_start3A_236 = arith.constant 0 : i32
      %dma_start3A_237 = arith.constant 0 : i32
      %dma_start3A_238 = tpu.memref_slice %arg9[%run_scoped3A_26, %dma_start3A_236, %dma_start3A_237] : memref<2x48x128xf32, #tpu.memory_space<vmem>> -> memref<1x48x128xf32, #tpu.memory_space<vmem>>
      %dma_start3A_239 = tpu.memref_squeeze %dma_start3A_238 : memref<1x48x128xf32, #tpu.memory_space<vmem>> -> memref<48x128xf32, #tpu.memory_space<vmem>>
      tpu.enqueue_dma source(%dma_start3A_239 : memref<48x128xf32, #tpu.memory_space<vmem>>) target(%dma_start3A_235 : memref<48x128xf32, #tpu.memory_space<vmem_shared>>) target_semaphore(%run_scoped3A_227 : memref<!tpu.dma_semaphore, #tpu.memory_space<semaphore_mem>>)
      %dma_wait3A_240 = arith.constant 0 : i32
      %dma_wait3A_241 = arith.constant 0 : i32
      %dma_wait3A_242 = tpu.memref_slice %arg9[%run_scoped3A_26, %dma_wait3A_240, %dma_wait3A_241] : memref<2x48x128xf32, #tpu.memory_space<vmem>> -> memref<1x48x128xf32, #tpu.memory_space<vmem>>
      %dma_wait3A_243 = tpu.memref_squeeze %dma_wait3A_242 : memref<1x48x128xf32, #tpu.memory_space<vmem>> -> memref<48x128xf32, #tpu.memory_space<vmem>>
      %dma_wait3A_244 = arith.constant 0 : i32
      %dma_wait3A_245 = tpu.memref_slice %arg10[%add3A_25, %dma_wait3A_244] : memref<10112x128xf32, #tpu.memory_space<vmem_shared>> -> memref<48x128xf32, #tpu.memory_space<vmem_shared>>
      %dma_wait3A_246 = arith.constant 0 : i32
      %dma_wait3A_247 = tpu.memref_slice %arg10[%add3A_25, %dma_wait3A_246] : memref<10112x128xf32, #tpu.memory_space<vmem_shared>> -> memref<48x128xf32, #tpu.memory_space<vmem_shared>>
      %dma_wait3A_248 = arith.constant 0 : i32
      %dma_wait3A_249 = arith.constant 0 : i32
      %dma_wait3A_250 = tpu.memref_slice %arg9[%run_scoped3A_26, %dma_wait3A_248, %dma_wait3A_249] : memref<2x48x128xf32, #tpu.memory_space<vmem>> -> memref<1x48x128xf32, #tpu.memory_space<vmem>>
      %dma_wait3A_251 = tpu.memref_squeeze %dma_wait3A_250 : memref<1x48x128xf32, #tpu.memory_space<vmem>> -> memref<48x128xf32, #tpu.memory_space<vmem>>
      tpu.wait_dma2 semaphore(%run_scoped3A_227 : memref<!tpu.dma_semaphore, #tpu.memory_space<semaphore_mem>>) src(%dma_wait3A_251 : memref<48x128xf32, #tpu.memory_space<vmem>>) dst(%dma_wait3A_247 : memref<48x128xf32, #tpu.memory_space<vmem_shared>>)
      tpu.yield
    }) : () -> ()
    %add3A_27 = arith.constant 240 : i32
    %add3A_28 = arith.addi %mul3A_10, %add3A_27 : i32
    %run_scoped3A_29 = arith.constant 0 : i32
    "tpu.region"() ({
      %run_scoped3A_227 = tpu.sem_alloc : memref<!tpu.dma_semaphore, #tpu.memory_space<semaphore_mem>>
      %dma_start3A_228 = arith.constant 0 : i32
      %dma_start3A_229 = arith.constant 0 : i32
      %dma_start3A_230 = tpu.memref_slice %arg9[%run_scoped3A_29, %dma_start3A_228, %dma_start3A_229] : memref<2x48x128xf32, #tpu.memory_space<vmem>> -> memref<1x48x128xf32, #tpu.memory_space<vmem>>
      %dma_start3A_231 = tpu.memref_squeeze %dma_start3A_230 : memref<1x48x128xf32, #tpu.memory_space<vmem>> -> memref<48x128xf32, #tpu.memory_space<vmem>>
      %dma_start3A_232 = arith.constant 0 : i32
      %dma_start3A_233 = tpu.memref_slice %arg10[%add3A_28, %dma_start3A_232] : memref<10112x128xf32, #tpu.memory_space<vmem_shared>> -> memref<48x128xf32, #tpu.memory_space<vmem_shared>>
      %dma_start3A_234 = arith.constant 0 : i32
      %dma_start3A_235 = tpu.memref_slice %arg10[%add3A_28, %dma_start3A_234] : memref<10112x128xf32, #tpu.memory_space<vmem_shared>> -> memref<48x128xf32, #tpu.memory_space<vmem_shared>>
      %dma_start3A_236 = arith.constant 0 : i32
      %dma_start3A_237 = arith.constant 0 : i32
      %dma_start3A_238 = tpu.memref_slice %arg9[%run_scoped3A_29, %dma_start3A_236, %dma_start3A_237] : memref<2x48x128xf32, #tpu.memory_space<vmem>> -> memref<1x48x128xf32, #tpu.memory_space<vmem>>
      %dma_start3A_239 = tpu.memref_squeeze %dma_start3A_238 : memref<1x48x128xf32, #tpu.memory_space<vmem>> -> memref<48x128xf32, #tpu.memory_space<vmem>>
      tpu.enqueue_dma source(%dma_start3A_239 : memref<48x128xf32, #tpu.memory_space<vmem>>) target(%dma_start3A_235 : memref<48x128xf32, #tpu.memory_space<vmem_shared>>) target_semaphore(%run_scoped3A_227 : memref<!tpu.dma_semaphore, #tpu.memory_space<semaphore_mem>>)
      %dma_wait3A_240 = arith.constant 0 : i32
      %dma_wait3A_241 = arith.constant 0 : i32
      %dma_wait3A_242 = tpu.memref_slice %arg9[%run_scoped3A_29, %dma_wait3A_240, %dma_wait3A_241] : memref<2x48x128xf32, #tpu.memory_space<vmem>> -> memref<1x48x128xf32, #tpu.memory_space<vmem>>
      %dma_wait3A_243 = tpu.memref_squeeze %dma_wait3A_242 : memref<1x48x128xf32, #tpu.memory_space<vmem>> -> memref<48x128xf32, #tpu.memory_space<vmem>>
      %dma_wait3A_244 = arith.constant 0 : i32
      %dma_wait3A_245 = tpu.memref_slice %arg10[%add3A_28, %dma_wait3A_244] : memref<10112x128xf32, #tpu.memory_space<vmem_shared>> -> memref<48x128xf32, #tpu.memory_space<vmem_shared>>
      %dma_wait3A_246 = arith.constant 0 : i32
      %dma_wait3A_247 = tpu.memref_slice %arg10[%add3A_28, %dma_wait3A_246] : memref<10112x128xf32, #tpu.memory_space<vmem_shared>> -> memref<48x128xf32, #tpu.memory_space<vmem_shared>>
      %dma_wait3A_248 = arith.constant 0 : i32
      %dma_wait3A_249 = arith.constant 0 : i32
      %dma_wait3A_250 = tpu.memref_slice %arg9[%run_scoped3A_29, %dma_wait3A_248, %dma_wait3A_249] : memref<2x48x128xf32, #tpu.memory_space<vmem>> -> memref<1x48x128xf32, #tpu.memory_space<vmem>>
      %dma_wait3A_251 = tpu.memref_squeeze %dma_wait3A_250 : memref<1x48x128xf32, #tpu.memory_space<vmem>> -> memref<48x128xf32, #tpu.memory_space<vmem>>
      tpu.wait_dma2 semaphore(%run_scoped3A_227 : memref<!tpu.dma_semaphore, #tpu.memory_space<semaphore_mem>>) src(%dma_wait3A_251 : memref<48x128xf32, #tpu.memory_space<vmem>>) dst(%dma_wait3A_247 : memref<48x128xf32, #tpu.memory_space<vmem_shared>>)
      tpu.yield
    }) : () -> ()
    %add3A_30 = arith.constant 288 : i32
    %add3A_31 = arith.addi %mul3A_10, %add3A_30 : i32
    %run_scoped3A_32 = arith.constant 0 : i32
    "tpu.region"() ({
      %run_scoped3A_227 = tpu.sem_alloc : memref<!tpu.dma_semaphore, #tpu.memory_space<semaphore_mem>>
      %dma_start3A_228 = arith.constant 0 : i32
      %dma_start3A_229 = arith.constant 0 : i32
      %dma_start3A_230 = tpu.memref_slice %arg9[%run_scoped3A_32, %dma_start3A_228, %dma_start3A_229] : memref<2x48x128xf32, #tpu.memory_space<vmem>> -> memref<1x48x128xf32, #tpu.memory_space<vmem>>
      %dma_start3A_231 = tpu.memref_squeeze %dma_start3A_230 : memref<1x48x128xf32, #tpu.memory_space<vmem>> -> memref<48x128xf32, #tpu.memory_space<vmem>>
      %dma_start3A_232 = arith.constant 0 : i32
      %dma_start3A_233 = tpu.memref_slice %arg10[%add3A_31, %dma_start3A_232] : memref<10112x128xf32, #tpu.memory_space<vmem_shared>> -> memref<48x128xf32, #tpu.memory_space<vmem_shared>>
      %dma_start3A_234 = arith.constant 0 : i32
      %dma_start3A_235 = tpu.memref_slice %arg10[%add3A_31, %dma_start3A_234] : memref<10112x128xf32, #tpu.memory_space<vmem_shared>> -> memref<48x128xf32, #tpu.memory_space<vmem_shared>>
      %dma_start3A_236 = arith.constant 0 : i32
      %dma_start3A_237 = arith.constant 0 : i32
      %dma_start3A_238 = tpu.memref_slice %arg9[%run_scoped3A_32, %dma_start3A_236, %dma_start3A_237] : memref<2x48x128xf32, #tpu.memory_space<vmem>> -> memref<1x48x128xf32, #tpu.memory_space<vmem>>
      %dma_start3A_239 = tpu.memref_squeeze %dma_start3A_238 : memref<1x48x128xf32, #tpu.memory_space<vmem>> -> memref<48x128xf32, #tpu.memory_space<vmem>>
      tpu.enqueue_dma source(%dma_start3A_239 : memref<48x128xf32, #tpu.memory_space<vmem>>) target(%dma_start3A_235 : memref<48x128xf32, #tpu.memory_space<vmem_shared>>) target_semaphore(%run_scoped3A_227 : memref<!tpu.dma_semaphore, #tpu.memory_space<semaphore_mem>>)
      %dma_wait3A_240 = arith.constant 0 : i32
      %dma_wait3A_241 = arith.constant 0 : i32
      %dma_wait3A_242 = tpu.memref_slice %arg9[%run_scoped3A_32, %dma_wait3A_240, %dma_wait3A_241] : memref<2x48x128xf32, #tpu.memory_space<vmem>> -> memref<1x48x128xf32, #tpu.memory_space<vmem>>
      %dma_wait3A_243 = tpu.memref_squeeze %dma_wait3A_242 : memref<1x48x128xf32, #tpu.memory_space<vmem>> -> memref<48x128xf32, #tpu.memory_space<vmem>>
      %dma_wait3A_244 = arith.constant 0 : i32
      %dma_wait3A_245 = tpu.memref_slice %arg10[%add3A_31, %dma_wait3A_244] : memref<10112x128xf32, #tpu.memory_space<vmem_shared>> -> memref<48x128xf32, #tpu.memory_space<vmem_shared>>
      %dma_wait3A_246 = arith.constant 0 : i32
      %dma_wait3A_247 = tpu.memref_slice %arg10[%add3A_31, %dma_wait3A_246] : memref<10112x128xf32, #tpu.memory_space<vmem_shared>> -> memref<48x128xf32, #tpu.memory_space<vmem_shared>>
      %dma_wait3A_248 = arith.constant 0 : i32
      %dma_wait3A_249 = arith.constant 0 : i32
      %dma_wait3A_250 = tpu.memref_slice %arg9[%run_scoped3A_32, %dma_wait3A_248, %dma_wait3A_249] : memref<2x48x128xf32, #tpu.memory_space<vmem>> -> memref<1x48x128xf32, #tpu.memory_space<vmem>>
      %dma_wait3A_251 = tpu.memref_squeeze %dma_wait3A_250 : memref<1x48x128xf32, #tpu.memory_space<vmem>> -> memref<48x128xf32, #tpu.memory_space<vmem>>
      tpu.wait_dma2 semaphore(%run_scoped3A_227 : memref<!tpu.dma_semaphore, #tpu.memory_space<semaphore_mem>>) src(%dma_wait3A_251 : memref<48x128xf32, #tpu.memory_space<vmem>>) dst(%dma_wait3A_247 : memref<48x128xf32, #tpu.memory_space<vmem_shared>>)
      tpu.yield
    }) : () -> ()
    %add3A_33 = arith.constant 336 : i32
    %add3A_34 = arith.addi %mul3A_10, %add3A_33 : i32
    %run_scoped3A_35 = arith.constant 0 : i32
    "tpu.region"() ({
      %run_scoped3A_227 = tpu.sem_alloc : memref<!tpu.dma_semaphore, #tpu.memory_space<semaphore_mem>>
      %dma_start3A_228 = arith.constant 0 : i32
      %dma_start3A_229 = arith.constant 0 : i32
      %dma_start3A_230 = tpu.memref_slice %arg9[%run_scoped3A_35, %dma_start3A_228, %dma_start3A_229] : memref<2x48x128xf32, #tpu.memory_space<vmem>> -> memref<1x48x128xf32, #tpu.memory_space<vmem>>
      %dma_start3A_231 = tpu.memref_squeeze %dma_start3A_230 : memref<1x48x128xf32, #tpu.memory_space<vmem>> -> memref<48x128xf32, #tpu.memory_space<vmem>>
      %dma_start3A_232 = arith.constant 0 : i32
      %dma_start3A_233 = tpu.memref_slice %arg10[%add3A_34, %dma_start3A_232] : memref<10112x128xf32, #tpu.memory_space<vmem_shared>> -> memref<48x128xf32, #tpu.memory_space<vmem_shared>>
      %dma_start3A_234 = arith.constant 0 : i32
      %dma_start3A_235 = tpu.memref_slice %arg10[%add3A_34, %dma_start3A_234] : memref<10112x128xf32, #tpu.memory_space<vmem_shared>> -> memref<48x128xf32, #tpu.memory_space<vmem_shared>>
      %dma_start3A_236 = arith.constant 0 : i32
      %dma_start3A_237 = arith.constant 0 : i32
      %dma_start3A_238 = tpu.memref_slice %arg9[%run_scoped3A_35, %dma_start3A_236, %dma_start3A_237] : memref<2x48x128xf32, #tpu.memory_space<vmem>> -> memref<1x48x128xf32, #tpu.memory_space<vmem>>
      %dma_start3A_239 = tpu.memref_squeeze %dma_start3A_238 : memref<1x48x128xf32, #tpu.memory_space<vmem>> -> memref<48x128xf32, #tpu.memory_space<vmem>>
      tpu.enqueue_dma source(%dma_start3A_239 : memref<48x128xf32, #tpu.memory_space<vmem>>) target(%dma_start3A_235 : memref<48x128xf32, #tpu.memory_space<vmem_shared>>) target_semaphore(%run_scoped3A_227 : memref<!tpu.dma_semaphore, #tpu.memory_space<semaphore_mem>>)
      %dma_wait3A_240 = arith.constant 0 : i32
      %dma_wait3A_241 = arith.constant 0 : i32
      %dma_wait3A_242 = tpu.memref_slice %arg9[%run_scoped3A_35, %dma_wait3A_240, %dma_wait3A_241] : memref<2x48x128xf32, #tpu.memory_space<vmem>> -> memref<1x48x128xf32, #tpu.memory_space<vmem>>
      %dma_wait3A_243 = tpu.memref_squeeze %dma_wait3A_242 : memref<1x48x128xf32, #tpu.memory_space<vmem>> -> memref<48x128xf32, #tpu.memory_space<vmem>>
      %dma_wait3A_244 = arith.constant 0 : i32
      %dma_wait3A_245 = tpu.memref_slice %arg10[%add3A_34, %dma_wait3A_244] : memref<10112x128xf32, #tpu.memory_space<vmem_shared>> -> memref<48x128xf32, #tpu.memory_space<vmem_shared>>
      %dma_wait3A_246 = arith.constant 0 : i32
      %dma_wait3A_247 = tpu.memref_slice %arg10[%add3A_34, %dma_wait3A_246] : memref<10112x128xf32, #tpu.memory_space<vmem_shared>> -> memref<48x128xf32, #tpu.memory_space<vmem_shared>>
      %dma_wait3A_248 = arith.constant 0 : i32
      %dma_wait3A_249 = arith.constant 0 : i32
      %dma_wait3A_250 = tpu.memref_slice %arg9[%run_scoped3A_35, %dma_wait3A_248, %dma_wait3A_249] : memref<2x48x128xf32, #tpu.memory_space<vmem>> -> memref<1x48x128xf32, #tpu.memory_space<vmem>>
      %dma_wait3A_251 = tpu.memref_squeeze %dma_wait3A_250 : memref<1x48x128xf32, #tpu.memory_space<vmem>> -> memref<48x128xf32, #tpu.memory_space<vmem>>
      tpu.wait_dma2 semaphore(%run_scoped3A_227 : memref<!tpu.dma_semaphore, #tpu.memory_space<semaphore_mem>>) src(%dma_wait3A_251 : memref<48x128xf32, #tpu.memory_space<vmem>>) dst(%dma_wait3A_247 : memref<48x128xf32, #tpu.memory_space<vmem_shared>>)
      tpu.yield
    }) : () -> ()
    %add3A_36 = arith.constant 384 : i32
    %add3A_37 = arith.addi %mul3A_10, %add3A_36 : i32
    %run_scoped3A_38 = arith.constant 0 : i32
    "tpu.region"() ({
      %run_scoped3A_227 = tpu.sem_alloc : memref<!tpu.dma_semaphore, #tpu.memory_space<semaphore_mem>>
      %dma_start3A_228 = arith.constant 0 : i32
      %dma_start3A_229 = arith.constant 0 : i32
      %dma_start3A_230 = tpu.memref_slice %arg9[%run_scoped3A_38, %dma_start3A_228, %dma_start3A_229] : memref<2x48x128xf32, #tpu.memory_space<vmem>> -> memref<1x48x128xf32, #tpu.memory_space<vmem>>
      %dma_start3A_231 = tpu.memref_squeeze %dma_start3A_230 : memref<1x48x128xf32, #tpu.memory_space<vmem>> -> memref<48x128xf32, #tpu.memory_space<vmem>>
      %dma_start3A_232 = arith.constant 0 : i32
      %dma_start3A_233 = tpu.memref_slice %arg10[%add3A_37, %dma_start3A_232] : memref<10112x128xf32, #tpu.memory_space<vmem_shared>> -> memref<48x128xf32, #tpu.memory_space<vmem_shared>>
      %dma_start3A_234 = arith.constant 0 : i32
      %dma_start3A_235 = tpu.memref_slice %arg10[%add3A_37, %dma_start3A_234] : memref<10112x128xf32, #tpu.memory_space<vmem_shared>> -> memref<48x128xf32, #tpu.memory_space<vmem_shared>>
      %dma_start3A_236 = arith.constant 0 : i32
      %dma_start3A_237 = arith.constant 0 : i32
      %dma_start3A_238 = tpu.memref_slice %arg9[%run_scoped3A_38, %dma_start3A_236, %dma_start3A_237] : memref<2x48x128xf32, #tpu.memory_space<vmem>> -> memref<1x48x128xf32, #tpu.memory_space<vmem>>
      %dma_start3A_239 = tpu.memref_squeeze %dma_start3A_238 : memref<1x48x128xf32, #tpu.memory_space<vmem>> -> memref<48x128xf32, #tpu.memory_space<vmem>>
      tpu.enqueue_dma source(%dma_start3A_239 : memref<48x128xf32, #tpu.memory_space<vmem>>) target(%dma_start3A_235 : memref<48x128xf32, #tpu.memory_space<vmem_shared>>) target_semaphore(%run_scoped3A_227 : memref<!tpu.dma_semaphore, #tpu.memory_space<semaphore_mem>>)
      %dma_wait3A_240 = arith.constant 0 : i32
      %dma_wait3A_241 = arith.constant 0 : i32
      %dma_wait3A_242 = tpu.memref_slice %arg9[%run_scoped3A_38, %dma_wait3A_240, %dma_wait3A_241] : memref<2x48x128xf32, #tpu.memory_space<vmem>> -> memref<1x48x128xf32, #tpu.memory_space<vmem>>
      %dma_wait3A_243 = tpu.memref_squeeze %dma_wait3A_242 : memref<1x48x128xf32, #tpu.memory_space<vmem>> -> memref<48x128xf32, #tpu.memory_space<vmem>>
      %dma_wait3A_244 = arith.constant 0 : i32
      %dma_wait3A_245 = tpu.memref_slice %arg10[%add3A_37, %dma_wait3A_244] : memref<10112x128xf32, #tpu.memory_space<vmem_shared>> -> memref<48x128xf32, #tpu.memory_space<vmem_shared>>
      %dma_wait3A_246 = arith.constant 0 : i32
      %dma_wait3A_247 = tpu.memref_slice %arg10[%add3A_37, %dma_wait3A_246] : memref<10112x128xf32, #tpu.memory_space<vmem_shared>> -> memref<48x128xf32, #tpu.memory_space<vmem_shared>>
      %dma_wait3A_248 = arith.constant 0 : i32
      %dma_wait3A_249 = arith.constant 0 : i32
      %dma_wait3A_250 = tpu.memref_slice %arg9[%run_scoped3A_38, %dma_wait3A_248, %dma_wait3A_249] : memref<2x48x128xf32, #tpu.memory_space<vmem>> -> memref<1x48x128xf32, #tpu.memory_space<vmem>>
      %dma_wait3A_251 = tpu.memref_squeeze %dma_wait3A_250 : memref<1x48x128xf32, #tpu.memory_space<vmem>> -> memref<48x128xf32, #tpu.memory_space<vmem>>
      tpu.wait_dma2 semaphore(%run_scoped3A_227 : memref<!tpu.dma_semaphore, #tpu.memory_space<semaphore_mem>>) src(%dma_wait3A_251 : memref<48x128xf32, #tpu.memory_space<vmem>>) dst(%dma_wait3A_247 : memref<48x128xf32, #tpu.memory_space<vmem_shared>>)
      tpu.yield
    }) : () -> ()
    %add3A_39 = arith.constant 432 : i32
    %add3A_40 = arith.addi %mul3A_10, %add3A_39 : i32
    %run_scoped3A_41 = arith.constant 0 : i32
    "tpu.region"() ({
      %run_scoped3A_227 = tpu.sem_alloc : memref<!tpu.dma_semaphore, #tpu.memory_space<semaphore_mem>>
      %dma_start3A_228 = arith.constant 0 : i32
      %dma_start3A_229 = arith.constant 0 : i32
      %dma_start3A_230 = tpu.memref_slice %arg9[%run_scoped3A_41, %dma_start3A_228, %dma_start3A_229] : memref<2x48x128xf32, #tpu.memory_space<vmem>> -> memref<1x48x128xf32, #tpu.memory_space<vmem>>
      %dma_start3A_231 = tpu.memref_squeeze %dma_start3A_230 : memref<1x48x128xf32, #tpu.memory_space<vmem>> -> memref<48x128xf32, #tpu.memory_space<vmem>>
      %dma_start3A_232 = arith.constant 0 : i32
      %dma_start3A_233 = tpu.memref_slice %arg10[%add3A_40, %dma_start3A_232] : memref<10112x128xf32, #tpu.memory_space<vmem_shared>> -> memref<48x128xf32, #tpu.memory_space<vmem_shared>>
      %dma_start3A_234 = arith.constant 0 : i32
      %dma_start3A_235 = tpu.memref_slice %arg10[%add3A_40, %dma_start3A_234] : memref<10112x128xf32, #tpu.memory_space<vmem_shared>> -> memref<48x128xf32, #tpu.memory_space<vmem_shared>>
      %dma_start3A_236 = arith.constant 0 : i32
      %dma_start3A_237 = arith.constant 0 : i32
      %dma_start3A_238 = tpu.memref_slice %arg9[%run_scoped3A_41, %dma_start3A_236, %dma_start3A_237] : memref<2x48x128xf32, #tpu.memory_space<vmem>> -> memref<1x48x128xf32, #tpu.memory_space<vmem>>
      %dma_start3A_239 = tpu.memref_squeeze %dma_start3A_238 : memref<1x48x128xf32, #tpu.memory_space<vmem>> -> memref<48x128xf32, #tpu.memory_space<vmem>>
      tpu.enqueue_dma source(%dma_start3A_239 : memref<48x128xf32, #tpu.memory_space<vmem>>) target(%dma_start3A_235 : memref<48x128xf32, #tpu.memory_space<vmem_shared>>) target_semaphore(%run_scoped3A_227 : memref<!tpu.dma_semaphore, #tpu.memory_space<semaphore_mem>>)
      %dma_wait3A_240 = arith.constant 0 : i32
      %dma_wait3A_241 = arith.constant 0 : i32
      %dma_wait3A_242 = tpu.memref_slice %arg9[%run_scoped3A_41, %dma_wait3A_240, %dma_wait3A_241] : memref<2x48x128xf32, #tpu.memory_space<vmem>> -> memref<1x48x128xf32, #tpu.memory_space<vmem>>
      %dma_wait3A_243 = tpu.memref_squeeze %dma_wait3A_242 : memref<1x48x128xf32, #tpu.memory_space<vmem>> -> memref<48x128xf32, #tpu.memory_space<vmem>>
      %dma_wait3A_244 = arith.constant 0 : i32
      %dma_wait3A_245 = tpu.memref_slice %arg10[%add3A_40, %dma_wait3A_244] : memref<10112x128xf32, #tpu.memory_space<vmem_shared>> -> memref<48x128xf32, #tpu.memory_space<vmem_shared>>
      %dma_wait3A_246 = arith.constant 0 : i32
      %dma_wait3A_247 = tpu.memref_slice %arg10[%add3A_40, %dma_wait3A_246] : memref<10112x128xf32, #tpu.memory_space<vmem_shared>> -> memref<48x128xf32, #tpu.memory_space<vmem_shared>>
      %dma_wait3A_248 = arith.constant 0 : i32
      %dma_wait3A_249 = arith.constant 0 : i32
      %dma_wait3A_250 = tpu.memref_slice %arg9[%run_scoped3A_41, %dma_wait3A_248, %dma_wait3A_249] : memref<2x48x128xf32, #tpu.memory_space<vmem>> -> memref<1x48x128xf32, #tpu.memory_space<vmem>>
      %dma_wait3A_251 = tpu.memref_squeeze %dma_wait3A_250 : memref<1x48x128xf32, #tpu.memory_space<vmem>> -> memref<48x128xf32, #tpu.memory_space<vmem>>
      tpu.wait_dma2 semaphore(%run_scoped3A_227 : memref<!tpu.dma_semaphore, #tpu.memory_space<semaphore_mem>>) src(%dma_wait3A_251 : memref<48x128xf32, #tpu.memory_space<vmem>>) dst(%dma_wait3A_247 : memref<48x128xf32, #tpu.memory_space<vmem_shared>>)
      tpu.yield
    }) : () -> ()
    %add3A_42 = arith.constant 480 : i32
    %add3A_43 = arith.addi %mul3A_10, %add3A_42 : i32
    %run_scoped3A_44 = arith.constant 0 : i32
    "tpu.region"() ({
      %run_scoped3A_227 = tpu.sem_alloc : memref<!tpu.dma_semaphore, #tpu.memory_space<semaphore_mem>>
      %dma_start3A_228 = arith.constant 0 : i32
      %dma_start3A_229 = arith.constant 0 : i32
      %dma_start3A_230 = tpu.memref_slice %arg9[%run_scoped3A_44, %dma_start3A_228, %dma_start3A_229] : memref<2x48x128xf32, #tpu.memory_space<vmem>> -> memref<1x48x128xf32, #tpu.memory_space<vmem>>
      %dma_start3A_231 = tpu.memref_squeeze %dma_start3A_230 : memref<1x48x128xf32, #tpu.memory_space<vmem>> -> memref<48x128xf32, #tpu.memory_space<vmem>>
      %dma_start3A_232 = arith.constant 0 : i32
      %dma_start3A_233 = tpu.memref_slice %arg10[%add3A_43, %dma_start3A_232] : memref<10112x128xf32, #tpu.memory_space<vmem_shared>> -> memref<48x128xf32, #tpu.memory_space<vmem_shared>>
      %dma_start3A_234 = arith.constant 0 : i32
      %dma_start3A_235 = tpu.memref_slice %arg10[%add3A_43, %dma_start3A_234] : memref<10112x128xf32, #tpu.memory_space<vmem_shared>> -> memref<48x128xf32, #tpu.memory_space<vmem_shared>>
      %dma_start3A_236 = arith.constant 0 : i32
      %dma_start3A_237 = arith.constant 0 : i32
      %dma_start3A_238 = tpu.memref_slice %arg9[%run_scoped3A_44, %dma_start3A_236, %dma_start3A_237] : memref<2x48x128xf32, #tpu.memory_space<vmem>> -> memref<1x48x128xf32, #tpu.memory_space<vmem>>
      %dma_start3A_239 = tpu.memref_squeeze %dma_start3A_238 : memref<1x48x128xf32, #tpu.memory_space<vmem>> -> memref<48x128xf32, #tpu.memory_space<vmem>>
      tpu.enqueue_dma source(%dma_start3A_239 : memref<48x128xf32, #tpu.memory_space<vmem>>) target(%dma_start3A_235 : memref<48x128xf32, #tpu.memory_space<vmem_shared>>) target_semaphore(%run_scoped3A_227 : memref<!tpu.dma_semaphore, #tpu.memory_space<semaphore_mem>>)
      %dma_wait3A_240 = arith.constant 0 : i32
      %dma_wait3A_241 = arith.constant 0 : i32
      %dma_wait3A_242 = tpu.memref_slice %arg9[%run_scoped3A_44, %dma_wait3A_240, %dma_wait3A_241] : memref<2x48x128xf32, #tpu.memory_space<vmem>> -> memref<1x48x128xf32, #tpu.memory_space<vmem>>
      %dma_wait3A_243 = tpu.memref_squeeze %dma_wait3A_242 : memref<1x48x128xf32, #tpu.memory_space<vmem>> -> memref<48x128xf32, #tpu.memory_space<vmem>>
      %dma_wait3A_244 = arith.constant 0 : i32
      %dma_wait3A_245 = tpu.memref_slice %arg10[%add3A_43, %dma_wait3A_244] : memref<10112x128xf32, #tpu.memory_space<vmem_shared>> -> memref<48x128xf32, #tpu.memory_space<vmem_shared>>
      %dma_wait3A_246 = arith.constant 0 : i32
      %dma_wait3A_247 = tpu.memref_slice %arg10[%add3A_43, %dma_wait3A_246] : memref<10112x128xf32, #tpu.memory_space<vmem_shared>> -> memref<48x128xf32, #tpu.memory_space<vmem_shared>>
      %dma_wait3A_248 = arith.constant 0 : i32
      %dma_wait3A_249 = arith.constant 0 : i32
      %dma_wait3A_250 = tpu.memref_slice %arg9[%run_scoped3A_44, %dma_wait3A_248, %dma_wait3A_249] : memref<2x48x128xf32, #tpu.memory_space<vmem>> -> memref<1x48x128xf32, #tpu.memory_space<vmem>>
      %dma_wait3A_251 = tpu.memref_squeeze %dma_wait3A_250 : memref<1x48x128xf32, #tpu.memory_space<vmem>> -> memref<48x128xf32, #tpu.memory_space<vmem>>
      tpu.wait_dma2 semaphore(%run_scoped3A_227 : memref<!tpu.dma_semaphore, #tpu.memory_space<semaphore_mem>>) src(%dma_wait3A_251 : memref<48x128xf32, #tpu.memory_space<vmem>>) dst(%dma_wait3A_247 : memref<48x128xf32, #tpu.memory_space<vmem_shared>>)
      tpu.yield
    }) : () -> ()
    %add3A_45 = arith.constant 528 : i32
    %add3A_46 = arith.addi %mul3A_10, %add3A_45 : i32
    %run_scoped3A_47 = arith.constant 0 : i32
    "tpu.region"() ({
      %run_scoped3A_227 = tpu.sem_alloc : memref<!tpu.dma_semaphore, #tpu.memory_space<semaphore_mem>>
      %dma_start3A_228 = arith.constant 0 : i32
      %dma_start3A_229 = arith.constant 0 : i32
      %dma_start3A_230 = tpu.memref_slice %arg9[%run_scoped3A_47, %dma_start3A_228, %dma_start3A_229] : memref<2x48x128xf32, #tpu.memory_space<vmem>> -> memref<1x48x128xf32, #tpu.memory_space<vmem>>
      %dma_start3A_231 = tpu.memref_squeeze %dma_start3A_230 : memref<1x48x128xf32, #tpu.memory_space<vmem>> -> memref<48x128xf32, #tpu.memory_space<vmem>>
      %dma_start3A_232 = arith.constant 0 : i32
      %dma_start3A_233 = tpu.memref_slice %arg10[%add3A_46, %dma_start3A_232] : memref<10112x128xf32, #tpu.memory_space<vmem_shared>> -> memref<48x128xf32, #tpu.memory_space<vmem_shared>>
      %dma_start3A_234 = arith.constant 0 : i32
      %dma_start3A_235 = tpu.memref_slice %arg10[%add3A_46, %dma_start3A_234] : memref<10112x128xf32, #tpu.memory_space<vmem_shared>> -> memref<48x128xf32, #tpu.memory_space<vmem_shared>>
      %dma_start3A_236 = arith.constant 0 : i32
      %dma_start3A_237 = arith.constant 0 : i32
      %dma_start3A_238 = tpu.memref_slice %arg9[%run_scoped3A_47, %dma_start3A_236, %dma_start3A_237] : memref<2x48x128xf32, #tpu.memory_space<vmem>> -> memref<1x48x128xf32, #tpu.memory_space<vmem>>
      %dma_start3A_239 = tpu.memref_squeeze %dma_start3A_238 : memref<1x48x128xf32, #tpu.memory_space<vmem>> -> memref<48x128xf32, #tpu.memory_space<vmem>>
      tpu.enqueue_dma source(%dma_start3A_239 : memref<48x128xf32, #tpu.memory_space<vmem>>) target(%dma_start3A_235 : memref<48x128xf32, #tpu.memory_space<vmem_shared>>) target_semaphore(%run_scoped3A_227 : memref<!tpu.dma_semaphore, #tpu.memory_space<semaphore_mem>>)
      %dma_wait3A_240 = arith.constant 0 : i32
      %dma_wait3A_241 = arith.constant 0 : i32
      %dma_wait3A_242 = tpu.memref_slice %arg9[%run_scoped3A_47, %dma_wait3A_240, %dma_wait3A_241] : memref<2x48x128xf32, #tpu.memory_space<vmem>> -> memref<1x48x128xf32, #tpu.memory_space<vmem>>
      %dma_wait3A_243 = tpu.memref_squeeze %dma_wait3A_242 : memref<1x48x128xf32, #tpu.memory_space<vmem>> -> memref<48x128xf32, #tpu.memory_space<vmem>>
      %dma_wait3A_244 = arith.constant 0 : i32
      %dma_wait3A_245 = tpu.memref_slice %arg10[%add3A_46, %dma_wait3A_244] : memref<10112x128xf32, #tpu.memory_space<vmem_shared>> -> memref<48x128xf32, #tpu.memory_space<vmem_shared>>
      %dma_wait3A_246 = arith.constant 0 : i32
      %dma_wait3A_247 = tpu.memref_slice %arg10[%add3A_46, %dma_wait3A_246] : memref<10112x128xf32, #tpu.memory_space<vmem_shared>> -> memref<48x128xf32, #tpu.memory_space<vmem_shared>>
      %dma_wait3A_248 = arith.constant 0 : i32
      %dma_wait3A_249 = arith.constant 0 : i32
      %dma_wait3A_250 = tpu.memref_slice %arg9[%run_scoped3A_47, %dma_wait3A_248, %dma_wait3A_249] : memref<2x48x128xf32, #tpu.memory_space<vmem>> -> memref<1x48x128xf32, #tpu.memory_space<vmem>>
      %dma_wait3A_251 = tpu.memref_squeeze %dma_wait3A_250 : memref<1x48x128xf32, #tpu.memory_space<vmem>> -> memref<48x128xf32, #tpu.memory_space<vmem>>
      tpu.wait_dma2 semaphore(%run_scoped3A_227 : memref<!tpu.dma_semaphore, #tpu.memory_space<semaphore_mem>>) src(%dma_wait3A_251 : memref<48x128xf32, #tpu.memory_space<vmem>>) dst(%dma_wait3A_247 : memref<48x128xf32, #tpu.memory_space<vmem_shared>>)
      tpu.yield
    }) : () -> ()
    %add3A_48 = arith.constant 576 : i32
    %add3A_49 = arith.addi %mul3A_10, %add3A_48 : i32
    %run_scoped3A_50 = arith.constant 0 : i32
    "tpu.region"() ({
      %run_scoped3A_227 = tpu.sem_alloc : memref<!tpu.dma_semaphore, #tpu.memory_space<semaphore_mem>>
      %dma_start3A_228 = arith.constant 0 : i32
      %dma_start3A_229 = arith.constant 0 : i32
      %dma_start3A_230 = tpu.memref_slice %arg9[%run_scoped3A_50, %dma_start3A_228, %dma_start3A_229] : memref<2x48x128xf32, #tpu.memory_space<vmem>> -> memref<1x48x128xf32, #tpu.memory_space<vmem>>
      %dma_start3A_231 = tpu.memref_squeeze %dma_start3A_230 : memref<1x48x128xf32, #tpu.memory_space<vmem>> -> memref<48x128xf32, #tpu.memory_space<vmem>>
      %dma_start3A_232 = arith.constant 0 : i32
      %dma_start3A_233 = tpu.memref_slice %arg10[%add3A_49, %dma_start3A_232] : memref<10112x128xf32, #tpu.memory_space<vmem_shared>> -> memref<48x128xf32, #tpu.memory_space<vmem_shared>>
      %dma_start3A_234 = arith.constant 0 : i32
      %dma_start3A_235 = tpu.memref_slice %arg10[%add3A_49, %dma_start3A_234] : memref<10112x128xf32, #tpu.memory_space<vmem_shared>> -> memref<48x128xf32, #tpu.memory_space<vmem_shared>>
      %dma_start3A_236 = arith.constant 0 : i32
      %dma_start3A_237 = arith.constant 0 : i32
      %dma_start3A_238 = tpu.memref_slice %arg9[%run_scoped3A_50, %dma_start3A_236, %dma_start3A_237] : memref<2x48x128xf32, #tpu.memory_space<vmem>> -> memref<1x48x128xf32, #tpu.memory_space<vmem>>
      %dma_start3A_239 = tpu.memref_squeeze %dma_start3A_238 : memref<1x48x128xf32, #tpu.memory_space<vmem>> -> memref<48x128xf32, #tpu.memory_space<vmem>>
      tpu.enqueue_dma source(%dma_start3A_239 : memref<48x128xf32, #tpu.memory_space<vmem>>) target(%dma_start3A_235 : memref<48x128xf32, #tpu.memory_space<vmem_shared>>) target_semaphore(%run_scoped3A_227 : memref<!tpu.dma_semaphore, #tpu.memory_space<semaphore_mem>>)
      %dma_wait3A_240 = arith.constant 0 : i32
      %dma_wait3A_241 = arith.constant 0 : i32
      %dma_wait3A_242 = tpu.memref_slice %arg9[%run_scoped3A_50, %dma_wait3A_240, %dma_wait3A_241] : memref<2x48x128xf32, #tpu.memory_space<vmem>> -> memref<1x48x128xf32, #tpu.memory_space<vmem>>
      %dma_wait3A_243 = tpu.memref_squeeze %dma_wait3A_242 : memref<1x48x128xf32, #tpu.memory_space<vmem>> -> memref<48x128xf32, #tpu.memory_space<vmem>>
      %dma_wait3A_244 = arith.constant 0 : i32
      %dma_wait3A_245 = tpu.memref_slice %arg10[%add3A_49, %dma_wait3A_244] : memref<10112x128xf32, #tpu.memory_space<vmem_shared>> -> memref<48x128xf32, #tpu.memory_space<vmem_shared>>
      %dma_wait3A_246 = arith.constant 0 : i32
      %dma_wait3A_247 = tpu.memref_slice %arg10[%add3A_49, %dma_wait3A_246] : memref<10112x128xf32, #tpu.memory_space<vmem_shared>> -> memref<48x128xf32, #tpu.memory_space<vmem_shared>>
      %dma_wait3A_248 = arith.constant 0 : i32
      %dma_wait3A_249 = arith.constant 0 : i32
      %dma_wait3A_250 = tpu.memref_slice %arg9[%run_scoped3A_50, %dma_wait3A_248, %dma_wait3A_249] : memref<2x48x128xf32, #tpu.memory_space<vmem>> -> memref<1x48x128xf32, #tpu.memory_space<vmem>>
      %dma_wait3A_251 = tpu.memref_squeeze %dma_wait3A_250 : memref<1x48x128xf32, #tpu.memory_space<vmem>> -> memref<48x128xf32, #tpu.memory_space<vmem>>
      tpu.wait_dma2 semaphore(%run_scoped3A_227 : memref<!tpu.dma_semaphore, #tpu.memory_space<semaphore_mem>>) src(%dma_wait3A_251 : memref<48x128xf32, #tpu.memory_space<vmem>>) dst(%dma_wait3A_247 : memref<48x128xf32, #tpu.memory_space<vmem_shared>>)
      tpu.yield
    }) : () -> ()
    %add3A_51 = arith.constant 624 : i32
    %add3A_52 = arith.addi %mul3A_10, %add3A_51 : i32
    %run_scoped3A_53 = arith.constant 0 : i32
    "tpu.region"() ({
      %run_scoped3A_227 = tpu.sem_alloc : memref<!tpu.dma_semaphore, #tpu.memory_space<semaphore_mem>>
      %dma_start3A_228 = arith.constant 0 : i32
      %dma_start3A_229 = arith.constant 0 : i32
      %dma_start3A_230 = tpu.memref_slice %arg9[%run_scoped3A_53, %dma_start3A_228, %dma_start3A_229] : memref<2x48x128xf32, #tpu.memory_space<vmem>> -> memref<1x8x128xf32, #tpu.memory_space<vmem>>
      %dma_start3A_231 = tpu.memref_squeeze %dma_start3A_230 : memref<1x8x128xf32, #tpu.memory_space<vmem>> -> memref<8x128xf32, #tpu.memory_space<vmem>>
      %dma_start3A_232 = arith.constant 0 : i32
      %dma_start3A_233 = tpu.memref_slice %arg10[%add3A_52, %dma_start3A_232] : memref<10112x128xf32, #tpu.memory_space<vmem_shared>> -> memref<8x128xf32, #tpu.memory_space<vmem_shared>>
      %dma_start3A_234 = arith.constant 0 : i32
      %dma_start3A_235 = tpu.memref_slice %arg10[%add3A_52, %dma_start3A_234] : memref<10112x128xf32, #tpu.memory_space<vmem_shared>> -> memref<8x128xf32, #tpu.memory_space<vmem_shared>>
      %dma_start3A_236 = arith.constant 0 : i32
      %dma_start3A_237 = arith.constant 0 : i32
      %dma_start3A_238 = tpu.memref_slice %arg9[%run_scoped3A_53, %dma_start3A_236, %dma_start3A_237] : memref<2x48x128xf32, #tpu.memory_space<vmem>> -> memref<1x8x128xf32, #tpu.memory_space<vmem>>
      %dma_start3A_239 = tpu.memref_squeeze %dma_start3A_238 : memref<1x8x128xf32, #tpu.memory_space<vmem>> -> memref<8x128xf32, #tpu.memory_space<vmem>>
      tpu.enqueue_dma source(%dma_start3A_239 : memref<8x128xf32, #tpu.memory_space<vmem>>) target(%dma_start3A_235 : memref<8x128xf32, #tpu.memory_space<vmem_shared>>) target_semaphore(%run_scoped3A_227 : memref<!tpu.dma_semaphore, #tpu.memory_space<semaphore_mem>>)
      %dma_wait3A_240 = arith.constant 0 : i32
      %dma_wait3A_241 = arith.constant 0 : i32
      %dma_wait3A_242 = tpu.memref_slice %arg9[%run_scoped3A_53, %dma_wait3A_240, %dma_wait3A_241] : memref<2x48x128xf32, #tpu.memory_space<vmem>> -> memref<1x8x128xf32, #tpu.memory_space<vmem>>
      %dma_wait3A_243 = tpu.memref_squeeze %dma_wait3A_242 : memref<1x8x128xf32, #tpu.memory_space<vmem>> -> memref<8x128xf32, #tpu.memory_space<vmem>>
      %dma_wait3A_244 = arith.constant 0 : i32
      %dma_wait3A_245 = tpu.memref_slice %arg10[%add3A_52, %dma_wait3A_244] : memref<10112x128xf32, #tpu.memory_space<vmem_shared>> -> memref<8x128xf32, #tpu.memory_space<vmem_shared>>
      %dma_wait3A_246 = arith.constant 0 : i32
      %dma_wait3A_247 = tpu.memref_slice %arg10[%add3A_52, %dma_wait3A_246] : memref<10112x128xf32, #tpu.memory_space<vmem_shared>> -> memref<8x128xf32, #tpu.memory_space<vmem_shared>>
      %dma_wait3A_248 = arith.constant 0 : i32
      %dma_wait3A_249 = arith.constant 0 : i32
      %dma_wait3A_250 = tpu.memref_slice %arg9[%run_scoped3A_53, %dma_wait3A_248, %dma_wait3A_249] : memref<2x48x128xf32, #tpu.memory_space<vmem>> -> memref<1x8x128xf32, #tpu.memory_space<vmem>>
      %dma_wait3A_251 = tpu.memref_squeeze %dma_wait3A_250 : memref<1x8x128xf32, #tpu.memory_space<vmem>> -> memref<8x128xf32, #tpu.memory_space<vmem>>
      tpu.wait_dma2 semaphore(%run_scoped3A_227 : memref<!tpu.dma_semaphore, #tpu.memory_space<semaphore_mem>>) src(%dma_wait3A_251 : memref<8x128xf32, #tpu.memory_space<vmem>>) dst(%dma_wait3A_247 : memref<8x128xf32, #tpu.memory_space<vmem_shared>>)
      tpu.yield
    }) : () -> ()
    %barrier3A = arith.constant 0 : index
    tpu.barrier barrier_id(%barrier3A)
    %add3A_54 = arith.constant 0 : i32
    %add3A_55 = arith.addi %select_n3A_8, %add3A_54 : i32
    %rem3A = arith.constant 0 : i32
    %rem3A_56 = arith.constant 4 : i32
    %rem3A_57 = arith.remsi %rem3A, %rem3A_56 : i32
    %rem3A_58 = arith.constant 0 : i32
    %rem3A_59 = arith.constant 4 : i32
    %rem3A_60 = arith.remsi %rem3A_58, %rem3A_59 : i32
    %dma_start3A = arith.constant 0 : i32
    %dma_start3A_61 = arith.constant 0 : i32
    %dma_start3A_62 = tpu.memref_slice %arg6[%rem3A_57, %dma_start3A, %dma_start3A_61] : memref<4x2x48xi32, #tpu.memory_space<vmem>> -> memref<1x2x48xi32, #tpu.memory_space<vmem>>
    %dma_start3A_63 = tpu.memref_squeeze %dma_start3A_62 : memref<1x2x48xi32, #tpu.memory_space<vmem>> -> memref<2x48xi32, #tpu.memory_space<vmem>>
    %dma_start3A_64 = arith.constant 0 : i32
    %dma_start3A_65 = arith.constant 0 : i32
    %dma_start3A_66 = tpu.memref_slice %arg2[%add3A_55, %dma_start3A_64, %dma_start3A_65] : memref<6688x2x48xi32, #tpu.memory_space<hbm>> -> memref<1x2x48xi32, #tpu.memory_space<hbm>>
    %dma_start3A_67 = tpu.memref_squeeze %dma_start3A_66 : memref<1x2x48xi32, #tpu.memory_space<hbm>> -> memref<2x48xi32, #tpu.memory_space<hbm>>
    %dma_start3A_68 = tpu.memref_slice %arg11[%rem3A_60] : memref<4x!tpu.dma_semaphore, #tpu.memory_space<semaphore_mem>> -> memref<1x!tpu.dma_semaphore, #tpu.memory_space<semaphore_mem>>
    %dma_start3A_69 = tpu.memref_squeeze %dma_start3A_68 : memref<1x!tpu.dma_semaphore, #tpu.memory_space<semaphore_mem>> -> memref<!tpu.dma_semaphore, #tpu.memory_space<semaphore_mem>>
    %dma_start3A_70 = arith.constant 0 : i32
    %dma_start3A_71 = arith.constant 0 : i32
    %dma_start3A_72 = tpu.memref_slice %arg6[%rem3A_57, %dma_start3A_70, %dma_start3A_71] : memref<4x2x48xi32, #tpu.memory_space<vmem>> -> memref<1x2x48xi32, #tpu.memory_space<vmem>>
    %dma_start3A_73 = tpu.memref_squeeze %dma_start3A_72 : memref<1x2x48xi32, #tpu.memory_space<vmem>> -> memref<2x48xi32, #tpu.memory_space<vmem>>
    %dma_start3A_74 = arith.constant 0 : i32
    %dma_start3A_75 = arith.constant 0 : i32
    %dma_start3A_76 = tpu.memref_slice %arg2[%add3A_55, %dma_start3A_74, %dma_start3A_75] : memref<6688x2x48xi32, #tpu.memory_space<hbm>> -> memref<1x2x48xi32, #tpu.memory_space<hbm>>
    %dma_start3A_77 = tpu.memref_squeeze %dma_start3A_76 : memref<1x2x48xi32, #tpu.memory_space<hbm>> -> memref<2x48xi32, #tpu.memory_space<hbm>>
    tpu.enqueue_dma source(%dma_start3A_77 : memref<2x48xi32, #tpu.memory_space<hbm>>) target(%dma_start3A_73 : memref<2x48xi32, #tpu.memory_space<vmem>>) target_semaphore(%dma_start3A_69 : memref<!tpu.dma_semaphore, #tpu.memory_space<semaphore_mem>>)
    %add3A_78 = arith.constant 1 : i32
    %add3A_79 = arith.addi %select_n3A_8, %add3A_78 : i32
    %rem3A_80 = arith.constant 1 : i32
    %rem3A_81 = arith.constant 4 : i32
    %rem3A_82 = arith.remsi %rem3A_80, %rem3A_81 : i32
    %rem3A_83 = arith.constant 1 : i32
    %rem3A_84 = arith.constant 4 : i32
    %rem3A_85 = arith.remsi %rem3A_83, %rem3A_84 : i32
    %dma_start3A_86 = arith.constant 0 : i32
    %dma_start3A_87 = arith.constant 0 : i32
    %dma_start3A_88 = tpu.memref_slice %arg6[%rem3A_82, %dma_start3A_86, %dma_start3A_87] : memref<4x2x48xi32, #tpu.memory_space<vmem>> -> memref<1x2x48xi32, #tpu.memory_space<vmem>>
    %dma_start3A_89 = tpu.memref_squeeze %dma_start3A_88 : memref<1x2x48xi32, #tpu.memory_space<vmem>> -> memref<2x48xi32, #tpu.memory_space<vmem>>
    %dma_start3A_90 = arith.constant 0 : i32
    %dma_start3A_91 = arith.constant 0 : i32
    %dma_start3A_92 = tpu.memref_slice %arg2[%add3A_79, %dma_start3A_90, %dma_start3A_91] : memref<6688x2x48xi32, #tpu.memory_space<hbm>> -> memref<1x2x48xi32, #tpu.memory_space<hbm>>
    %dma_start3A_93 = tpu.memref_squeeze %dma_start3A_92 : memref<1x2x48xi32, #tpu.memory_space<hbm>> -> memref<2x48xi32, #tpu.memory_space<hbm>>
    %dma_start3A_94 = tpu.memref_slice %arg11[%rem3A_85] : memref<4x!tpu.dma_semaphore, #tpu.memory_space<semaphore_mem>> -> memref<1x!tpu.dma_semaphore, #tpu.memory_space<semaphore_mem>>
    %dma_start3A_95 = tpu.memref_squeeze %dma_start3A_94 : memref<1x!tpu.dma_semaphore, #tpu.memory_space<semaphore_mem>> -> memref<!tpu.dma_semaphore, #tpu.memory_space<semaphore_mem>>
    %dma_start3A_96 = arith.constant 0 : i32
    %dma_start3A_97 = arith.constant 0 : i32
    %dma_start3A_98 = tpu.memref_slice %arg6[%rem3A_82, %dma_start3A_96, %dma_start3A_97] : memref<4x2x48xi32, #tpu.memory_space<vmem>> -> memref<1x2x48xi32, #tpu.memory_space<vmem>>
    %dma_start3A_99 = tpu.memref_squeeze %dma_start3A_98 : memref<1x2x48xi32, #tpu.memory_space<vmem>> -> memref<2x48xi32, #tpu.memory_space<vmem>>
    %dma_start3A_100 = arith.constant 0 : i32
    %dma_start3A_101 = arith.constant 0 : i32
    %dma_start3A_102 = tpu.memref_slice %arg2[%add3A_79, %dma_start3A_100, %dma_start3A_101] : memref<6688x2x48xi32, #tpu.memory_space<hbm>> -> memref<1x2x48xi32, #tpu.memory_space<hbm>>
    %dma_start3A_103 = tpu.memref_squeeze %dma_start3A_102 : memref<1x2x48xi32, #tpu.memory_space<hbm>> -> memref<2x48xi32, #tpu.memory_space<hbm>>
    tpu.enqueue_dma source(%dma_start3A_103 : memref<2x48xi32, #tpu.memory_space<hbm>>) target(%dma_start3A_99 : memref<2x48xi32, #tpu.memory_space<vmem>>) target_semaphore(%dma_start3A_95 : memref<!tpu.dma_semaphore, #tpu.memory_space<semaphore_mem>>)
    %add3A_104 = arith.constant 0 : i32
    %add3A_105 = arith.addi %select_n3A_8, %add3A_104 : i32
    %rem3A_106 = arith.constant 0 : i32
    %rem3A_107 = arith.constant 4 : i32
    %rem3A_108 = arith.remsi %rem3A_106, %rem3A_107 : i32
    %rem3A_109 = arith.constant 0 : i32
    %rem3A_110 = arith.constant 4 : i32
    %rem3A_111 = arith.remsi %rem3A_109, %rem3A_110 : i32
    %dma_wait3A = arith.constant 0 : i32
    %dma_wait3A_112 = arith.constant 0 : i32
    %dma_wait3A_113 = tpu.memref_slice %arg6[%rem3A_108, %dma_wait3A, %dma_wait3A_112] : memref<4x2x48xi32, #tpu.memory_space<vmem>> -> memref<1x2x48xi32, #tpu.memory_space<vmem>>
    %dma_wait3A_114 = tpu.memref_squeeze %dma_wait3A_113 : memref<1x2x48xi32, #tpu.memory_space<vmem>> -> memref<2x48xi32, #tpu.memory_space<vmem>>
    %dma_wait3A_115 = arith.constant 0 : i32
    %dma_wait3A_116 = arith.constant 0 : i32
    %dma_wait3A_117 = tpu.memref_slice %arg2[%add3A_105, %dma_wait3A_115, %dma_wait3A_116] : memref<6688x2x48xi32, #tpu.memory_space<hbm>> -> memref<1x2x48xi32, #tpu.memory_space<hbm>>
    %dma_wait3A_118 = tpu.memref_squeeze %dma_wait3A_117 : memref<1x2x48xi32, #tpu.memory_space<hbm>> -> memref<2x48xi32, #tpu.memory_space<hbm>>
    %dma_wait3A_119 = tpu.memref_slice %arg11[%rem3A_111] : memref<4x!tpu.dma_semaphore, #tpu.memory_space<semaphore_mem>> -> memref<1x!tpu.dma_semaphore, #tpu.memory_space<semaphore_mem>>
    %dma_wait3A_120 = tpu.memref_squeeze %dma_wait3A_119 : memref<1x!tpu.dma_semaphore, #tpu.memory_space<semaphore_mem>> -> memref<!tpu.dma_semaphore, #tpu.memory_space<semaphore_mem>>
    %dma_wait3A_121 = arith.constant 0 : i32
    %dma_wait3A_122 = arith.constant 0 : i32
    %dma_wait3A_123 = tpu.memref_slice %arg6[%rem3A_108, %dma_wait3A_121, %dma_wait3A_122] : memref<4x2x48xi32, #tpu.memory_space<vmem>> -> memref<1x2x48xi32, #tpu.memory_space<vmem>>
    %dma_wait3A_124 = tpu.memref_squeeze %dma_wait3A_123 : memref<1x2x48xi32, #tpu.memory_space<vmem>> -> memref<2x48xi32, #tpu.memory_space<vmem>>
    %dma_wait3A_125 = arith.constant 0 : i32
    %dma_wait3A_126 = arith.constant 0 : i32
    %dma_wait3A_127 = tpu.memref_slice %arg2[%add3A_105, %dma_wait3A_125, %dma_wait3A_126] : memref<6688x2x48xi32, #tpu.memory_space<hbm>> -> memref<1x2x48xi32, #tpu.memory_space<hbm>>
    %dma_wait3A_128 = tpu.memref_squeeze %dma_wait3A_127 : memref<1x2x48xi32, #tpu.memory_space<hbm>> -> memref<2x48xi32, #tpu.memory_space<hbm>>
    tpu.wait_dma2 semaphore(%dma_wait3A_120 : memref<!tpu.dma_semaphore, #tpu.memory_space<semaphore_mem>>) src(%dma_wait3A_128 : memref<2x48xi32, #tpu.memory_space<hbm>>) dst(%dma_wait3A_124 : memref<2x48xi32, #tpu.memory_space<vmem>>)
    %rem3A_129 = arith.constant 0 : i32
    %rem3A_130 = arith.constant 4 : i32
    %rem3A_131 = arith.remsi %rem3A_129, %rem3A_130 : i32
    %rem3A_132 = arith.constant 0 : i32
    %rem3A_133 = arith.constant 2 : i32
    %rem3A_134 = arith.remsi %rem3A_132, %rem3A_133 : i32
    %rem3A_135 = arith.constant 0 : i32
    %rem3A_136 = arith.constant 2 : i32
    %rem3A_137 = arith.remsi %rem3A_135, %rem3A_136 : i32
    %dma_start3A_138 = arith.constant 0 : i32
    %dma_start3A_139 = arith.constant 0 : i32
    %dma_start3A_140 = arith.constant 0 : i32
    %dma_start3A_141 = tpu.memref_slice %arg7[%rem3A_134, %dma_start3A_139, %dma_start3A_140] : memref<2x48x256xf32, #tpu.memory_space<vmem>> -> memref<1x48x256xf32, #tpu.memory_space<vmem>>
    %dma_start3A_142 = tpu.memref_squeeze %dma_start3A_141 : memref<1x48x256xf32, #tpu.memory_space<vmem>> -> memref<48x256xf32, #tpu.memory_space<vmem>>
    %dma_start3A_143 = arith.constant 0 : i32
    %dma_start3A_144 = tpu.memref_slice %arg6[%rem3A_131, %dma_start3A_138, %dma_start3A_143] : memref<4x2x48xi32, #tpu.memory_space<vmem>> -> memref<1x1x48xi32, #tpu.memory_space<vmem>>
    %dma_start3A_145 = tpu.memref_squeeze %dma_start3A_144 : memref<1x1x48xi32, #tpu.memory_space<vmem>> -> memref<48xi32, #tpu.memory_space<vmem>>
    %dma_start3A_146 = arith.constant 0 : i32
    %dma_start3A_147 = arith.constant 0 : i32
    %dma_start3A_148 = tpu.memref_slice %arg3[%dma_start3A_146, %dma_start3A_147] : memref<10240x256xf32, #tpu.memory_space<hbm>> -> memref<10240x256xf32, #tpu.memory_space<hbm>>
    %dma_start3A_149 = tpu.memref_slice %arg12[%rem3A_137] : memref<2x!tpu.dma_semaphore, #tpu.memory_space<semaphore_mem>> -> memref<1x!tpu.dma_semaphore, #tpu.memory_space<semaphore_mem>>
    %dma_start3A_150 = tpu.memref_squeeze %dma_start3A_149 : memref<1x!tpu.dma_semaphore, #tpu.memory_space<semaphore_mem>> -> memref<!tpu.dma_semaphore, #tpu.memory_space<semaphore_mem>>
    tpu.enqueue_indirect_dma source(%dma_start3A_148 : memref<10240x256xf32, #tpu.memory_space<hbm>>) target(%dma_start3A_142 : memref<48x256xf32, #tpu.memory_space<vmem>>) offsets(%dma_start3A_145 : memref<48xi32, #tpu.memory_space<vmem>>) semaphore(%dma_start3A_150 : memref<!tpu.dma_semaphore, #tpu.memory_space<semaphore_mem>>)
    %rem3A_151 = arith.constant 0 : i32
    %rem3A_152 = arith.constant 4 : i32
    %rem3A_153 = arith.remsi %rem3A_151, %rem3A_152 : i32
    %rem3A_154 = arith.constant 0 : i32
    %rem3A_155 = arith.constant 2 : i32
    %rem3A_156 = arith.remsi %rem3A_154, %rem3A_155 : i32
    %rem3A_157 = arith.constant 0 : i32
    %rem3A_158 = arith.constant 2 : i32
    %rem3A_159 = arith.remsi %rem3A_157, %rem3A_158 : i32
    %dma_start3A_160 = arith.constant 1 : i32
    %dma_start3A_161 = arith.constant 0 : i32
    %dma_start3A_162 = arith.constant 0 : i32
    %dma_start3A_163 = tpu.memref_slice %arg8[%rem3A_156, %dma_start3A_161, %dma_start3A_162] : memref<2x48x128xf32, #tpu.memory_space<vmem>> -> memref<1x48x128xf32, #tpu.memory_space<vmem>>
    %dma_start3A_164 = tpu.memref_squeeze %dma_start3A_163 : memref<1x48x128xf32, #tpu.memory_space<vmem>> -> memref<48x128xf32, #tpu.memory_space<vmem>>
    %dma_start3A_165 = arith.constant 0 : i32
    %dma_start3A_166 = tpu.memref_slice %arg6[%rem3A_153, %dma_start3A_160, %dma_start3A_165] : memref<4x2x48xi32, #tpu.memory_space<vmem>> -> memref<1x1x48xi32, #tpu.memory_space<vmem>>
    %dma_start3A_167 = tpu.memref_squeeze %dma_start3A_166 : memref<1x1x48xi32, #tpu.memory_space<vmem>> -> memref<48xi32, #tpu.memory_space<vmem>>
    %dma_start3A_168 = arith.constant 0 : i32
    %dma_start3A_169 = arith.constant 0 : i32
    %dma_start3A_170 = tpu.memref_slice %arg4[%dma_start3A_168, %dma_start3A_169] : memref<10240x128xf32, #tpu.memory_space<hbm>> -> memref<10240x128xf32, #tpu.memory_space<hbm>>
    %dma_start3A_171 = tpu.memref_slice %arg13[%rem3A_159] : memref<2x!tpu.dma_semaphore, #tpu.memory_space<semaphore_mem>> -> memref<1x!tpu.dma_semaphore, #tpu.memory_space<semaphore_mem>>
    %dma_start3A_172 = tpu.memref_squeeze %dma_start3A_171 : memref<1x!tpu.dma_semaphore, #tpu.memory_space<semaphore_mem>> -> memref<!tpu.dma_semaphore, #tpu.memory_space<semaphore_mem>>
    tpu.enqueue_indirect_dma source(%dma_start3A_170 : memref<10240x128xf32, #tpu.memory_space<hbm>>) target(%dma_start3A_164 : memref<48x128xf32, #tpu.memory_space<vmem>>) offsets(%dma_start3A_167 : memref<48xi32, #tpu.memory_space<vmem>>) semaphore(%dma_start3A_172 : memref<!tpu.dma_semaphore, #tpu.memory_space<semaphore_mem>>)
    %while3A = arith.constant 0 : i32
    %while3A_173 = arith.constant 0 : i32
    %while3A_174 = arith.subi %select_n3A, %while3A_173 : i32
    %while3A_175 = arith.addi %while3A_173, %while3A_174 : i32
    %while3A_176 = arith.constant 1 : i32
    %while3A_177 = arith.divsi %while3A_174, %while3A_176 : i32
    %while3A_178 = arith.muli %while3A_177, %while3A_176 : i32
    %while3A_179 = arith.addi %while3A_173, %while3A_178 : i32
    %while3A_180 = arith.constant 1 : i32
    scf.for %while3A_227 = %while3A_173 to %while3A_179 step %while3A_180  : i32 {
      %rem3A_228 = arith.constant 2 : i32
      %rem3A_229 = arith.remsi %while3A_227, %rem3A_228 : i32
      %ge3A = arith.constant 2 : i32
      %ge3A_230 = arith.cmpi sge, %while3A_227, %ge3A : i32
      %convert_element_type3A = arith.extui %ge3A_230 : i1 to i32
      %cond3A = arith.constant 0 : i32
      %cond3A_231 = arith.cmpi ne, %convert_element_type3A, %cond3A : i32
      scf.if %cond3A_231 {
        %sub3A_303 = arith.constant 2 : i32
        %sub3A_304 = arith.subi %while3A_227, %sub3A_303 : i32
        %rem3A_305 = arith.constant 2 : i32
        %rem3A_306 = arith.remsi %sub3A_304, %rem3A_305 : i32
        %rem3A_307 = arith.constant 4 : i32
        %rem3A_308 = arith.remsi %sub3A_304, %rem3A_307 : i32
        %rem3A_309 = arith.constant 2 : i32
        %rem3A_310 = arith.remsi %sub3A_304, %rem3A_309 : i32
        %dma_wait3A_311 = arith.constant 1 : i32
        %dma_wait3A_312 = arith.constant 0 : i32
        %dma_wait3A_313 = arith.constant 0 : i32
        %dma_wait3A_314 = tpu.memref_slice %arg9[%rem3A_306, %dma_wait3A_312, %dma_wait3A_313] : memref<2x48x128xf32, #tpu.memory_space<vmem>> -> memref<1x48x128xf32, #tpu.memory_space<vmem>>
        %dma_wait3A_315 = tpu.memref_squeeze %dma_wait3A_314 : memref<1x48x128xf32, #tpu.memory_space<vmem>> -> memref<48x128xf32, #tpu.memory_space<vmem>>
        %dma_wait3A_316 = arith.constant 0 : i32
        %dma_wait3A_317 = tpu.memref_slice %arg6[%rem3A_308, %dma_wait3A_311, %dma_wait3A_316] : memref<4x2x48xi32, #tpu.memory_space<vmem>> -> memref<1x1x48xi32, #tpu.memory_space<vmem>>
        %dma_wait3A_318 = tpu.memref_squeeze %dma_wait3A_317 : memref<1x1x48xi32, #tpu.memory_space<vmem>> -> memref<48xi32, #tpu.memory_space<vmem>>
        %dma_wait3A_319 = arith.constant 0 : i32
        %dma_wait3A_320 = arith.constant 0 : i32
        %dma_wait3A_321 = tpu.memref_slice %arg10[%dma_wait3A_319, %dma_wait3A_320] : memref<10112x128xf32, #tpu.memory_space<vmem_shared>> -> memref<10112x128xf32, #tpu.memory_space<vmem_shared>>
        %dma_wait3A_322 = tpu.memref_slice %arg14[%rem3A_310] : memref<2x!tpu.dma_semaphore, #tpu.memory_space<semaphore_mem>> -> memref<1x!tpu.dma_semaphore, #tpu.memory_space<semaphore_mem>>
        %dma_wait3A_323 = tpu.memref_squeeze %dma_wait3A_322 : memref<1x!tpu.dma_semaphore, #tpu.memory_space<semaphore_mem>> -> memref<!tpu.dma_semaphore, #tpu.memory_space<semaphore_mem>>
        tpu.wait_indirect_dma semaphore(%dma_wait3A_323 : memref<!tpu.dma_semaphore, #tpu.memory_space<semaphore_mem>>) src(%dma_wait3A_315 : memref<48x128xf32, #tpu.memory_space<vmem>>) dst(%dma_wait3A_321 : memref<10112x128xf32, #tpu.memory_space<vmem_shared>>)
      } else {
      }
      %add3A_232 = arith.constant 2 : i32
      %add3A_233 = arith.addi %while3A_227, %add3A_232 : i32
      %lt3A = arith.cmpi slt, %add3A_233, %select_n3A : i32
      %convert_element_type3A_234 = arith.extui %lt3A : i1 to i32
      %cond3A_235 = arith.constant 0 : i32
      %cond3A_236 = arith.cmpi ne, %convert_element_type3A_234, %cond3A_235 : i32
      scf.if %cond3A_236 {
        %add3A_303 = arith.constant 2 : i32
        %add3A_304 = arith.addi %while3A_227, %add3A_303 : i32
        %add3A_305 = arith.addi %select_n3A_8, %add3A_304 : i32
        %rem3A_306 = arith.constant 4 : i32
        %rem3A_307 = arith.remsi %add3A_304, %rem3A_306 : i32
        %rem3A_308 = arith.constant 4 : i32
        %rem3A_309 = arith.remsi %add3A_304, %rem3A_308 : i32
        %dma_start3A_310 = arith.constant 0 : i32
        %dma_start3A_311 = arith.constant 0 : i32
        %dma_start3A_312 = tpu.memref_slice %arg6[%rem3A_307, %dma_start3A_310, %dma_start3A_311] : memref<4x2x48xi32, #tpu.memory_space<vmem>> -> memref<1x2x48xi32, #tpu.memory_space<vmem>>
        %dma_start3A_313 = tpu.memref_squeeze %dma_start3A_312 : memref<1x2x48xi32, #tpu.memory_space<vmem>> -> memref<2x48xi32, #tpu.memory_space<vmem>>
        %dma_start3A_314 = arith.constant 0 : i32
        %dma_start3A_315 = arith.constant 0 : i32
        %dma_start3A_316 = tpu.memref_slice %arg2[%add3A_305, %dma_start3A_314, %dma_start3A_315] : memref<6688x2x48xi32, #tpu.memory_space<hbm>> -> memref<1x2x48xi32, #tpu.memory_space<hbm>>
        %dma_start3A_317 = tpu.memref_squeeze %dma_start3A_316 : memref<1x2x48xi32, #tpu.memory_space<hbm>> -> memref<2x48xi32, #tpu.memory_space<hbm>>
        %dma_start3A_318 = tpu.memref_slice %arg11[%rem3A_309] : memref<4x!tpu.dma_semaphore, #tpu.memory_space<semaphore_mem>> -> memref<1x!tpu.dma_semaphore, #tpu.memory_space<semaphore_mem>>
        %dma_start3A_319 = tpu.memref_squeeze %dma_start3A_318 : memref<1x!tpu.dma_semaphore, #tpu.memory_space<semaphore_mem>> -> memref<!tpu.dma_semaphore, #tpu.memory_space<semaphore_mem>>
        %dma_start3A_320 = arith.constant 0 : i32
        %dma_start3A_321 = arith.constant 0 : i32
        %dma_start3A_322 = tpu.memref_slice %arg6[%rem3A_307, %dma_start3A_320, %dma_start3A_321] : memref<4x2x48xi32, #tpu.memory_space<vmem>> -> memref<1x2x48xi32, #tpu.memory_space<vmem>>
        %dma_start3A_323 = tpu.memref_squeeze %dma_start3A_322 : memref<1x2x48xi32, #tpu.memory_space<vmem>> -> memref<2x48xi32, #tpu.memory_space<vmem>>
        %dma_start3A_324 = arith.constant 0 : i32
        %dma_start3A_325 = arith.constant 0 : i32
        %dma_start3A_326 = tpu.memref_slice %arg2[%add3A_305, %dma_start3A_324, %dma_start3A_325] : memref<6688x2x48xi32, #tpu.memory_space<hbm>> -> memref<1x2x48xi32, #tpu.memory_space<hbm>>
        %dma_start3A_327 = tpu.memref_squeeze %dma_start3A_326 : memref<1x2x48xi32, #tpu.memory_space<hbm>> -> memref<2x48xi32, #tpu.memory_space<hbm>>
        tpu.enqueue_dma source(%dma_start3A_327 : memref<2x48xi32, #tpu.memory_space<hbm>>) target(%dma_start3A_323 : memref<2x48xi32, #tpu.memory_space<vmem>>) target_semaphore(%dma_start3A_319 : memref<!tpu.dma_semaphore, #tpu.memory_space<semaphore_mem>>)
      } else {
      }
      %add3A_237 = arith.constant 1 : i32
      %add3A_238 = arith.addi %while3A_227, %add3A_237 : i32
      %lt3A_239 = arith.cmpi slt, %add3A_238, %select_n3A : i32
      %convert_element_type3A_240 = arith.extui %lt3A_239 : i1 to i32
      %cond3A_241 = arith.constant 0 : i32
      %cond3A_242 = arith.cmpi ne, %convert_element_type3A_240, %cond3A_241 : i32
      scf.if %cond3A_242 {
        %add3A_303 = arith.constant 1 : i32
        %add3A_304 = arith.addi %while3A_227, %add3A_303 : i32
        %add3A_305 = arith.addi %select_n3A_8, %add3A_304 : i32
        %rem3A_306 = arith.constant 4 : i32
        %rem3A_307 = arith.remsi %add3A_304, %rem3A_306 : i32
        %rem3A_308 = arith.constant 4 : i32
        %rem3A_309 = arith.remsi %add3A_304, %rem3A_308 : i32
        %dma_wait3A_310 = arith.constant 0 : i32
        %dma_wait3A_311 = arith.constant 0 : i32
        %dma_wait3A_312 = tpu.memref_slice %arg6[%rem3A_307, %dma_wait3A_310, %dma_wait3A_311] : memref<4x2x48xi32, #tpu.memory_space<vmem>> -> memref<1x2x48xi32, #tpu.memory_space<vmem>>
        %dma_wait3A_313 = tpu.memref_squeeze %dma_wait3A_312 : memref<1x2x48xi32, #tpu.memory_space<vmem>> -> memref<2x48xi32, #tpu.memory_space<vmem>>
        %dma_wait3A_314 = arith.constant 0 : i32
        %dma_wait3A_315 = arith.constant 0 : i32
        %dma_wait3A_316 = tpu.memref_slice %arg2[%add3A_305, %dma_wait3A_314, %dma_wait3A_315] : memref<6688x2x48xi32, #tpu.memory_space<hbm>> -> memref<1x2x48xi32, #tpu.memory_space<hbm>>
        %dma_wait3A_317 = tpu.memref_squeeze %dma_wait3A_316 : memref<1x2x48xi32, #tpu.memory_space<hbm>> -> memref<2x48xi32, #tpu.memory_space<hbm>>
        %dma_wait3A_318 = tpu.memref_slice %arg11[%rem3A_309] : memref<4x!tpu.dma_semaphore, #tpu.memory_space<semaphore_mem>> -> memref<1x!tpu.dma_semaphore, #tpu.memory_space<semaphore_mem>>
        %dma_wait3A_319 = tpu.memref_squeeze %dma_wait3A_318 : memref<1x!tpu.dma_semaphore, #tpu.memory_space<semaphore_mem>> -> memref<!tpu.dma_semaphore, #tpu.memory_space<semaphore_mem>>
        %dma_wait3A_320 = arith.constant 0 : i32
        %dma_wait3A_321 = arith.constant 0 : i32
        %dma_wait3A_322 = tpu.memref_slice %arg6[%rem3A_307, %dma_wait3A_320, %dma_wait3A_321] : memref<4x2x48xi32, #tpu.memory_space<vmem>> -> memref<1x2x48xi32, #tpu.memory_space<vmem>>
        %dma_wait3A_323 = tpu.memref_squeeze %dma_wait3A_322 : memref<1x2x48xi32, #tpu.memory_space<vmem>> -> memref<2x48xi32, #tpu.memory_space<vmem>>
        %dma_wait3A_324 = arith.constant 0 : i32
        %dma_wait3A_325 = arith.constant 0 : i32
        %dma_wait3A_326 = tpu.memref_slice %arg2[%add3A_305, %dma_wait3A_324, %dma_wait3A_325] : memref<6688x2x48xi32, #tpu.memory_space<hbm>> -> memref<1x2x48xi32, #tpu.memory_space<hbm>>
        %dma_wait3A_327 = tpu.memref_squeeze %dma_wait3A_326 : memref<1x2x48xi32, #tpu.memory_space<hbm>> -> memref<2x48xi32, #tpu.memory_space<hbm>>
        tpu.wait_dma2 semaphore(%dma_wait3A_319 : memref<!tpu.dma_semaphore, #tpu.memory_space<semaphore_mem>>) src(%dma_wait3A_327 : memref<2x48xi32, #tpu.memory_space<hbm>>) dst(%dma_wait3A_323 : memref<2x48xi32, #tpu.memory_space<vmem>>)
        %add3A_328 = arith.constant 1 : i32
        %add3A_329 = arith.addi %while3A_227, %add3A_328 : i32
        %rem3A_330 = arith.constant 4 : i32
        %rem3A_331 = arith.remsi %add3A_329, %rem3A_330 : i32
        %rem3A_332 = arith.constant 2 : i32
        %rem3A_333 = arith.remsi %add3A_329, %rem3A_332 : i32
        %rem3A_334 = arith.constant 2 : i32
        %rem3A_335 = arith.remsi %add3A_329, %rem3A_334 : i32
        %dma_start3A_336 = arith.constant 0 : i32
        %dma_start3A_337 = arith.constant 0 : i32
        %dma_start3A_338 = arith.constant 0 : i32
        %dma_start3A_339 = tpu.memref_slice %arg7[%rem3A_333, %dma_start3A_337, %dma_start3A_338] : memref<2x48x256xf32, #tpu.memory_space<vmem>> -> memref<1x48x256xf32, #tpu.memory_space<vmem>>
        %dma_start3A_340 = tpu.memref_squeeze %dma_start3A_339 : memref<1x48x256xf32, #tpu.memory_space<vmem>> -> memref<48x256xf32, #tpu.memory_space<vmem>>
        %dma_start3A_341 = arith.constant 0 : i32
        %dma_start3A_342 = tpu.memref_slice %arg6[%rem3A_331, %dma_start3A_336, %dma_start3A_341] : memref<4x2x48xi32, #tpu.memory_space<vmem>> -> memref<1x1x48xi32, #tpu.memory_space<vmem>>
        %dma_start3A_343 = tpu.memref_squeeze %dma_start3A_342 : memref<1x1x48xi32, #tpu.memory_space<vmem>> -> memref<48xi32, #tpu.memory_space<vmem>>
        %dma_start3A_344 = arith.constant 0 : i32
        %dma_start3A_345 = arith.constant 0 : i32
        %dma_start3A_346 = tpu.memref_slice %arg3[%dma_start3A_344, %dma_start3A_345] : memref<10240x256xf32, #tpu.memory_space<hbm>> -> memref<10240x256xf32, #tpu.memory_space<hbm>>
        %dma_start3A_347 = tpu.memref_slice %arg12[%rem3A_335] : memref<2x!tpu.dma_semaphore, #tpu.memory_space<semaphore_mem>> -> memref<1x!tpu.dma_semaphore, #tpu.memory_space<semaphore_mem>>
        %dma_start3A_348 = tpu.memref_squeeze %dma_start3A_347 : memref<1x!tpu.dma_semaphore, #tpu.memory_space<semaphore_mem>> -> memref<!tpu.dma_semaphore, #tpu.memory_space<semaphore_mem>>
        tpu.enqueue_indirect_dma source(%dma_start3A_346 : memref<10240x256xf32, #tpu.memory_space<hbm>>) target(%dma_start3A_340 : memref<48x256xf32, #tpu.memory_space<vmem>>) offsets(%dma_start3A_343 : memref<48xi32, #tpu.memory_space<vmem>>) semaphore(%dma_start3A_348 : memref<!tpu.dma_semaphore, #tpu.memory_space<semaphore_mem>>)
        %rem3A_349 = arith.constant 4 : i32
        %rem3A_350 = arith.remsi %add3A_329, %rem3A_349 : i32
        %rem3A_351 = arith.constant 2 : i32
        %rem3A_352 = arith.remsi %add3A_329, %rem3A_351 : i32
        %rem3A_353 = arith.constant 2 : i32
        %rem3A_354 = arith.remsi %add3A_329, %rem3A_353 : i32
        %dma_start3A_355 = arith.constant 1 : i32
        %dma_start3A_356 = arith.constant 0 : i32
        %dma_start3A_357 = arith.constant 0 : i32
        %dma_start3A_358 = tpu.memref_slice %arg8[%rem3A_352, %dma_start3A_356, %dma_start3A_357] : memref<2x48x128xf32, #tpu.memory_space<vmem>> -> memref<1x48x128xf32, #tpu.memory_space<vmem>>
        %dma_start3A_359 = tpu.memref_squeeze %dma_start3A_358 : memref<1x48x128xf32, #tpu.memory_space<vmem>> -> memref<48x128xf32, #tpu.memory_space<vmem>>
        %dma_start3A_360 = arith.constant 0 : i32
        %dma_start3A_361 = tpu.memref_slice %arg6[%rem3A_350, %dma_start3A_355, %dma_start3A_360] : memref<4x2x48xi32, #tpu.memory_space<vmem>> -> memref<1x1x48xi32, #tpu.memory_space<vmem>>
        %dma_start3A_362 = tpu.memref_squeeze %dma_start3A_361 : memref<1x1x48xi32, #tpu.memory_space<vmem>> -> memref<48xi32, #tpu.memory_space<vmem>>
        %dma_start3A_363 = arith.constant 0 : i32
        %dma_start3A_364 = arith.constant 0 : i32
        %dma_start3A_365 = tpu.memref_slice %arg4[%dma_start3A_363, %dma_start3A_364] : memref<10240x128xf32, #tpu.memory_space<hbm>> -> memref<10240x128xf32, #tpu.memory_space<hbm>>
        %dma_start3A_366 = tpu.memref_slice %arg13[%rem3A_354] : memref<2x!tpu.dma_semaphore, #tpu.memory_space<semaphore_mem>> -> memref<1x!tpu.dma_semaphore, #tpu.memory_space<semaphore_mem>>
        %dma_start3A_367 = tpu.memref_squeeze %dma_start3A_366 : memref<1x!tpu.dma_semaphore, #tpu.memory_space<semaphore_mem>> -> memref<!tpu.dma_semaphore, #tpu.memory_space<semaphore_mem>>
        tpu.enqueue_indirect_dma source(%dma_start3A_365 : memref<10240x128xf32, #tpu.memory_space<hbm>>) target(%dma_start3A_359 : memref<48x128xf32, #tpu.memory_space<vmem>>) offsets(%dma_start3A_362 : memref<48xi32, #tpu.memory_space<vmem>>) semaphore(%dma_start3A_367 : memref<!tpu.dma_semaphore, #tpu.memory_space<semaphore_mem>>)
      } else {
      }
      %rem3A_243 = arith.constant 4 : i32
      %rem3A_244 = arith.remsi %while3A_227, %rem3A_243 : i32
      %rem3A_245 = arith.constant 2 : i32
      %rem3A_246 = arith.remsi %while3A_227, %rem3A_245 : i32
      %rem3A_247 = arith.constant 2 : i32
      %rem3A_248 = arith.remsi %while3A_227, %rem3A_247 : i32
      %dma_wait3A_249 = arith.constant 0 : i32
      %dma_wait3A_250 = arith.constant 0 : i32
      %dma_wait3A_251 = arith.constant 0 : i32
      %dma_wait3A_252 = tpu.memref_slice %arg7[%rem3A_246, %dma_wait3A_250, %dma_wait3A_251] : memref<2x48x256xf32, #tpu.memory_space<vmem>> -> memref<1x48x256xf32, #tpu.memory_space<vmem>>
      %dma_wait3A_253 = tpu.memref_squeeze %dma_wait3A_252 : memref<1x48x256xf32, #tpu.memory_space<vmem>> -> memref<48x256xf32, #tpu.memory_space<vmem>>
      %dma_wait3A_254 = arith.constant 0 : i32
      %dma_wait3A_255 = tpu.memref_slice %arg6[%rem3A_244, %dma_wait3A_249, %dma_wait3A_254] : memref<4x2x48xi32, #tpu.memory_space<vmem>> -> memref<1x1x48xi32, #tpu.memory_space<vmem>>
      %dma_wait3A_256 = tpu.memref_squeeze %dma_wait3A_255 : memref<1x1x48xi32, #tpu.memory_space<vmem>> -> memref<48xi32, #tpu.memory_space<vmem>>
      %dma_wait3A_257 = arith.constant 0 : i32
      %dma_wait3A_258 = arith.constant 0 : i32
      %dma_wait3A_259 = tpu.memref_slice %arg3[%dma_wait3A_257, %dma_wait3A_258] : memref<10240x256xf32, #tpu.memory_space<hbm>> -> memref<10240x256xf32, #tpu.memory_space<hbm>>
      %dma_wait3A_260 = tpu.memref_slice %arg12[%rem3A_248] : memref<2x!tpu.dma_semaphore, #tpu.memory_space<semaphore_mem>> -> memref<1x!tpu.dma_semaphore, #tpu.memory_space<semaphore_mem>>
      %dma_wait3A_261 = tpu.memref_squeeze %dma_wait3A_260 : memref<1x!tpu.dma_semaphore, #tpu.memory_space<semaphore_mem>> -> memref<!tpu.dma_semaphore, #tpu.memory_space<semaphore_mem>>
      tpu.wait_indirect_dma semaphore(%dma_wait3A_261 : memref<!tpu.dma_semaphore, #tpu.memory_space<semaphore_mem>>) src(%dma_wait3A_259 : memref<10240x256xf32, #tpu.memory_space<hbm>>) dst(%dma_wait3A_253 : memref<48x256xf32, #tpu.memory_space<vmem>>)
      %rem3A_262 = arith.constant 4 : i32
      %rem3A_263 = arith.remsi %while3A_227, %rem3A_262 : i32
      %rem3A_264 = arith.constant 2 : i32
      %rem3A_265 = arith.remsi %while3A_227, %rem3A_264 : i32
      %rem3A_266 = arith.constant 2 : i32
      %rem3A_267 = arith.remsi %while3A_227, %rem3A_266 : i32
      %dma_wait3A_268 = arith.constant 1 : i32
      %dma_wait3A_269 = arith.constant 0 : i32
      %dma_wait3A_270 = arith.constant 0 : i32
      %dma_wait3A_271 = tpu.memref_slice %arg8[%rem3A_265, %dma_wait3A_269, %dma_wait3A_270] : memref<2x48x128xf32, #tpu.memory_space<vmem>> -> memref<1x48x128xf32, #tpu.memory_space<vmem>>
      %dma_wait3A_272 = tpu.memref_squeeze %dma_wait3A_271 : memref<1x48x128xf32, #tpu.memory_space<vmem>> -> memref<48x128xf32, #tpu.memory_space<vmem>>
      %dma_wait3A_273 = arith.constant 0 : i32
      %dma_wait3A_274 = tpu.memref_slice %arg6[%rem3A_263, %dma_wait3A_268, %dma_wait3A_273] : memref<4x2x48xi32, #tpu.memory_space<vmem>> -> memref<1x1x48xi32, #tpu.memory_space<vmem>>
      %dma_wait3A_275 = tpu.memref_squeeze %dma_wait3A_274 : memref<1x1x48xi32, #tpu.memory_space<vmem>> -> memref<48xi32, #tpu.memory_space<vmem>>
      %dma_wait3A_276 = arith.constant 0 : i32
      %dma_wait3A_277 = arith.constant 0 : i32
      %dma_wait3A_278 = tpu.memref_slice %arg4[%dma_wait3A_276, %dma_wait3A_277] : memref<10240x128xf32, #tpu.memory_space<hbm>> -> memref<10240x128xf32, #tpu.memory_space<hbm>>
      %dma_wait3A_279 = tpu.memref_slice %arg13[%rem3A_267] : memref<2x!tpu.dma_semaphore, #tpu.memory_space<semaphore_mem>> -> memref<1x!tpu.dma_semaphore, #tpu.memory_space<semaphore_mem>>
      %dma_wait3A_280 = tpu.memref_squeeze %dma_wait3A_279 : memref<1x!tpu.dma_semaphore, #tpu.memory_space<semaphore_mem>> -> memref<!tpu.dma_semaphore, #tpu.memory_space<semaphore_mem>>
      tpu.wait_indirect_dma semaphore(%dma_wait3A_280 : memref<!tpu.dma_semaphore, #tpu.memory_space<semaphore_mem>>) src(%dma_wait3A_278 : memref<10240x128xf32, #tpu.memory_space<hbm>>) dst(%dma_wait3A_272 : memref<48x128xf32, #tpu.memory_space<vmem>>)
      %parallel_loop3A_281 = arith.constant 0 : i32
      %parallel_loop3A_282 = arith.constant 48 : i32
      %parallel_loop3A_283 = arith.constant 1 : i32
      scf.for %parallel_loop3A_303 = %parallel_loop3A_281 to %parallel_loop3A_282 step %parallel_loop3A_283  : i32 {
        %parallel_loop3A_304 = arith.index_cast %rem3A_229 : i32 to index
        %parallel_loop3A_305 = arith.index_cast %parallel_loop3A_303 : i32 to index
        %parallel_loop3A_306 = arith.constant 0 : index
        %parallel_loop3A_307 = tpu.vector_load %arg8[%parallel_loop3A_304, %parallel_loop3A_305, %parallel_loop3A_306] {strides = array<i32>} : memref<2x48x128xf32, #tpu.memory_space<vmem>>, vector<1x1x16xf32>,
        %parallel_loop3A_308 = vector.shape_cast %parallel_loop3A_307 : vector<1x1x16xf32> to vector<16xf32>
        %parallel_loop3A_309 = arith.index_cast %rem3A_229 : i32 to index
        %parallel_loop3A_310 = arith.index_cast %parallel_loop3A_303 : i32 to index
        %parallel_loop3A_311 = arith.constant 0 : index
        %parallel_loop3A_312 = tpu.vector_load %arg7[%parallel_loop3A_309, %parallel_loop3A_310, %parallel_loop3A_311] {strides = array<i32>} : memref<2x48x256xf32, #tpu.memory_space<vmem>>, vector<1x1x16xf32>,
        %parallel_loop3A_313 = vector.shape_cast %parallel_loop3A_312 : vector<1x1x16xf32> to vector<16xf32>
        %parallel_loop3A_314 = arith.index_cast %rem3A_229 : i32 to index
        %parallel_loop3A_315 = arith.index_cast %parallel_loop3A_303 : i32 to index
        %parallel_loop3A_316 = arith.constant 128 : index
        %parallel_loop3A_317 = tpu.vector_load %arg7[%parallel_loop3A_314, %parallel_loop3A_315, %parallel_loop3A_316] {strides = array<i32>} : memref<2x48x256xf32, #tpu.memory_space<vmem>>, vector<1x1x16xf32>,
        %parallel_loop3A_318 = vector.shape_cast %parallel_loop3A_317 : vector<1x1x16xf32> to vector<16xf32>
        %parallel_loop3A_319 = arith.addf %parallel_loop3A_313, %parallel_loop3A_308 : vector<16xf32>
        %parallel_loop3A_320 = arith.constant 0.000000e+00 : f32
        %parallel_loop3A_321 = vector.broadcast %parallel_loop3A_320 : f32 to vector<16xf32>
        %parallel_loop3A_322 = arith.subf %parallel_loop3A_321, %parallel_loop3A_319 : vector<16xf32>
        %parallel_loop3A_323 = math.exp %parallel_loop3A_322 : vector<16xf32>
        %parallel_loop3A_324 = arith.constant 1.000000e+00 : f32
        %parallel_loop3A_325 = vector.broadcast %parallel_loop3A_324 : f32 to vector<16xf32>
        %parallel_loop3A_326 = arith.addf %parallel_loop3A_325, %parallel_loop3A_323 : vector<16xf32>
        %parallel_loop3A_327 = arith.constant 1.000000e+00 : f32
        %parallel_loop3A_328 = vector.broadcast %parallel_loop3A_327 : f32 to vector<16xf32>
        %parallel_loop3A_329 = arith.divf %parallel_loop3A_328, %parallel_loop3A_326 : vector<16xf32>
        %parallel_loop3A_330 = arith.mulf %parallel_loop3A_329, %parallel_loop3A_318 : vector<16xf32>
        %parallel_loop3A_331 = arith.index_cast %rem3A_229 : i32 to index
        %parallel_loop3A_332 = arith.index_cast %parallel_loop3A_303 : i32 to index
        %parallel_loop3A_333 = arith.constant 0 : index
        %parallel_loop3A_334 = tpu.vector_load %arg9[%parallel_loop3A_331, %parallel_loop3A_332, %parallel_loop3A_333] {strides = array<i32>} : memref<2x48x128xf32, #tpu.memory_space<vmem>>, vector<1x1x16xf32>,
        %parallel_loop3A_335 = vector.shape_cast %parallel_loop3A_334 : vector<1x1x16xf32> to vector<16xf32>
        %parallel_loop3A_336 = vector.shape_cast %parallel_loop3A_330 : vector<16xf32> to vector<1x1x16xf32>
        tpu.vector_store %arg9[%parallel_loop3A_331, %parallel_loop3A_332, %parallel_loop3A_333], %parallel_loop3A_336 {strides = array<i32>} : memref<2x48x128xf32, #tpu.memory_space<vmem>>, vector<1x1x16xf32>,
        %parallel_loop3A_337 = arith.index_cast %rem3A_229 : i32 to index
        %parallel_loop3A_338 = arith.index_cast %parallel_loop3A_303 : i32 to index
        %parallel_loop3A_339 = arith.constant 16 : index
        %parallel_loop3A_340 = tpu.vector_load %arg8[%parallel_loop3A_337, %parallel_loop3A_338, %parallel_loop3A_339] {strides = array<i32>} : memref<2x48x128xf32, #tpu.memory_space<vmem>>, vector<1x1x16xf32>,
        %parallel_loop3A_341 = vector.shape_cast %parallel_loop3A_340 : vector<1x1x16xf32> to vector<16xf32>
        %parallel_loop3A_342 = arith.index_cast %rem3A_229 : i32 to index
        %parallel_loop3A_343 = arith.index_cast %parallel_loop3A_303 : i32 to index
        %parallel_loop3A_344 = arith.constant 16 : index
        %parallel_loop3A_345 = tpu.vector_load %arg7[%parallel_loop3A_342, %parallel_loop3A_343, %parallel_loop3A_344] {strides = array<i32>} : memref<2x48x256xf32, #tpu.memory_space<vmem>>, vector<1x1x16xf32>,
        %parallel_loop3A_346 = vector.shape_cast %parallel_loop3A_345 : vector<1x1x16xf32> to vector<16xf32>
        %parallel_loop3A_347 = arith.index_cast %rem3A_229 : i32 to index
        %parallel_loop3A_348 = arith.index_cast %parallel_loop3A_303 : i32 to index
        %parallel_loop3A_349 = arith.constant 144 : index
        %parallel_loop3A_350 = tpu.vector_load %arg7[%parallel_loop3A_347, %parallel_loop3A_348, %parallel_loop3A_349] {strides = array<i32>} : memref<2x48x256xf32, #tpu.memory_space<vmem>>, vector<1x1x16xf32>,
        %parallel_loop3A_351 = vector.shape_cast %parallel_loop3A_350 : vector<1x1x16xf32> to vector<16xf32>
        %parallel_loop3A_352 = arith.addf %parallel_loop3A_346, %parallel_loop3A_341 : vector<16xf32>
        %parallel_loop3A_353 = arith.constant 0.000000e+00 : f32
        %parallel_loop3A_354 = vector.broadcast %parallel_loop3A_353 : f32 to vector<16xf32>
        %parallel_loop3A_355 = arith.subf %parallel_loop3A_354, %parallel_loop3A_352 : vector<16xf32>
        %parallel_loop3A_356 = math.exp %parallel_loop3A_355 : vector<16xf32>
        %parallel_loop3A_357 = arith.constant 1.000000e+00 : f32
        %parallel_loop3A_358 = vector.broadcast %parallel_loop3A_357 : f32 to vector<16xf32>
        %parallel_loop3A_359 = arith.addf %parallel_loop3A_358, %parallel_loop3A_356 : vector<16xf32>
        %parallel_loop3A_360 = arith.constant 1.000000e+00 : f32
        %parallel_loop3A_361 = vector.broadcast %parallel_loop3A_360 : f32 to vector<16xf32>
        %parallel_loop3A_362 = arith.divf %parallel_loop3A_361, %parallel_loop3A_359 : vector<16xf32>
        %parallel_loop3A_363 = arith.mulf %parallel_loop3A_362, %parallel_loop3A_351 : vector<16xf32>
        %parallel_loop3A_364 = arith.index_cast %rem3A_229 : i32 to index
        %parallel_loop3A_365 = arith.index_cast %parallel_loop3A_303 : i32 to index
        %parallel_loop3A_366 = arith.constant 16 : index
        %parallel_loop3A_367 = tpu.vector_load %arg9[%parallel_loop3A_364, %parallel_loop3A_365, %parallel_loop3A_366] {strides = array<i32>} : memref<2x48x128xf32, #tpu.memory_space<vmem>>, vector<1x1x16xf32>,
        %parallel_loop3A_368 = vector.shape_cast %parallel_loop3A_367 : vector<1x1x16xf32> to vector<16xf32>
        %parallel_loop3A_369 = vector.shape_cast %parallel_loop3A_363 : vector<16xf32> to vector<1x1x16xf32>
        tpu.vector_store %arg9[%parallel_loop3A_364, %parallel_loop3A_365, %parallel_loop3A_366], %parallel_loop3A_369 {strides = array<i32>} : memref<2x48x128xf32, #tpu.memory_space<vmem>>, vector<1x1x16xf32>,
        %parallel_loop3A_370 = arith.index_cast %rem3A_229 : i32 to index
        %parallel_loop3A_371 = arith.index_cast %parallel_loop3A_303 : i32 to index
        %parallel_loop3A_372 = arith.constant 32 : index
        %parallel_loop3A_373 = tpu.vector_load %arg8[%parallel_loop3A_370, %parallel_loop3A_371, %parallel_loop3A_372] {strides = array<i32>} : memref<2x48x128xf32, #tpu.memory_space<vmem>>, vector<1x1x16xf32>,
        %parallel_loop3A_374 = vector.shape_cast %parallel_loop3A_373 : vector<1x1x16xf32> to vector<16xf32>
        %parallel_loop3A_375 = arith.index_cast %rem3A_229 : i32 to index
        %parallel_loop3A_376 = arith.index_cast %parallel_loop3A_303 : i32 to index
        %parallel_loop3A_377 = arith.constant 32 : index
        %parallel_loop3A_378 = tpu.vector_load %arg7[%parallel_loop3A_375, %parallel_loop3A_376, %parallel_loop3A_377] {strides = array<i32>} : memref<2x48x256xf32, #tpu.memory_space<vmem>>, vector<1x1x16xf32>,
        %parallel_loop3A_379 = vector.shape_cast %parallel_loop3A_378 : vector<1x1x16xf32> to vector<16xf32>
        %parallel_loop3A_380 = arith.index_cast %rem3A_229 : i32 to index
        %parallel_loop3A_381 = arith.index_cast %parallel_loop3A_303 : i32 to index
        %parallel_loop3A_382 = arith.constant 160 : index
        %parallel_loop3A_383 = tpu.vector_load %arg7[%parallel_loop3A_380, %parallel_loop3A_381, %parallel_loop3A_382] {strides = array<i32>} : memref<2x48x256xf32, #tpu.memory_space<vmem>>, vector<1x1x16xf32>,
        %parallel_loop3A_384 = vector.shape_cast %parallel_loop3A_383 : vector<1x1x16xf32> to vector<16xf32>
        %parallel_loop3A_385 = arith.addf %parallel_loop3A_379, %parallel_loop3A_374 : vector<16xf32>
        %parallel_loop3A_386 = arith.constant 0.000000e+00 : f32
        %parallel_loop3A_387 = vector.broadcast %parallel_loop3A_386 : f32 to vector<16xf32>
        %parallel_loop3A_388 = arith.subf %parallel_loop3A_387, %parallel_loop3A_385 : vector<16xf32>
        %parallel_loop3A_389 = math.exp %parallel_loop3A_388 : vector<16xf32>
        %parallel_loop3A_390 = arith.constant 1.000000e+00 : f32
        %parallel_loop3A_391 = vector.broadcast %parallel_loop3A_390 : f32 to vector<16xf32>
        %parallel_loop3A_392 = arith.addf %parallel_loop3A_391, %parallel_loop3A_389 : vector<16xf32>
        %parallel_loop3A_393 = arith.constant 1.000000e+00 : f32
        %parallel_loop3A_394 = vector.broadcast %parallel_loop3A_393 : f32 to vector<16xf32>
        %parallel_loop3A_395 = arith.divf %parallel_loop3A_394, %parallel_loop3A_392 : vector<16xf32>
        %parallel_loop3A_396 = arith.mulf %parallel_loop3A_395, %parallel_loop3A_384 : vector<16xf32>
        %parallel_loop3A_397 = arith.index_cast %rem3A_229 : i32 to index
        %parallel_loop3A_398 = arith.index_cast %parallel_loop3A_303 : i32 to index
        %parallel_loop3A_399 = arith.constant 32 : index
        %parallel_loop3A_400 = tpu.vector_load %arg9[%parallel_loop3A_397, %parallel_loop3A_398, %parallel_loop3A_399] {strides = array<i32>} : memref<2x48x128xf32, #tpu.memory_space<vmem>>, vector<1x1x16xf32>,
        %parallel_loop3A_401 = vector.shape_cast %parallel_loop3A_400 : vector<1x1x16xf32> to vector<16xf32>
        %parallel_loop3A_402 = vector.shape_cast %parallel_loop3A_396 : vector<16xf32> to vector<1x1x16xf32>
        tpu.vector_store %arg9[%parallel_loop3A_397, %parallel_loop3A_398, %parallel_loop3A_399], %parallel_loop3A_402 {strides = array<i32>} : memref<2x48x128xf32, #tpu.memory_space<vmem>>, vector<1x1x16xf32>,
        %parallel_loop3A_403 = arith.index_cast %rem3A_229 : i32 to index
        %parallel_loop3A_404 = arith.index_cast %parallel_loop3A_303 : i32 to index
        %parallel_loop3A_405 = arith.constant 48 : index
        %parallel_loop3A_406 = tpu.vector_load %arg8[%parallel_loop3A_403, %parallel_loop3A_404, %parallel_loop3A_405] {strides = array<i32>} : memref<2x48x128xf32, #tpu.memory_space<vmem>>, vector<1x1x16xf32>,
        %parallel_loop3A_407 = vector.shape_cast %parallel_loop3A_406 : vector<1x1x16xf32> to vector<16xf32>
        %parallel_loop3A_408 = arith.index_cast %rem3A_229 : i32 to index
        %parallel_loop3A_409 = arith.index_cast %parallel_loop3A_303 : i32 to index
        %parallel_loop3A_410 = arith.constant 48 : index
        %parallel_loop3A_411 = tpu.vector_load %arg7[%parallel_loop3A_408, %parallel_loop3A_409, %parallel_loop3A_410] {strides = array<i32>} : memref<2x48x256xf32, #tpu.memory_space<vmem>>, vector<1x1x16xf32>,
        %parallel_loop3A_412 = vector.shape_cast %parallel_loop3A_411 : vector<1x1x16xf32> to vector<16xf32>
        %parallel_loop3A_413 = arith.index_cast %rem3A_229 : i32 to index
        %parallel_loop3A_414 = arith.index_cast %parallel_loop3A_303 : i32 to index
        %parallel_loop3A_415 = arith.constant 176 : index
        %parallel_loop3A_416 = tpu.vector_load %arg7[%parallel_loop3A_413, %parallel_loop3A_414, %parallel_loop3A_415] {strides = array<i32>} : memref<2x48x256xf32, #tpu.memory_space<vmem>>, vector<1x1x16xf32>,
        %parallel_loop3A_417 = vector.shape_cast %parallel_loop3A_416 : vector<1x1x16xf32> to vector<16xf32>
        %parallel_loop3A_418 = arith.addf %parallel_loop3A_412, %parallel_loop3A_407 : vector<16xf32>
        %parallel_loop3A_419 = arith.constant 0.000000e+00 : f32
        %parallel_loop3A_420 = vector.broadcast %parallel_loop3A_419 : f32 to vector<16xf32>
        %parallel_loop3A_421 = arith.subf %parallel_loop3A_420, %parallel_loop3A_418 : vector<16xf32>
        %parallel_loop3A_422 = math.exp %parallel_loop3A_421 : vector<16xf32>
        %parallel_loop3A_423 = arith.constant 1.000000e+00 : f32
        %parallel_loop3A_424 = vector.broadcast %parallel_loop3A_423 : f32 to vector<16xf32>
        %parallel_loop3A_425 = arith.addf %parallel_loop3A_424, %parallel_loop3A_422 : vector<16xf32>
        %parallel_loop3A_426 = arith.constant 1.000000e+00 : f32
        %parallel_loop3A_427 = vector.broadcast %parallel_loop3A_426 : f32 to vector<16xf32>
        %parallel_loop3A_428 = arith.divf %parallel_loop3A_427, %parallel_loop3A_425 : vector<16xf32>
        %parallel_loop3A_429 = arith.mulf %parallel_loop3A_428, %parallel_loop3A_417 : vector<16xf32>
        %parallel_loop3A_430 = arith.index_cast %rem3A_229 : i32 to index
        %parallel_loop3A_431 = arith.index_cast %parallel_loop3A_303 : i32 to index
        %parallel_loop3A_432 = arith.constant 48 : index
        %parallel_loop3A_433 = tpu.vector_load %arg9[%parallel_loop3A_430, %parallel_loop3A_431, %parallel_loop3A_432] {strides = array<i32>} : memref<2x48x128xf32, #tpu.memory_space<vmem>>, vector<1x1x16xf32>,
        %parallel_loop3A_434 = vector.shape_cast %parallel_loop3A_433 : vector<1x1x16xf32> to vector<16xf32>
        %parallel_loop3A_435 = vector.shape_cast %parallel_loop3A_429 : vector<16xf32> to vector<1x1x16xf32>
        tpu.vector_store %arg9[%parallel_loop3A_430, %parallel_loop3A_431, %parallel_loop3A_432], %parallel_loop3A_435 {strides = array<i32>} : memref<2x48x128xf32, #tpu.memory_space<vmem>>, vector<1x1x16xf32>,
        %parallel_loop3A_436 = arith.index_cast %rem3A_229 : i32 to index
        %parallel_loop3A_437 = arith.index_cast %parallel_loop3A_303 : i32 to index
        %parallel_loop3A_438 = arith.constant 64 : index
        %parallel_loop3A_439 = tpu.vector_load %arg8[%parallel_loop3A_436, %parallel_loop3A_437, %parallel_loop3A_438] {strides = array<i32>} : memref<2x48x128xf32, #tpu.memory_space<vmem>>, vector<1x1x16xf32>,
        %parallel_loop3A_440 = vector.shape_cast %parallel_loop3A_439 : vector<1x1x16xf32> to vector<16xf32>
        %parallel_loop3A_441 = arith.index_cast %rem3A_229 : i32 to index
        %parallel_loop3A_442 = arith.index_cast %parallel_loop3A_303 : i32 to index
        %parallel_loop3A_443 = arith.constant 64 : index
        %parallel_loop3A_444 = tpu.vector_load %arg7[%parallel_loop3A_441, %parallel_loop3A_442, %parallel_loop3A_443] {strides = array<i32>} : memref<2x48x256xf32, #tpu.memory_space<vmem>>, vector<1x1x16xf32>,
        %parallel_loop3A_445 = vector.shape_cast %parallel_loop3A_444 : vector<1x1x16xf32> to vector<16xf32>
        %parallel_loop3A_446 = arith.index_cast %rem3A_229 : i32 to index
        %parallel_loop3A_447 = arith.index_cast %parallel_loop3A_303 : i32 to index
        %parallel_loop3A_448 = arith.constant 192 : index
        %parallel_loop3A_449 = tpu.vector_load %arg7[%parallel_loop3A_446, %parallel_loop3A_447, %parallel_loop3A_448] {strides = array<i32>} : memref<2x48x256xf32, #tpu.memory_space<vmem>>, vector<1x1x16xf32>,
        %parallel_loop3A_450 = vector.shape_cast %parallel_loop3A_449 : vector<1x1x16xf32> to vector<16xf32>
        %parallel_loop3A_451 = arith.addf %parallel_loop3A_445, %parallel_loop3A_440 : vector<16xf32>
        %parallel_loop3A_452 = arith.constant 0.000000e+00 : f32
        %parallel_loop3A_453 = vector.broadcast %parallel_loop3A_452 : f32 to vector<16xf32>
        %parallel_loop3A_454 = arith.subf %parallel_loop3A_453, %parallel_loop3A_451 : vector<16xf32>
        %parallel_loop3A_455 = math.exp %parallel_loop3A_454 : vector<16xf32>
        %parallel_loop3A_456 = arith.constant 1.000000e+00 : f32
        %parallel_loop3A_457 = vector.broadcast %parallel_loop3A_456 : f32 to vector<16xf32>
        %parallel_loop3A_458 = arith.addf %parallel_loop3A_457, %parallel_loop3A_455 : vector<16xf32>
        %parallel_loop3A_459 = arith.constant 1.000000e+00 : f32
        %parallel_loop3A_460 = vector.broadcast %parallel_loop3A_459 : f32 to vector<16xf32>
        %parallel_loop3A_461 = arith.divf %parallel_loop3A_460, %parallel_loop3A_458 : vector<16xf32>
        %parallel_loop3A_462 = arith.mulf %parallel_loop3A_461, %parallel_loop3A_450 : vector<16xf32>
        %parallel_loop3A_463 = arith.index_cast %rem3A_229 : i32 to index
        %parallel_loop3A_464 = arith.index_cast %parallel_loop3A_303 : i32 to index
        %parallel_loop3A_465 = arith.constant 64 : index
        %parallel_loop3A_466 = tpu.vector_load %arg9[%parallel_loop3A_463, %parallel_loop3A_464, %parallel_loop3A_465] {strides = array<i32>} : memref<2x48x128xf32, #tpu.memory_space<vmem>>, vector<1x1x16xf32>,
        %parallel_loop3A_467 = vector.shape_cast %parallel_loop3A_466 : vector<1x1x16xf32> to vector<16xf32>
        %parallel_loop3A_468 = vector.shape_cast %parallel_loop3A_462 : vector<16xf32> to vector<1x1x16xf32>
        tpu.vector_store %arg9[%parallel_loop3A_463, %parallel_loop3A_464, %parallel_loop3A_465], %parallel_loop3A_468 {strides = array<i32>} : memref<2x48x128xf32, #tpu.memory_space<vmem>>, vector<1x1x16xf32>,
        %parallel_loop3A_469 = arith.index_cast %rem3A_229 : i32 to index
        %parallel_loop3A_470 = arith.index_cast %parallel_loop3A_303 : i32 to index
        %parallel_loop3A_471 = arith.constant 80 : index
        %parallel_loop3A_472 = tpu.vector_load %arg8[%parallel_loop3A_469, %parallel_loop3A_470, %parallel_loop3A_471] {strides = array<i32>} : memref<2x48x128xf32, #tpu.memory_space<vmem>>, vector<1x1x16xf32>,
        %parallel_loop3A_473 = vector.shape_cast %parallel_loop3A_472 : vector<1x1x16xf32> to vector<16xf32>
        %parallel_loop3A_474 = arith.index_cast %rem3A_229 : i32 to index
        %parallel_loop3A_475 = arith.index_cast %parallel_loop3A_303 : i32 to index
        %parallel_loop3A_476 = arith.constant 80 : index
        %parallel_loop3A_477 = tpu.vector_load %arg7[%parallel_loop3A_474, %parallel_loop3A_475, %parallel_loop3A_476] {strides = array<i32>} : memref<2x48x256xf32, #tpu.memory_space<vmem>>, vector<1x1x16xf32>,
        %parallel_loop3A_478 = vector.shape_cast %parallel_loop3A_477 : vector<1x1x16xf32> to vector<16xf32>
        %parallel_loop3A_479 = arith.index_cast %rem3A_229 : i32 to index
        %parallel_loop3A_480 = arith.index_cast %parallel_loop3A_303 : i32 to index
        %parallel_loop3A_481 = arith.constant 208 : index
        %parallel_loop3A_482 = tpu.vector_load %arg7[%parallel_loop3A_479, %parallel_loop3A_480, %parallel_loop3A_481] {strides = array<i32>} : memref<2x48x256xf32, #tpu.memory_space<vmem>>, vector<1x1x16xf32>,
        %parallel_loop3A_483 = vector.shape_cast %parallel_loop3A_482 : vector<1x1x16xf32> to vector<16xf32>
        %parallel_loop3A_484 = arith.addf %parallel_loop3A_478, %parallel_loop3A_473 : vector<16xf32>
        %parallel_loop3A_485 = arith.constant 0.000000e+00 : f32
        %parallel_loop3A_486 = vector.broadcast %parallel_loop3A_485 : f32 to vector<16xf32>
        %parallel_loop3A_487 = arith.subf %parallel_loop3A_486, %parallel_loop3A_484 : vector<16xf32>
        %parallel_loop3A_488 = math.exp %parallel_loop3A_487 : vector<16xf32>
        %parallel_loop3A_489 = arith.constant 1.000000e+00 : f32
        %parallel_loop3A_490 = vector.broadcast %parallel_loop3A_489 : f32 to vector<16xf32>
        %parallel_loop3A_491 = arith.addf %parallel_loop3A_490, %parallel_loop3A_488 : vector<16xf32>
        %parallel_loop3A_492 = arith.constant 1.000000e+00 : f32
        %parallel_loop3A_493 = vector.broadcast %parallel_loop3A_492 : f32 to vector<16xf32>
        %parallel_loop3A_494 = arith.divf %parallel_loop3A_493, %parallel_loop3A_491 : vector<16xf32>
        %parallel_loop3A_495 = arith.mulf %parallel_loop3A_494, %parallel_loop3A_483 : vector<16xf32>
        %parallel_loop3A_496 = arith.index_cast %rem3A_229 : i32 to index
        %parallel_loop3A_497 = arith.index_cast %parallel_loop3A_303 : i32 to index
        %parallel_loop3A_498 = arith.constant 80 : index
        %parallel_loop3A_499 = tpu.vector_load %arg9[%parallel_loop3A_496, %parallel_loop3A_497, %parallel_loop3A_498] {strides = array<i32>} : memref<2x48x128xf32, #tpu.memory_space<vmem>>, vector<1x1x16xf32>,
        %parallel_loop3A_500 = vector.shape_cast %parallel_loop3A_499 : vector<1x1x16xf32> to vector<16xf32>
        %parallel_loop3A_501 = vector.shape_cast %parallel_loop3A_495 : vector<16xf32> to vector<1x1x16xf32>
        tpu.vector_store %arg9[%parallel_loop3A_496, %parallel_loop3A_497, %parallel_loop3A_498], %parallel_loop3A_501 {strides = array<i32>} : memref<2x48x128xf32, #tpu.memory_space<vmem>>, vector<1x1x16xf32>,
        %parallel_loop3A_502 = arith.index_cast %rem3A_229 : i32 to index
        %parallel_loop3A_503 = arith.index_cast %parallel_loop3A_303 : i32 to index
        %parallel_loop3A_504 = arith.constant 96 : index
        %parallel_loop3A_505 = tpu.vector_load %arg8[%parallel_loop3A_502, %parallel_loop3A_503, %parallel_loop3A_504] {strides = array<i32>} : memref<2x48x128xf32, #tpu.memory_space<vmem>>, vector<1x1x16xf32>,
        %parallel_loop3A_506 = vector.shape_cast %parallel_loop3A_505 : vector<1x1x16xf32> to vector<16xf32>
        %parallel_loop3A_507 = arith.index_cast %rem3A_229 : i32 to index
        %parallel_loop3A_508 = arith.index_cast %parallel_loop3A_303 : i32 to index
        %parallel_loop3A_509 = arith.constant 96 : index
        %parallel_loop3A_510 = tpu.vector_load %arg7[%parallel_loop3A_507, %parallel_loop3A_508, %parallel_loop3A_509] {strides = array<i32>} : memref<2x48x256xf32, #tpu.memory_space<vmem>>, vector<1x1x16xf32>,
        %parallel_loop3A_511 = vector.shape_cast %parallel_loop3A_510 : vector<1x1x16xf32> to vector<16xf32>
        %parallel_loop3A_512 = arith.index_cast %rem3A_229 : i32 to index
        %parallel_loop3A_513 = arith.index_cast %parallel_loop3A_303 : i32 to index
        %parallel_loop3A_514 = arith.constant 224 : index
        %parallel_loop3A_515 = tpu.vector_load %arg7[%parallel_loop3A_512, %parallel_loop3A_513, %parallel_loop3A_514] {strides = array<i32>} : memref<2x48x256xf32, #tpu.memory_space<vmem>>, vector<1x1x16xf32>,
        %parallel_loop3A_516 = vector.shape_cast %parallel_loop3A_515 : vector<1x1x16xf32> to vector<16xf32>
        %parallel_loop3A_517 = arith.addf %parallel_loop3A_511, %parallel_loop3A_506 : vector<16xf32>
        %parallel_loop3A_518 = arith.constant 0.000000e+00 : f32
        %parallel_loop3A_519 = vector.broadcast %parallel_loop3A_518 : f32 to vector<16xf32>
        %parallel_loop3A_520 = arith.subf %parallel_loop3A_519, %parallel_loop3A_517 : vector<16xf32>
        %parallel_loop3A_521 = math.exp %parallel_loop3A_520 : vector<16xf32>
        %parallel_loop3A_522 = arith.constant 1.000000e+00 : f32
        %parallel_loop3A_523 = vector.broadcast %parallel_loop3A_522 : f32 to vector<16xf32>
        %parallel_loop3A_524 = arith.addf %parallel_loop3A_523, %parallel_loop3A_521 : vector<16xf32>
        %parallel_loop3A_525 = arith.constant 1.000000e+00 : f32
        %parallel_loop3A_526 = vector.broadcast %parallel_loop3A_525 : f32 to vector<16xf32>
        %parallel_loop3A_527 = arith.divf %parallel_loop3A_526, %parallel_loop3A_524 : vector<16xf32>
        %parallel_loop3A_528 = arith.mulf %parallel_loop3A_527, %parallel_loop3A_516 : vector<16xf32>
        %parallel_loop3A_529 = arith.index_cast %rem3A_229 : i32 to index
        %parallel_loop3A_530 = arith.index_cast %parallel_loop3A_303 : i32 to index
        %parallel_loop3A_531 = arith.constant 96 : index
        %parallel_loop3A_532 = tpu.vector_load %arg9[%parallel_loop3A_529, %parallel_loop3A_530, %parallel_loop3A_531] {strides = array<i32>} : memref<2x48x128xf32, #tpu.memory_space<vmem>>, vector<1x1x16xf32>,
        %parallel_loop3A_533 = vector.shape_cast %parallel_loop3A_532 : vector<1x1x16xf32> to vector<16xf32>
        %parallel_loop3A_534 = vector.shape_cast %parallel_loop3A_528 : vector<16xf32> to vector<1x1x16xf32>
        tpu.vector_store %arg9[%parallel_loop3A_529, %parallel_loop3A_530, %parallel_loop3A_531], %parallel_loop3A_534 {strides = array<i32>} : memref<2x48x128xf32, #tpu.memory_space<vmem>>, vector<1x1x16xf32>,
        %parallel_loop3A_535 = arith.index_cast %rem3A_229 : i32 to index
        %parallel_loop3A_536 = arith.index_cast %parallel_loop3A_303 : i32 to index
        %parallel_loop3A_537 = arith.constant 112 : index
        %parallel_loop3A_538 = tpu.vector_load %arg8[%parallel_loop3A_535, %parallel_loop3A_536, %parallel_loop3A_537] {strides = array<i32>} : memref<2x48x128xf32, #tpu.memory_space<vmem>>, vector<1x1x16xf32>,
        %parallel_loop3A_539 = vector.shape_cast %parallel_loop3A_538 : vector<1x1x16xf32> to vector<16xf32>
        %parallel_loop3A_540 = arith.index_cast %rem3A_229 : i32 to index
        %parallel_loop3A_541 = arith.index_cast %parallel_loop3A_303 : i32 to index
        %parallel_loop3A_542 = arith.constant 112 : index
        %parallel_loop3A_543 = tpu.vector_load %arg7[%parallel_loop3A_540, %parallel_loop3A_541, %parallel_loop3A_542] {strides = array<i32>} : memref<2x48x256xf32, #tpu.memory_space<vmem>>, vector<1x1x16xf32>,
        %parallel_loop3A_544 = vector.shape_cast %parallel_loop3A_543 : vector<1x1x16xf32> to vector<16xf32>
        %parallel_loop3A_545 = arith.index_cast %rem3A_229 : i32 to index
        %parallel_loop3A_546 = arith.index_cast %parallel_loop3A_303 : i32 to index
        %parallel_loop3A_547 = arith.constant 240 : index
        %parallel_loop3A_548 = tpu.vector_load %arg7[%parallel_loop3A_545, %parallel_loop3A_546, %parallel_loop3A_547] {strides = array<i32>} : memref<2x48x256xf32, #tpu.memory_space<vmem>>, vector<1x1x16xf32>,
        %parallel_loop3A_549 = vector.shape_cast %parallel_loop3A_548 : vector<1x1x16xf32> to vector<16xf32>
        %parallel_loop3A_550 = arith.addf %parallel_loop3A_544, %parallel_loop3A_539 : vector<16xf32>
        %parallel_loop3A_551 = arith.constant 0.000000e+00 : f32
        %parallel_loop3A_552 = vector.broadcast %parallel_loop3A_551 : f32 to vector<16xf32>
        %parallel_loop3A_553 = arith.subf %parallel_loop3A_552, %parallel_loop3A_550 : vector<16xf32>
        %parallel_loop3A_554 = math.exp %parallel_loop3A_553 : vector<16xf32>
        %parallel_loop3A_555 = arith.constant 1.000000e+00 : f32
        %parallel_loop3A_556 = vector.broadcast %parallel_loop3A_555 : f32 to vector<16xf32>
        %parallel_loop3A_557 = arith.addf %parallel_loop3A_556, %parallel_loop3A_554 : vector<16xf32>
        %parallel_loop3A_558 = arith.constant 1.000000e+00 : f32
        %parallel_loop3A_559 = vector.broadcast %parallel_loop3A_558 : f32 to vector<16xf32>
        %parallel_loop3A_560 = arith.divf %parallel_loop3A_559, %parallel_loop3A_557 : vector<16xf32>
        %parallel_loop3A_561 = arith.mulf %parallel_loop3A_560, %parallel_loop3A_549 : vector<16xf32>
        %parallel_loop3A_562 = arith.index_cast %rem3A_229 : i32 to index
        %parallel_loop3A_563 = arith.index_cast %parallel_loop3A_303 : i32 to index
        %parallel_loop3A_564 = arith.constant 112 : index
        %parallel_loop3A_565 = tpu.vector_load %arg9[%parallel_loop3A_562, %parallel_loop3A_563, %parallel_loop3A_564] {strides = array<i32>} : memref<2x48x128xf32, #tpu.memory_space<vmem>>, vector<1x1x16xf32>,
        %parallel_loop3A_566 = vector.shape_cast %parallel_loop3A_565 : vector<1x1x16xf32> to vector<16xf32>
        %parallel_loop3A_567 = vector.shape_cast %parallel_loop3A_561 : vector<16xf32> to vector<1x1x16xf32>
        tpu.vector_store %arg9[%parallel_loop3A_562, %parallel_loop3A_563, %parallel_loop3A_564], %parallel_loop3A_567 {strides = array<i32>} : memref<2x48x128xf32, #tpu.memory_space<vmem>>, vector<1x1x16xf32>,
      } {sc.loop_unroll_factor = 4 : i64, sc.parallel_access}
      %rem3A_284 = arith.constant 2 : i32
      %rem3A_285 = arith.remsi %while3A_227, %rem3A_284 : i32
      %rem3A_286 = arith.constant 4 : i32
      %rem3A_287 = arith.remsi %while3A_227, %rem3A_286 : i32
      %rem3A_288 = arith.constant 2 : i32
      %rem3A_289 = arith.remsi %while3A_227, %rem3A_288 : i32
      %dma_start3A_290 = arith.constant 1 : i32
      %dma_start3A_291 = arith.constant 0 : i32
      %dma_start3A_292 = arith.constant 0 : i32
      %dma_start3A_293 = tpu.memref_slice %arg9[%rem3A_285, %dma_start3A_291, %dma_start3A_292] : memref<2x48x128xf32, #tpu.memory_space<vmem>> -> memref<1x48x128xf32, #tpu.memory_space<vmem>>
      %dma_start3A_294 = tpu.memref_squeeze %dma_start3A_293 : memref<1x48x128xf32, #tpu.memory_space<vmem>> -> memref<48x128xf32, #tpu.memory_space<vmem>>
      %dma_start3A_295 = arith.constant 0 : i32
      %dma_start3A_296 = tpu.memref_slice %arg6[%rem3A_287, %dma_start3A_290, %dma_start3A_295] : memref<4x2x48xi32, #tpu.memory_space<vmem>> -> memref<1x1x48xi32, #tpu.memory_space<vmem>>
      %dma_start3A_297 = tpu.memref_squeeze %dma_start3A_296 : memref<1x1x48xi32, #tpu.memory_space<vmem>> -> memref<48xi32, #tpu.memory_space<vmem>>
      %dma_start3A_298 = arith.constant 0 : i32
      %dma_start3A_299 = arith.constant 0 : i32
      %dma_start3A_300 = tpu.memref_slice %arg10[%dma_start3A_298, %dma_start3A_299] : memref<10112x128xf32, #tpu.memory_space<vmem_shared>> -> memref<10112x128xf32, #tpu.memory_space<vmem_shared>>
      %dma_start3A_301 = tpu.memref_slice %arg14[%rem3A_289] : memref<2x!tpu.dma_semaphore, #tpu.memory_space<semaphore_mem>> -> memref<1x!tpu.dma_semaphore, #tpu.memory_space<semaphore_mem>>
      %dma_start3A_302 = tpu.memref_squeeze %dma_start3A_301 : memref<1x!tpu.dma_semaphore, #tpu.memory_space<semaphore_mem>> -> memref<!tpu.dma_semaphore, #tpu.memory_space<semaphore_mem>>
      tpu.enqueue_indirect_dma source(%dma_start3A_294 : memref<48x128xf32, #tpu.memory_space<vmem>>) target(%dma_start3A_300 : memref<10112x128xf32, #tpu.memory_space<vmem_shared>>) offsets(%dma_start3A_297 : memref<48xi32, #tpu.memory_space<vmem>>) semaphore(%dma_start3A_302 : memref<!tpu.dma_semaphore, #tpu.memory_space<semaphore_mem>>) {add = true}
    }
    %while3A_181 = arith.constant 1 : i32
    scf.for %while3A_227 = %while3A_179 to %while3A_175 step %while3A_181  : i32 {
      %rem3A_228 = arith.constant 2 : i32
      %rem3A_229 = arith.remsi %while3A_227, %rem3A_228 : i32
      %ge3A = arith.constant 2 : i32
      %ge3A_230 = arith.cmpi sge, %while3A_227, %ge3A : i32
      %convert_element_type3A = arith.extui %ge3A_230 : i1 to i32
      %cond3A = arith.constant 0 : i32
      %cond3A_231 = arith.cmpi ne, %convert_element_type3A, %cond3A : i32
      scf.if %cond3A_231 {
        %sub3A_303 = arith.constant 2 : i32
        %sub3A_304 = arith.subi %while3A_227, %sub3A_303 : i32
        %rem3A_305 = arith.constant 2 : i32
        %rem3A_306 = arith.remsi %sub3A_304, %rem3A_305 : i32
        %rem3A_307 = arith.constant 4 : i32
        %rem3A_308 = arith.remsi %sub3A_304, %rem3A_307 : i32
        %rem3A_309 = arith.constant 2 : i32
        %rem3A_310 = arith.remsi %sub3A_304, %rem3A_309 : i32
        %dma_wait3A_311 = arith.constant 1 : i32
        %dma_wait3A_312 = arith.constant 0 : i32
        %dma_wait3A_313 = arith.constant 0 : i32
        %dma_wait3A_314 = tpu.memref_slice %arg9[%rem3A_306, %dma_wait3A_312, %dma_wait3A_313] : memref<2x48x128xf32, #tpu.memory_space<vmem>> -> memref<1x48x128xf32, #tpu.memory_space<vmem>>
        %dma_wait3A_315 = tpu.memref_squeeze %dma_wait3A_314 : memref<1x48x128xf32, #tpu.memory_space<vmem>> -> memref<48x128xf32, #tpu.memory_space<vmem>>
        %dma_wait3A_316 = arith.constant 0 : i32
        %dma_wait3A_317 = tpu.memref_slice %arg6[%rem3A_308, %dma_wait3A_311, %dma_wait3A_316] : memref<4x2x48xi32, #tpu.memory_space<vmem>> -> memref<1x1x48xi32, #tpu.memory_space<vmem>>
        %dma_wait3A_318 = tpu.memref_squeeze %dma_wait3A_317 : memref<1x1x48xi32, #tpu.memory_space<vmem>> -> memref<48xi32, #tpu.memory_space<vmem>>
        %dma_wait3A_319 = arith.constant 0 : i32
        %dma_wait3A_320 = arith.constant 0 : i32
        %dma_wait3A_321 = tpu.memref_slice %arg10[%dma_wait3A_319, %dma_wait3A_320] : memref<10112x128xf32, #tpu.memory_space<vmem_shared>> -> memref<10112x128xf32, #tpu.memory_space<vmem_shared>>
        %dma_wait3A_322 = tpu.memref_slice %arg14[%rem3A_310] : memref<2x!tpu.dma_semaphore, #tpu.memory_space<semaphore_mem>> -> memref<1x!tpu.dma_semaphore, #tpu.memory_space<semaphore_mem>>
        %dma_wait3A_323 = tpu.memref_squeeze %dma_wait3A_322 : memref<1x!tpu.dma_semaphore, #tpu.memory_space<semaphore_mem>> -> memref<!tpu.dma_semaphore, #tpu.memory_space<semaphore_mem>>
        tpu.wait_indirect_dma semaphore(%dma_wait3A_323 : memref<!tpu.dma_semaphore, #tpu.memory_space<semaphore_mem>>) src(%dma_wait3A_315 : memref<48x128xf32, #tpu.memory_space<vmem>>) dst(%dma_wait3A_321 : memref<10112x128xf32, #tpu.memory_space<vmem_shared>>)
      } else {
      }
      %add3A_232 = arith.constant 2 : i32
      %add3A_233 = arith.addi %while3A_227, %add3A_232 : i32
      %lt3A = arith.cmpi slt, %add3A_233, %select_n3A : i32
      %convert_element_type3A_234 = arith.extui %lt3A : i1 to i32
      %cond3A_235 = arith.constant 0 : i32
      %cond3A_236 = arith.cmpi ne, %convert_element_type3A_234, %cond3A_235 : i32
      scf.if %cond3A_236 {
        %add3A_303 = arith.constant 2 : i32
        %add3A_304 = arith.addi %while3A_227, %add3A_303 : i32
        %add3A_305 = arith.addi %select_n3A_8, %add3A_304 : i32
        %rem3A_306 = arith.constant 4 : i32
        %rem3A_307 = arith.remsi %add3A_304, %rem3A_306 : i32
        %rem3A_308 = arith.constant 4 : i32
        %rem3A_309 = arith.remsi %add3A_304, %rem3A_308 : i32
        %dma_start3A_310 = arith.constant 0 : i32
        %dma_start3A_311 = arith.constant 0 : i32
        %dma_start3A_312 = tpu.memref_slice %arg6[%rem3A_307, %dma_start3A_310, %dma_start3A_311] : memref<4x2x48xi32, #tpu.memory_space<vmem>> -> memref<1x2x48xi32, #tpu.memory_space<vmem>>
        %dma_start3A_313 = tpu.memref_squeeze %dma_start3A_312 : memref<1x2x48xi32, #tpu.memory_space<vmem>> -> memref<2x48xi32, #tpu.memory_space<vmem>>
        %dma_start3A_314 = arith.constant 0 : i32
        %dma_start3A_315 = arith.constant 0 : i32
        %dma_start3A_316 = tpu.memref_slice %arg2[%add3A_305, %dma_start3A_314, %dma_start3A_315] : memref<6688x2x48xi32, #tpu.memory_space<hbm>> -> memref<1x2x48xi32, #tpu.memory_space<hbm>>
        %dma_start3A_317 = tpu.memref_squeeze %dma_start3A_316 : memref<1x2x48xi32, #tpu.memory_space<hbm>> -> memref<2x48xi32, #tpu.memory_space<hbm>>
        %dma_start3A_318 = tpu.memref_slice %arg11[%rem3A_309] : memref<4x!tpu.dma_semaphore, #tpu.memory_space<semaphore_mem>> -> memref<1x!tpu.dma_semaphore, #tpu.memory_space<semaphore_mem>>
        %dma_start3A_319 = tpu.memref_squeeze %dma_start3A_318 : memref<1x!tpu.dma_semaphore, #tpu.memory_space<semaphore_mem>> -> memref<!tpu.dma_semaphore, #tpu.memory_space<semaphore_mem>>
        %dma_start3A_320 = arith.constant 0 : i32
        %dma_start3A_321 = arith.constant 0 : i32
        %dma_start3A_322 = tpu.memref_slice %arg6[%rem3A_307, %dma_start3A_320, %dma_start3A_321] : memref<4x2x48xi32, #tpu.memory_space<vmem>> -> memref<1x2x48xi32, #tpu.memory_space<vmem>>
        %dma_start3A_323 = tpu.memref_squeeze %dma_start3A_322 : memref<1x2x48xi32, #tpu.memory_space<vmem>> -> memref<2x48xi32, #tpu.memory_space<vmem>>
        %dma_start3A_324 = arith.constant 0 : i32
        %dma_start3A_325 = arith.constant 0 : i32
        %dma_start3A_326 = tpu.memref_slice %arg2[%add3A_305, %dma_start3A_324, %dma_start3A_325] : memref<6688x2x48xi32, #tpu.memory_space<hbm>> -> memref<1x2x48xi32, #tpu.memory_space<hbm>>
        %dma_start3A_327 = tpu.memref_squeeze %dma_start3A_326 : memref<1x2x48xi32, #tpu.memory_space<hbm>> -> memref<2x48xi32, #tpu.memory_space<hbm>>
        tpu.enqueue_dma source(%dma_start3A_327 : memref<2x48xi32, #tpu.memory_space<hbm>>) target(%dma_start3A_323 : memref<2x48xi32, #tpu.memory_space<vmem>>) target_semaphore(%dma_start3A_319 : memref<!tpu.dma_semaphore, #tpu.memory_space<semaphore_mem>>)
      } else {
      }
      %add3A_237 = arith.constant 1 : i32
      %add3A_238 = arith.addi %while3A_227, %add3A_237 : i32
      %lt3A_239 = arith.cmpi slt, %add3A_238, %select_n3A : i32
      %convert_element_type3A_240 = arith.extui %lt3A_239 : i1 to i32
      %cond3A_241 = arith.constant 0 : i32
      %cond3A_242 = arith.cmpi ne, %convert_element_type3A_240, %cond3A_241 : i32
      scf.if %cond3A_242 {
        %add3A_303 = arith.constant 1 : i32
        %add3A_304 = arith.addi %while3A_227, %add3A_303 : i32
        %add3A_305 = arith.addi %select_n3A_8, %add3A_304 : i32
        %rem3A_306 = arith.constant 4 : i32
        %rem3A_307 = arith.remsi %add3A_304, %rem3A_306 : i32
        %rem3A_308 = arith.constant 4 : i32
        %rem3A_309 = arith.remsi %add3A_304, %rem3A_308 : i32
        %dma_wait3A_310 = arith.constant 0 : i32
        %dma_wait3A_311 = arith.constant 0 : i32
        %dma_wait3A_312 = tpu.memref_slice %arg6[%rem3A_307, %dma_wait3A_310, %dma_wait3A_311] : memref<4x2x48xi32, #tpu.memory_space<vmem>> -> memref<1x2x48xi32, #tpu.memory_space<vmem>>
        %dma_wait3A_313 = tpu.memref_squeeze %dma_wait3A_312 : memref<1x2x48xi32, #tpu.memory_space<vmem>> -> memref<2x48xi32, #tpu.memory_space<vmem>>
        %dma_wait3A_314 = arith.constant 0 : i32
        %dma_wait3A_315 = arith.constant 0 : i32
        %dma_wait3A_316 = tpu.memref_slice %arg2[%add3A_305, %dma_wait3A_314, %dma_wait3A_315] : memref<6688x2x48xi32, #tpu.memory_space<hbm>> -> memref<1x2x48xi32, #tpu.memory_space<hbm>>
        %dma_wait3A_317 = tpu.memref_squeeze %dma_wait3A_316 : memref<1x2x48xi32, #tpu.memory_space<hbm>> -> memref<2x48xi32, #tpu.memory_space<hbm>>
        %dma_wait3A_318 = tpu.memref_slice %arg11[%rem3A_309] : memref<4x!tpu.dma_semaphore, #tpu.memory_space<semaphore_mem>> -> memref<1x!tpu.dma_semaphore, #tpu.memory_space<semaphore_mem>>
        %dma_wait3A_319 = tpu.memref_squeeze %dma_wait3A_318 : memref<1x!tpu.dma_semaphore, #tpu.memory_space<semaphore_mem>> -> memref<!tpu.dma_semaphore, #tpu.memory_space<semaphore_mem>>
        %dma_wait3A_320 = arith.constant 0 : i32
        %dma_wait3A_321 = arith.constant 0 : i32
        %dma_wait3A_322 = tpu.memref_slice %arg6[%rem3A_307, %dma_wait3A_320, %dma_wait3A_321] : memref<4x2x48xi32, #tpu.memory_space<vmem>> -> memref<1x2x48xi32, #tpu.memory_space<vmem>>
        %dma_wait3A_323 = tpu.memref_squeeze %dma_wait3A_322 : memref<1x2x48xi32, #tpu.memory_space<vmem>> -> memref<2x48xi32, #tpu.memory_space<vmem>>
        %dma_wait3A_324 = arith.constant 0 : i32
        %dma_wait3A_325 = arith.constant 0 : i32
        %dma_wait3A_326 = tpu.memref_slice %arg2[%add3A_305, %dma_wait3A_324, %dma_wait3A_325] : memref<6688x2x48xi32, #tpu.memory_space<hbm>> -> memref<1x2x48xi32, #tpu.memory_space<hbm>>
        %dma_wait3A_327 = tpu.memref_squeeze %dma_wait3A_326 : memref<1x2x48xi32, #tpu.memory_space<hbm>> -> memref<2x48xi32, #tpu.memory_space<hbm>>
        tpu.wait_dma2 semaphore(%dma_wait3A_319 : memref<!tpu.dma_semaphore, #tpu.memory_space<semaphore_mem>>) src(%dma_wait3A_327 : memref<2x48xi32, #tpu.memory_space<hbm>>) dst(%dma_wait3A_323 : memref<2x48xi32, #tpu.memory_space<vmem>>)
        %add3A_328 = arith.constant 1 : i32
        %add3A_329 = arith.addi %while3A_227, %add3A_328 : i32
        %rem3A_330 = arith.constant 4 : i32
        %rem3A_331 = arith.remsi %add3A_329, %rem3A_330 : i32
        %rem3A_332 = arith.constant 2 : i32
        %rem3A_333 = arith.remsi %add3A_329, %rem3A_332 : i32
        %rem3A_334 = arith.constant 2 : i32
        %rem3A_335 = arith.remsi %add3A_329, %rem3A_334 : i32
        %dma_start3A_336 = arith.constant 0 : i32
        %dma_start3A_337 = arith.constant 0 : i32
        %dma_start3A_338 = arith.constant 0 : i32
        %dma_start3A_339 = tpu.memref_slice %arg7[%rem3A_333, %dma_start3A_337, %dma_start3A_338] : memref<2x48x256xf32, #tpu.memory_space<vmem>> -> memref<1x48x256xf32, #tpu.memory_space<vmem>>
        %dma_start3A_340 = tpu.memref_squeeze %dma_start3A_339 : memref<1x48x256xf32, #tpu.memory_space<vmem>> -> memref<48x256xf32, #tpu.memory_space<vmem>>
        %dma_start3A_341 = arith.constant 0 : i32
        %dma_start3A_342 = tpu.memref_slice %arg6[%rem3A_331, %dma_start3A_336, %dma_start3A_341] : memref<4x2x48xi32, #tpu.memory_space<vmem>> -> memref<1x1x48xi32, #tpu.memory_space<vmem>>
        %dma_start3A_343 = tpu.memref_squeeze %dma_start3A_342 : memref<1x1x48xi32, #tpu.memory_space<vmem>> -> memref<48xi32, #tpu.memory_space<vmem>>
        %dma_start3A_344 = arith.constant 0 : i32
        %dma_start3A_345 = arith.constant 0 : i32
        %dma_start3A_346 = tpu.memref_slice %arg3[%dma_start3A_344, %dma_start3A_345] : memref<10240x256xf32, #tpu.memory_space<hbm>> -> memref<10240x256xf32, #tpu.memory_space<hbm>>
        %dma_start3A_347 = tpu.memref_slice %arg12[%rem3A_335] : memref<2x!tpu.dma_semaphore, #tpu.memory_space<semaphore_mem>> -> memref<1x!tpu.dma_semaphore, #tpu.memory_space<semaphore_mem>>
        %dma_start3A_348 = tpu.memref_squeeze %dma_start3A_347 : memref<1x!tpu.dma_semaphore, #tpu.memory_space<semaphore_mem>> -> memref<!tpu.dma_semaphore, #tpu.memory_space<semaphore_mem>>
        tpu.enqueue_indirect_dma source(%dma_start3A_346 : memref<10240x256xf32, #tpu.memory_space<hbm>>) target(%dma_start3A_340 : memref<48x256xf32, #tpu.memory_space<vmem>>) offsets(%dma_start3A_343 : memref<48xi32, #tpu.memory_space<vmem>>) semaphore(%dma_start3A_348 : memref<!tpu.dma_semaphore, #tpu.memory_space<semaphore_mem>>)
        %rem3A_349 = arith.constant 4 : i32
        %rem3A_350 = arith.remsi %add3A_329, %rem3A_349 : i32
        %rem3A_351 = arith.constant 2 : i32
        %rem3A_352 = arith.remsi %add3A_329, %rem3A_351 : i32
        %rem3A_353 = arith.constant 2 : i32
        %rem3A_354 = arith.remsi %add3A_329, %rem3A_353 : i32
        %dma_start3A_355 = arith.constant 1 : i32
        %dma_start3A_356 = arith.constant 0 : i32
        %dma_start3A_357 = arith.constant 0 : i32
        %dma_start3A_358 = tpu.memref_slice %arg8[%rem3A_352, %dma_start3A_356, %dma_start3A_357] : memref<2x48x128xf32, #tpu.memory_space<vmem>> -> memref<1x48x128xf32, #tpu.memory_space<vmem>>
        %dma_start3A_359 = tpu.memref_squeeze %dma_start3A_358 : memref<1x48x128xf32, #tpu.memory_space<vmem>> -> memref<48x128xf32, #tpu.memory_space<vmem>>
        %dma_start3A_360 = arith.constant 0 : i32
        %dma_start3A_361 = tpu.memref_slice %arg6[%rem3A_350, %dma_start3A_355, %dma_start3A_360] : memref<4x2x48xi32, #tpu.memory_space<vmem>> -> memref<1x1x48xi32, #tpu.memory_space<vmem>>
        %dma_start3A_362 = tpu.memref_squeeze %dma_start3A_361 : memref<1x1x48xi32, #tpu.memory_space<vmem>> -> memref<48xi32, #tpu.memory_space<vmem>>
        %dma_start3A_363 = arith.constant 0 : i32
        %dma_start3A_364 = arith.constant 0 : i32
        %dma_start3A_365 = tpu.memref_slice %arg4[%dma_start3A_363, %dma_start3A_364] : memref<10240x128xf32, #tpu.memory_space<hbm>> -> memref<10240x128xf32, #tpu.memory_space<hbm>>
        %dma_start3A_366 = tpu.memref_slice %arg13[%rem3A_354] : memref<2x!tpu.dma_semaphore, #tpu.memory_space<semaphore_mem>> -> memref<1x!tpu.dma_semaphore, #tpu.memory_space<semaphore_mem>>
        %dma_start3A_367 = tpu.memref_squeeze %dma_start3A_366 : memref<1x!tpu.dma_semaphore, #tpu.memory_space<semaphore_mem>> -> memref<!tpu.dma_semaphore, #tpu.memory_space<semaphore_mem>>
        tpu.enqueue_indirect_dma source(%dma_start3A_365 : memref<10240x128xf32, #tpu.memory_space<hbm>>) target(%dma_start3A_359 : memref<48x128xf32, #tpu.memory_space<vmem>>) offsets(%dma_start3A_362 : memref<48xi32, #tpu.memory_space<vmem>>) semaphore(%dma_start3A_367 : memref<!tpu.dma_semaphore, #tpu.memory_space<semaphore_mem>>)
      } else {
      }
      %rem3A_243 = arith.constant 4 : i32
      %rem3A_244 = arith.remsi %while3A_227, %rem3A_243 : i32
      %rem3A_245 = arith.constant 2 : i32
      %rem3A_246 = arith.remsi %while3A_227, %rem3A_245 : i32
      %rem3A_247 = arith.constant 2 : i32
      %rem3A_248 = arith.remsi %while3A_227, %rem3A_247 : i32
      %dma_wait3A_249 = arith.constant 0 : i32
      %dma_wait3A_250 = arith.constant 0 : i32
      %dma_wait3A_251 = arith.constant 0 : i32
      %dma_wait3A_252 = tpu.memref_slice %arg7[%rem3A_246, %dma_wait3A_250, %dma_wait3A_251] : memref<2x48x256xf32, #tpu.memory_space<vmem>> -> memref<1x48x256xf32, #tpu.memory_space<vmem>>
      %dma_wait3A_253 = tpu.memref_squeeze %dma_wait3A_252 : memref<1x48x256xf32, #tpu.memory_space<vmem>> -> memref<48x256xf32, #tpu.memory_space<vmem>>
      %dma_wait3A_254 = arith.constant 0 : i32
      %dma_wait3A_255 = tpu.memref_slice %arg6[%rem3A_244, %dma_wait3A_249, %dma_wait3A_254] : memref<4x2x48xi32, #tpu.memory_space<vmem>> -> memref<1x1x48xi32, #tpu.memory_space<vmem>>
      %dma_wait3A_256 = tpu.memref_squeeze %dma_wait3A_255 : memref<1x1x48xi32, #tpu.memory_space<vmem>> -> memref<48xi32, #tpu.memory_space<vmem>>
      %dma_wait3A_257 = arith.constant 0 : i32
      %dma_wait3A_258 = arith.constant 0 : i32
      %dma_wait3A_259 = tpu.memref_slice %arg3[%dma_wait3A_257, %dma_wait3A_258] : memref<10240x256xf32, #tpu.memory_space<hbm>> -> memref<10240x256xf32, #tpu.memory_space<hbm>>
      %dma_wait3A_260 = tpu.memref_slice %arg12[%rem3A_248] : memref<2x!tpu.dma_semaphore, #tpu.memory_space<semaphore_mem>> -> memref<1x!tpu.dma_semaphore, #tpu.memory_space<semaphore_mem>>
      %dma_wait3A_261 = tpu.memref_squeeze %dma_wait3A_260 : memref<1x!tpu.dma_semaphore, #tpu.memory_space<semaphore_mem>> -> memref<!tpu.dma_semaphore, #tpu.memory_space<semaphore_mem>>
      tpu.wait_indirect_dma semaphore(%dma_wait3A_261 : memref<!tpu.dma_semaphore, #tpu.memory_space<semaphore_mem>>) src(%dma_wait3A_259 : memref<10240x256xf32, #tpu.memory_space<hbm>>) dst(%dma_wait3A_253 : memref<48x256xf32, #tpu.memory_space<vmem>>)
      %rem3A_262 = arith.constant 4 : i32
      %rem3A_263 = arith.remsi %while3A_227, %rem3A_262 : i32
      %rem3A_264 = arith.constant 2 : i32
      %rem3A_265 = arith.remsi %while3A_227, %rem3A_264 : i32
      %rem3A_266 = arith.constant 2 : i32
      %rem3A_267 = arith.remsi %while3A_227, %rem3A_266 : i32
      %dma_wait3A_268 = arith.constant 1 : i32
      %dma_wait3A_269 = arith.constant 0 : i32
      %dma_wait3A_270 = arith.constant 0 : i32
      %dma_wait3A_271 = tpu.memref_slice %arg8[%rem3A_265, %dma_wait3A_269, %dma_wait3A_270] : memref<2x48x128xf32, #tpu.memory_space<vmem>> -> memref<1x48x128xf32, #tpu.memory_space<vmem>>
      %dma_wait3A_272 = tpu.memref_squeeze %dma_wait3A_271 : memref<1x48x128xf32, #tpu.memory_space<vmem>> -> memref<48x128xf32, #tpu.memory_space<vmem>>
      %dma_wait3A_273 = arith.constant 0 : i32
      %dma_wait3A_274 = tpu.memref_slice %arg6[%rem3A_263, %dma_wait3A_268, %dma_wait3A_273] : memref<4x2x48xi32, #tpu.memory_space<vmem>> -> memref<1x1x48xi32, #tpu.memory_space<vmem>>
      %dma_wait3A_275 = tpu.memref_squeeze %dma_wait3A_274 : memref<1x1x48xi32, #tpu.memory_space<vmem>> -> memref<48xi32, #tpu.memory_space<vmem>>
      %dma_wait3A_276 = arith.constant 0 : i32
      %dma_wait3A_277 = arith.constant 0 : i32
      %dma_wait3A_278 = tpu.memref_slice %arg4[%dma_wait3A_276, %dma_wait3A_277] : memref<10240x128xf32, #tpu.memory_space<hbm>> -> memref<10240x128xf32, #tpu.memory_space<hbm>>
      %dma_wait3A_279 = tpu.memref_slice %arg13[%rem3A_267] : memref<2x!tpu.dma_semaphore, #tpu.memory_space<semaphore_mem>> -> memref<1x!tpu.dma_semaphore, #tpu.memory_space<semaphore_mem>>
      %dma_wait3A_280 = tpu.memref_squeeze %dma_wait3A_279 : memref<1x!tpu.dma_semaphore, #tpu.memory_space<semaphore_mem>> -> memref<!tpu.dma_semaphore, #tpu.memory_space<semaphore_mem>>
      tpu.wait_indirect_dma semaphore(%dma_wait3A_280 : memref<!tpu.dma_semaphore, #tpu.memory_space<semaphore_mem>>) src(%dma_wait3A_278 : memref<10240x128xf32, #tpu.memory_space<hbm>>) dst(%dma_wait3A_272 : memref<48x128xf32, #tpu.memory_space<vmem>>)
      %parallel_loop3A_281 = arith.constant 0 : i32
      %parallel_loop3A_282 = arith.constant 48 : i32
      %parallel_loop3A_283 = arith.constant 1 : i32
      scf.for %parallel_loop3A_303 = %parallel_loop3A_281 to %parallel_loop3A_282 step %parallel_loop3A_283  : i32 {
        %parallel_loop3A_304 = arith.index_cast %rem3A_229 : i32 to index
        %parallel_loop3A_305 = arith.index_cast %parallel_loop3A_303 : i32 to index
        %parallel_loop3A_306 = arith.constant 0 : index
        %parallel_loop3A_307 = tpu.vector_load %arg8[%parallel_loop3A_304, %parallel_loop3A_305, %parallel_loop3A_306] {strides = array<i32>} : memref<2x48x128xf32, #tpu.memory_space<vmem>>, vector<1x1x16xf32>,
        %parallel_loop3A_308 = vector.shape_cast %parallel_loop3A_307 : vector<1x1x16xf32> to vector<16xf32>
        %parallel_loop3A_309 = arith.index_cast %rem3A_229 : i32 to index
        %parallel_loop3A_310 = arith.index_cast %parallel_loop3A_303 : i32 to index
        %parallel_loop3A_311 = arith.constant 0 : index
        %parallel_loop3A_312 = tpu.vector_load %arg7[%parallel_loop3A_309, %parallel_loop3A_310, %parallel_loop3A_311] {strides = array<i32>} : memref<2x48x256xf32, #tpu.memory_space<vmem>>, vector<1x1x16xf32>,
        %parallel_loop3A_313 = vector.shape_cast %parallel_loop3A_312 : vector<1x1x16xf32> to vector<16xf32>
        %parallel_loop3A_314 = arith.index_cast %rem3A_229 : i32 to index
        %parallel_loop3A_315 = arith.index_cast %parallel_loop3A_303 : i32 to index
        %parallel_loop3A_316 = arith.constant 128 : index
        %parallel_loop3A_317 = tpu.vector_load %arg7[%parallel_loop3A_314, %parallel_loop3A_315, %parallel_loop3A_316] {strides = array<i32>} : memref<2x48x256xf32, #tpu.memory_space<vmem>>, vector<1x1x16xf32>,
        %parallel_loop3A_318 = vector.shape_cast %parallel_loop3A_317 : vector<1x1x16xf32> to vector<16xf32>
        %parallel_loop3A_319 = arith.addf %parallel_loop3A_313, %parallel_loop3A_308 : vector<16xf32>
        %parallel_loop3A_320 = arith.constant 0.000000e+00 : f32
        %parallel_loop3A_321 = vector.broadcast %parallel_loop3A_320 : f32 to vector<16xf32>
        %parallel_loop3A_322 = arith.subf %parallel_loop3A_321, %parallel_loop3A_319 : vector<16xf32>
        %parallel_loop3A_323 = math.exp %parallel_loop3A_322 : vector<16xf32>
        %parallel_loop3A_324 = arith.constant 1.000000e+00 : f32
        %parallel_loop3A_325 = vector.broadcast %parallel_loop3A_324 : f32 to vector<16xf32>
        %parallel_loop3A_326 = arith.addf %parallel_loop3A_325, %parallel_loop3A_323 : vector<16xf32>
        %parallel_loop3A_327 = arith.constant 1.000000e+00 : f32
        %parallel_loop3A_328 = vector.broadcast %parallel_loop3A_327 : f32 to vector<16xf32>
        %parallel_loop3A_329 = arith.divf %parallel_loop3A_328, %parallel_loop3A_326 : vector<16xf32>
        %parallel_loop3A_330 = arith.mulf %parallel_loop3A_329, %parallel_loop3A_318 : vector<16xf32>
        %parallel_loop3A_331 = arith.index_cast %rem3A_229 : i32 to index
        %parallel_loop3A_332 = arith.index_cast %parallel_loop3A_303 : i32 to index
        %parallel_loop3A_333 = arith.constant 0 : index
        %parallel_loop3A_334 = tpu.vector_load %arg9[%parallel_loop3A_331, %parallel_loop3A_332, %parallel_loop3A_333] {strides = array<i32>} : memref<2x48x128xf32, #tpu.memory_space<vmem>>, vector<1x1x16xf32>,
        %parallel_loop3A_335 = vector.shape_cast %parallel_loop3A_334 : vector<1x1x16xf32> to vector<16xf32>
        %parallel_loop3A_336 = vector.shape_cast %parallel_loop3A_330 : vector<16xf32> to vector<1x1x16xf32>
        tpu.vector_store %arg9[%parallel_loop3A_331, %parallel_loop3A_332, %parallel_loop3A_333], %parallel_loop3A_336 {strides = array<i32>} : memref<2x48x128xf32, #tpu.memory_space<vmem>>, vector<1x1x16xf32>,
        %parallel_loop3A_337 = arith.index_cast %rem3A_229 : i32 to index
        %parallel_loop3A_338 = arith.index_cast %parallel_loop3A_303 : i32 to index
        %parallel_loop3A_339 = arith.constant 16 : index
        %parallel_loop3A_340 = tpu.vector_load %arg8[%parallel_loop3A_337, %parallel_loop3A_338, %parallel_loop3A_339] {strides = array<i32>} : memref<2x48x128xf32, #tpu.memory_space<vmem>>, vector<1x1x16xf32>,
        %parallel_loop3A_341 = vector.shape_cast %parallel_loop3A_340 : vector<1x1x16xf32> to vector<16xf32>
        %parallel_loop3A_342 = arith.index_cast %rem3A_229 : i32 to index
        %parallel_loop3A_343 = arith.index_cast %parallel_loop3A_303 : i32 to index
        %parallel_loop3A_344 = arith.constant 16 : index
        %parallel_loop3A_345 = tpu.vector_load %arg7[%parallel_loop3A_342, %parallel_loop3A_343, %parallel_loop3A_344] {strides = array<i32>} : memref<2x48x256xf32, #tpu.memory_space<vmem>>, vector<1x1x16xf32>,
        %parallel_loop3A_346 = vector.shape_cast %parallel_loop3A_345 : vector<1x1x16xf32> to vector<16xf32>
        %parallel_loop3A_347 = arith.index_cast %rem3A_229 : i32 to index
        %parallel_loop3A_348 = arith.index_cast %parallel_loop3A_303 : i32 to index
        %parallel_loop3A_349 = arith.constant 144 : index
        %parallel_loop3A_350 = tpu.vector_load %arg7[%parallel_loop3A_347, %parallel_loop3A_348, %parallel_loop3A_349] {strides = array<i32>} : memref<2x48x256xf32, #tpu.memory_space<vmem>>, vector<1x1x16xf32>,
        %parallel_loop3A_351 = vector.shape_cast %parallel_loop3A_350 : vector<1x1x16xf32> to vector<16xf32>
        %parallel_loop3A_352 = arith.addf %parallel_loop3A_346, %parallel_loop3A_341 : vector<16xf32>
        %parallel_loop3A_353 = arith.constant 0.000000e+00 : f32
        %parallel_loop3A_354 = vector.broadcast %parallel_loop3A_353 : f32 to vector<16xf32>
        %parallel_loop3A_355 = arith.subf %parallel_loop3A_354, %parallel_loop3A_352 : vector<16xf32>
        %parallel_loop3A_356 = math.exp %parallel_loop3A_355 : vector<16xf32>
        %parallel_loop3A_357 = arith.constant 1.000000e+00 : f32
        %parallel_loop3A_358 = vector.broadcast %parallel_loop3A_357 : f32 to vector<16xf32>
        %parallel_loop3A_359 = arith.addf %parallel_loop3A_358, %parallel_loop3A_356 : vector<16xf32>
        %parallel_loop3A_360 = arith.constant 1.000000e+00 : f32
        %parallel_loop3A_361 = vector.broadcast %parallel_loop3A_360 : f32 to vector<16xf32>
        %parallel_loop3A_362 = arith.divf %parallel_loop3A_361, %parallel_loop3A_359 : vector<16xf32>
        %parallel_loop3A_363 = arith.mulf %parallel_loop3A_362, %parallel_loop3A_351 : vector<16xf32>
        %parallel_loop3A_364 = arith.index_cast %rem3A_229 : i32 to index
        %parallel_loop3A_365 = arith.index_cast %parallel_loop3A_303 : i32 to index
        %parallel_loop3A_366 = arith.constant 16 : index
        %parallel_loop3A_367 = tpu.vector_load %arg9[%parallel_loop3A_364, %parallel_loop3A_365, %parallel_loop3A_366] {strides = array<i32>} : memref<2x48x128xf32, #tpu.memory_space<vmem>>, vector<1x1x16xf32>,
        %parallel_loop3A_368 = vector.shape_cast %parallel_loop3A_367 : vector<1x1x16xf32> to vector<16xf32>
        %parallel_loop3A_369 = vector.shape_cast %parallel_loop3A_363 : vector<16xf32> to vector<1x1x16xf32>
        tpu.vector_store %arg9[%parallel_loop3A_364, %parallel_loop3A_365, %parallel_loop3A_366], %parallel_loop3A_369 {strides = array<i32>} : memref<2x48x128xf32, #tpu.memory_space<vmem>>, vector<1x1x16xf32>,
        %parallel_loop3A_370 = arith.index_cast %rem3A_229 : i32 to index
        %parallel_loop3A_371 = arith.index_cast %parallel_loop3A_303 : i32 to index
        %parallel_loop3A_372 = arith.constant 32 : index
        %parallel_loop3A_373 = tpu.vector_load %arg8[%parallel_loop3A_370, %parallel_loop3A_371, %parallel_loop3A_372] {strides = array<i32>} : memref<2x48x128xf32, #tpu.memory_space<vmem>>, vector<1x1x16xf32>,
        %parallel_loop3A_374 = vector.shape_cast %parallel_loop3A_373 : vector<1x1x16xf32> to vector<16xf32>
        %parallel_loop3A_375 = arith.index_cast %rem3A_229 : i32 to index
        %parallel_loop3A_376 = arith.index_cast %parallel_loop3A_303 : i32 to index
        %parallel_loop3A_377 = arith.constant 32 : index
        %parallel_loop3A_378 = tpu.vector_load %arg7[%parallel_loop3A_375, %parallel_loop3A_376, %parallel_loop3A_377] {strides = array<i32>} : memref<2x48x256xf32, #tpu.memory_space<vmem>>, vector<1x1x16xf32>,
        %parallel_loop3A_379 = vector.shape_cast %parallel_loop3A_378 : vector<1x1x16xf32> to vector<16xf32>
        %parallel_loop3A_380 = arith.index_cast %rem3A_229 : i32 to index
        %parallel_loop3A_381 = arith.index_cast %parallel_loop3A_303 : i32 to index
        %parallel_loop3A_382 = arith.constant 160 : index
        %parallel_loop3A_383 = tpu.vector_load %arg7[%parallel_loop3A_380, %parallel_loop3A_381, %parallel_loop3A_382] {strides = array<i32>} : memref<2x48x256xf32, #tpu.memory_space<vmem>>, vector<1x1x16xf32>,
        %parallel_loop3A_384 = vector.shape_cast %parallel_loop3A_383 : vector<1x1x16xf32> to vector<16xf32>
        %parallel_loop3A_385 = arith.addf %parallel_loop3A_379, %parallel_loop3A_374 : vector<16xf32>
        %parallel_loop3A_386 = arith.constant 0.000000e+00 : f32
        %parallel_loop3A_387 = vector.broadcast %parallel_loop3A_386 : f32 to vector<16xf32>
        %parallel_loop3A_388 = arith.subf %parallel_loop3A_387, %parallel_loop3A_385 : vector<16xf32>
        %parallel_loop3A_389 = math.exp %parallel_loop3A_388 : vector<16xf32>
        %parallel_loop3A_390 = arith.constant 1.000000e+00 : f32
        %parallel_loop3A_391 = vector.broadcast %parallel_loop3A_390 : f32 to vector<16xf32>
        %parallel_loop3A_392 = arith.addf %parallel_loop3A_391, %parallel_loop3A_389 : vector<16xf32>
        %parallel_loop3A_393 = arith.constant 1.000000e+00 : f32
        %parallel_loop3A_394 = vector.broadcast %parallel_loop3A_393 : f32 to vector<16xf32>
        %parallel_loop3A_395 = arith.divf %parallel_loop3A_394, %parallel_loop3A_392 : vector<16xf32>
        %parallel_loop3A_396 = arith.mulf %parallel_loop3A_395, %parallel_loop3A_384 : vector<16xf32>
        %parallel_loop3A_397 = arith.index_cast %rem3A_229 : i32 to index
        %parallel_loop3A_398 = arith.index_cast %parallel_loop3A_303 : i32 to index
        %parallel_loop3A_399 = arith.constant 32 : index
        %parallel_loop3A_400 = tpu.vector_load %arg9[%parallel_loop3A_397, %parallel_loop3A_398, %parallel_loop3A_399] {strides = array<i32>} : memref<2x48x128xf32, #tpu.memory_space<vmem>>, vector<1x1x16xf32>,
        %parallel_loop3A_401 = vector.shape_cast %parallel_loop3A_400 : vector<1x1x16xf32> to vector<16xf32>
        %parallel_loop3A_402 = vector.shape_cast %parallel_loop3A_396 : vector<16xf32> to vector<1x1x16xf32>
        tpu.vector_store %arg9[%parallel_loop3A_397, %parallel_loop3A_398, %parallel_loop3A_399], %parallel_loop3A_402 {strides = array<i32>} : memref<2x48x128xf32, #tpu.memory_space<vmem>>, vector<1x1x16xf32>,
        %parallel_loop3A_403 = arith.index_cast %rem3A_229 : i32 to index
        %parallel_loop3A_404 = arith.index_cast %parallel_loop3A_303 : i32 to index
        %parallel_loop3A_405 = arith.constant 48 : index
        %parallel_loop3A_406 = tpu.vector_load %arg8[%parallel_loop3A_403, %parallel_loop3A_404, %parallel_loop3A_405] {strides = array<i32>} : memref<2x48x128xf32, #tpu.memory_space<vmem>>, vector<1x1x16xf32>,
        %parallel_loop3A_407 = vector.shape_cast %parallel_loop3A_406 : vector<1x1x16xf32> to vector<16xf32>
        %parallel_loop3A_408 = arith.index_cast %rem3A_229 : i32 to index
        %parallel_loop3A_409 = arith.index_cast %parallel_loop3A_303 : i32 to index
        %parallel_loop3A_410 = arith.constant 48 : index
        %parallel_loop3A_411 = tpu.vector_load %arg7[%parallel_loop3A_408, %parallel_loop3A_409, %parallel_loop3A_410] {strides = array<i32>} : memref<2x48x256xf32, #tpu.memory_space<vmem>>, vector<1x1x16xf32>,
        %parallel_loop3A_412 = vector.shape_cast %parallel_loop3A_411 : vector<1x1x16xf32> to vector<16xf32>
        %parallel_loop3A_413 = arith.index_cast %rem3A_229 : i32 to index
        %parallel_loop3A_414 = arith.index_cast %parallel_loop3A_303 : i32 to index
        %parallel_loop3A_415 = arith.constant 176 : index
        %parallel_loop3A_416 = tpu.vector_load %arg7[%parallel_loop3A_413, %parallel_loop3A_414, %parallel_loop3A_415] {strides = array<i32>} : memref<2x48x256xf32, #tpu.memory_space<vmem>>, vector<1x1x16xf32>,
        %parallel_loop3A_417 = vector.shape_cast %parallel_loop3A_416 : vector<1x1x16xf32> to vector<16xf32>
        %parallel_loop3A_418 = arith.addf %parallel_loop3A_412, %parallel_loop3A_407 : vector<16xf32>
        %parallel_loop3A_419 = arith.constant 0.000000e+00 : f32
        %parallel_loop3A_420 = vector.broadcast %parallel_loop3A_419 : f32 to vector<16xf32>
        %parallel_loop3A_421 = arith.subf %parallel_loop3A_420, %parallel_loop3A_418 : vector<16xf32>
        %parallel_loop3A_422 = math.exp %parallel_loop3A_421 : vector<16xf32>
        %parallel_loop3A_423 = arith.constant 1.000000e+00 : f32
        %parallel_loop3A_424 = vector.broadcast %parallel_loop3A_423 : f32 to vector<16xf32>
        %parallel_loop3A_425 = arith.addf %parallel_loop3A_424, %parallel_loop3A_422 : vector<16xf32>
        %parallel_loop3A_426 = arith.constant 1.000000e+00 : f32
        %parallel_loop3A_427 = vector.broadcast %parallel_loop3A_426 : f32 to vector<16xf32>
        %parallel_loop3A_428 = arith.divf %parallel_loop3A_427, %parallel_loop3A_425 : vector<16xf32>
        %parallel_loop3A_429 = arith.mulf %parallel_loop3A_428, %parallel_loop3A_417 : vector<16xf32>
        %parallel_loop3A_430 = arith.index_cast %rem3A_229 : i32 to index
        %parallel_loop3A_431 = arith.index_cast %parallel_loop3A_303 : i32 to index
        %parallel_loop3A_432 = arith.constant 48 : index
        %parallel_loop3A_433 = tpu.vector_load %arg9[%parallel_loop3A_430, %parallel_loop3A_431, %parallel_loop3A_432] {strides = array<i32>} : memref<2x48x128xf32, #tpu.memory_space<vmem>>, vector<1x1x16xf32>,
        %parallel_loop3A_434 = vector.shape_cast %parallel_loop3A_433 : vector<1x1x16xf32> to vector<16xf32>
        %parallel_loop3A_435 = vector.shape_cast %parallel_loop3A_429 : vector<16xf32> to vector<1x1x16xf32>
        tpu.vector_store %arg9[%parallel_loop3A_430, %parallel_loop3A_431, %parallel_loop3A_432], %parallel_loop3A_435 {strides = array<i32>} : memref<2x48x128xf32, #tpu.memory_space<vmem>>, vector<1x1x16xf32>,
        %parallel_loop3A_436 = arith.index_cast %rem3A_229 : i32 to index
        %parallel_loop3A_437 = arith.index_cast %parallel_loop3A_303 : i32 to index
        %parallel_loop3A_438 = arith.constant 64 : index
        %parallel_loop3A_439 = tpu.vector_load %arg8[%parallel_loop3A_436, %parallel_loop3A_437, %parallel_loop3A_438] {strides = array<i32>} : memref<2x48x128xf32, #tpu.memory_space<vmem>>, vector<1x1x16xf32>,
        %parallel_loop3A_440 = vector.shape_cast %parallel_loop3A_439 : vector<1x1x16xf32> to vector<16xf32>
        %parallel_loop3A_441 = arith.index_cast %rem3A_229 : i32 to index
        %parallel_loop3A_442 = arith.index_cast %parallel_loop3A_303 : i32 to index
        %parallel_loop3A_443 = arith.constant 64 : index
        %parallel_loop3A_444 = tpu.vector_load %arg7[%parallel_loop3A_441, %parallel_loop3A_442, %parallel_loop3A_443] {strides = array<i32>} : memref<2x48x256xf32, #tpu.memory_space<vmem>>, vector<1x1x16xf32>,
        %parallel_loop3A_445 = vector.shape_cast %parallel_loop3A_444 : vector<1x1x16xf32> to vector<16xf32>
        %parallel_loop3A_446 = arith.index_cast %rem3A_229 : i32 to index
        %parallel_loop3A_447 = arith.index_cast %parallel_loop3A_303 : i32 to index
        %parallel_loop3A_448 = arith.constant 192 : index
        %parallel_loop3A_449 = tpu.vector_load %arg7[%parallel_loop3A_446, %parallel_loop3A_447, %parallel_loop3A_448] {strides = array<i32>} : memref<2x48x256xf32, #tpu.memory_space<vmem>>, vector<1x1x16xf32>,
        %parallel_loop3A_450 = vector.shape_cast %parallel_loop3A_449 : vector<1x1x16xf32> to vector<16xf32>
        %parallel_loop3A_451 = arith.addf %parallel_loop3A_445, %parallel_loop3A_440 : vector<16xf32>
        %parallel_loop3A_452 = arith.constant 0.000000e+00 : f32
        %parallel_loop3A_453 = vector.broadcast %parallel_loop3A_452 : f32 to vector<16xf32>
        %parallel_loop3A_454 = arith.subf %parallel_loop3A_453, %parallel_loop3A_451 : vector<16xf32>
        %parallel_loop3A_455 = math.exp %parallel_loop3A_454 : vector<16xf32>
        %parallel_loop3A_456 = arith.constant 1.000000e+00 : f32
        %parallel_loop3A_457 = vector.broadcast %parallel_loop3A_456 : f32 to vector<16xf32>
        %parallel_loop3A_458 = arith.addf %parallel_loop3A_457, %parallel_loop3A_455 : vector<16xf32>
        %parallel_loop3A_459 = arith.constant 1.000000e+00 : f32
        %parallel_loop3A_460 = vector.broadcast %parallel_loop3A_459 : f32 to vector<16xf32>
        %parallel_loop3A_461 = arith.divf %parallel_loop3A_460, %parallel_loop3A_458 : vector<16xf32>
        %parallel_loop3A_462 = arith.mulf %parallel_loop3A_461, %parallel_loop3A_450 : vector<16xf32>
        %parallel_loop3A_463 = arith.index_cast %rem3A_229 : i32 to index
        %parallel_loop3A_464 = arith.index_cast %parallel_loop3A_303 : i32 to index
        %parallel_loop3A_465 = arith.constant 64 : index
        %parallel_loop3A_466 = tpu.vector_load %arg9[%parallel_loop3A_463, %parallel_loop3A_464, %parallel_loop3A_465] {strides = array<i32>} : memref<2x48x128xf32, #tpu.memory_space<vmem>>, vector<1x1x16xf32>,
        %parallel_loop3A_467 = vector.shape_cast %parallel_loop3A_466 : vector<1x1x16xf32> to vector<16xf32>
        %parallel_loop3A_468 = vector.shape_cast %parallel_loop3A_462 : vector<16xf32> to vector<1x1x16xf32>
        tpu.vector_store %arg9[%parallel_loop3A_463, %parallel_loop3A_464, %parallel_loop3A_465], %parallel_loop3A_468 {strides = array<i32>} : memref<2x48x128xf32, #tpu.memory_space<vmem>>, vector<1x1x16xf32>,
        %parallel_loop3A_469 = arith.index_cast %rem3A_229 : i32 to index
        %parallel_loop3A_470 = arith.index_cast %parallel_loop3A_303 : i32 to index
        %parallel_loop3A_471 = arith.constant 80 : index
        %parallel_loop3A_472 = tpu.vector_load %arg8[%parallel_loop3A_469, %parallel_loop3A_470, %parallel_loop3A_471] {strides = array<i32>} : memref<2x48x128xf32, #tpu.memory_space<vmem>>, vector<1x1x16xf32>,
        %parallel_loop3A_473 = vector.shape_cast %parallel_loop3A_472 : vector<1x1x16xf32> to vector<16xf32>
        %parallel_loop3A_474 = arith.index_cast %rem3A_229 : i32 to index
        %parallel_loop3A_475 = arith.index_cast %parallel_loop3A_303 : i32 to index
        %parallel_loop3A_476 = arith.constant 80 : index
        %parallel_loop3A_477 = tpu.vector_load %arg7[%parallel_loop3A_474, %parallel_loop3A_475, %parallel_loop3A_476] {strides = array<i32>} : memref<2x48x256xf32, #tpu.memory_space<vmem>>, vector<1x1x16xf32>,
        %parallel_loop3A_478 = vector.shape_cast %parallel_loop3A_477 : vector<1x1x16xf32> to vector<16xf32>
        %parallel_loop3A_479 = arith.index_cast %rem3A_229 : i32 to index
        %parallel_loop3A_480 = arith.index_cast %parallel_loop3A_303 : i32 to index
        %parallel_loop3A_481 = arith.constant 208 : index
        %parallel_loop3A_482 = tpu.vector_load %arg7[%parallel_loop3A_479, %parallel_loop3A_480, %parallel_loop3A_481] {strides = array<i32>} : memref<2x48x256xf32, #tpu.memory_space<vmem>>, vector<1x1x16xf32>,
        %parallel_loop3A_483 = vector.shape_cast %parallel_loop3A_482 : vector<1x1x16xf32> to vector<16xf32>
        %parallel_loop3A_484 = arith.addf %parallel_loop3A_478, %parallel_loop3A_473 : vector<16xf32>
        %parallel_loop3A_485 = arith.constant 0.000000e+00 : f32
        %parallel_loop3A_486 = vector.broadcast %parallel_loop3A_485 : f32 to vector<16xf32>
        %parallel_loop3A_487 = arith.subf %parallel_loop3A_486, %parallel_loop3A_484 : vector<16xf32>
        %parallel_loop3A_488 = math.exp %parallel_loop3A_487 : vector<16xf32>
        %parallel_loop3A_489 = arith.constant 1.000000e+00 : f32
        %parallel_loop3A_490 = vector.broadcast %parallel_loop3A_489 : f32 to vector<16xf32>
        %parallel_loop3A_491 = arith.addf %parallel_loop3A_490, %parallel_loop3A_488 : vector<16xf32>
        %parallel_loop3A_492 = arith.constant 1.000000e+00 : f32
        %parallel_loop3A_493 = vector.broadcast %parallel_loop3A_492 : f32 to vector<16xf32>
        %parallel_loop3A_494 = arith.divf %parallel_loop3A_493, %parallel_loop3A_491 : vector<16xf32>
        %parallel_loop3A_495 = arith.mulf %parallel_loop3A_494, %parallel_loop3A_483 : vector<16xf32>
        %parallel_loop3A_496 = arith.index_cast %rem3A_229 : i32 to index
        %parallel_loop3A_497 = arith.index_cast %parallel_loop3A_303 : i32 to index
        %parallel_loop3A_498 = arith.constant 80 : index
        %parallel_loop3A_499 = tpu.vector_load %arg9[%parallel_loop3A_496, %parallel_loop3A_497, %parallel_loop3A_498] {strides = array<i32>} : memref<2x48x128xf32, #tpu.memory_space<vmem>>, vector<1x1x16xf32>,
        %parallel_loop3A_500 = vector.shape_cast %parallel_loop3A_499 : vector<1x1x16xf32> to vector<16xf32>
        %parallel_loop3A_501 = vector.shape_cast %parallel_loop3A_495 : vector<16xf32> to vector<1x1x16xf32>
        tpu.vector_store %arg9[%parallel_loop3A_496, %parallel_loop3A_497, %parallel_loop3A_498], %parallel_loop3A_501 {strides = array<i32>} : memref<2x48x128xf32, #tpu.memory_space<vmem>>, vector<1x1x16xf32>,
        %parallel_loop3A_502 = arith.index_cast %rem3A_229 : i32 to index
        %parallel_loop3A_503 = arith.index_cast %parallel_loop3A_303 : i32 to index
        %parallel_loop3A_504 = arith.constant 96 : index
        %parallel_loop3A_505 = tpu.vector_load %arg8[%parallel_loop3A_502, %parallel_loop3A_503, %parallel_loop3A_504] {strides = array<i32>} : memref<2x48x128xf32, #tpu.memory_space<vmem>>, vector<1x1x16xf32>,
        %parallel_loop3A_506 = vector.shape_cast %parallel_loop3A_505 : vector<1x1x16xf32> to vector<16xf32>
        %parallel_loop3A_507 = arith.index_cast %rem3A_229 : i32 to index
        %parallel_loop3A_508 = arith.index_cast %parallel_loop3A_303 : i32 to index
        %parallel_loop3A_509 = arith.constant 96 : index
        %parallel_loop3A_510 = tpu.vector_load %arg7[%parallel_loop3A_507, %parallel_loop3A_508, %parallel_loop3A_509] {strides = array<i32>} : memref<2x48x256xf32, #tpu.memory_space<vmem>>, vector<1x1x16xf32>,
        %parallel_loop3A_511 = vector.shape_cast %parallel_loop3A_510 : vector<1x1x16xf32> to vector<16xf32>
        %parallel_loop3A_512 = arith.index_cast %rem3A_229 : i32 to index
        %parallel_loop3A_513 = arith.index_cast %parallel_loop3A_303 : i32 to index
        %parallel_loop3A_514 = arith.constant 224 : index
        %parallel_loop3A_515 = tpu.vector_load %arg7[%parallel_loop3A_512, %parallel_loop3A_513, %parallel_loop3A_514] {strides = array<i32>} : memref<2x48x256xf32, #tpu.memory_space<vmem>>, vector<1x1x16xf32>,
        %parallel_loop3A_516 = vector.shape_cast %parallel_loop3A_515 : vector<1x1x16xf32> to vector<16xf32>
        %parallel_loop3A_517 = arith.addf %parallel_loop3A_511, %parallel_loop3A_506 : vector<16xf32>
        %parallel_loop3A_518 = arith.constant 0.000000e+00 : f32
        %parallel_loop3A_519 = vector.broadcast %parallel_loop3A_518 : f32 to vector<16xf32>
        %parallel_loop3A_520 = arith.subf %parallel_loop3A_519, %parallel_loop3A_517 : vector<16xf32>
        %parallel_loop3A_521 = math.exp %parallel_loop3A_520 : vector<16xf32>
        %parallel_loop3A_522 = arith.constant 1.000000e+00 : f32
        %parallel_loop3A_523 = vector.broadcast %parallel_loop3A_522 : f32 to vector<16xf32>
        %parallel_loop3A_524 = arith.addf %parallel_loop3A_523, %parallel_loop3A_521 : vector<16xf32>
        %parallel_loop3A_525 = arith.constant 1.000000e+00 : f32
        %parallel_loop3A_526 = vector.broadcast %parallel_loop3A_525 : f32 to vector<16xf32>
        %parallel_loop3A_527 = arith.divf %parallel_loop3A_526, %parallel_loop3A_524 : vector<16xf32>
        %parallel_loop3A_528 = arith.mulf %parallel_loop3A_527, %parallel_loop3A_516 : vector<16xf32>
        %parallel_loop3A_529 = arith.index_cast %rem3A_229 : i32 to index
        %parallel_loop3A_530 = arith.index_cast %parallel_loop3A_303 : i32 to index
        %parallel_loop3A_531 = arith.constant 96 : index
        %parallel_loop3A_532 = tpu.vector_load %arg9[%parallel_loop3A_529, %parallel_loop3A_530, %parallel_loop3A_531] {strides = array<i32>} : memref<2x48x128xf32, #tpu.memory_space<vmem>>, vector<1x1x16xf32>,
        %parallel_loop3A_533 = vector.shape_cast %parallel_loop3A_532 : vector<1x1x16xf32> to vector<16xf32>
        %parallel_loop3A_534 = vector.shape_cast %parallel_loop3A_528 : vector<16xf32> to vector<1x1x16xf32>
        tpu.vector_store %arg9[%parallel_loop3A_529, %parallel_loop3A_530, %parallel_loop3A_531], %parallel_loop3A_534 {strides = array<i32>} : memref<2x48x128xf32, #tpu.memory_space<vmem>>, vector<1x1x16xf32>,
        %parallel_loop3A_535 = arith.index_cast %rem3A_229 : i32 to index
        %parallel_loop3A_536 = arith.index_cast %parallel_loop3A_303 : i32 to index
        %parallel_loop3A_537 = arith.constant 112 : index
        %parallel_loop3A_538 = tpu.vector_load %arg8[%parallel_loop3A_535, %parallel_loop3A_536, %parallel_loop3A_537] {strides = array<i32>} : memref<2x48x128xf32, #tpu.memory_space<vmem>>, vector<1x1x16xf32>,
        %parallel_loop3A_539 = vector.shape_cast %parallel_loop3A_538 : vector<1x1x16xf32> to vector<16xf32>
        %parallel_loop3A_540 = arith.index_cast %rem3A_229 : i32 to index
        %parallel_loop3A_541 = arith.index_cast %parallel_loop3A_303 : i32 to index
        %parallel_loop3A_542 = arith.constant 112 : index
        %parallel_loop3A_543 = tpu.vector_load %arg7[%parallel_loop3A_540, %parallel_loop3A_541, %parallel_loop3A_542] {strides = array<i32>} : memref<2x48x256xf32, #tpu.memory_space<vmem>>, vector<1x1x16xf32>,
        %parallel_loop3A_544 = vector.shape_cast %parallel_loop3A_543 : vector<1x1x16xf32> to vector<16xf32>
        %parallel_loop3A_545 = arith.index_cast %rem3A_229 : i32 to index
        %parallel_loop3A_546 = arith.index_cast %parallel_loop3A_303 : i32 to index
        %parallel_loop3A_547 = arith.constant 240 : index
        %parallel_loop3A_548 = tpu.vector_load %arg7[%parallel_loop3A_545, %parallel_loop3A_546, %parallel_loop3A_547] {strides = array<i32>} : memref<2x48x256xf32, #tpu.memory_space<vmem>>, vector<1x1x16xf32>,
        %parallel_loop3A_549 = vector.shape_cast %parallel_loop3A_548 : vector<1x1x16xf32> to vector<16xf32>
        %parallel_loop3A_550 = arith.addf %parallel_loop3A_544, %parallel_loop3A_539 : vector<16xf32>
        %parallel_loop3A_551 = arith.constant 0.000000e+00 : f32
        %parallel_loop3A_552 = vector.broadcast %parallel_loop3A_551 : f32 to vector<16xf32>
        %parallel_loop3A_553 = arith.subf %parallel_loop3A_552, %parallel_loop3A_550 : vector<16xf32>
        %parallel_loop3A_554 = math.exp %parallel_loop3A_553 : vector<16xf32>
        %parallel_loop3A_555 = arith.constant 1.000000e+00 : f32
        %parallel_loop3A_556 = vector.broadcast %parallel_loop3A_555 : f32 to vector<16xf32>
        %parallel_loop3A_557 = arith.addf %parallel_loop3A_556, %parallel_loop3A_554 : vector<16xf32>
        %parallel_loop3A_558 = arith.constant 1.000000e+00 : f32
        %parallel_loop3A_559 = vector.broadcast %parallel_loop3A_558 : f32 to vector<16xf32>
        %parallel_loop3A_560 = arith.divf %parallel_loop3A_559, %parallel_loop3A_557 : vector<16xf32>
        %parallel_loop3A_561 = arith.mulf %parallel_loop3A_560, %parallel_loop3A_549 : vector<16xf32>
        %parallel_loop3A_562 = arith.index_cast %rem3A_229 : i32 to index
        %parallel_loop3A_563 = arith.index_cast %parallel_loop3A_303 : i32 to index
        %parallel_loop3A_564 = arith.constant 112 : index
        %parallel_loop3A_565 = tpu.vector_load %arg9[%parallel_loop3A_562, %parallel_loop3A_563, %parallel_loop3A_564] {strides = array<i32>} : memref<2x48x128xf32, #tpu.memory_space<vmem>>, vector<1x1x16xf32>,
        %parallel_loop3A_566 = vector.shape_cast %parallel_loop3A_565 : vector<1x1x16xf32> to vector<16xf32>
        %parallel_loop3A_567 = vector.shape_cast %parallel_loop3A_561 : vector<16xf32> to vector<1x1x16xf32>
        tpu.vector_store %arg9[%parallel_loop3A_562, %parallel_loop3A_563, %parallel_loop3A_564], %parallel_loop3A_567 {strides = array<i32>} : memref<2x48x128xf32, #tpu.memory_space<vmem>>, vector<1x1x16xf32>,
      } {sc.loop_unroll_factor = 4 : i64, sc.parallel_access}
      %rem3A_284 = arith.constant 2 : i32
      %rem3A_285 = arith.remsi %while3A_227, %rem3A_284 : i32
      %rem3A_286 = arith.constant 4 : i32
      %rem3A_287 = arith.remsi %while3A_227, %rem3A_286 : i32
      %rem3A_288 = arith.constant 2 : i32
      %rem3A_289 = arith.remsi %while3A_227, %rem3A_288 : i32
      %dma_start3A_290 = arith.constant 1 : i32
      %dma_start3A_291 = arith.constant 0 : i32
      %dma_start3A_292 = arith.constant 0 : i32
      %dma_start3A_293 = tpu.memref_slice %arg9[%rem3A_285, %dma_start3A_291, %dma_start3A_292] : memref<2x48x128xf32, #tpu.memory_space<vmem>> -> memref<1x48x128xf32, #tpu.memory_space<vmem>>
      %dma_start3A_294 = tpu.memref_squeeze %dma_start3A_293 : memref<1x48x128xf32, #tpu.memory_space<vmem>> -> memref<48x128xf32, #tpu.memory_space<vmem>>
      %dma_start3A_295 = arith.constant 0 : i32
      %dma_start3A_296 = tpu.memref_slice %arg6[%rem3A_287, %dma_start3A_290, %dma_start3A_295] : memref<4x2x48xi32, #tpu.memory_space<vmem>> -> memref<1x1x48xi32, #tpu.memory_space<vmem>>
      %dma_start3A_297 = tpu.memref_squeeze %dma_start3A_296 : memref<1x1x48xi32, #tpu.memory_space<vmem>> -> memref<48xi32, #tpu.memory_space<vmem>>
      %dma_start3A_298 = arith.constant 0 : i32
      %dma_start3A_299 = arith.constant 0 : i32
      %dma_start3A_300 = tpu.memref_slice %arg10[%dma_start3A_298, %dma_start3A_299] : memref<10112x128xf32, #tpu.memory_space<vmem_shared>> -> memref<10112x128xf32, #tpu.memory_space<vmem_shared>>
      %dma_start3A_301 = tpu.memref_slice %arg14[%rem3A_289] : memref<2x!tpu.dma_semaphore, #tpu.memory_space<semaphore_mem>> -> memref<1x!tpu.dma_semaphore, #tpu.memory_space<semaphore_mem>>
      %dma_start3A_302 = tpu.memref_squeeze %dma_start3A_301 : memref<1x!tpu.dma_semaphore, #tpu.memory_space<semaphore_mem>> -> memref<!tpu.dma_semaphore, #tpu.memory_space<semaphore_mem>>
      tpu.enqueue_indirect_dma source(%dma_start3A_294 : memref<48x128xf32, #tpu.memory_space<vmem>>) target(%dma_start3A_300 : memref<10112x128xf32, #tpu.memory_space<vmem_shared>>) offsets(%dma_start3A_297 : memref<48xi32, #tpu.memory_space<vmem>>) semaphore(%dma_start3A_302 : memref<!tpu.dma_semaphore, #tpu.memory_space<semaphore_mem>>) {add = true}
    }
    %sub3A = arith.constant 2 : i32
    %sub3A_182 = arith.subi %select_n3A, %sub3A : i32
    %rem3A_183 = arith.constant 2 : i32
    %rem3A_184 = arith.remsi %sub3A_182, %rem3A_183 : i32
    %rem3A_185 = arith.constant 4 : i32
    %rem3A_186 = arith.remsi %sub3A_182, %rem3A_185 : i32
    %rem3A_187 = arith.constant 2 : i32
    %rem3A_188 = arith.remsi %sub3A_182, %rem3A_187 : i32
    %dma_wait3A_189 = arith.constant 1 : i32
    %dma_wait3A_190 = arith.constant 0 : i32
    %dma_wait3A_191 = arith.constant 0 : i32
    %dma_wait3A_192 = tpu.memref_slice %arg9[%rem3A_184, %dma_wait3A_190, %dma_wait3A_191] : memref<2x48x128xf32, #tpu.memory_space<vmem>> -> memref<1x48x128xf32, #tpu.memory_space<vmem>>
    %dma_wait3A_193 = tpu.memref_squeeze %dma_wait3A_192 : memref<1x48x128xf32, #tpu.memory_space<vmem>> -> memref<48x128xf32, #tpu.memory_space<vmem>>
    %dma_wait3A_194 = arith.constant 0 : i32
    %dma_wait3A_195 = tpu.memref_slice %arg6[%rem3A_186, %dma_wait3A_189, %dma_wait3A_194] : memref<4x2x48xi32, #tpu.memory_space<vmem>> -> memref<1x1x48xi32, #tpu.memory_space<vmem>>
    %dma_wait3A_196 = tpu.memref_squeeze %dma_wait3A_195 : memref<1x1x48xi32, #tpu.memory_space<vmem>> -> memref<48xi32, #tpu.memory_space<vmem>>
    %dma_wait3A_197 = arith.constant 0 : i32
    %dma_wait3A_198 = arith.constant 0 : i32
    %dma_wait3A_199 = tpu.memref_slice %arg10[%dma_wait3A_197, %dma_wait3A_198] : memref<10112x128xf32, #tpu.memory_space<vmem_shared>> -> memref<10112x128xf32, #tpu.memory_space<vmem_shared>>
    %dma_wait3A_200 = tpu.memref_slice %arg14[%rem3A_188] : memref<2x!tpu.dma_semaphore, #tpu.memory_space<semaphore_mem>> -> memref<1x!tpu.dma_semaphore, #tpu.memory_space<semaphore_mem>>
    %dma_wait3A_201 = tpu.memref_squeeze %dma_wait3A_200 : memref<1x!tpu.dma_semaphore, #tpu.memory_space<semaphore_mem>> -> memref<!tpu.dma_semaphore, #tpu.memory_space<semaphore_mem>>
    tpu.wait_indirect_dma semaphore(%dma_wait3A_201 : memref<!tpu.dma_semaphore, #tpu.memory_space<semaphore_mem>>) src(%dma_wait3A_193 : memref<48x128xf32, #tpu.memory_space<vmem>>) dst(%dma_wait3A_199 : memref<10112x128xf32, #tpu.memory_space<vmem_shared>>)
    %sub3A_202 = arith.constant 1 : i32
    %sub3A_203 = arith.subi %select_n3A, %sub3A_202 : i32
    %rem3A_204 = arith.constant 2 : i32
    %rem3A_205 = arith.remsi %sub3A_203, %rem3A_204 : i32
    %rem3A_206 = arith.constant 4 : i32
    %rem3A_207 = arith.remsi %sub3A_203, %rem3A_206 : i32
    %rem3A_208 = arith.constant 2 : i32
    %rem3A_209 = arith.remsi %sub3A_203, %rem3A_208 : i32
    %dma_wait3A_210 = arith.constant 1 : i32
    %dma_wait3A_211 = arith.constant 0 : i32
    %dma_wait3A_212 = arith.constant 0 : i32
    %dma_wait3A_213 = tpu.memref_slice %arg9[%rem3A_205, %dma_wait3A_211, %dma_wait3A_212] : memref<2x48x128xf32, #tpu.memory_space<vmem>> -> memref<1x48x128xf32, #tpu.memory_space<vmem>>
    %dma_wait3A_214 = tpu.memref_squeeze %dma_wait3A_213 : memref<1x48x128xf32, #tpu.memory_space<vmem>> -> memref<48x128xf32, #tpu.memory_space<vmem>>
    %dma_wait3A_215 = arith.constant 0 : i32
    %dma_wait3A_216 = tpu.memref_slice %arg6[%rem3A_207, %dma_wait3A_210, %dma_wait3A_215] : memref<4x2x48xi32, #tpu.memory_space<vmem>> -> memref<1x1x48xi32, #tpu.memory_space<vmem>>
    %dma_wait3A_217 = tpu.memref_squeeze %dma_wait3A_216 : memref<1x1x48xi32, #tpu.memory_space<vmem>> -> memref<48xi32, #tpu.memory_space<vmem>>
    %dma_wait3A_218 = arith.constant 0 : i32
    %dma_wait3A_219 = arith.constant 0 : i32
    %dma_wait3A_220 = tpu.memref_slice %arg10[%dma_wait3A_218, %dma_wait3A_219] : memref<10112x128xf32, #tpu.memory_space<vmem_shared>> -> memref<10112x128xf32, #tpu.memory_space<vmem_shared>>
    %dma_wait3A_221 = tpu.memref_slice %arg14[%rem3A_209] : memref<2x!tpu.dma_semaphore, #tpu.memory_space<semaphore_mem>> -> memref<1x!tpu.dma_semaphore, #tpu.memory_space<semaphore_mem>>
    %dma_wait3A_222 = tpu.memref_squeeze %dma_wait3A_221 : memref<1x!tpu.dma_semaphore, #tpu.memory_space<semaphore_mem>> -> memref<!tpu.dma_semaphore, #tpu.memory_space<semaphore_mem>>
    tpu.wait_indirect_dma semaphore(%dma_wait3A_222 : memref<!tpu.dma_semaphore, #tpu.memory_space<semaphore_mem>>) src(%dma_wait3A_214 : memref<48x128xf32, #tpu.memory_space<vmem>>) dst(%dma_wait3A_220 : memref<10112x128xf32, #tpu.memory_space<vmem_shared>>)
    %barrier3A_223 = arith.constant 0 : index
    tpu.barrier barrier_id(%barrier3A_223)
    %mul3A_224 = arith.constant 10112 : i32
    %mul3A_225 = arith.muli %arg0, %mul3A_224 : i32
    %add3A_226 = arith.addi %mul3A_225, %mul3A_10 : i32
    "tpu.region"() ({
      %run_scoped3A_227 = tpu.sem_alloc : memref<!tpu.dma_semaphore, #tpu.memory_space<semaphore_mem>>
      %dma_start3A_228 = arith.constant 0 : i32
      %dma_start3A_229 = tpu.memref_slice %arg5[%add3A_226, %dma_start3A_228] : memref<20224x128xf32, #tpu.memory_space<hbm>> -> memref<632x128xf32, #tpu.memory_space<hbm>>
      %dma_start3A_230 = arith.constant 0 : i32
      %dma_start3A_231 = tpu.memref_slice %arg10[%mul3A_10, %dma_start3A_230] : memref<10112x128xf32, #tpu.memory_space<vmem_shared>> -> memref<632x128xf32, #tpu.memory_space<vmem_shared>>
      tpu.enqueue_dma source(%dma_start3A_231 : memref<632x128xf32, #tpu.memory_space<vmem_shared>>) target(%dma_start3A_229 : memref<632x128xf32, #tpu.memory_space<hbm>>) target_semaphore(%run_scoped3A_227 : memref<!tpu.dma_semaphore, #tpu.memory_space<semaphore_mem>>)
      %dma_wait3A_232 = arith.constant 0 : i32
      %dma_wait3A_233 = tpu.memref_slice %arg5[%add3A_226, %dma_wait3A_232] : memref<20224x128xf32, #tpu.memory_space<hbm>> -> memref<632x128xf32, #tpu.memory_space<hbm>>
      %dma_wait3A_234 = arith.constant 0 : i32
      %dma_wait3A_235 = tpu.memref_slice %arg10[%mul3A_10, %dma_wait3A_234] : memref<10112x128xf32, #tpu.memory_space<vmem_shared>> -> memref<632x128xf32, #tpu.memory_space<vmem_shared>>
      tpu.wait_dma2 semaphore(%run_scoped3A_227 : memref<!tpu.dma_semaphore, #tpu.memory_space<semaphore_mem>>) src(%dma_wait3A_235 : memref<632x128xf32, #tpu.memory_space<vmem_shared>>) dst(%dma_wait3A_233 : memref<632x128xf32, #tpu.memory_space<hbm>>)
      tpu.yield
    }) : () -> ()
    return
  }
}

#map = affine_map<(d0, d1) -> (0)>
#map1 = affine_map<(d0, d1) -> (0, 0)>
module attributes {stable_mosaic.version = 14 : i64} {
  func.func @_emb_gather(%arg0: i32, %arg1: i32, %arg2: memref<10240xi32, #tpu.memory_space<hbm>>, %arg3: memref<100000x128xf32, #tpu.memory_space<hbm>>, %arg4: memref<10240x128xf32, #tpu.memory_space<hbm>>, %arg5: memref<80xi32, #tpu.memory_space<vmem>>, %arg6: memref<80x128xf32, #tpu.memory_space<vmem>>, %arg7: memref<!tpu.dma_semaphore, #tpu.memory_space<semaphore_mem>>) attributes {dimension_semantics = [#tpu.dimension_semantics<core_parallel>, #tpu.dimension_semantics<subcore_parallel>], iteration_bounds = array<i64: 2, 16>, scalar_prefetch = 0 : i64, scratch_operands = 3 : i64, tpu.core_type = #tpu.core_type<sc_vector_subcore>, window_params = [{transform_indices = #map}, {transform_indices = #map1}, {transform_indices = #map1}]} {
    %eq3A = arith.constant 0 : i32
    %eq3A_0 = arith.cmpi eq, %arg0, %eq3A : i32
    %jit3A = arith.constant 5 : i32
    %jit3A_1 = arith.constant 3 : i32
    %select_n3A = arith.select %eq3A_0, %jit3A, %jit3A_1 : i32
    %eq3A_2 = arith.constant 0 : i32
    %eq3A_3 = arith.cmpi eq, %arg0, %eq3A_2 : i32
    %mul3A = arith.constant 5 : i32
    %mul3A_4 = arith.muli %arg1, %mul3A : i32
    %mul3A_5 = arith.constant 3 : i32
    %mul3A_6 = arith.muli %arg1, %mul3A_5 : i32
    %add3A = arith.constant 80 : i32
    %add3A_7 = arith.addi %add3A, %mul3A_6 : i32
    %select_n3A_8 = arith.select %eq3A_3, %mul3A_4, %add3A_7 : i32
    %mul3A_9 = arith.constant 80 : i32
    %mul3A_10 = arith.muli %select_n3A_8, %mul3A_9 : i32
    %while3A = arith.constant 0 : i32
    %while3A_11 = arith.constant 0 : i32
    %while3A_12 = arith.subi %select_n3A, %while3A_11 : i32
    %while3A_13 = arith.addi %while3A_11, %while3A_12 : i32
    %while3A_14 = arith.constant 1 : i32
    %while3A_15 = arith.divsi %while3A_12, %while3A_14 : i32
    %while3A_16 = arith.muli %while3A_15, %while3A_14 : i32
    %while3A_17 = arith.addi %while3A_11, %while3A_16 : i32
    %while3A_18 = arith.constant 1 : i32
    scf.for %while3A_20 = %while3A_11 to %while3A_17 step %while3A_18  : i32 {
      %mul3A_21 = arith.constant 80 : i32
      %mul3A_22 = arith.muli %while3A_20, %mul3A_21 : i32
      %add3A_23 = arith.addi %mul3A_10, %mul3A_22 : i32
      "tpu.region"() ({
        %run_scoped3A = tpu.sem_alloc : memref<!tpu.dma_semaphore, #tpu.memory_space<semaphore_mem>>
        %dma_start3A_28 = tpu.memref_slice %arg2[%add3A_23] : memref<10240xi32, #tpu.memory_space<hbm>> -> memref<80xi32, #tpu.memory_space<hbm>>
        %dma_start3A_29 = tpu.memref_slice %arg2[%add3A_23] : memref<10240xi32, #tpu.memory_space<hbm>> -> memref<80xi32, #tpu.memory_space<hbm>>
        tpu.enqueue_dma source(%dma_start3A_29 : memref<80xi32, #tpu.memory_space<hbm>>) target(%arg5 : memref<80xi32, #tpu.memory_space<vmem>>) target_semaphore(%run_scoped3A : memref<!tpu.dma_semaphore, #tpu.memory_space<semaphore_mem>>)
        %dma_wait3A_30 = tpu.memref_slice %arg2[%add3A_23] : memref<10240xi32, #tpu.memory_space<hbm>> -> memref<80xi32, #tpu.memory_space<hbm>>
        %dma_wait3A_31 = tpu.memref_slice %arg2[%add3A_23] : memref<10240xi32, #tpu.memory_space<hbm>> -> memref<80xi32, #tpu.memory_space<hbm>>
        tpu.wait_dma2 semaphore(%run_scoped3A : memref<!tpu.dma_semaphore, #tpu.memory_space<semaphore_mem>>) src(%dma_wait3A_31 : memref<80xi32, #tpu.memory_space<hbm>>) dst(%arg5 : memref<80xi32, #tpu.memory_space<vmem>>)
        tpu.yield
      }) : () -> ()
      %dma_start3A = arith.constant 0 : i32
      %dma_start3A_24 = arith.constant 0 : i32
      %dma_start3A_25 = tpu.memref_slice %arg3[%dma_start3A, %dma_start3A_24] : memref<100000x128xf32, #tpu.memory_space<hbm>> -> memref<100000x128xf32, #tpu.memory_space<hbm>>
      tpu.enqueue_indirect_dma source(%dma_start3A_25 : memref<100000x128xf32, #tpu.memory_space<hbm>>) target(%arg6 : memref<80x128xf32, #tpu.memory_space<vmem>>) offsets(%arg5 : memref<80xi32, #tpu.memory_space<vmem>>) semaphore(%arg7 : memref<!tpu.dma_semaphore, #tpu.memory_space<semaphore_mem>>)
      %dma_wait3A = arith.constant 0 : i32
      %dma_wait3A_26 = arith.constant 0 : i32
      %dma_wait3A_27 = tpu.memref_slice %arg3[%dma_wait3A, %dma_wait3A_26] : memref<100000x128xf32, #tpu.memory_space<hbm>> -> memref<100000x128xf32, #tpu.memory_space<hbm>>
      tpu.wait_indirect_dma semaphore(%arg7 : memref<!tpu.dma_semaphore, #tpu.memory_space<semaphore_mem>>) src(%dma_wait3A_27 : memref<100000x128xf32, #tpu.memory_space<hbm>>) dst(%arg6 : memref<80x128xf32, #tpu.memory_space<vmem>>)
      "tpu.region"() ({
        %run_scoped3A = tpu.sem_alloc : memref<!tpu.dma_semaphore, #tpu.memory_space<semaphore_mem>>
        %dma_start3A_28 = arith.constant 0 : i32
        %dma_start3A_29 = tpu.memref_slice %arg4[%add3A_23, %dma_start3A_28] : memref<10240x128xf32, #tpu.memory_space<hbm>> -> memref<80x128xf32, #tpu.memory_space<hbm>>
        %dma_start3A_30 = arith.constant 0 : i32
        %dma_start3A_31 = tpu.memref_slice %arg4[%add3A_23, %dma_start3A_30] : memref<10240x128xf32, #tpu.memory_space<hbm>> -> memref<80x128xf32, #tpu.memory_space<hbm>>
        tpu.enqueue_dma source(%arg6 : memref<80x128xf32, #tpu.memory_space<vmem>>) target(%dma_start3A_31 : memref<80x128xf32, #tpu.memory_space<hbm>>) target_semaphore(%run_scoped3A : memref<!tpu.dma_semaphore, #tpu.memory_space<semaphore_mem>>)
        %dma_wait3A_32 = arith.constant 0 : i32
        %dma_wait3A_33 = tpu.memref_slice %arg4[%add3A_23, %dma_wait3A_32] : memref<10240x128xf32, #tpu.memory_space<hbm>> -> memref<80x128xf32, #tpu.memory_space<hbm>>
        %dma_wait3A_34 = arith.constant 0 : i32
        %dma_wait3A_35 = tpu.memref_slice %arg4[%add3A_23, %dma_wait3A_34] : memref<10240x128xf32, #tpu.memory_space<hbm>> -> memref<80x128xf32, #tpu.memory_space<hbm>>
        tpu.wait_dma2 semaphore(%run_scoped3A : memref<!tpu.dma_semaphore, #tpu.memory_space<semaphore_mem>>) src(%arg6 : memref<80x128xf32, #tpu.memory_space<vmem>>) dst(%dma_wait3A_35 : memref<80x128xf32, #tpu.memory_space<hbm>>)
        tpu.yield
      }) : () -> ()
    }
    %while3A_19 = arith.constant 1 : i32
    scf.for %while3A_20 = %while3A_17 to %while3A_13 step %while3A_19  : i32 {
      %mul3A_21 = arith.constant 80 : i32
      %mul3A_22 = arith.muli %while3A_20, %mul3A_21 : i32
      %add3A_23 = arith.addi %mul3A_10, %mul3A_22 : i32
      "tpu.region"() ({
        %run_scoped3A = tpu.sem_alloc : memref<!tpu.dma_semaphore, #tpu.memory_space<semaphore_mem>>
        %dma_start3A_28 = tpu.memref_slice %arg2[%add3A_23] : memref<10240xi32, #tpu.memory_space<hbm>> -> memref<80xi32, #tpu.memory_space<hbm>>
        %dma_start3A_29 = tpu.memref_slice %arg2[%add3A_23] : memref<10240xi32, #tpu.memory_space<hbm>> -> memref<80xi32, #tpu.memory_space<hbm>>
        tpu.enqueue_dma source(%dma_start3A_29 : memref<80xi32, #tpu.memory_space<hbm>>) target(%arg5 : memref<80xi32, #tpu.memory_space<vmem>>) target_semaphore(%run_scoped3A : memref<!tpu.dma_semaphore, #tpu.memory_space<semaphore_mem>>)
        %dma_wait3A_30 = tpu.memref_slice %arg2[%add3A_23] : memref<10240xi32, #tpu.memory_space<hbm>> -> memref<80xi32, #tpu.memory_space<hbm>>
        %dma_wait3A_31 = tpu.memref_slice %arg2[%add3A_23] : memref<10240xi32, #tpu.memory_space<hbm>> -> memref<80xi32, #tpu.memory_space<hbm>>
        tpu.wait_dma2 semaphore(%run_scoped3A : memref<!tpu.dma_semaphore, #tpu.memory_space<semaphore_mem>>) src(%dma_wait3A_31 : memref<80xi32, #tpu.memory_space<hbm>>) dst(%arg5 : memref<80xi32, #tpu.memory_space<vmem>>)
        tpu.yield
      }) : () -> ()
      %dma_start3A = arith.constant 0 : i32
      %dma_start3A_24 = arith.constant 0 : i32
      %dma_start3A_25 = tpu.memref_slice %arg3[%dma_start3A, %dma_start3A_24] : memref<100000x128xf32, #tpu.memory_space<hbm>> -> memref<100000x128xf32, #tpu.memory_space<hbm>>
      tpu.enqueue_indirect_dma source(%dma_start3A_25 : memref<100000x128xf32, #tpu.memory_space<hbm>>) target(%arg6 : memref<80x128xf32, #tpu.memory_space<vmem>>) offsets(%arg5 : memref<80xi32, #tpu.memory_space<vmem>>) semaphore(%arg7 : memref<!tpu.dma_semaphore, #tpu.memory_space<semaphore_mem>>)
      %dma_wait3A = arith.constant 0 : i32
      %dma_wait3A_26 = arith.constant 0 : i32
      %dma_wait3A_27 = tpu.memref_slice %arg3[%dma_wait3A, %dma_wait3A_26] : memref<100000x128xf32, #tpu.memory_space<hbm>> -> memref<100000x128xf32, #tpu.memory_space<hbm>>
      tpu.wait_indirect_dma semaphore(%arg7 : memref<!tpu.dma_semaphore, #tpu.memory_space<semaphore_mem>>) src(%dma_wait3A_27 : memref<100000x128xf32, #tpu.memory_space<hbm>>) dst(%arg6 : memref<80x128xf32, #tpu.memory_space<vmem>>)
      "tpu.region"() ({
        %run_scoped3A = tpu.sem_alloc : memref<!tpu.dma_semaphore, #tpu.memory_space<semaphore_mem>>
        %dma_start3A_28 = arith.constant 0 : i32
        %dma_start3A_29 = tpu.memref_slice %arg4[%add3A_23, %dma_start3A_28] : memref<10240x128xf32, #tpu.memory_space<hbm>> -> memref<80x128xf32, #tpu.memory_space<hbm>>
        %dma_start3A_30 = arith.constant 0 : i32
        %dma_start3A_31 = tpu.memref_slice %arg4[%add3A_23, %dma_start3A_30] : memref<10240x128xf32, #tpu.memory_space<hbm>> -> memref<80x128xf32, #tpu.memory_space<hbm>>
        tpu.enqueue_dma source(%arg6 : memref<80x128xf32, #tpu.memory_space<vmem>>) target(%dma_start3A_31 : memref<80x128xf32, #tpu.memory_space<hbm>>) target_semaphore(%run_scoped3A : memref<!tpu.dma_semaphore, #tpu.memory_space<semaphore_mem>>)
        %dma_wait3A_32 = arith.constant 0 : i32
        %dma_wait3A_33 = tpu.memref_slice %arg4[%add3A_23, %dma_wait3A_32] : memref<10240x128xf32, #tpu.memory_space<hbm>> -> memref<80x128xf32, #tpu.memory_space<hbm>>
        %dma_wait3A_34 = arith.constant 0 : i32
        %dma_wait3A_35 = tpu.memref_slice %arg4[%add3A_23, %dma_wait3A_34] : memref<10240x128xf32, #tpu.memory_space<hbm>> -> memref<80x128xf32, #tpu.memory_space<hbm>>
        tpu.wait_dma2 semaphore(%run_scoped3A : memref<!tpu.dma_semaphore, #tpu.memory_space<semaphore_mem>>) src(%arg6 : memref<80x128xf32, #tpu.memory_space<vmem>>) dst(%dma_wait3A_35 : memref<80x128xf32, #tpu.memory_space<hbm>>)
        tpu.yield
      }) : () -> ()
    }
    return
  }
}

#map = affine_map<(d0, d1) -> (0, 0, 0)>
#map1 = affine_map<(d0, d1) -> (0, 0)>
module attributes {stable_mosaic.version = 14 : i64} {
  func.func @_edge_a(%arg0: i32, %arg1: i32, %arg2: memref<5056x2x64xi32, #tpu.memory_space<hbm>>, %arg3: memref<10000x128xf32, #tpu.memory_space<hbm>>, %arg4: memref<20224x128xf32, #tpu.memory_space<hbm>>, %arg5: memref<4x2x64xi32, #tpu.memory_space<vmem>>, %arg6: memref<2x64x128xf32, #tpu.memory_space<vmem>>, %arg7: memref<10112x128xf32, #tpu.memory_space<vmem_shared>>, %arg8: memref<4x!tpu.dma_semaphore, #tpu.memory_space<semaphore_mem>>, %arg9: memref<2x!tpu.dma_semaphore, #tpu.memory_space<semaphore_mem>>, %arg10: memref<2x!tpu.dma_semaphore, #tpu.memory_space<semaphore_mem>>) attributes {dimension_semantics = [#tpu.dimension_semantics<core_parallel>, #tpu.dimension_semantics<subcore_parallel>], iteration_bounds = array<i64: 2, 16>, scalar_prefetch = 0 : i64, scratch_operands = 6 : i64, tpu.core_type = #tpu.core_type<sc_vector_subcore>, window_params = [{transform_indices = #map}, {transform_indices = #map1}, {transform_indices = #map1}]} {
    %eq3A = arith.constant 0 : i32
    %eq3A_0 = arith.cmpi eq, %arg0, %eq3A : i32
    %jit3A = arith.constant 260 : i32
    %jit3A_1 = arith.constant 56 : i32
    %select_n3A = arith.select %eq3A_0, %jit3A, %jit3A_1 : i32
    %eq3A_2 = arith.constant 0 : i32
    %eq3A_3 = arith.cmpi eq, %arg0, %eq3A_2 : i32
    %mul3A = arith.constant 260 : i32
    %mul3A_4 = arith.muli %arg1, %mul3A : i32
    %mul3A_5 = arith.constant 56 : i32
    %mul3A_6 = arith.muli %arg1, %mul3A_5 : i32
    %add3A = arith.constant 4160 : i32
    %add3A_7 = arith.addi %add3A, %mul3A_6 : i32
    %select_n3A_8 = arith.select %eq3A_3, %mul3A_4, %add3A_7 : i32
    %mul3A_9 = arith.constant 632 : i32
    %mul3A_10 = arith.muli %arg1, %mul3A_9 : i32
    %parallel_loop3A = arith.constant 0 : i32
    %parallel_loop3A_11 = arith.constant 64 : i32
    %parallel_loop3A_12 = arith.constant 1 : i32
    scf.for %parallel_loop3A_172 = %parallel_loop3A to %parallel_loop3A_11 step %parallel_loop3A_12  : i32 {
      %parallel_loop3A_173 = arith.constant 0.000000e+00 : f32
      %parallel_loop3A_174 = vector.broadcast %parallel_loop3A_173 : f32 to vector<16xf32>
      %parallel_loop3A_175 = arith.constant 0 : i32
      %parallel_loop3A_176 = arith.index_cast %parallel_loop3A_175 : i32 to index
      %parallel_loop3A_177 = arith.index_cast %parallel_loop3A_172 : i32 to index
      %parallel_loop3A_178 = arith.constant 0 : index
      %parallel_loop3A_179 = tpu.vector_load %arg6[%parallel_loop3A_176, %parallel_loop3A_177, %parallel_loop3A_178] {strides = array<i32>} : memref<2x64x128xf32, #tpu.memory_space<vmem>>, vector<1x1x16xf32>,
      %parallel_loop3A_180 = vector.shape_cast %parallel_loop3A_179 : vector<1x1x16xf32> to vector<16xf32>
      %parallel_loop3A_181 = vector.shape_cast %parallel_loop3A_174 : vector<16xf32> to vector<1x1x16xf32>
      tpu.vector_store %arg6[%parallel_loop3A_176, %parallel_loop3A_177, %parallel_loop3A_178], %parallel_loop3A_181 {strides = array<i32>} : memref<2x64x128xf32, #tpu.memory_space<vmem>>, vector<1x1x16xf32>,
      %parallel_loop3A_182 = arith.constant 0.000000e+00 : f32
      %parallel_loop3A_183 = vector.broadcast %parallel_loop3A_182 : f32 to vector<16xf32>
      %parallel_loop3A_184 = arith.constant 0 : i32
      %parallel_loop3A_185 = arith.index_cast %parallel_loop3A_184 : i32 to index
      %parallel_loop3A_186 = arith.index_cast %parallel_loop3A_172 : i32 to index
      %parallel_loop3A_187 = arith.constant 16 : index
      %parallel_loop3A_188 = tpu.vector_load %arg6[%parallel_loop3A_185, %parallel_loop3A_186, %parallel_loop3A_187] {strides = array<i32>} : memref<2x64x128xf32, #tpu.memory_space<vmem>>, vector<1x1x16xf32>,
      %parallel_loop3A_189 = vector.shape_cast %parallel_loop3A_188 : vector<1x1x16xf32> to vector<16xf32>
      %parallel_loop3A_190 = vector.shape_cast %parallel_loop3A_183 : vector<16xf32> to vector<1x1x16xf32>
      tpu.vector_store %arg6[%parallel_loop3A_185, %parallel_loop3A_186, %parallel_loop3A_187], %parallel_loop3A_190 {strides = array<i32>} : memref<2x64x128xf32, #tpu.memory_space<vmem>>, vector<1x1x16xf32>,
      %parallel_loop3A_191 = arith.constant 0.000000e+00 : f32
      %parallel_loop3A_192 = vector.broadcast %parallel_loop3A_191 : f32 to vector<16xf32>
      %parallel_loop3A_193 = arith.constant 0 : i32
      %parallel_loop3A_194 = arith.index_cast %parallel_loop3A_193 : i32 to index
      %parallel_loop3A_195 = arith.index_cast %parallel_loop3A_172 : i32 to index
      %parallel_loop3A_196 = arith.constant 32 : index
      %parallel_loop3A_197 = tpu.vector_load %arg6[%parallel_loop3A_194, %parallel_loop3A_195, %parallel_loop3A_196] {strides = array<i32>} : memref<2x64x128xf32, #tpu.memory_space<vmem>>, vector<1x1x16xf32>,
      %parallel_loop3A_198 = vector.shape_cast %parallel_loop3A_197 : vector<1x1x16xf32> to vector<16xf32>
      %parallel_loop3A_199 = vector.shape_cast %parallel_loop3A_192 : vector<16xf32> to vector<1x1x16xf32>
      tpu.vector_store %arg6[%parallel_loop3A_194, %parallel_loop3A_195, %parallel_loop3A_196], %parallel_loop3A_199 {strides = array<i32>} : memref<2x64x128xf32, #tpu.memory_space<vmem>>, vector<1x1x16xf32>,
      %parallel_loop3A_200 = arith.constant 0.000000e+00 : f32
      %parallel_loop3A_201 = vector.broadcast %parallel_loop3A_200 : f32 to vector<16xf32>
      %parallel_loop3A_202 = arith.constant 0 : i32
      %parallel_loop3A_203 = arith.index_cast %parallel_loop3A_202 : i32 to index
      %parallel_loop3A_204 = arith.index_cast %parallel_loop3A_172 : i32 to index
      %parallel_loop3A_205 = arith.constant 48 : index
      %parallel_loop3A_206 = tpu.vector_load %arg6[%parallel_loop3A_203, %parallel_loop3A_204, %parallel_loop3A_205] {strides = array<i32>} : memref<2x64x128xf32, #tpu.memory_space<vmem>>, vector<1x1x16xf32>,
      %parallel_loop3A_207 = vector.shape_cast %parallel_loop3A_206 : vector<1x1x16xf32> to vector<16xf32>
      %parallel_loop3A_208 = vector.shape_cast %parallel_loop3A_201 : vector<16xf32> to vector<1x1x16xf32>
      tpu.vector_store %arg6[%parallel_loop3A_203, %parallel_loop3A_204, %parallel_loop3A_205], %parallel_loop3A_208 {strides = array<i32>} : memref<2x64x128xf32, #tpu.memory_space<vmem>>, vector<1x1x16xf32>,
      %parallel_loop3A_209 = arith.constant 0.000000e+00 : f32
      %parallel_loop3A_210 = vector.broadcast %parallel_loop3A_209 : f32 to vector<16xf32>
      %parallel_loop3A_211 = arith.constant 0 : i32
      %parallel_loop3A_212 = arith.index_cast %parallel_loop3A_211 : i32 to index
      %parallel_loop3A_213 = arith.index_cast %parallel_loop3A_172 : i32 to index
      %parallel_loop3A_214 = arith.constant 64 : index
      %parallel_loop3A_215 = tpu.vector_load %arg6[%parallel_loop3A_212, %parallel_loop3A_213, %parallel_loop3A_214] {strides = array<i32>} : memref<2x64x128xf32, #tpu.memory_space<vmem>>, vector<1x1x16xf32>,
      %parallel_loop3A_216 = vector.shape_cast %parallel_loop3A_215 : vector<1x1x16xf32> to vector<16xf32>
      %parallel_loop3A_217 = vector.shape_cast %parallel_loop3A_210 : vector<16xf32> to vector<1x1x16xf32>
      tpu.vector_store %arg6[%parallel_loop3A_212, %parallel_loop3A_213, %parallel_loop3A_214], %parallel_loop3A_217 {strides = array<i32>} : memref<2x64x128xf32, #tpu.memory_space<vmem>>, vector<1x1x16xf32>,
      %parallel_loop3A_218 = arith.constant 0.000000e+00 : f32
      %parallel_loop3A_219 = vector.broadcast %parallel_loop3A_218 : f32 to vector<16xf32>
      %parallel_loop3A_220 = arith.constant 0 : i32
      %parallel_loop3A_221 = arith.index_cast %parallel_loop3A_220 : i32 to index
      %parallel_loop3A_222 = arith.index_cast %parallel_loop3A_172 : i32 to index
      %parallel_loop3A_223 = arith.constant 80 : index
      %parallel_loop3A_224 = tpu.vector_load %arg6[%parallel_loop3A_221, %parallel_loop3A_222, %parallel_loop3A_223] {strides = array<i32>} : memref<2x64x128xf32, #tpu.memory_space<vmem>>, vector<1x1x16xf32>,
      %parallel_loop3A_225 = vector.shape_cast %parallel_loop3A_224 : vector<1x1x16xf32> to vector<16xf32>
      %parallel_loop3A_226 = vector.shape_cast %parallel_loop3A_219 : vector<16xf32> to vector<1x1x16xf32>
      tpu.vector_store %arg6[%parallel_loop3A_221, %parallel_loop3A_222, %parallel_loop3A_223], %parallel_loop3A_226 {strides = array<i32>} : memref<2x64x128xf32, #tpu.memory_space<vmem>>, vector<1x1x16xf32>,
      %parallel_loop3A_227 = arith.constant 0.000000e+00 : f32
      %parallel_loop3A_228 = vector.broadcast %parallel_loop3A_227 : f32 to vector<16xf32>
      %parallel_loop3A_229 = arith.constant 0 : i32
      %parallel_loop3A_230 = arith.index_cast %parallel_loop3A_229 : i32 to index
      %parallel_loop3A_231 = arith.index_cast %parallel_loop3A_172 : i32 to index
      %parallel_loop3A_232 = arith.constant 96 : index
      %parallel_loop3A_233 = tpu.vector_load %arg6[%parallel_loop3A_230, %parallel_loop3A_231, %parallel_loop3A_232] {strides = array<i32>} : memref<2x64x128xf32, #tpu.memory_space<vmem>>, vector<1x1x16xf32>,
      %parallel_loop3A_234 = vector.shape_cast %parallel_loop3A_233 : vector<1x1x16xf32> to vector<16xf32>
      %parallel_loop3A_235 = vector.shape_cast %parallel_loop3A_228 : vector<16xf32> to vector<1x1x16xf32>
      tpu.vector_store %arg6[%parallel_loop3A_230, %parallel_loop3A_231, %parallel_loop3A_232], %parallel_loop3A_235 {strides = array<i32>} : memref<2x64x128xf32, #tpu.memory_space<vmem>>, vector<1x1x16xf32>,
      %parallel_loop3A_236 = arith.constant 0.000000e+00 : f32
      %parallel_loop3A_237 = vector.broadcast %parallel_loop3A_236 : f32 to vector<16xf32>
      %parallel_loop3A_238 = arith.constant 0 : i32
      %parallel_loop3A_239 = arith.index_cast %parallel_loop3A_238 : i32 to index
      %parallel_loop3A_240 = arith.index_cast %parallel_loop3A_172 : i32 to index
      %parallel_loop3A_241 = arith.constant 112 : index
      %parallel_loop3A_242 = tpu.vector_load %arg6[%parallel_loop3A_239, %parallel_loop3A_240, %parallel_loop3A_241] {strides = array<i32>} : memref<2x64x128xf32, #tpu.memory_space<vmem>>, vector<1x1x16xf32>,
      %parallel_loop3A_243 = vector.shape_cast %parallel_loop3A_242 : vector<1x1x16xf32> to vector<16xf32>
      %parallel_loop3A_244 = vector.shape_cast %parallel_loop3A_237 : vector<16xf32> to vector<1x1x16xf32>
      tpu.vector_store %arg6[%parallel_loop3A_239, %parallel_loop3A_240, %parallel_loop3A_241], %parallel_loop3A_244 {strides = array<i32>} : memref<2x64x128xf32, #tpu.memory_space<vmem>>, vector<1x1x16xf32>,
    } {sc.loop_unroll_factor = 4 : i64, sc.parallel_access}
    %add3A_13 = arith.constant 0 : i32
    %add3A_14 = arith.addi %mul3A_10, %add3A_13 : i32
    %run_scoped3A = arith.constant 0 : i32
    "tpu.region"() ({
      %run_scoped3A_172 = tpu.sem_alloc : memref<!tpu.dma_semaphore, #tpu.memory_space<semaphore_mem>>
      %dma_start3A_173 = arith.constant 0 : i32
      %dma_start3A_174 = arith.constant 0 : i32
      %dma_start3A_175 = tpu.memref_slice %arg6[%run_scoped3A, %dma_start3A_173, %dma_start3A_174] : memref<2x64x128xf32, #tpu.memory_space<vmem>> -> memref<1x64x128xf32, #tpu.memory_space<vmem>>
      %dma_start3A_176 = tpu.memref_squeeze %dma_start3A_175 : memref<1x64x128xf32, #tpu.memory_space<vmem>> -> memref<64x128xf32, #tpu.memory_space<vmem>>
      %dma_start3A_177 = arith.constant 0 : i32
      %dma_start3A_178 = tpu.memref_slice %arg7[%add3A_14, %dma_start3A_177] : memref<10112x128xf32, #tpu.memory_space<vmem_shared>> -> memref<64x128xf32, #tpu.memory_space<vmem_shared>>
      %dma_start3A_179 = arith.constant 0 : i32
      %dma_start3A_180 = tpu.memref_slice %arg7[%add3A_14, %dma_start3A_179] : memref<10112x128xf32, #tpu.memory_space<vmem_shared>> -> memref<64x128xf32, #tpu.memory_space<vmem_shared>>
      %dma_start3A_181 = arith.constant 0 : i32
      %dma_start3A_182 = arith.constant 0 : i32
      %dma_start3A_183 = tpu.memref_slice %arg6[%run_scoped3A, %dma_start3A_181, %dma_start3A_182] : memref<2x64x128xf32, #tpu.memory_space<vmem>> -> memref<1x64x128xf32, #tpu.memory_space<vmem>>
      %dma_start3A_184 = tpu.memref_squeeze %dma_start3A_183 : memref<1x64x128xf32, #tpu.memory_space<vmem>> -> memref<64x128xf32, #tpu.memory_space<vmem>>
      tpu.enqueue_dma source(%dma_start3A_184 : memref<64x128xf32, #tpu.memory_space<vmem>>) target(%dma_start3A_180 : memref<64x128xf32, #tpu.memory_space<vmem_shared>>) target_semaphore(%run_scoped3A_172 : memref<!tpu.dma_semaphore, #tpu.memory_space<semaphore_mem>>)
      %dma_wait3A_185 = arith.constant 0 : i32
      %dma_wait3A_186 = arith.constant 0 : i32
      %dma_wait3A_187 = tpu.memref_slice %arg6[%run_scoped3A, %dma_wait3A_185, %dma_wait3A_186] : memref<2x64x128xf32, #tpu.memory_space<vmem>> -> memref<1x64x128xf32, #tpu.memory_space<vmem>>
      %dma_wait3A_188 = tpu.memref_squeeze %dma_wait3A_187 : memref<1x64x128xf32, #tpu.memory_space<vmem>> -> memref<64x128xf32, #tpu.memory_space<vmem>>
      %dma_wait3A_189 = arith.constant 0 : i32
      %dma_wait3A_190 = tpu.memref_slice %arg7[%add3A_14, %dma_wait3A_189] : memref<10112x128xf32, #tpu.memory_space<vmem_shared>> -> memref<64x128xf32, #tpu.memory_space<vmem_shared>>
      %dma_wait3A_191 = arith.constant 0 : i32
      %dma_wait3A_192 = tpu.memref_slice %arg7[%add3A_14, %dma_wait3A_191] : memref<10112x128xf32, #tpu.memory_space<vmem_shared>> -> memref<64x128xf32, #tpu.memory_space<vmem_shared>>
      %dma_wait3A_193 = arith.constant 0 : i32
      %dma_wait3A_194 = arith.constant 0 : i32
      %dma_wait3A_195 = tpu.memref_slice %arg6[%run_scoped3A, %dma_wait3A_193, %dma_wait3A_194] : memref<2x64x128xf32, #tpu.memory_space<vmem>> -> memref<1x64x128xf32, #tpu.memory_space<vmem>>
      %dma_wait3A_196 = tpu.memref_squeeze %dma_wait3A_195 : memref<1x64x128xf32, #tpu.memory_space<vmem>> -> memref<64x128xf32, #tpu.memory_space<vmem>>
      tpu.wait_dma2 semaphore(%run_scoped3A_172 : memref<!tpu.dma_semaphore, #tpu.memory_space<semaphore_mem>>) src(%dma_wait3A_196 : memref<64x128xf32, #tpu.memory_space<vmem>>) dst(%dma_wait3A_192 : memref<64x128xf32, #tpu.memory_space<vmem_shared>>)
      tpu.yield
    }) : () -> ()
    %add3A_15 = arith.constant 64 : i32
    %add3A_16 = arith.addi %mul3A_10, %add3A_15 : i32
    %run_scoped3A_17 = arith.constant 0 : i32
    "tpu.region"() ({
      %run_scoped3A_172 = tpu.sem_alloc : memref<!tpu.dma_semaphore, #tpu.memory_space<semaphore_mem>>
      %dma_start3A_173 = arith.constant 0 : i32
      %dma_start3A_174 = arith.constant 0 : i32
      %dma_start3A_175 = tpu.memref_slice %arg6[%run_scoped3A_17, %dma_start3A_173, %dma_start3A_174] : memref<2x64x128xf32, #tpu.memory_space<vmem>> -> memref<1x64x128xf32, #tpu.memory_space<vmem>>
      %dma_start3A_176 = tpu.memref_squeeze %dma_start3A_175 : memref<1x64x128xf32, #tpu.memory_space<vmem>> -> memref<64x128xf32, #tpu.memory_space<vmem>>
      %dma_start3A_177 = arith.constant 0 : i32
      %dma_start3A_178 = tpu.memref_slice %arg7[%add3A_16, %dma_start3A_177] : memref<10112x128xf32, #tpu.memory_space<vmem_shared>> -> memref<64x128xf32, #tpu.memory_space<vmem_shared>>
      %dma_start3A_179 = arith.constant 0 : i32
      %dma_start3A_180 = tpu.memref_slice %arg7[%add3A_16, %dma_start3A_179] : memref<10112x128xf32, #tpu.memory_space<vmem_shared>> -> memref<64x128xf32, #tpu.memory_space<vmem_shared>>
      %dma_start3A_181 = arith.constant 0 : i32
      %dma_start3A_182 = arith.constant 0 : i32
      %dma_start3A_183 = tpu.memref_slice %arg6[%run_scoped3A_17, %dma_start3A_181, %dma_start3A_182] : memref<2x64x128xf32, #tpu.memory_space<vmem>> -> memref<1x64x128xf32, #tpu.memory_space<vmem>>
      %dma_start3A_184 = tpu.memref_squeeze %dma_start3A_183 : memref<1x64x128xf32, #tpu.memory_space<vmem>> -> memref<64x128xf32, #tpu.memory_space<vmem>>
      tpu.enqueue_dma source(%dma_start3A_184 : memref<64x128xf32, #tpu.memory_space<vmem>>) target(%dma_start3A_180 : memref<64x128xf32, #tpu.memory_space<vmem_shared>>) target_semaphore(%run_scoped3A_172 : memref<!tpu.dma_semaphore, #tpu.memory_space<semaphore_mem>>)
      %dma_wait3A_185 = arith.constant 0 : i32
      %dma_wait3A_186 = arith.constant 0 : i32
      %dma_wait3A_187 = tpu.memref_slice %arg6[%run_scoped3A_17, %dma_wait3A_185, %dma_wait3A_186] : memref<2x64x128xf32, #tpu.memory_space<vmem>> -> memref<1x64x128xf32, #tpu.memory_space<vmem>>
      %dma_wait3A_188 = tpu.memref_squeeze %dma_wait3A_187 : memref<1x64x128xf32, #tpu.memory_space<vmem>> -> memref<64x128xf32, #tpu.memory_space<vmem>>
      %dma_wait3A_189 = arith.constant 0 : i32
      %dma_wait3A_190 = tpu.memref_slice %arg7[%add3A_16, %dma_wait3A_189] : memref<10112x128xf32, #tpu.memory_space<vmem_shared>> -> memref<64x128xf32, #tpu.memory_space<vmem_shared>>
      %dma_wait3A_191 = arith.constant 0 : i32
      %dma_wait3A_192 = tpu.memref_slice %arg7[%add3A_16, %dma_wait3A_191] : memref<10112x128xf32, #tpu.memory_space<vmem_shared>> -> memref<64x128xf32, #tpu.memory_space<vmem_shared>>
      %dma_wait3A_193 = arith.constant 0 : i32
      %dma_wait3A_194 = arith.constant 0 : i32
      %dma_wait3A_195 = tpu.memref_slice %arg6[%run_scoped3A_17, %dma_wait3A_193, %dma_wait3A_194] : memref<2x64x128xf32, #tpu.memory_space<vmem>> -> memref<1x64x128xf32, #tpu.memory_space<vmem>>
      %dma_wait3A_196 = tpu.memref_squeeze %dma_wait3A_195 : memref<1x64x128xf32, #tpu.memory_space<vmem>> -> memref<64x128xf32, #tpu.memory_space<vmem>>
      tpu.wait_dma2 semaphore(%run_scoped3A_172 : memref<!tpu.dma_semaphore, #tpu.memory_space<semaphore_mem>>) src(%dma_wait3A_196 : memref<64x128xf32, #tpu.memory_space<vmem>>) dst(%dma_wait3A_192 : memref<64x128xf32, #tpu.memory_space<vmem_shared>>)
      tpu.yield
    }) : () -> ()
    %add3A_18 = arith.constant 128 : i32
    %add3A_19 = arith.addi %mul3A_10, %add3A_18 : i32
    %run_scoped3A_20 = arith.constant 0 : i32
    "tpu.region"() ({
      %run_scoped3A_172 = tpu.sem_alloc : memref<!tpu.dma_semaphore, #tpu.memory_space<semaphore_mem>>
      %dma_start3A_173 = arith.constant 0 : i32
      %dma_start3A_174 = arith.constant 0 : i32
      %dma_start3A_175 = tpu.memref_slice %arg6[%run_scoped3A_20, %dma_start3A_173, %dma_start3A_174] : memref<2x64x128xf32, #tpu.memory_space<vmem>> -> memref<1x64x128xf32, #tpu.memory_space<vmem>>
      %dma_start3A_176 = tpu.memref_squeeze %dma_start3A_175 : memref<1x64x128xf32, #tpu.memory_space<vmem>> -> memref<64x128xf32, #tpu.memory_space<vmem>>
      %dma_start3A_177 = arith.constant 0 : i32
      %dma_start3A_178 = tpu.memref_slice %arg7[%add3A_19, %dma_start3A_177] : memref<10112x128xf32, #tpu.memory_space<vmem_shared>> -> memref<64x128xf32, #tpu.memory_space<vmem_shared>>
      %dma_start3A_179 = arith.constant 0 : i32
      %dma_start3A_180 = tpu.memref_slice %arg7[%add3A_19, %dma_start3A_179] : memref<10112x128xf32, #tpu.memory_space<vmem_shared>> -> memref<64x128xf32, #tpu.memory_space<vmem_shared>>
      %dma_start3A_181 = arith.constant 0 : i32
      %dma_start3A_182 = arith.constant 0 : i32
      %dma_start3A_183 = tpu.memref_slice %arg6[%run_scoped3A_20, %dma_start3A_181, %dma_start3A_182] : memref<2x64x128xf32, #tpu.memory_space<vmem>> -> memref<1x64x128xf32, #tpu.memory_space<vmem>>
      %dma_start3A_184 = tpu.memref_squeeze %dma_start3A_183 : memref<1x64x128xf32, #tpu.memory_space<vmem>> -> memref<64x128xf32, #tpu.memory_space<vmem>>
      tpu.enqueue_dma source(%dma_start3A_184 : memref<64x128xf32, #tpu.memory_space<vmem>>) target(%dma_start3A_180 : memref<64x128xf32, #tpu.memory_space<vmem_shared>>) target_semaphore(%run_scoped3A_172 : memref<!tpu.dma_semaphore, #tpu.memory_space<semaphore_mem>>)
      %dma_wait3A_185 = arith.constant 0 : i32
      %dma_wait3A_186 = arith.constant 0 : i32
      %dma_wait3A_187 = tpu.memref_slice %arg6[%run_scoped3A_20, %dma_wait3A_185, %dma_wait3A_186] : memref<2x64x128xf32, #tpu.memory_space<vmem>> -> memref<1x64x128xf32, #tpu.memory_space<vmem>>
      %dma_wait3A_188 = tpu.memref_squeeze %dma_wait3A_187 : memref<1x64x128xf32, #tpu.memory_space<vmem>> -> memref<64x128xf32, #tpu.memory_space<vmem>>
      %dma_wait3A_189 = arith.constant 0 : i32
      %dma_wait3A_190 = tpu.memref_slice %arg7[%add3A_19, %dma_wait3A_189] : memref<10112x128xf32, #tpu.memory_space<vmem_shared>> -> memref<64x128xf32, #tpu.memory_space<vmem_shared>>
      %dma_wait3A_191 = arith.constant 0 : i32
      %dma_wait3A_192 = tpu.memref_slice %arg7[%add3A_19, %dma_wait3A_191] : memref<10112x128xf32, #tpu.memory_space<vmem_shared>> -> memref<64x128xf32, #tpu.memory_space<vmem_shared>>
      %dma_wait3A_193 = arith.constant 0 : i32
      %dma_wait3A_194 = arith.constant 0 : i32
      %dma_wait3A_195 = tpu.memref_slice %arg6[%run_scoped3A_20, %dma_wait3A_193, %dma_wait3A_194] : memref<2x64x128xf32, #tpu.memory_space<vmem>> -> memref<1x64x128xf32, #tpu.memory_space<vmem>>
      %dma_wait3A_196 = tpu.memref_squeeze %dma_wait3A_195 : memref<1x64x128xf32, #tpu.memory_space<vmem>> -> memref<64x128xf32, #tpu.memory_space<vmem>>
      tpu.wait_dma2 semaphore(%run_scoped3A_172 : memref<!tpu.dma_semaphore, #tpu.memory_space<semaphore_mem>>) src(%dma_wait3A_196 : memref<64x128xf32, #tpu.memory_space<vmem>>) dst(%dma_wait3A_192 : memref<64x128xf32, #tpu.memory_space<vmem_shared>>)
      tpu.yield
    }) : () -> ()
    %add3A_21 = arith.constant 192 : i32
    %add3A_22 = arith.addi %mul3A_10, %add3A_21 : i32
    %run_scoped3A_23 = arith.constant 0 : i32
    "tpu.region"() ({
      %run_scoped3A_172 = tpu.sem_alloc : memref<!tpu.dma_semaphore, #tpu.memory_space<semaphore_mem>>
      %dma_start3A_173 = arith.constant 0 : i32
      %dma_start3A_174 = arith.constant 0 : i32
      %dma_start3A_175 = tpu.memref_slice %arg6[%run_scoped3A_23, %dma_start3A_173, %dma_start3A_174] : memref<2x64x128xf32, #tpu.memory_space<vmem>> -> memref<1x64x128xf32, #tpu.memory_space<vmem>>
      %dma_start3A_176 = tpu.memref_squeeze %dma_start3A_175 : memref<1x64x128xf32, #tpu.memory_space<vmem>> -> memref<64x128xf32, #tpu.memory_space<vmem>>
      %dma_start3A_177 = arith.constant 0 : i32
      %dma_start3A_178 = tpu.memref_slice %arg7[%add3A_22, %dma_start3A_177] : memref<10112x128xf32, #tpu.memory_space<vmem_shared>> -> memref<64x128xf32, #tpu.memory_space<vmem_shared>>
      %dma_start3A_179 = arith.constant 0 : i32
      %dma_start3A_180 = tpu.memref_slice %arg7[%add3A_22, %dma_start3A_179] : memref<10112x128xf32, #tpu.memory_space<vmem_shared>> -> memref<64x128xf32, #tpu.memory_space<vmem_shared>>
      %dma_start3A_181 = arith.constant 0 : i32
      %dma_start3A_182 = arith.constant 0 : i32
      %dma_start3A_183 = tpu.memref_slice %arg6[%run_scoped3A_23, %dma_start3A_181, %dma_start3A_182] : memref<2x64x128xf32, #tpu.memory_space<vmem>> -> memref<1x64x128xf32, #tpu.memory_space<vmem>>
      %dma_start3A_184 = tpu.memref_squeeze %dma_start3A_183 : memref<1x64x128xf32, #tpu.memory_space<vmem>> -> memref<64x128xf32, #tpu.memory_space<vmem>>
      tpu.enqueue_dma source(%dma_start3A_184 : memref<64x128xf32, #tpu.memory_space<vmem>>) target(%dma_start3A_180 : memref<64x128xf32, #tpu.memory_space<vmem_shared>>) target_semaphore(%run_scoped3A_172 : memref<!tpu.dma_semaphore, #tpu.memory_space<semaphore_mem>>)
      %dma_wait3A_185 = arith.constant 0 : i32
      %dma_wait3A_186 = arith.constant 0 : i32
      %dma_wait3A_187 = tpu.memref_slice %arg6[%run_scoped3A_23, %dma_wait3A_185, %dma_wait3A_186] : memref<2x64x128xf32, #tpu.memory_space<vmem>> -> memref<1x64x128xf32, #tpu.memory_space<vmem>>
      %dma_wait3A_188 = tpu.memref_squeeze %dma_wait3A_187 : memref<1x64x128xf32, #tpu.memory_space<vmem>> -> memref<64x128xf32, #tpu.memory_space<vmem>>
      %dma_wait3A_189 = arith.constant 0 : i32
      %dma_wait3A_190 = tpu.memref_slice %arg7[%add3A_22, %dma_wait3A_189] : memref<10112x128xf32, #tpu.memory_space<vmem_shared>> -> memref<64x128xf32, #tpu.memory_space<vmem_shared>>
      %dma_wait3A_191 = arith.constant 0 : i32
      %dma_wait3A_192 = tpu.memref_slice %arg7[%add3A_22, %dma_wait3A_191] : memref<10112x128xf32, #tpu.memory_space<vmem_shared>> -> memref<64x128xf32, #tpu.memory_space<vmem_shared>>
      %dma_wait3A_193 = arith.constant 0 : i32
      %dma_wait3A_194 = arith.constant 0 : i32
      %dma_wait3A_195 = tpu.memref_slice %arg6[%run_scoped3A_23, %dma_wait3A_193, %dma_wait3A_194] : memref<2x64x128xf32, #tpu.memory_space<vmem>> -> memref<1x64x128xf32, #tpu.memory_space<vmem>>
      %dma_wait3A_196 = tpu.memref_squeeze %dma_wait3A_195 : memref<1x64x128xf32, #tpu.memory_space<vmem>> -> memref<64x128xf32, #tpu.memory_space<vmem>>
      tpu.wait_dma2 semaphore(%run_scoped3A_172 : memref<!tpu.dma_semaphore, #tpu.memory_space<semaphore_mem>>) src(%dma_wait3A_196 : memref<64x128xf32, #tpu.memory_space<vmem>>) dst(%dma_wait3A_192 : memref<64x128xf32, #tpu.memory_space<vmem_shared>>)
      tpu.yield
    }) : () -> ()
    %add3A_24 = arith.constant 256 : i32
    %add3A_25 = arith.addi %mul3A_10, %add3A_24 : i32
    %run_scoped3A_26 = arith.constant 0 : i32
    "tpu.region"() ({
      %run_scoped3A_172 = tpu.sem_alloc : memref<!tpu.dma_semaphore, #tpu.memory_space<semaphore_mem>>
      %dma_start3A_173 = arith.constant 0 : i32
      %dma_start3A_174 = arith.constant 0 : i32
      %dma_start3A_175 = tpu.memref_slice %arg6[%run_scoped3A_26, %dma_start3A_173, %dma_start3A_174] : memref<2x64x128xf32, #tpu.memory_space<vmem>> -> memref<1x64x128xf32, #tpu.memory_space<vmem>>
      %dma_start3A_176 = tpu.memref_squeeze %dma_start3A_175 : memref<1x64x128xf32, #tpu.memory_space<vmem>> -> memref<64x128xf32, #tpu.memory_space<vmem>>
      %dma_start3A_177 = arith.constant 0 : i32
      %dma_start3A_178 = tpu.memref_slice %arg7[%add3A_25, %dma_start3A_177] : memref<10112x128xf32, #tpu.memory_space<vmem_shared>> -> memref<64x128xf32, #tpu.memory_space<vmem_shared>>
      %dma_start3A_179 = arith.constant 0 : i32
      %dma_start3A_180 = tpu.memref_slice %arg7[%add3A_25, %dma_start3A_179] : memref<10112x128xf32, #tpu.memory_space<vmem_shared>> -> memref<64x128xf32, #tpu.memory_space<vmem_shared>>
      %dma_start3A_181 = arith.constant 0 : i32
      %dma_start3A_182 = arith.constant 0 : i32
      %dma_start3A_183 = tpu.memref_slice %arg6[%run_scoped3A_26, %dma_start3A_181, %dma_start3A_182] : memref<2x64x128xf32, #tpu.memory_space<vmem>> -> memref<1x64x128xf32, #tpu.memory_space<vmem>>
      %dma_start3A_184 = tpu.memref_squeeze %dma_start3A_183 : memref<1x64x128xf32, #tpu.memory_space<vmem>> -> memref<64x128xf32, #tpu.memory_space<vmem>>
      tpu.enqueue_dma source(%dma_start3A_184 : memref<64x128xf32, #tpu.memory_space<vmem>>) target(%dma_start3A_180 : memref<64x128xf32, #tpu.memory_space<vmem_shared>>) target_semaphore(%run_scoped3A_172 : memref<!tpu.dma_semaphore, #tpu.memory_space<semaphore_mem>>)
      %dma_wait3A_185 = arith.constant 0 : i32
      %dma_wait3A_186 = arith.constant 0 : i32
      %dma_wait3A_187 = tpu.memref_slice %arg6[%run_scoped3A_26, %dma_wait3A_185, %dma_wait3A_186] : memref<2x64x128xf32, #tpu.memory_space<vmem>> -> memref<1x64x128xf32, #tpu.memory_space<vmem>>
      %dma_wait3A_188 = tpu.memref_squeeze %dma_wait3A_187 : memref<1x64x128xf32, #tpu.memory_space<vmem>> -> memref<64x128xf32, #tpu.memory_space<vmem>>
      %dma_wait3A_189 = arith.constant 0 : i32
      %dma_wait3A_190 = tpu.memref_slice %arg7[%add3A_25, %dma_wait3A_189] : memref<10112x128xf32, #tpu.memory_space<vmem_shared>> -> memref<64x128xf32, #tpu.memory_space<vmem_shared>>
      %dma_wait3A_191 = arith.constant 0 : i32
      %dma_wait3A_192 = tpu.memref_slice %arg7[%add3A_25, %dma_wait3A_191] : memref<10112x128xf32, #tpu.memory_space<vmem_shared>> -> memref<64x128xf32, #tpu.memory_space<vmem_shared>>
      %dma_wait3A_193 = arith.constant 0 : i32
      %dma_wait3A_194 = arith.constant 0 : i32
      %dma_wait3A_195 = tpu.memref_slice %arg6[%run_scoped3A_26, %dma_wait3A_193, %dma_wait3A_194] : memref<2x64x128xf32, #tpu.memory_space<vmem>> -> memref<1x64x128xf32, #tpu.memory_space<vmem>>
      %dma_wait3A_196 = tpu.memref_squeeze %dma_wait3A_195 : memref<1x64x128xf32, #tpu.memory_space<vmem>> -> memref<64x128xf32, #tpu.memory_space<vmem>>
      tpu.wait_dma2 semaphore(%run_scoped3A_172 : memref<!tpu.dma_semaphore, #tpu.memory_space<semaphore_mem>>) src(%dma_wait3A_196 : memref<64x128xf32, #tpu.memory_space<vmem>>) dst(%dma_wait3A_192 : memref<64x128xf32, #tpu.memory_space<vmem_shared>>)
      tpu.yield
    }) : () -> ()
    %add3A_27 = arith.constant 320 : i32
    %add3A_28 = arith.addi %mul3A_10, %add3A_27 : i32
    %run_scoped3A_29 = arith.constant 0 : i32
    "tpu.region"() ({
      %run_scoped3A_172 = tpu.sem_alloc : memref<!tpu.dma_semaphore, #tpu.memory_space<semaphore_mem>>
      %dma_start3A_173 = arith.constant 0 : i32
      %dma_start3A_174 = arith.constant 0 : i32
      %dma_start3A_175 = tpu.memref_slice %arg6[%run_scoped3A_29, %dma_start3A_173, %dma_start3A_174] : memref<2x64x128xf32, #tpu.memory_space<vmem>> -> memref<1x64x128xf32, #tpu.memory_space<vmem>>
      %dma_start3A_176 = tpu.memref_squeeze %dma_start3A_175 : memref<1x64x128xf32, #tpu.memory_space<vmem>> -> memref<64x128xf32, #tpu.memory_space<vmem>>
      %dma_start3A_177 = arith.constant 0 : i32
      %dma_start3A_178 = tpu.memref_slice %arg7[%add3A_28, %dma_start3A_177] : memref<10112x128xf32, #tpu.memory_space<vmem_shared>> -> memref<64x128xf32, #tpu.memory_space<vmem_shared>>
      %dma_start3A_179 = arith.constant 0 : i32
      %dma_start3A_180 = tpu.memref_slice %arg7[%add3A_28, %dma_start3A_179] : memref<10112x128xf32, #tpu.memory_space<vmem_shared>> -> memref<64x128xf32, #tpu.memory_space<vmem_shared>>
      %dma_start3A_181 = arith.constant 0 : i32
      %dma_start3A_182 = arith.constant 0 : i32
      %dma_start3A_183 = tpu.memref_slice %arg6[%run_scoped3A_29, %dma_start3A_181, %dma_start3A_182] : memref<2x64x128xf32, #tpu.memory_space<vmem>> -> memref<1x64x128xf32, #tpu.memory_space<vmem>>
      %dma_start3A_184 = tpu.memref_squeeze %dma_start3A_183 : memref<1x64x128xf32, #tpu.memory_space<vmem>> -> memref<64x128xf32, #tpu.memory_space<vmem>>
      tpu.enqueue_dma source(%dma_start3A_184 : memref<64x128xf32, #tpu.memory_space<vmem>>) target(%dma_start3A_180 : memref<64x128xf32, #tpu.memory_space<vmem_shared>>) target_semaphore(%run_scoped3A_172 : memref<!tpu.dma_semaphore, #tpu.memory_space<semaphore_mem>>)
      %dma_wait3A_185 = arith.constant 0 : i32
      %dma_wait3A_186 = arith.constant 0 : i32
      %dma_wait3A_187 = tpu.memref_slice %arg6[%run_scoped3A_29, %dma_wait3A_185, %dma_wait3A_186] : memref<2x64x128xf32, #tpu.memory_space<vmem>> -> memref<1x64x128xf32, #tpu.memory_space<vmem>>
      %dma_wait3A_188 = tpu.memref_squeeze %dma_wait3A_187 : memref<1x64x128xf32, #tpu.memory_space<vmem>> -> memref<64x128xf32, #tpu.memory_space<vmem>>
      %dma_wait3A_189 = arith.constant 0 : i32
      %dma_wait3A_190 = tpu.memref_slice %arg7[%add3A_28, %dma_wait3A_189] : memref<10112x128xf32, #tpu.memory_space<vmem_shared>> -> memref<64x128xf32, #tpu.memory_space<vmem_shared>>
      %dma_wait3A_191 = arith.constant 0 : i32
      %dma_wait3A_192 = tpu.memref_slice %arg7[%add3A_28, %dma_wait3A_191] : memref<10112x128xf32, #tpu.memory_space<vmem_shared>> -> memref<64x128xf32, #tpu.memory_space<vmem_shared>>
      %dma_wait3A_193 = arith.constant 0 : i32
      %dma_wait3A_194 = arith.constant 0 : i32
      %dma_wait3A_195 = tpu.memref_slice %arg6[%run_scoped3A_29, %dma_wait3A_193, %dma_wait3A_194] : memref<2x64x128xf32, #tpu.memory_space<vmem>> -> memref<1x64x128xf32, #tpu.memory_space<vmem>>
      %dma_wait3A_196 = tpu.memref_squeeze %dma_wait3A_195 : memref<1x64x128xf32, #tpu.memory_space<vmem>> -> memref<64x128xf32, #tpu.memory_space<vmem>>
      tpu.wait_dma2 semaphore(%run_scoped3A_172 : memref<!tpu.dma_semaphore, #tpu.memory_space<semaphore_mem>>) src(%dma_wait3A_196 : memref<64x128xf32, #tpu.memory_space<vmem>>) dst(%dma_wait3A_192 : memref<64x128xf32, #tpu.memory_space<vmem_shared>>)
      tpu.yield
    }) : () -> ()
    %add3A_30 = arith.constant 384 : i32
    %add3A_31 = arith.addi %mul3A_10, %add3A_30 : i32
    %run_scoped3A_32 = arith.constant 0 : i32
    "tpu.region"() ({
      %run_scoped3A_172 = tpu.sem_alloc : memref<!tpu.dma_semaphore, #tpu.memory_space<semaphore_mem>>
      %dma_start3A_173 = arith.constant 0 : i32
      %dma_start3A_174 = arith.constant 0 : i32
      %dma_start3A_175 = tpu.memref_slice %arg6[%run_scoped3A_32, %dma_start3A_173, %dma_start3A_174] : memref<2x64x128xf32, #tpu.memory_space<vmem>> -> memref<1x64x128xf32, #tpu.memory_space<vmem>>
      %dma_start3A_176 = tpu.memref_squeeze %dma_start3A_175 : memref<1x64x128xf32, #tpu.memory_space<vmem>> -> memref<64x128xf32, #tpu.memory_space<vmem>>
      %dma_start3A_177 = arith.constant 0 : i32
      %dma_start3A_178 = tpu.memref_slice %arg7[%add3A_31, %dma_start3A_177] : memref<10112x128xf32, #tpu.memory_space<vmem_shared>> -> memref<64x128xf32, #tpu.memory_space<vmem_shared>>
      %dma_start3A_179 = arith.constant 0 : i32
      %dma_start3A_180 = tpu.memref_slice %arg7[%add3A_31, %dma_start3A_179] : memref<10112x128xf32, #tpu.memory_space<vmem_shared>> -> memref<64x128xf32, #tpu.memory_space<vmem_shared>>
      %dma_start3A_181 = arith.constant 0 : i32
      %dma_start3A_182 = arith.constant 0 : i32
      %dma_start3A_183 = tpu.memref_slice %arg6[%run_scoped3A_32, %dma_start3A_181, %dma_start3A_182] : memref<2x64x128xf32, #tpu.memory_space<vmem>> -> memref<1x64x128xf32, #tpu.memory_space<vmem>>
      %dma_start3A_184 = tpu.memref_squeeze %dma_start3A_183 : memref<1x64x128xf32, #tpu.memory_space<vmem>> -> memref<64x128xf32, #tpu.memory_space<vmem>>
      tpu.enqueue_dma source(%dma_start3A_184 : memref<64x128xf32, #tpu.memory_space<vmem>>) target(%dma_start3A_180 : memref<64x128xf32, #tpu.memory_space<vmem_shared>>) target_semaphore(%run_scoped3A_172 : memref<!tpu.dma_semaphore, #tpu.memory_space<semaphore_mem>>)
      %dma_wait3A_185 = arith.constant 0 : i32
      %dma_wait3A_186 = arith.constant 0 : i32
      %dma_wait3A_187 = tpu.memref_slice %arg6[%run_scoped3A_32, %dma_wait3A_185, %dma_wait3A_186] : memref<2x64x128xf32, #tpu.memory_space<vmem>> -> memref<1x64x128xf32, #tpu.memory_space<vmem>>
      %dma_wait3A_188 = tpu.memref_squeeze %dma_wait3A_187 : memref<1x64x128xf32, #tpu.memory_space<vmem>> -> memref<64x128xf32, #tpu.memory_space<vmem>>
      %dma_wait3A_189 = arith.constant 0 : i32
      %dma_wait3A_190 = tpu.memref_slice %arg7[%add3A_31, %dma_wait3A_189] : memref<10112x128xf32, #tpu.memory_space<vmem_shared>> -> memref<64x128xf32, #tpu.memory_space<vmem_shared>>
      %dma_wait3A_191 = arith.constant 0 : i32
      %dma_wait3A_192 = tpu.memref_slice %arg7[%add3A_31, %dma_wait3A_191] : memref<10112x128xf32, #tpu.memory_space<vmem_shared>> -> memref<64x128xf32, #tpu.memory_space<vmem_shared>>
      %dma_wait3A_193 = arith.constant 0 : i32
      %dma_wait3A_194 = arith.constant 0 : i32
      %dma_wait3A_195 = tpu.memref_slice %arg6[%run_scoped3A_32, %dma_wait3A_193, %dma_wait3A_194] : memref<2x64x128xf32, #tpu.memory_space<vmem>> -> memref<1x64x128xf32, #tpu.memory_space<vmem>>
      %dma_wait3A_196 = tpu.memref_squeeze %dma_wait3A_195 : memref<1x64x128xf32, #tpu.memory_space<vmem>> -> memref<64x128xf32, #tpu.memory_space<vmem>>
      tpu.wait_dma2 semaphore(%run_scoped3A_172 : memref<!tpu.dma_semaphore, #tpu.memory_space<semaphore_mem>>) src(%dma_wait3A_196 : memref<64x128xf32, #tpu.memory_space<vmem>>) dst(%dma_wait3A_192 : memref<64x128xf32, #tpu.memory_space<vmem_shared>>)
      tpu.yield
    }) : () -> ()
    %add3A_33 = arith.constant 448 : i32
    %add3A_34 = arith.addi %mul3A_10, %add3A_33 : i32
    %run_scoped3A_35 = arith.constant 0 : i32
    "tpu.region"() ({
      %run_scoped3A_172 = tpu.sem_alloc : memref<!tpu.dma_semaphore, #tpu.memory_space<semaphore_mem>>
      %dma_start3A_173 = arith.constant 0 : i32
      %dma_start3A_174 = arith.constant 0 : i32
      %dma_start3A_175 = tpu.memref_slice %arg6[%run_scoped3A_35, %dma_start3A_173, %dma_start3A_174] : memref<2x64x128xf32, #tpu.memory_space<vmem>> -> memref<1x64x128xf32, #tpu.memory_space<vmem>>
      %dma_start3A_176 = tpu.memref_squeeze %dma_start3A_175 : memref<1x64x128xf32, #tpu.memory_space<vmem>> -> memref<64x128xf32, #tpu.memory_space<vmem>>
      %dma_start3A_177 = arith.constant 0 : i32
      %dma_start3A_178 = tpu.memref_slice %arg7[%add3A_34, %dma_start3A_177] : memref<10112x128xf32, #tpu.memory_space<vmem_shared>> -> memref<64x128xf32, #tpu.memory_space<vmem_shared>>
      %dma_start3A_179 = arith.constant 0 : i32
      %dma_start3A_180 = tpu.memref_slice %arg7[%add3A_34, %dma_start3A_179] : memref<10112x128xf32, #tpu.memory_space<vmem_shared>> -> memref<64x128xf32, #tpu.memory_space<vmem_shared>>
      %dma_start3A_181 = arith.constant 0 : i32
      %dma_start3A_182 = arith.constant 0 : i32
      %dma_start3A_183 = tpu.memref_slice %arg6[%run_scoped3A_35, %dma_start3A_181, %dma_start3A_182] : memref<2x64x128xf32, #tpu.memory_space<vmem>> -> memref<1x64x128xf32, #tpu.memory_space<vmem>>
      %dma_start3A_184 = tpu.memref_squeeze %dma_start3A_183 : memref<1x64x128xf32, #tpu.memory_space<vmem>> -> memref<64x128xf32, #tpu.memory_space<vmem>>
      tpu.enqueue_dma source(%dma_start3A_184 : memref<64x128xf32, #tpu.memory_space<vmem>>) target(%dma_start3A_180 : memref<64x128xf32, #tpu.memory_space<vmem_shared>>) target_semaphore(%run_scoped3A_172 : memref<!tpu.dma_semaphore, #tpu.memory_space<semaphore_mem>>)
      %dma_wait3A_185 = arith.constant 0 : i32
      %dma_wait3A_186 = arith.constant 0 : i32
      %dma_wait3A_187 = tpu.memref_slice %arg6[%run_scoped3A_35, %dma_wait3A_185, %dma_wait3A_186] : memref<2x64x128xf32, #tpu.memory_space<vmem>> -> memref<1x64x128xf32, #tpu.memory_space<vmem>>
      %dma_wait3A_188 = tpu.memref_squeeze %dma_wait3A_187 : memref<1x64x128xf32, #tpu.memory_space<vmem>> -> memref<64x128xf32, #tpu.memory_space<vmem>>
      %dma_wait3A_189 = arith.constant 0 : i32
      %dma_wait3A_190 = tpu.memref_slice %arg7[%add3A_34, %dma_wait3A_189] : memref<10112x128xf32, #tpu.memory_space<vmem_shared>> -> memref<64x128xf32, #tpu.memory_space<vmem_shared>>
      %dma_wait3A_191 = arith.constant 0 : i32
      %dma_wait3A_192 = tpu.memref_slice %arg7[%add3A_34, %dma_wait3A_191] : memref<10112x128xf32, #tpu.memory_space<vmem_shared>> -> memref<64x128xf32, #tpu.memory_space<vmem_shared>>
      %dma_wait3A_193 = arith.constant 0 : i32
      %dma_wait3A_194 = arith.constant 0 : i32
      %dma_wait3A_195 = tpu.memref_slice %arg6[%run_scoped3A_35, %dma_wait3A_193, %dma_wait3A_194] : memref<2x64x128xf32, #tpu.memory_space<vmem>> -> memref<1x64x128xf32, #tpu.memory_space<vmem>>
      %dma_wait3A_196 = tpu.memref_squeeze %dma_wait3A_195 : memref<1x64x128xf32, #tpu.memory_space<vmem>> -> memref<64x128xf32, #tpu.memory_space<vmem>>
      tpu.wait_dma2 semaphore(%run_scoped3A_172 : memref<!tpu.dma_semaphore, #tpu.memory_space<semaphore_mem>>) src(%dma_wait3A_196 : memref<64x128xf32, #tpu.memory_space<vmem>>) dst(%dma_wait3A_192 : memref<64x128xf32, #tpu.memory_space<vmem_shared>>)
      tpu.yield
    }) : () -> ()
    %add3A_36 = arith.constant 512 : i32
    %add3A_37 = arith.addi %mul3A_10, %add3A_36 : i32
    %run_scoped3A_38 = arith.constant 0 : i32
    "tpu.region"() ({
      %run_scoped3A_172 = tpu.sem_alloc : memref<!tpu.dma_semaphore, #tpu.memory_space<semaphore_mem>>
      %dma_start3A_173 = arith.constant 0 : i32
      %dma_start3A_174 = arith.constant 0 : i32
      %dma_start3A_175 = tpu.memref_slice %arg6[%run_scoped3A_38, %dma_start3A_173, %dma_start3A_174] : memref<2x64x128xf32, #tpu.memory_space<vmem>> -> memref<1x64x128xf32, #tpu.memory_space<vmem>>
      %dma_start3A_176 = tpu.memref_squeeze %dma_start3A_175 : memref<1x64x128xf32, #tpu.memory_space<vmem>> -> memref<64x128xf32, #tpu.memory_space<vmem>>
      %dma_start3A_177 = arith.constant 0 : i32
      %dma_start3A_178 = tpu.memref_slice %arg7[%add3A_37, %dma_start3A_177] : memref<10112x128xf32, #tpu.memory_space<vmem_shared>> -> memref<64x128xf32, #tpu.memory_space<vmem_shared>>
      %dma_start3A_179 = arith.constant 0 : i32
      %dma_start3A_180 = tpu.memref_slice %arg7[%add3A_37, %dma_start3A_179] : memref<10112x128xf32, #tpu.memory_space<vmem_shared>> -> memref<64x128xf32, #tpu.memory_space<vmem_shared>>
      %dma_start3A_181 = arith.constant 0 : i32
      %dma_start3A_182 = arith.constant 0 : i32
      %dma_start3A_183 = tpu.memref_slice %arg6[%run_scoped3A_38, %dma_start3A_181, %dma_start3A_182] : memref<2x64x128xf32, #tpu.memory_space<vmem>> -> memref<1x64x128xf32, #tpu.memory_space<vmem>>
      %dma_start3A_184 = tpu.memref_squeeze %dma_start3A_183 : memref<1x64x128xf32, #tpu.memory_space<vmem>> -> memref<64x128xf32, #tpu.memory_space<vmem>>
      tpu.enqueue_dma source(%dma_start3A_184 : memref<64x128xf32, #tpu.memory_space<vmem>>) target(%dma_start3A_180 : memref<64x128xf32, #tpu.memory_space<vmem_shared>>) target_semaphore(%run_scoped3A_172 : memref<!tpu.dma_semaphore, #tpu.memory_space<semaphore_mem>>)
      %dma_wait3A_185 = arith.constant 0 : i32
      %dma_wait3A_186 = arith.constant 0 : i32
      %dma_wait3A_187 = tpu.memref_slice %arg6[%run_scoped3A_38, %dma_wait3A_185, %dma_wait3A_186] : memref<2x64x128xf32, #tpu.memory_space<vmem>> -> memref<1x64x128xf32, #tpu.memory_space<vmem>>
      %dma_wait3A_188 = tpu.memref_squeeze %dma_wait3A_187 : memref<1x64x128xf32, #tpu.memory_space<vmem>> -> memref<64x128xf32, #tpu.memory_space<vmem>>
      %dma_wait3A_189 = arith.constant 0 : i32
      %dma_wait3A_190 = tpu.memref_slice %arg7[%add3A_37, %dma_wait3A_189] : memref<10112x128xf32, #tpu.memory_space<vmem_shared>> -> memref<64x128xf32, #tpu.memory_space<vmem_shared>>
      %dma_wait3A_191 = arith.constant 0 : i32
      %dma_wait3A_192 = tpu.memref_slice %arg7[%add3A_37, %dma_wait3A_191] : memref<10112x128xf32, #tpu.memory_space<vmem_shared>> -> memref<64x128xf32, #tpu.memory_space<vmem_shared>>
      %dma_wait3A_193 = arith.constant 0 : i32
      %dma_wait3A_194 = arith.constant 0 : i32
      %dma_wait3A_195 = tpu.memref_slice %arg6[%run_scoped3A_38, %dma_wait3A_193, %dma_wait3A_194] : memref<2x64x128xf32, #tpu.memory_space<vmem>> -> memref<1x64x128xf32, #tpu.memory_space<vmem>>
      %dma_wait3A_196 = tpu.memref_squeeze %dma_wait3A_195 : memref<1x64x128xf32, #tpu.memory_space<vmem>> -> memref<64x128xf32, #tpu.memory_space<vmem>>
      tpu.wait_dma2 semaphore(%run_scoped3A_172 : memref<!tpu.dma_semaphore, #tpu.memory_space<semaphore_mem>>) src(%dma_wait3A_196 : memref<64x128xf32, #tpu.memory_space<vmem>>) dst(%dma_wait3A_192 : memref<64x128xf32, #tpu.memory_space<vmem_shared>>)
      tpu.yield
    }) : () -> ()
    %add3A_39 = arith.constant 576 : i32
    %add3A_40 = arith.addi %mul3A_10, %add3A_39 : i32
    %run_scoped3A_41 = arith.constant 0 : i32
    "tpu.region"() ({
      %run_scoped3A_172 = tpu.sem_alloc : memref<!tpu.dma_semaphore, #tpu.memory_space<semaphore_mem>>
      %dma_start3A_173 = arith.constant 0 : i32
      %dma_start3A_174 = arith.constant 0 : i32
      %dma_start3A_175 = tpu.memref_slice %arg6[%run_scoped3A_41, %dma_start3A_173, %dma_start3A_174] : memref<2x64x128xf32, #tpu.memory_space<vmem>> -> memref<1x56x128xf32, #tpu.memory_space<vmem>>
      %dma_start3A_176 = tpu.memref_squeeze %dma_start3A_175 : memref<1x56x128xf32, #tpu.memory_space<vmem>> -> memref<56x128xf32, #tpu.memory_space<vmem>>
      %dma_start3A_177 = arith.constant 0 : i32
      %dma_start3A_178 = tpu.memref_slice %arg7[%add3A_40, %dma_start3A_177] : memref<10112x128xf32, #tpu.memory_space<vmem_shared>> -> memref<56x128xf32, #tpu.memory_space<vmem_shared>>
      %dma_start3A_179 = arith.constant 0 : i32
      %dma_start3A_180 = tpu.memref_slice %arg7[%add3A_40, %dma_start3A_179] : memref<10112x128xf32, #tpu.memory_space<vmem_shared>> -> memref<56x128xf32, #tpu.memory_space<vmem_shared>>
      %dma_start3A_181 = arith.constant 0 : i32
      %dma_start3A_182 = arith.constant 0 : i32
      %dma_start3A_183 = tpu.memref_slice %arg6[%run_scoped3A_41, %dma_start3A_181, %dma_start3A_182] : memref<2x64x128xf32, #tpu.memory_space<vmem>> -> memref<1x56x128xf32, #tpu.memory_space<vmem>>
      %dma_start3A_184 = tpu.memref_squeeze %dma_start3A_183 : memref<1x56x128xf32, #tpu.memory_space<vmem>> -> memref<56x128xf32, #tpu.memory_space<vmem>>
      tpu.enqueue_dma source(%dma_start3A_184 : memref<56x128xf32, #tpu.memory_space<vmem>>) target(%dma_start3A_180 : memref<56x128xf32, #tpu.memory_space<vmem_shared>>) target_semaphore(%run_scoped3A_172 : memref<!tpu.dma_semaphore, #tpu.memory_space<semaphore_mem>>)
      %dma_wait3A_185 = arith.constant 0 : i32
      %dma_wait3A_186 = arith.constant 0 : i32
      %dma_wait3A_187 = tpu.memref_slice %arg6[%run_scoped3A_41, %dma_wait3A_185, %dma_wait3A_186] : memref<2x64x128xf32, #tpu.memory_space<vmem>> -> memref<1x56x128xf32, #tpu.memory_space<vmem>>
      %dma_wait3A_188 = tpu.memref_squeeze %dma_wait3A_187 : memref<1x56x128xf32, #tpu.memory_space<vmem>> -> memref<56x128xf32, #tpu.memory_space<vmem>>
      %dma_wait3A_189 = arith.constant 0 : i32
      %dma_wait3A_190 = tpu.memref_slice %arg7[%add3A_40, %dma_wait3A_189] : memref<10112x128xf32, #tpu.memory_space<vmem_shared>> -> memref<56x128xf32, #tpu.memory_space<vmem_shared>>
      %dma_wait3A_191 = arith.constant 0 : i32
      %dma_wait3A_192 = tpu.memref_slice %arg7[%add3A_40, %dma_wait3A_191] : memref<10112x128xf32, #tpu.memory_space<vmem_shared>> -> memref<56x128xf32, #tpu.memory_space<vmem_shared>>
      %dma_wait3A_193 = arith.constant 0 : i32
      %dma_wait3A_194 = arith.constant 0 : i32
      %dma_wait3A_195 = tpu.memref_slice %arg6[%run_scoped3A_41, %dma_wait3A_193, %dma_wait3A_194] : memref<2x64x128xf32, #tpu.memory_space<vmem>> -> memref<1x56x128xf32, #tpu.memory_space<vmem>>
      %dma_wait3A_196 = tpu.memref_squeeze %dma_wait3A_195 : memref<1x56x128xf32, #tpu.memory_space<vmem>> -> memref<56x128xf32, #tpu.memory_space<vmem>>
      tpu.wait_dma2 semaphore(%run_scoped3A_172 : memref<!tpu.dma_semaphore, #tpu.memory_space<semaphore_mem>>) src(%dma_wait3A_196 : memref<56x128xf32, #tpu.memory_space<vmem>>) dst(%dma_wait3A_192 : memref<56x128xf32, #tpu.memory_space<vmem_shared>>)
      tpu.yield
    }) : () -> ()
    %barrier3A = arith.constant 0 : index
    tpu.barrier barrier_id(%barrier3A)
    %add3A_42 = arith.constant 0 : i32
    %add3A_43 = arith.addi %select_n3A_8, %add3A_42 : i32
    %rem3A = arith.constant 0 : i32
    %rem3A_44 = arith.constant 4 : i32
    %rem3A_45 = arith.remsi %rem3A, %rem3A_44 : i32
    %rem3A_46 = arith.constant 0 : i32
    %rem3A_47 = arith.constant 4 : i32
    %rem3A_48 = arith.remsi %rem3A_46, %rem3A_47 : i32
    %dma_start3A = arith.constant 0 : i32
    %dma_start3A_49 = arith.constant 0 : i32
    %dma_start3A_50 = tpu.memref_slice %arg5[%rem3A_45, %dma_start3A, %dma_start3A_49] : memref<4x2x64xi32, #tpu.memory_space<vmem>> -> memref<1x2x64xi32, #tpu.memory_space<vmem>>
    %dma_start3A_51 = tpu.memref_squeeze %dma_start3A_50 : memref<1x2x64xi32, #tpu.memory_space<vmem>> -> memref<2x64xi32, #tpu.memory_space<vmem>>
    %dma_start3A_52 = arith.constant 0 : i32
    %dma_start3A_53 = arith.constant 0 : i32
    %dma_start3A_54 = tpu.memref_slice %arg2[%add3A_43, %dma_start3A_52, %dma_start3A_53] : memref<5056x2x64xi32, #tpu.memory_space<hbm>> -> memref<1x2x64xi32, #tpu.memory_space<hbm>>
    %dma_start3A_55 = tpu.memref_squeeze %dma_start3A_54 : memref<1x2x64xi32, #tpu.memory_space<hbm>> -> memref<2x64xi32, #tpu.memory_space<hbm>>
    %dma_start3A_56 = tpu.memref_slice %arg8[%rem3A_48] : memref<4x!tpu.dma_semaphore, #tpu.memory_space<semaphore_mem>> -> memref<1x!tpu.dma_semaphore, #tpu.memory_space<semaphore_mem>>
    %dma_start3A_57 = tpu.memref_squeeze %dma_start3A_56 : memref<1x!tpu.dma_semaphore, #tpu.memory_space<semaphore_mem>> -> memref<!tpu.dma_semaphore, #tpu.memory_space<semaphore_mem>>
    %dma_start3A_58 = arith.constant 0 : i32
    %dma_start3A_59 = arith.constant 0 : i32
    %dma_start3A_60 = tpu.memref_slice %arg5[%rem3A_45, %dma_start3A_58, %dma_start3A_59] : memref<4x2x64xi32, #tpu.memory_space<vmem>> -> memref<1x2x64xi32, #tpu.memory_space<vmem>>
    %dma_start3A_61 = tpu.memref_squeeze %dma_start3A_60 : memref<1x2x64xi32, #tpu.memory_space<vmem>> -> memref<2x64xi32, #tpu.memory_space<vmem>>
    %dma_start3A_62 = arith.constant 0 : i32
    %dma_start3A_63 = arith.constant 0 : i32
    %dma_start3A_64 = tpu.memref_slice %arg2[%add3A_43, %dma_start3A_62, %dma_start3A_63] : memref<5056x2x64xi32, #tpu.memory_space<hbm>> -> memref<1x2x64xi32, #tpu.memory_space<hbm>>
    %dma_start3A_65 = tpu.memref_squeeze %dma_start3A_64 : memref<1x2x64xi32, #tpu.memory_space<hbm>> -> memref<2x64xi32, #tpu.memory_space<hbm>>
    tpu.enqueue_dma source(%dma_start3A_65 : memref<2x64xi32, #tpu.memory_space<hbm>>) target(%dma_start3A_61 : memref<2x64xi32, #tpu.memory_space<vmem>>) target_semaphore(%dma_start3A_57 : memref<!tpu.dma_semaphore, #tpu.memory_space<semaphore_mem>>)
    %add3A_66 = arith.constant 1 : i32
    %add3A_67 = arith.addi %select_n3A_8, %add3A_66 : i32
    %rem3A_68 = arith.constant 1 : i32
    %rem3A_69 = arith.constant 4 : i32
    %rem3A_70 = arith.remsi %rem3A_68, %rem3A_69 : i32
    %rem3A_71 = arith.constant 1 : i32
    %rem3A_72 = arith.constant 4 : i32
    %rem3A_73 = arith.remsi %rem3A_71, %rem3A_72 : i32
    %dma_start3A_74 = arith.constant 0 : i32
    %dma_start3A_75 = arith.constant 0 : i32
    %dma_start3A_76 = tpu.memref_slice %arg5[%rem3A_70, %dma_start3A_74, %dma_start3A_75] : memref<4x2x64xi32, #tpu.memory_space<vmem>> -> memref<1x2x64xi32, #tpu.memory_space<vmem>>
    %dma_start3A_77 = tpu.memref_squeeze %dma_start3A_76 : memref<1x2x64xi32, #tpu.memory_space<vmem>> -> memref<2x64xi32, #tpu.memory_space<vmem>>
    %dma_start3A_78 = arith.constant 0 : i32
    %dma_start3A_79 = arith.constant 0 : i32
    %dma_start3A_80 = tpu.memref_slice %arg2[%add3A_67, %dma_start3A_78, %dma_start3A_79] : memref<5056x2x64xi32, #tpu.memory_space<hbm>> -> memref<1x2x64xi32, #tpu.memory_space<hbm>>
    %dma_start3A_81 = tpu.memref_squeeze %dma_start3A_80 : memref<1x2x64xi32, #tpu.memory_space<hbm>> -> memref<2x64xi32, #tpu.memory_space<hbm>>
    %dma_start3A_82 = tpu.memref_slice %arg8[%rem3A_73] : memref<4x!tpu.dma_semaphore, #tpu.memory_space<semaphore_mem>> -> memref<1x!tpu.dma_semaphore, #tpu.memory_space<semaphore_mem>>
    %dma_start3A_83 = tpu.memref_squeeze %dma_start3A_82 : memref<1x!tpu.dma_semaphore, #tpu.memory_space<semaphore_mem>> -> memref<!tpu.dma_semaphore, #tpu.memory_space<semaphore_mem>>
    %dma_start3A_84 = arith.constant 0 : i32
    %dma_start3A_85 = arith.constant 0 : i32
    %dma_start3A_86 = tpu.memref_slice %arg5[%rem3A_70, %dma_start3A_84, %dma_start3A_85] : memref<4x2x64xi32, #tpu.memory_space<vmem>> -> memref<1x2x64xi32, #tpu.memory_space<vmem>>
    %dma_start3A_87 = tpu.memref_squeeze %dma_start3A_86 : memref<1x2x64xi32, #tpu.memory_space<vmem>> -> memref<2x64xi32, #tpu.memory_space<vmem>>
    %dma_start3A_88 = arith.constant 0 : i32
    %dma_start3A_89 = arith.constant 0 : i32
    %dma_start3A_90 = tpu.memref_slice %arg2[%add3A_67, %dma_start3A_88, %dma_start3A_89] : memref<5056x2x64xi32, #tpu.memory_space<hbm>> -> memref<1x2x64xi32, #tpu.memory_space<hbm>>
    %dma_start3A_91 = tpu.memref_squeeze %dma_start3A_90 : memref<1x2x64xi32, #tpu.memory_space<hbm>> -> memref<2x64xi32, #tpu.memory_space<hbm>>
    tpu.enqueue_dma source(%dma_start3A_91 : memref<2x64xi32, #tpu.memory_space<hbm>>) target(%dma_start3A_87 : memref<2x64xi32, #tpu.memory_space<vmem>>) target_semaphore(%dma_start3A_83 : memref<!tpu.dma_semaphore, #tpu.memory_space<semaphore_mem>>)
    %add3A_92 = arith.constant 0 : i32
    %add3A_93 = arith.addi %select_n3A_8, %add3A_92 : i32
    %rem3A_94 = arith.constant 0 : i32
    %rem3A_95 = arith.constant 4 : i32
    %rem3A_96 = arith.remsi %rem3A_94, %rem3A_95 : i32
    %rem3A_97 = arith.constant 0 : i32
    %rem3A_98 = arith.constant 4 : i32
    %rem3A_99 = arith.remsi %rem3A_97, %rem3A_98 : i32
    %dma_wait3A = arith.constant 0 : i32
    %dma_wait3A_100 = arith.constant 0 : i32
    %dma_wait3A_101 = tpu.memref_slice %arg5[%rem3A_96, %dma_wait3A, %dma_wait3A_100] : memref<4x2x64xi32, #tpu.memory_space<vmem>> -> memref<1x2x64xi32, #tpu.memory_space<vmem>>
    %dma_wait3A_102 = tpu.memref_squeeze %dma_wait3A_101 : memref<1x2x64xi32, #tpu.memory_space<vmem>> -> memref<2x64xi32, #tpu.memory_space<vmem>>
    %dma_wait3A_103 = arith.constant 0 : i32
    %dma_wait3A_104 = arith.constant 0 : i32
    %dma_wait3A_105 = tpu.memref_slice %arg2[%add3A_93, %dma_wait3A_103, %dma_wait3A_104] : memref<5056x2x64xi32, #tpu.memory_space<hbm>> -> memref<1x2x64xi32, #tpu.memory_space<hbm>>
    %dma_wait3A_106 = tpu.memref_squeeze %dma_wait3A_105 : memref<1x2x64xi32, #tpu.memory_space<hbm>> -> memref<2x64xi32, #tpu.memory_space<hbm>>
    %dma_wait3A_107 = tpu.memref_slice %arg8[%rem3A_99] : memref<4x!tpu.dma_semaphore, #tpu.memory_space<semaphore_mem>> -> memref<1x!tpu.dma_semaphore, #tpu.memory_space<semaphore_mem>>
    %dma_wait3A_108 = tpu.memref_squeeze %dma_wait3A_107 : memref<1x!tpu.dma_semaphore, #tpu.memory_space<semaphore_mem>> -> memref<!tpu.dma_semaphore, #tpu.memory_space<semaphore_mem>>
    %dma_wait3A_109 = arith.constant 0 : i32
    %dma_wait3A_110 = arith.constant 0 : i32
    %dma_wait3A_111 = tpu.memref_slice %arg5[%rem3A_96, %dma_wait3A_109, %dma_wait3A_110] : memref<4x2x64xi32, #tpu.memory_space<vmem>> -> memref<1x2x64xi32, #tpu.memory_space<vmem>>
    %dma_wait3A_112 = tpu.memref_squeeze %dma_wait3A_111 : memref<1x2x64xi32, #tpu.memory_space<vmem>> -> memref<2x64xi32, #tpu.memory_space<vmem>>
    %dma_wait3A_113 = arith.constant 0 : i32
    %dma_wait3A_114 = arith.constant 0 : i32
    %dma_wait3A_115 = tpu.memref_slice %arg2[%add3A_93, %dma_wait3A_113, %dma_wait3A_114] : memref<5056x2x64xi32, #tpu.memory_space<hbm>> -> memref<1x2x64xi32, #tpu.memory_space<hbm>>
    %dma_wait3A_116 = tpu.memref_squeeze %dma_wait3A_115 : memref<1x2x64xi32, #tpu.memory_space<hbm>> -> memref<2x64xi32, #tpu.memory_space<hbm>>
    tpu.wait_dma2 semaphore(%dma_wait3A_108 : memref<!tpu.dma_semaphore, #tpu.memory_space<semaphore_mem>>) src(%dma_wait3A_116 : memref<2x64xi32, #tpu.memory_space<hbm>>) dst(%dma_wait3A_112 : memref<2x64xi32, #tpu.memory_space<vmem>>)
    %rem3A_117 = arith.constant 0 : i32
    %rem3A_118 = arith.constant 4 : i32
    %rem3A_119 = arith.remsi %rem3A_117, %rem3A_118 : i32
    %rem3A_120 = arith.constant 0 : i32
    %rem3A_121 = arith.constant 2 : i32
    %rem3A_122 = arith.remsi %rem3A_120, %rem3A_121 : i32
    %rem3A_123 = arith.constant 0 : i32
    %rem3A_124 = arith.constant 2 : i32
    %rem3A_125 = arith.remsi %rem3A_123, %rem3A_124 : i32
    %dma_start3A_126 = arith.constant 0 : i32
    %dma_start3A_127 = arith.constant 0 : i32
    %dma_start3A_128 = arith.constant 0 : i32
    %dma_start3A_129 = tpu.memref_slice %arg6[%rem3A_122, %dma_start3A_127, %dma_start3A_128] : memref<2x64x128xf32, #tpu.memory_space<vmem>> -> memref<1x64x128xf32, #tpu.memory_space<vmem>>
    %dma_start3A_130 = tpu.memref_squeeze %dma_start3A_129 : memref<1x64x128xf32, #tpu.memory_space<vmem>> -> memref<64x128xf32, #tpu.memory_space<vmem>>
    %dma_start3A_131 = arith.constant 0 : i32
    %dma_start3A_132 = tpu.memref_slice %arg5[%rem3A_119, %dma_start3A_126, %dma_start3A_131] : memref<4x2x64xi32, #tpu.memory_space<vmem>> -> memref<1x1x64xi32, #tpu.memory_space<vmem>>
    %dma_start3A_133 = tpu.memref_squeeze %dma_start3A_132 : memref<1x1x64xi32, #tpu.memory_space<vmem>> -> memref<64xi32, #tpu.memory_space<vmem>>
    %dma_start3A_134 = arith.constant 0 : i32
    %dma_start3A_135 = arith.constant 0 : i32
    %dma_start3A_136 = tpu.memref_slice %arg3[%dma_start3A_134, %dma_start3A_135] : memref<10000x128xf32, #tpu.memory_space<hbm>> -> memref<10000x128xf32, #tpu.memory_space<hbm>>
    %dma_start3A_137 = tpu.memref_slice %arg9[%rem3A_125] : memref<2x!tpu.dma_semaphore, #tpu.memory_space<semaphore_mem>> -> memref<1x!tpu.dma_semaphore, #tpu.memory_space<semaphore_mem>>
    %dma_start3A_138 = tpu.memref_squeeze %dma_start3A_137 : memref<1x!tpu.dma_semaphore, #tpu.memory_space<semaphore_mem>> -> memref<!tpu.dma_semaphore, #tpu.memory_space<semaphore_mem>>
    tpu.enqueue_indirect_dma source(%dma_start3A_136 : memref<10000x128xf32, #tpu.memory_space<hbm>>) target(%dma_start3A_130 : memref<64x128xf32, #tpu.memory_space<vmem>>) offsets(%dma_start3A_133 : memref<64xi32, #tpu.memory_space<vmem>>) semaphore(%dma_start3A_138 : memref<!tpu.dma_semaphore, #tpu.memory_space<semaphore_mem>>)
    %while3A = arith.constant 0 : i32
    %while3A_139 = arith.constant 0 : i32
    %while3A_140 = arith.subi %select_n3A, %while3A_139 : i32
    %while3A_141 = arith.addi %while3A_139, %while3A_140 : i32
    %while3A_142 = arith.constant 1 : i32
    %while3A_143 = arith.divsi %while3A_140, %while3A_142 : i32
    %while3A_144 = arith.muli %while3A_143, %while3A_142 : i32
    %while3A_145 = arith.addi %while3A_139, %while3A_144 : i32
    %while3A_146 = arith.constant 1 : i32
    scf.for %while3A_172 = %while3A_139 to %while3A_145 step %while3A_146  : i32 {
      %ge3A = arith.constant 1 : i32
      %ge3A_173 = arith.cmpi sge, %while3A_172, %ge3A : i32
      %convert_element_type3A = arith.extui %ge3A_173 : i1 to i32
      %cond3A = arith.constant 0 : i32
      %cond3A_174 = arith.cmpi ne, %convert_element_type3A, %cond3A : i32
      scf.if %cond3A_174 {
        %sub3A_224 = arith.constant 1 : i32
        %sub3A_225 = arith.subi %while3A_172, %sub3A_224 : i32
        %rem3A_226 = arith.constant 2 : i32
        %rem3A_227 = arith.remsi %sub3A_225, %rem3A_226 : i32
        %rem3A_228 = arith.constant 4 : i32
        %rem3A_229 = arith.remsi %sub3A_225, %rem3A_228 : i32
        %rem3A_230 = arith.constant 2 : i32
        %rem3A_231 = arith.remsi %sub3A_225, %rem3A_230 : i32
        %dma_wait3A_232 = arith.constant 1 : i32
        %dma_wait3A_233 = arith.constant 0 : i32
        %dma_wait3A_234 = arith.constant 0 : i32
        %dma_wait3A_235 = tpu.memref_slice %arg6[%rem3A_227, %dma_wait3A_233, %dma_wait3A_234] : memref<2x64x128xf32, #tpu.memory_space<vmem>> -> memref<1x64x128xf32, #tpu.memory_space<vmem>>
        %dma_wait3A_236 = tpu.memref_squeeze %dma_wait3A_235 : memref<1x64x128xf32, #tpu.memory_space<vmem>> -> memref<64x128xf32, #tpu.memory_space<vmem>>
        %dma_wait3A_237 = arith.constant 0 : i32
        %dma_wait3A_238 = tpu.memref_slice %arg5[%rem3A_229, %dma_wait3A_232, %dma_wait3A_237] : memref<4x2x64xi32, #tpu.memory_space<vmem>> -> memref<1x1x64xi32, #tpu.memory_space<vmem>>
        %dma_wait3A_239 = tpu.memref_squeeze %dma_wait3A_238 : memref<1x1x64xi32, #tpu.memory_space<vmem>> -> memref<64xi32, #tpu.memory_space<vmem>>
        %dma_wait3A_240 = arith.constant 0 : i32
        %dma_wait3A_241 = arith.constant 0 : i32
        %dma_wait3A_242 = tpu.memref_slice %arg7[%dma_wait3A_240, %dma_wait3A_241] : memref<10112x128xf32, #tpu.memory_space<vmem_shared>> -> memref<10112x128xf32, #tpu.memory_space<vmem_shared>>
        %dma_wait3A_243 = tpu.memref_slice %arg10[%rem3A_231] : memref<2x!tpu.dma_semaphore, #tpu.memory_space<semaphore_mem>> -> memref<1x!tpu.dma_semaphore, #tpu.memory_space<semaphore_mem>>
        %dma_wait3A_244 = tpu.memref_squeeze %dma_wait3A_243 : memref<1x!tpu.dma_semaphore, #tpu.memory_space<semaphore_mem>> -> memref<!tpu.dma_semaphore, #tpu.memory_space<semaphore_mem>>
        tpu.wait_indirect_dma semaphore(%dma_wait3A_244 : memref<!tpu.dma_semaphore, #tpu.memory_space<semaphore_mem>>) src(%dma_wait3A_236 : memref<64x128xf32, #tpu.memory_space<vmem>>) dst(%dma_wait3A_242 : memref<10112x128xf32, #tpu.memory_space<vmem_shared>>)
      } else {
      }
      %add3A_175 = arith.constant 2 : i32
      %add3A_176 = arith.addi %while3A_172, %add3A_175 : i32
      %lt3A = arith.cmpi slt, %add3A_176, %select_n3A : i32
      %convert_element_type3A_177 = arith.extui %lt3A : i1 to i32
      %cond3A_178 = arith.constant 0 : i32
      %cond3A_179 = arith.cmpi ne, %convert_element_type3A_177, %cond3A_178 : i32
      scf.if %cond3A_179 {
        %add3A_224 = arith.constant 2 : i32
        %add3A_225 = arith.addi %while3A_172, %add3A_224 : i32
        %add3A_226 = arith.addi %select_n3A_8, %add3A_225 : i32
        %rem3A_227 = arith.constant 4 : i32
        %rem3A_228 = arith.remsi %add3A_225, %rem3A_227 : i32
        %rem3A_229 = arith.constant 4 : i32
        %rem3A_230 = arith.remsi %add3A_225, %rem3A_229 : i32
        %dma_start3A_231 = arith.constant 0 : i32
        %dma_start3A_232 = arith.constant 0 : i32
        %dma_start3A_233 = tpu.memref_slice %arg5[%rem3A_228, %dma_start3A_231, %dma_start3A_232] : memref<4x2x64xi32, #tpu.memory_space<vmem>> -> memref<1x2x64xi32, #tpu.memory_space<vmem>>
        %dma_start3A_234 = tpu.memref_squeeze %dma_start3A_233 : memref<1x2x64xi32, #tpu.memory_space<vmem>> -> memref<2x64xi32, #tpu.memory_space<vmem>>
        %dma_start3A_235 = arith.constant 0 : i32
        %dma_start3A_236 = arith.constant 0 : i32
        %dma_start3A_237 = tpu.memref_slice %arg2[%add3A_226, %dma_start3A_235, %dma_start3A_236] : memref<5056x2x64xi32, #tpu.memory_space<hbm>> -> memref<1x2x64xi32, #tpu.memory_space<hbm>>
        %dma_start3A_238 = tpu.memref_squeeze %dma_start3A_237 : memref<1x2x64xi32, #tpu.memory_space<hbm>> -> memref<2x64xi32, #tpu.memory_space<hbm>>
        %dma_start3A_239 = tpu.memref_slice %arg8[%rem3A_230] : memref<4x!tpu.dma_semaphore, #tpu.memory_space<semaphore_mem>> -> memref<1x!tpu.dma_semaphore, #tpu.memory_space<semaphore_mem>>
        %dma_start3A_240 = tpu.memref_squeeze %dma_start3A_239 : memref<1x!tpu.dma_semaphore, #tpu.memory_space<semaphore_mem>> -> memref<!tpu.dma_semaphore, #tpu.memory_space<semaphore_mem>>
        %dma_start3A_241 = arith.constant 0 : i32
        %dma_start3A_242 = arith.constant 0 : i32
        %dma_start3A_243 = tpu.memref_slice %arg5[%rem3A_228, %dma_start3A_241, %dma_start3A_242] : memref<4x2x64xi32, #tpu.memory_space<vmem>> -> memref<1x2x64xi32, #tpu.memory_space<vmem>>
        %dma_start3A_244 = tpu.memref_squeeze %dma_start3A_243 : memref<1x2x64xi32, #tpu.memory_space<vmem>> -> memref<2x64xi32, #tpu.memory_space<vmem>>
        %dma_start3A_245 = arith.constant 0 : i32
        %dma_start3A_246 = arith.constant 0 : i32
        %dma_start3A_247 = tpu.memref_slice %arg2[%add3A_226, %dma_start3A_245, %dma_start3A_246] : memref<5056x2x64xi32, #tpu.memory_space<hbm>> -> memref<1x2x64xi32, #tpu.memory_space<hbm>>
        %dma_start3A_248 = tpu.memref_squeeze %dma_start3A_247 : memref<1x2x64xi32, #tpu.memory_space<hbm>> -> memref<2x64xi32, #tpu.memory_space<hbm>>
        tpu.enqueue_dma source(%dma_start3A_248 : memref<2x64xi32, #tpu.memory_space<hbm>>) target(%dma_start3A_244 : memref<2x64xi32, #tpu.memory_space<vmem>>) target_semaphore(%dma_start3A_240 : memref<!tpu.dma_semaphore, #tpu.memory_space<semaphore_mem>>)
      } else {
      }
      %add3A_180 = arith.constant 1 : i32
      %add3A_181 = arith.addi %while3A_172, %add3A_180 : i32
      %lt3A_182 = arith.cmpi slt, %add3A_181, %select_n3A : i32
      %convert_element_type3A_183 = arith.extui %lt3A_182 : i1 to i32
      %cond3A_184 = arith.constant 0 : i32
      %cond3A_185 = arith.cmpi ne, %convert_element_type3A_183, %cond3A_184 : i32
      scf.if %cond3A_185 {
        %add3A_224 = arith.constant 1 : i32
        %add3A_225 = arith.addi %while3A_172, %add3A_224 : i32
        %add3A_226 = arith.addi %select_n3A_8, %add3A_225 : i32
        %rem3A_227 = arith.constant 4 : i32
        %rem3A_228 = arith.remsi %add3A_225, %rem3A_227 : i32
        %rem3A_229 = arith.constant 4 : i32
        %rem3A_230 = arith.remsi %add3A_225, %rem3A_229 : i32
        %dma_wait3A_231 = arith.constant 0 : i32
        %dma_wait3A_232 = arith.constant 0 : i32
        %dma_wait3A_233 = tpu.memref_slice %arg5[%rem3A_228, %dma_wait3A_231, %dma_wait3A_232] : memref<4x2x64xi32, #tpu.memory_space<vmem>> -> memref<1x2x64xi32, #tpu.memory_space<vmem>>
        %dma_wait3A_234 = tpu.memref_squeeze %dma_wait3A_233 : memref<1x2x64xi32, #tpu.memory_space<vmem>> -> memref<2x64xi32, #tpu.memory_space<vmem>>
        %dma_wait3A_235 = arith.constant 0 : i32
        %dma_wait3A_236 = arith.constant 0 : i32
        %dma_wait3A_237 = tpu.memref_slice %arg2[%add3A_226, %dma_wait3A_235, %dma_wait3A_236] : memref<5056x2x64xi32, #tpu.memory_space<hbm>> -> memref<1x2x64xi32, #tpu.memory_space<hbm>>
        %dma_wait3A_238 = tpu.memref_squeeze %dma_wait3A_237 : memref<1x2x64xi32, #tpu.memory_space<hbm>> -> memref<2x64xi32, #tpu.memory_space<hbm>>
        %dma_wait3A_239 = tpu.memref_slice %arg8[%rem3A_230] : memref<4x!tpu.dma_semaphore, #tpu.memory_space<semaphore_mem>> -> memref<1x!tpu.dma_semaphore, #tpu.memory_space<semaphore_mem>>
        %dma_wait3A_240 = tpu.memref_squeeze %dma_wait3A_239 : memref<1x!tpu.dma_semaphore, #tpu.memory_space<semaphore_mem>> -> memref<!tpu.dma_semaphore, #tpu.memory_space<semaphore_mem>>
        %dma_wait3A_241 = arith.constant 0 : i32
        %dma_wait3A_242 = arith.constant 0 : i32
        %dma_wait3A_243 = tpu.memref_slice %arg5[%rem3A_228, %dma_wait3A_241, %dma_wait3A_242] : memref<4x2x64xi32, #tpu.memory_space<vmem>> -> memref<1x2x64xi32, #tpu.memory_space<vmem>>
        %dma_wait3A_244 = tpu.memref_squeeze %dma_wait3A_243 : memref<1x2x64xi32, #tpu.memory_space<vmem>> -> memref<2x64xi32, #tpu.memory_space<vmem>>
        %dma_wait3A_245 = arith.constant 0 : i32
        %dma_wait3A_246 = arith.constant 0 : i32
        %dma_wait3A_247 = tpu.memref_slice %arg2[%add3A_226, %dma_wait3A_245, %dma_wait3A_246] : memref<5056x2x64xi32, #tpu.memory_space<hbm>> -> memref<1x2x64xi32, #tpu.memory_space<hbm>>
        %dma_wait3A_248 = tpu.memref_squeeze %dma_wait3A_247 : memref<1x2x64xi32, #tpu.memory_space<hbm>> -> memref<2x64xi32, #tpu.memory_space<hbm>>
        tpu.wait_dma2 semaphore(%dma_wait3A_240 : memref<!tpu.dma_semaphore, #tpu.memory_space<semaphore_mem>>) src(%dma_wait3A_248 : memref<2x64xi32, #tpu.memory_space<hbm>>) dst(%dma_wait3A_244 : memref<2x64xi32, #tpu.memory_space<vmem>>)
        %add3A_249 = arith.constant 1 : i32
        %add3A_250 = arith.addi %while3A_172, %add3A_249 : i32
        %rem3A_251 = arith.constant 4 : i32
        %rem3A_252 = arith.remsi %add3A_250, %rem3A_251 : i32
        %rem3A_253 = arith.constant 2 : i32
        %rem3A_254 = arith.remsi %add3A_250, %rem3A_253 : i32
        %rem3A_255 = arith.constant 2 : i32
        %rem3A_256 = arith.remsi %add3A_250, %rem3A_255 : i32
        %dma_start3A_257 = arith.constant 0 : i32
        %dma_start3A_258 = arith.constant 0 : i32
        %dma_start3A_259 = arith.constant 0 : i32
        %dma_start3A_260 = tpu.memref_slice %arg6[%rem3A_254, %dma_start3A_258, %dma_start3A_259] : memref<2x64x128xf32, #tpu.memory_space<vmem>> -> memref<1x64x128xf32, #tpu.memory_space<vmem>>
        %dma_start3A_261 = tpu.memref_squeeze %dma_start3A_260 : memref<1x64x128xf32, #tpu.memory_space<vmem>> -> memref<64x128xf32, #tpu.memory_space<vmem>>
        %dma_start3A_262 = arith.constant 0 : i32
        %dma_start3A_263 = tpu.memref_slice %arg5[%rem3A_252, %dma_start3A_257, %dma_start3A_262] : memref<4x2x64xi32, #tpu.memory_space<vmem>> -> memref<1x1x64xi32, #tpu.memory_space<vmem>>
        %dma_start3A_264 = tpu.memref_squeeze %dma_start3A_263 : memref<1x1x64xi32, #tpu.memory_space<vmem>> -> memref<64xi32, #tpu.memory_space<vmem>>
        %dma_start3A_265 = arith.constant 0 : i32
        %dma_start3A_266 = arith.constant 0 : i32
        %dma_start3A_267 = tpu.memref_slice %arg3[%dma_start3A_265, %dma_start3A_266] : memref<10000x128xf32, #tpu.memory_space<hbm>> -> memref<10000x128xf32, #tpu.memory_space<hbm>>
        %dma_start3A_268 = tpu.memref_slice %arg9[%rem3A_256] : memref<2x!tpu.dma_semaphore, #tpu.memory_space<semaphore_mem>> -> memref<1x!tpu.dma_semaphore, #tpu.memory_space<semaphore_mem>>
        %dma_start3A_269 = tpu.memref_squeeze %dma_start3A_268 : memref<1x!tpu.dma_semaphore, #tpu.memory_space<semaphore_mem>> -> memref<!tpu.dma_semaphore, #tpu.memory_space<semaphore_mem>>
        tpu.enqueue_indirect_dma source(%dma_start3A_267 : memref<10000x128xf32, #tpu.memory_space<hbm>>) target(%dma_start3A_261 : memref<64x128xf32, #tpu.memory_space<vmem>>) offsets(%dma_start3A_264 : memref<64xi32, #tpu.memory_space<vmem>>) semaphore(%dma_start3A_269 : memref<!tpu.dma_semaphore, #tpu.memory_space<semaphore_mem>>)
      } else {
      }
      %rem3A_186 = arith.constant 4 : i32
      %rem3A_187 = arith.remsi %while3A_172, %rem3A_186 : i32
      %rem3A_188 = arith.constant 2 : i32
      %rem3A_189 = arith.remsi %while3A_172, %rem3A_188 : i32
      %rem3A_190 = arith.constant 2 : i32
      %rem3A_191 = arith.remsi %while3A_172, %rem3A_190 : i32
      %dma_wait3A_192 = arith.constant 0 : i32
      %dma_wait3A_193 = arith.constant 0 : i32
      %dma_wait3A_194 = arith.constant 0 : i32
      %dma_wait3A_195 = tpu.memref_slice %arg6[%rem3A_189, %dma_wait3A_193, %dma_wait3A_194] : memref<2x64x128xf32, #tpu.memory_space<vmem>> -> memref<1x64x128xf32, #tpu.memory_space<vmem>>
      %dma_wait3A_196 = tpu.memref_squeeze %dma_wait3A_195 : memref<1x64x128xf32, #tpu.memory_space<vmem>> -> memref<64x128xf32, #tpu.memory_space<vmem>>
      %dma_wait3A_197 = arith.constant 0 : i32
      %dma_wait3A_198 = tpu.memref_slice %arg5[%rem3A_187, %dma_wait3A_192, %dma_wait3A_197] : memref<4x2x64xi32, #tpu.memory_space<vmem>> -> memref<1x1x64xi32, #tpu.memory_space<vmem>>
      %dma_wait3A_199 = tpu.memref_squeeze %dma_wait3A_198 : memref<1x1x64xi32, #tpu.memory_space<vmem>> -> memref<64xi32, #tpu.memory_space<vmem>>
      %dma_wait3A_200 = arith.constant 0 : i32
      %dma_wait3A_201 = arith.constant 0 : i32
      %dma_wait3A_202 = tpu.memref_slice %arg3[%dma_wait3A_200, %dma_wait3A_201] : memref<10000x128xf32, #tpu.memory_space<hbm>> -> memref<10000x128xf32, #tpu.memory_space<hbm>>
      %dma_wait3A_203 = tpu.memref_slice %arg9[%rem3A_191] : memref<2x!tpu.dma_semaphore, #tpu.memory_space<semaphore_mem>> -> memref<1x!tpu.dma_semaphore, #tpu.memory_space<semaphore_mem>>
      %dma_wait3A_204 = tpu.memref_squeeze %dma_wait3A_203 : memref<1x!tpu.dma_semaphore, #tpu.memory_space<semaphore_mem>> -> memref<!tpu.dma_semaphore, #tpu.memory_space<semaphore_mem>>
      tpu.wait_indirect_dma semaphore(%dma_wait3A_204 : memref<!tpu.dma_semaphore, #tpu.memory_space<semaphore_mem>>) src(%dma_wait3A_202 : memref<10000x128xf32, #tpu.memory_space<hbm>>) dst(%dma_wait3A_196 : memref<64x128xf32, #tpu.memory_space<vmem>>)
      %rem3A_205 = arith.constant 2 : i32
      %rem3A_206 = arith.remsi %while3A_172, %rem3A_205 : i32
      %rem3A_207 = arith.constant 4 : i32
      %rem3A_208 = arith.remsi %while3A_172, %rem3A_207 : i32
      %rem3A_209 = arith.constant 2 : i32
      %rem3A_210 = arith.remsi %while3A_172, %rem3A_209 : i32
      %dma_start3A_211 = arith.constant 1 : i32
      %dma_start3A_212 = arith.constant 0 : i32
      %dma_start3A_213 = arith.constant 0 : i32
      %dma_start3A_214 = tpu.memref_slice %arg6[%rem3A_206, %dma_start3A_212, %dma_start3A_213] : memref<2x64x128xf32, #tpu.memory_space<vmem>> -> memref<1x64x128xf32, #tpu.memory_space<vmem>>
      %dma_start3A_215 = tpu.memref_squeeze %dma_start3A_214 : memref<1x64x128xf32, #tpu.memory_space<vmem>> -> memref<64x128xf32, #tpu.memory_space<vmem>>
      %dma_start3A_216 = arith.constant 0 : i32
      %dma_start3A_217 = tpu.memref_slice %arg5[%rem3A_208, %dma_start3A_211, %dma_start3A_216] : memref<4x2x64xi32, #tpu.memory_space<vmem>> -> memref<1x1x64xi32, #tpu.memory_space<vmem>>
      %dma_start3A_218 = tpu.memref_squeeze %dma_start3A_217 : memref<1x1x64xi32, #tpu.memory_space<vmem>> -> memref<64xi32, #tpu.memory_space<vmem>>
      %dma_start3A_219 = arith.constant 0 : i32
      %dma_start3A_220 = arith.constant 0 : i32
      %dma_start3A_221 = tpu.memref_slice %arg7[%dma_start3A_219, %dma_start3A_220] : memref<10112x128xf32, #tpu.memory_space<vmem_shared>> -> memref<10112x128xf32, #tpu.memory_space<vmem_shared>>
      %dma_start3A_222 = tpu.memref_slice %arg10[%rem3A_210] : memref<2x!tpu.dma_semaphore, #tpu.memory_space<semaphore_mem>> -> memref<1x!tpu.dma_semaphore, #tpu.memory_space<semaphore_mem>>
      %dma_start3A_223 = tpu.memref_squeeze %dma_start3A_222 : memref<1x!tpu.dma_semaphore, #tpu.memory_space<semaphore_mem>> -> memref<!tpu.dma_semaphore, #tpu.memory_space<semaphore_mem>>
      tpu.enqueue_indirect_dma source(%dma_start3A_215 : memref<64x128xf32, #tpu.memory_space<vmem>>) target(%dma_start3A_221 : memref<10112x128xf32, #tpu.memory_space<vmem_shared>>) offsets(%dma_start3A_218 : memref<64xi32, #tpu.memory_space<vmem>>) semaphore(%dma_start3A_223 : memref<!tpu.dma_semaphore, #tpu.memory_space<semaphore_mem>>) {add = true}
    }
    %while3A_147 = arith.constant 1 : i32
    scf.for %while3A_172 = %while3A_145 to %while3A_141 step %while3A_147  : i32 {
      %ge3A = arith.constant 1 : i32
      %ge3A_173 = arith.cmpi sge, %while3A_172, %ge3A : i32
      %convert_element_type3A = arith.extui %ge3A_173 : i1 to i32
      %cond3A = arith.constant 0 : i32
      %cond3A_174 = arith.cmpi ne, %convert_element_type3A, %cond3A : i32
      scf.if %cond3A_174 {
        %sub3A_224 = arith.constant 1 : i32
        %sub3A_225 = arith.subi %while3A_172, %sub3A_224 : i32
        %rem3A_226 = arith.constant 2 : i32
        %rem3A_227 = arith.remsi %sub3A_225, %rem3A_226 : i32
        %rem3A_228 = arith.constant 4 : i32
        %rem3A_229 = arith.remsi %sub3A_225, %rem3A_228 : i32
        %rem3A_230 = arith.constant 2 : i32
        %rem3A_231 = arith.remsi %sub3A_225, %rem3A_230 : i32
        %dma_wait3A_232 = arith.constant 1 : i32
        %dma_wait3A_233 = arith.constant 0 : i32
        %dma_wait3A_234 = arith.constant 0 : i32
        %dma_wait3A_235 = tpu.memref_slice %arg6[%rem3A_227, %dma_wait3A_233, %dma_wait3A_234] : memref<2x64x128xf32, #tpu.memory_space<vmem>> -> memref<1x64x128xf32, #tpu.memory_space<vmem>>
        %dma_wait3A_236 = tpu.memref_squeeze %dma_wait3A_235 : memref<1x64x128xf32, #tpu.memory_space<vmem>> -> memref<64x128xf32, #tpu.memory_space<vmem>>
        %dma_wait3A_237 = arith.constant 0 : i32
        %dma_wait3A_238 = tpu.memref_slice %arg5[%rem3A_229, %dma_wait3A_232, %dma_wait3A_237] : memref<4x2x64xi32, #tpu.memory_space<vmem>> -> memref<1x1x64xi32, #tpu.memory_space<vmem>>
        %dma_wait3A_239 = tpu.memref_squeeze %dma_wait3A_238 : memref<1x1x64xi32, #tpu.memory_space<vmem>> -> memref<64xi32, #tpu.memory_space<vmem>>
        %dma_wait3A_240 = arith.constant 0 : i32
        %dma_wait3A_241 = arith.constant 0 : i32
        %dma_wait3A_242 = tpu.memref_slice %arg7[%dma_wait3A_240, %dma_wait3A_241] : memref<10112x128xf32, #tpu.memory_space<vmem_shared>> -> memref<10112x128xf32, #tpu.memory_space<vmem_shared>>
        %dma_wait3A_243 = tpu.memref_slice %arg10[%rem3A_231] : memref<2x!tpu.dma_semaphore, #tpu.memory_space<semaphore_mem>> -> memref<1x!tpu.dma_semaphore, #tpu.memory_space<semaphore_mem>>
        %dma_wait3A_244 = tpu.memref_squeeze %dma_wait3A_243 : memref<1x!tpu.dma_semaphore, #tpu.memory_space<semaphore_mem>> -> memref<!tpu.dma_semaphore, #tpu.memory_space<semaphore_mem>>
        tpu.wait_indirect_dma semaphore(%dma_wait3A_244 : memref<!tpu.dma_semaphore, #tpu.memory_space<semaphore_mem>>) src(%dma_wait3A_236 : memref<64x128xf32, #tpu.memory_space<vmem>>) dst(%dma_wait3A_242 : memref<10112x128xf32, #tpu.memory_space<vmem_shared>>)
      } else {
      }
      %add3A_175 = arith.constant 2 : i32
      %add3A_176 = arith.addi %while3A_172, %add3A_175 : i32
      %lt3A = arith.cmpi slt, %add3A_176, %select_n3A : i32
      %convert_element_type3A_177 = arith.extui %lt3A : i1 to i32
      %cond3A_178 = arith.constant 0 : i32
      %cond3A_179 = arith.cmpi ne, %convert_element_type3A_177, %cond3A_178 : i32
      scf.if %cond3A_179 {
        %add3A_224 = arith.constant 2 : i32
        %add3A_225 = arith.addi %while3A_172, %add3A_224 : i32
        %add3A_226 = arith.addi %select_n3A_8, %add3A_225 : i32
        %rem3A_227 = arith.constant 4 : i32
        %rem3A_228 = arith.remsi %add3A_225, %rem3A_227 : i32
        %rem3A_229 = arith.constant 4 : i32
        %rem3A_230 = arith.remsi %add3A_225, %rem3A_229 : i32
        %dma_start3A_231 = arith.constant 0 : i32
        %dma_start3A_232 = arith.constant 0 : i32
        %dma_start3A_233 = tpu.memref_slice %arg5[%rem3A_228, %dma_start3A_231, %dma_start3A_232] : memref<4x2x64xi32, #tpu.memory_space<vmem>> -> memref<1x2x64xi32, #tpu.memory_space<vmem>>
        %dma_start3A_234 = tpu.memref_squeeze %dma_start3A_233 : memref<1x2x64xi32, #tpu.memory_space<vmem>> -> memref<2x64xi32, #tpu.memory_space<vmem>>
        %dma_start3A_235 = arith.constant 0 : i32
        %dma_start3A_236 = arith.constant 0 : i32
        %dma_start3A_237 = tpu.memref_slice %arg2[%add3A_226, %dma_start3A_235, %dma_start3A_236] : memref<5056x2x64xi32, #tpu.memory_space<hbm>> -> memref<1x2x64xi32, #tpu.memory_space<hbm>>
        %dma_start3A_238 = tpu.memref_squeeze %dma_start3A_237 : memref<1x2x64xi32, #tpu.memory_space<hbm>> -> memref<2x64xi32, #tpu.memory_space<hbm>>
        %dma_start3A_239 = tpu.memref_slice %arg8[%rem3A_230] : memref<4x!tpu.dma_semaphore, #tpu.memory_space<semaphore_mem>> -> memref<1x!tpu.dma_semaphore, #tpu.memory_space<semaphore_mem>>
        %dma_start3A_240 = tpu.memref_squeeze %dma_start3A_239 : memref<1x!tpu.dma_semaphore, #tpu.memory_space<semaphore_mem>> -> memref<!tpu.dma_semaphore, #tpu.memory_space<semaphore_mem>>
        %dma_start3A_241 = arith.constant 0 : i32
        %dma_start3A_242 = arith.constant 0 : i32
        %dma_start3A_243 = tpu.memref_slice %arg5[%rem3A_228, %dma_start3A_241, %dma_start3A_242] : memref<4x2x64xi32, #tpu.memory_space<vmem>> -> memref<1x2x64xi32, #tpu.memory_space<vmem>>
        %dma_start3A_244 = tpu.memref_squeeze %dma_start3A_243 : memref<1x2x64xi32, #tpu.memory_space<vmem>> -> memref<2x64xi32, #tpu.memory_space<vmem>>
        %dma_start3A_245 = arith.constant 0 : i32
        %dma_start3A_246 = arith.constant 0 : i32
        %dma_start3A_247 = tpu.memref_slice %arg2[%add3A_226, %dma_start3A_245, %dma_start3A_246] : memref<5056x2x64xi32, #tpu.memory_space<hbm>> -> memref<1x2x64xi32, #tpu.memory_space<hbm>>
        %dma_start3A_248 = tpu.memref_squeeze %dma_start3A_247 : memref<1x2x64xi32, #tpu.memory_space<hbm>> -> memref<2x64xi32, #tpu.memory_space<hbm>>
        tpu.enqueue_dma source(%dma_start3A_248 : memref<2x64xi32, #tpu.memory_space<hbm>>) target(%dma_start3A_244 : memref<2x64xi32, #tpu.memory_space<vmem>>) target_semaphore(%dma_start3A_240 : memref<!tpu.dma_semaphore, #tpu.memory_space<semaphore_mem>>)
      } else {
      }
      %add3A_180 = arith.constant 1 : i32
      %add3A_181 = arith.addi %while3A_172, %add3A_180 : i32
      %lt3A_182 = arith.cmpi slt, %add3A_181, %select_n3A : i32
      %convert_element_type3A_183 = arith.extui %lt3A_182 : i1 to i32
      %cond3A_184 = arith.constant 0 : i32
      %cond3A_185 = arith.cmpi ne, %convert_element_type3A_183, %cond3A_184 : i32
      scf.if %cond3A_185 {
        %add3A_224 = arith.constant 1 : i32
        %add3A_225 = arith.addi %while3A_172, %add3A_224 : i32
        %add3A_226 = arith.addi %select_n3A_8, %add3A_225 : i32
        %rem3A_227 = arith.constant 4 : i32
        %rem3A_228 = arith.remsi %add3A_225, %rem3A_227 : i32
        %rem3A_229 = arith.constant 4 : i32
        %rem3A_230 = arith.remsi %add3A_225, %rem3A_229 : i32
        %dma_wait3A_231 = arith.constant 0 : i32
        %dma_wait3A_232 = arith.constant 0 : i32
        %dma_wait3A_233 = tpu.memref_slice %arg5[%rem3A_228, %dma_wait3A_231, %dma_wait3A_232] : memref<4x2x64xi32, #tpu.memory_space<vmem>> -> memref<1x2x64xi32, #tpu.memory_space<vmem>>
        %dma_wait3A_234 = tpu.memref_squeeze %dma_wait3A_233 : memref<1x2x64xi32, #tpu.memory_space<vmem>> -> memref<2x64xi32, #tpu.memory_space<vmem>>
        %dma_wait3A_235 = arith.constant 0 : i32
        %dma_wait3A_236 = arith.constant 0 : i32
        %dma_wait3A_237 = tpu.memref_slice %arg2[%add3A_226, %dma_wait3A_235, %dma_wait3A_236] : memref<5056x2x64xi32, #tpu.memory_space<hbm>> -> memref<1x2x64xi32, #tpu.memory_space<hbm>>
        %dma_wait3A_238 = tpu.memref_squeeze %dma_wait3A_237 : memref<1x2x64xi32, #tpu.memory_space<hbm>> -> memref<2x64xi32, #tpu.memory_space<hbm>>
        %dma_wait3A_239 = tpu.memref_slice %arg8[%rem3A_230] : memref<4x!tpu.dma_semaphore, #tpu.memory_space<semaphore_mem>> -> memref<1x!tpu.dma_semaphore, #tpu.memory_space<semaphore_mem>>
        %dma_wait3A_240 = tpu.memref_squeeze %dma_wait3A_239 : memref<1x!tpu.dma_semaphore, #tpu.memory_space<semaphore_mem>> -> memref<!tpu.dma_semaphore, #tpu.memory_space<semaphore_mem>>
        %dma_wait3A_241 = arith.constant 0 : i32
        %dma_wait3A_242 = arith.constant 0 : i32
        %dma_wait3A_243 = tpu.memref_slice %arg5[%rem3A_228, %dma_wait3A_241, %dma_wait3A_242] : memref<4x2x64xi32, #tpu.memory_space<vmem>> -> memref<1x2x64xi32, #tpu.memory_space<vmem>>
        %dma_wait3A_244 = tpu.memref_squeeze %dma_wait3A_243 : memref<1x2x64xi32, #tpu.memory_space<vmem>> -> memref<2x64xi32, #tpu.memory_space<vmem>>
        %dma_wait3A_245 = arith.constant 0 : i32
        %dma_wait3A_246 = arith.constant 0 : i32
        %dma_wait3A_247 = tpu.memref_slice %arg2[%add3A_226, %dma_wait3A_245, %dma_wait3A_246] : memref<5056x2x64xi32, #tpu.memory_space<hbm>> -> memref<1x2x64xi32, #tpu.memory_space<hbm>>
        %dma_wait3A_248 = tpu.memref_squeeze %dma_wait3A_247 : memref<1x2x64xi32, #tpu.memory_space<hbm>> -> memref<2x64xi32, #tpu.memory_space<hbm>>
        tpu.wait_dma2 semaphore(%dma_wait3A_240 : memref<!tpu.dma_semaphore, #tpu.memory_space<semaphore_mem>>) src(%dma_wait3A_248 : memref<2x64xi32, #tpu.memory_space<hbm>>) dst(%dma_wait3A_244 : memref<2x64xi32, #tpu.memory_space<vmem>>)
        %add3A_249 = arith.constant 1 : i32
        %add3A_250 = arith.addi %while3A_172, %add3A_249 : i32
        %rem3A_251 = arith.constant 4 : i32
        %rem3A_252 = arith.remsi %add3A_250, %rem3A_251 : i32
        %rem3A_253 = arith.constant 2 : i32
        %rem3A_254 = arith.remsi %add3A_250, %rem3A_253 : i32
        %rem3A_255 = arith.constant 2 : i32
        %rem3A_256 = arith.remsi %add3A_250, %rem3A_255 : i32
        %dma_start3A_257 = arith.constant 0 : i32
        %dma_start3A_258 = arith.constant 0 : i32
        %dma_start3A_259 = arith.constant 0 : i32
        %dma_start3A_260 = tpu.memref_slice %arg6[%rem3A_254, %dma_start3A_258, %dma_start3A_259] : memref<2x64x128xf32, #tpu.memory_space<vmem>> -> memref<1x64x128xf32, #tpu.memory_space<vmem>>
        %dma_start3A_261 = tpu.memref_squeeze %dma_start3A_260 : memref<1x64x128xf32, #tpu.memory_space<vmem>> -> memref<64x128xf32, #tpu.memory_space<vmem>>
        %dma_start3A_262 = arith.constant 0 : i32
        %dma_start3A_263 = tpu.memref_slice %arg5[%rem3A_252, %dma_start3A_257, %dma_start3A_262] : memref<4x2x64xi32, #tpu.memory_space<vmem>> -> memref<1x1x64xi32, #tpu.memory_space<vmem>>
        %dma_start3A_264 = tpu.memref_squeeze %dma_start3A_263 : memref<1x1x64xi32, #tpu.memory_space<vmem>> -> memref<64xi32, #tpu.memory_space<vmem>>
        %dma_start3A_265 = arith.constant 0 : i32
        %dma_start3A_266 = arith.constant 0 : i32
        %dma_start3A_267 = tpu.memref_slice %arg3[%dma_start3A_265, %dma_start3A_266] : memref<10000x128xf32, #tpu.memory_space<hbm>> -> memref<10000x128xf32, #tpu.memory_space<hbm>>
        %dma_start3A_268 = tpu.memref_slice %arg9[%rem3A_256] : memref<2x!tpu.dma_semaphore, #tpu.memory_space<semaphore_mem>> -> memref<1x!tpu.dma_semaphore, #tpu.memory_space<semaphore_mem>>
        %dma_start3A_269 = tpu.memref_squeeze %dma_start3A_268 : memref<1x!tpu.dma_semaphore, #tpu.memory_space<semaphore_mem>> -> memref<!tpu.dma_semaphore, #tpu.memory_space<semaphore_mem>>
        tpu.enqueue_indirect_dma source(%dma_start3A_267 : memref<10000x128xf32, #tpu.memory_space<hbm>>) target(%dma_start3A_261 : memref<64x128xf32, #tpu.memory_space<vmem>>) offsets(%dma_start3A_264 : memref<64xi32, #tpu.memory_space<vmem>>) semaphore(%dma_start3A_269 : memref<!tpu.dma_semaphore, #tpu.memory_space<semaphore_mem>>)
      } else {
      }
      %rem3A_186 = arith.constant 4 : i32
      %rem3A_187 = arith.remsi %while3A_172, %rem3A_186 : i32
      %rem3A_188 = arith.constant 2 : i32
      %rem3A_189 = arith.remsi %while3A_172, %rem3A_188 : i32
      %rem3A_190 = arith.constant 2 : i32
      %rem3A_191 = arith.remsi %while3A_172, %rem3A_190 : i32
      %dma_wait3A_192 = arith.constant 0 : i32
      %dma_wait3A_193 = arith.constant 0 : i32
      %dma_wait3A_194 = arith.constant 0 : i32
      %dma_wait3A_195 = tpu.memref_slice %arg6[%rem3A_189, %dma_wait3A_193, %dma_wait3A_194] : memref<2x64x128xf32, #tpu.memory_space<vmem>> -> memref<1x64x128xf32, #tpu.memory_space<vmem>>
      %dma_wait3A_196 = tpu.memref_squeeze %dma_wait3A_195 : memref<1x64x128xf32, #tpu.memory_space<vmem>> -> memref<64x128xf32, #tpu.memory_space<vmem>>
      %dma_wait3A_197 = arith.constant 0 : i32
      %dma_wait3A_198 = tpu.memref_slice %arg5[%rem3A_187, %dma_wait3A_192, %dma_wait3A_197] : memref<4x2x64xi32, #tpu.memory_space<vmem>> -> memref<1x1x64xi32, #tpu.memory_space<vmem>>
      %dma_wait3A_199 = tpu.memref_squeeze %dma_wait3A_198 : memref<1x1x64xi32, #tpu.memory_space<vmem>> -> memref<64xi32, #tpu.memory_space<vmem>>
      %dma_wait3A_200 = arith.constant 0 : i32
      %dma_wait3A_201 = arith.constant 0 : i32
      %dma_wait3A_202 = tpu.memref_slice %arg3[%dma_wait3A_200, %dma_wait3A_201] : memref<10000x128xf32, #tpu.memory_space<hbm>> -> memref<10000x128xf32, #tpu.memory_space<hbm>>
      %dma_wait3A_203 = tpu.memref_slice %arg9[%rem3A_191] : memref<2x!tpu.dma_semaphore, #tpu.memory_space<semaphore_mem>> -> memref<1x!tpu.dma_semaphore, #tpu.memory_space<semaphore_mem>>
      %dma_wait3A_204 = tpu.memref_squeeze %dma_wait3A_203 : memref<1x!tpu.dma_semaphore, #tpu.memory_space<semaphore_mem>> -> memref<!tpu.dma_semaphore, #tpu.memory_space<semaphore_mem>>
      tpu.wait_indirect_dma semaphore(%dma_wait3A_204 : memref<!tpu.dma_semaphore, #tpu.memory_space<semaphore_mem>>) src(%dma_wait3A_202 : memref<10000x128xf32, #tpu.memory_space<hbm>>) dst(%dma_wait3A_196 : memref<64x128xf32, #tpu.memory_space<vmem>>)
      %rem3A_205 = arith.constant 2 : i32
      %rem3A_206 = arith.remsi %while3A_172, %rem3A_205 : i32
      %rem3A_207 = arith.constant 4 : i32
      %rem3A_208 = arith.remsi %while3A_172, %rem3A_207 : i32
      %rem3A_209 = arith.constant 2 : i32
      %rem3A_210 = arith.remsi %while3A_172, %rem3A_209 : i32
      %dma_start3A_211 = arith.constant 1 : i32
      %dma_start3A_212 = arith.constant 0 : i32
      %dma_start3A_213 = arith.constant 0 : i32
      %dma_start3A_214 = tpu.memref_slice %arg6[%rem3A_206, %dma_start3A_212, %dma_start3A_213] : memref<2x64x128xf32, #tpu.memory_space<vmem>> -> memref<1x64x128xf32, #tpu.memory_space<vmem>>
      %dma_start3A_215 = tpu.memref_squeeze %dma_start3A_214 : memref<1x64x128xf32, #tpu.memory_space<vmem>> -> memref<64x128xf32, #tpu.memory_space<vmem>>
      %dma_start3A_216 = arith.constant 0 : i32
      %dma_start3A_217 = tpu.memref_slice %arg5[%rem3A_208, %dma_start3A_211, %dma_start3A_216] : memref<4x2x64xi32, #tpu.memory_space<vmem>> -> memref<1x1x64xi32, #tpu.memory_space<vmem>>
      %dma_start3A_218 = tpu.memref_squeeze %dma_start3A_217 : memref<1x1x64xi32, #tpu.memory_space<vmem>> -> memref<64xi32, #tpu.memory_space<vmem>>
      %dma_start3A_219 = arith.constant 0 : i32
      %dma_start3A_220 = arith.constant 0 : i32
      %dma_start3A_221 = tpu.memref_slice %arg7[%dma_start3A_219, %dma_start3A_220] : memref<10112x128xf32, #tpu.memory_space<vmem_shared>> -> memref<10112x128xf32, #tpu.memory_space<vmem_shared>>
      %dma_start3A_222 = tpu.memref_slice %arg10[%rem3A_210] : memref<2x!tpu.dma_semaphore, #tpu.memory_space<semaphore_mem>> -> memref<1x!tpu.dma_semaphore, #tpu.memory_space<semaphore_mem>>
      %dma_start3A_223 = tpu.memref_squeeze %dma_start3A_222 : memref<1x!tpu.dma_semaphore, #tpu.memory_space<semaphore_mem>> -> memref<!tpu.dma_semaphore, #tpu.memory_space<semaphore_mem>>
      tpu.enqueue_indirect_dma source(%dma_start3A_215 : memref<64x128xf32, #tpu.memory_space<vmem>>) target(%dma_start3A_221 : memref<10112x128xf32, #tpu.memory_space<vmem_shared>>) offsets(%dma_start3A_218 : memref<64xi32, #tpu.memory_space<vmem>>) semaphore(%dma_start3A_223 : memref<!tpu.dma_semaphore, #tpu.memory_space<semaphore_mem>>) {add = true}
    }
    %sub3A = arith.constant 1 : i32
    %sub3A_148 = arith.subi %select_n3A, %sub3A : i32
    %rem3A_149 = arith.constant 2 : i32
    %rem3A_150 = arith.remsi %sub3A_148, %rem3A_149 : i32
    %rem3A_151 = arith.constant 4 : i32
    %rem3A_152 = arith.remsi %sub3A_148, %rem3A_151 : i32
    %rem3A_153 = arith.constant 2 : i32
    %rem3A_154 = arith.remsi %sub3A_148, %rem3A_153 : i32
    %dma_wait3A_155 = arith.constant 1 : i32
    %dma_wait3A_156 = arith.constant 0 : i32
    %dma_wait3A_157 = arith.constant 0 : i32
    %dma_wait3A_158 = tpu.memref_slice %arg6[%rem3A_150, %dma_wait3A_156, %dma_wait3A_157] : memref<2x64x128xf32, #tpu.memory_space<vmem>> -> memref<1x64x128xf32, #tpu.memory_space<vmem>>
    %dma_wait3A_159 = tpu.memref_squeeze %dma_wait3A_158 : memref<1x64x128xf32, #tpu.memory_space<vmem>> -> memref<64x128xf32, #tpu.memory_space<vmem>>
    %dma_wait3A_160 = arith.constant 0 : i32
    %dma_wait3A_161 = tpu.memref_slice %arg5[%rem3A_152, %dma_wait3A_155, %dma_wait3A_160] : memref<4x2x64xi32, #tpu.memory_space<vmem>> -> memref<1x1x64xi32, #tpu.memory_space<vmem>>
    %dma_wait3A_162 = tpu.memref_squeeze %dma_wait3A_161 : memref<1x1x64xi32, #tpu.memory_space<vmem>> -> memref<64xi32, #tpu.memory_space<vmem>>
    %dma_wait3A_163 = arith.constant 0 : i32
    %dma_wait3A_164 = arith.constant 0 : i32
    %dma_wait3A_165 = tpu.memref_slice %arg7[%dma_wait3A_163, %dma_wait3A_164] : memref<10112x128xf32, #tpu.memory_space<vmem_shared>> -> memref<10112x128xf32, #tpu.memory_space<vmem_shared>>
    %dma_wait3A_166 = tpu.memref_slice %arg10[%rem3A_154] : memref<2x!tpu.dma_semaphore, #tpu.memory_space<semaphore_mem>> -> memref<1x!tpu.dma_semaphore, #tpu.memory_space<semaphore_mem>>
    %dma_wait3A_167 = tpu.memref_squeeze %dma_wait3A_166 : memref<1x!tpu.dma_semaphore, #tpu.memory_space<semaphore_mem>> -> memref<!tpu.dma_semaphore, #tpu.memory_space<semaphore_mem>>
    tpu.wait_indirect_dma semaphore(%dma_wait3A_167 : memref<!tpu.dma_semaphore, #tpu.memory_space<semaphore_mem>>) src(%dma_wait3A_159 : memref<64x128xf32, #tpu.memory_space<vmem>>) dst(%dma_wait3A_165 : memref<10112x128xf32, #tpu.memory_space<vmem_shared>>)
    %barrier3A_168 = arith.constant 0 : index
    tpu.barrier barrier_id(%barrier3A_168)
    %mul3A_169 = arith.constant 10112 : i32
    %mul3A_170 = arith.muli %arg0, %mul3A_169 : i32
    %add3A_171 = arith.addi %mul3A_170, %mul3A_10 : i32
    "tpu.region"() ({
      %run_scoped3A_172 = tpu.sem_alloc : memref<!tpu.dma_semaphore, #tpu.memory_space<semaphore_mem>>
      %dma_start3A_173 = arith.constant 0 : i32
      %dma_start3A_174 = tpu.memref_slice %arg4[%add3A_171, %dma_start3A_173] : memref<20224x128xf32, #tpu.memory_space<hbm>> -> memref<632x128xf32, #tpu.memory_space<hbm>>
      %dma_start3A_175 = arith.constant 0 : i32
      %dma_start3A_176 = tpu.memref_slice %arg7[%mul3A_10, %dma_start3A_175] : memref<10112x128xf32, #tpu.memory_space<vmem_shared>> -> memref<632x128xf32, #tpu.memory_space<vmem_shared>>
      tpu.enqueue_dma source(%dma_start3A_176 : memref<632x128xf32, #tpu.memory_space<vmem_shared>>) target(%dma_start3A_174 : memref<632x128xf32, #tpu.memory_space<hbm>>) target_semaphore(%run_scoped3A_172 : memref<!tpu.dma_semaphore, #tpu.memory_space<semaphore_mem>>)
      %dma_wait3A_177 = arith.constant 0 : i32
      %dma_wait3A_178 = tpu.memref_slice %arg4[%add3A_171, %dma_wait3A_177] : memref<20224x128xf32, #tpu.memory_space<hbm>> -> memref<632x128xf32, #tpu.memory_space<hbm>>
      %dma_wait3A_179 = arith.constant 0 : i32
      %dma_wait3A_180 = tpu.memref_slice %arg7[%mul3A_10, %dma_wait3A_179] : memref<10112x128xf32, #tpu.memory_space<vmem_shared>> -> memref<632x128xf32, #tpu.memory_space<vmem_shared>>
      tpu.wait_dma2 semaphore(%run_scoped3A_172 : memref<!tpu.dma_semaphore, #tpu.memory_space<semaphore_mem>>) src(%dma_wait3A_180 : memref<632x128xf32, #tpu.memory_space<vmem_shared>>) dst(%dma_wait3A_178 : memref<632x128xf32, #tpu.memory_space<hbm>>)
      tpu.yield
    }) : () -> ()
    return
  }
}

module attributes {stable_mosaic.version = 14 : i64} {
  func.func @_pre_body(%arg0: i32, %arg1: memref<512x128xf32, #tpu.memory_space<vmem>>, %arg2: memref<512x128xf32, #tpu.memory_space<vmem>>, %arg3: memref<512x128xf32, #tpu.memory_space<vmem>>, %arg4: memref<128x128xf32, #tpu.memory_space<vmem>>, %arg5: memref<1x128xf32, #tpu.memory_space<vmem>>, %arg6: memref<128x128xf32, #tpu.memory_space<vmem>>, %arg7: memref<1x128xf32, #tpu.memory_space<vmem>>, %arg8: memref<128x384xf32, #tpu.memory_space<vmem>>, %arg9: memref<1x384xf32, #tpu.memory_space<vmem>>, %arg10: memref<1x384xf32, #tpu.memory_space<vmem>>, %arg11: memref<512x128xf32, #tpu.memory_space<vmem>>, %arg12: memref<512x256xf32, #tpu.memory_space<vmem>>, %arg13: memref<512x384xf32, #tpu.memory_space<vmem>>) attributes {dimension_semantics = [#tpu.dimension_semantics<arbitrary>], iteration_bounds = array<i64: 20>, scalar_prefetch = 0 : i64, scratch_operands = 0 : i64, tpu.core_type = #tpu.core_type<tc>, window_params = [{transform_indices = @transform_0, window_bounds = array<i64: 512, 128>}, {transform_indices = @transform_1, window_bounds = array<i64: 512, 128>}, {transform_indices = @transform_2, window_bounds = array<i64: 512, 128>}, {pipeline_mode = #tpu.pipeline_mode<synchronous>, transform_indices = @transform_3, window_bounds = array<i64: 128, 128>}, {pipeline_mode = #tpu.pipeline_mode<synchronous>, transform_indices = @transform_4, window_bounds = array<i64: 1, 128>}, {pipeline_mode = #tpu.pipeline_mode<synchronous>, transform_indices = @transform_5, window_bounds = array<i64: 128, 128>}, {pipeline_mode = #tpu.pipeline_mode<synchronous>, transform_indices = @transform_6, window_bounds = array<i64: 1, 128>}, {pipeline_mode = #tpu.pipeline_mode<synchronous>, transform_indices = @transform_7, window_bounds = array<i64: 128, 384>}, {pipeline_mode = #tpu.pipeline_mode<synchronous>, transform_indices = @transform_8, window_bounds = array<i64: 1, 384>}, {pipeline_mode = #tpu.pipeline_mode<synchronous>, transform_indices = @transform_9, window_bounds = array<i64: 1, 384>}, {transform_indices = @transform_10, window_bounds = array<i64: 512, 128>}, {transform_indices = @transform_11, window_bounds = array<i64: 512, 256>}, {transform_indices = @transform_12, window_bounds = array<i64: 512, 384>}]} {
    %get3A = arith.constant 0 : index
    %get3A_0 = arith.constant 0 : index
    %get3A_1 = vector.load %arg1[%get3A, %get3A_0] : memref<512x128xf32, #tpu.memory_space<vmem>>, vector<512x128xf32>
    %get3A_2 = arith.constant 0 : index
    %get3A_3 = arith.constant 0 : index
    %get3A_4 = vector.load %arg4[%get3A_2, %get3A_3] : memref<128x128xf32, #tpu.memory_space<vmem>>, vector<128x128xf32>
    %dot_general3A = arith.constant dense<0.000000e+00> : vector<512x128xf32>
    %dot_general3A_5 = tpu.matmul %get3A_1, %get3A_4, %dot_general3A {dimension_numbers = #tpu.dot_dimension_numbers<[1], [0], [0], [1], [0, 0, 1, 1], [], []>, transpose_lhs_hint = false} : vector<512x128xf32>, vector<128x128xf32>, vector<512x128xf32> -> vector<512x128xf32>
    %get3A_6 = arith.constant 0 : index
    %get3A_7 = arith.constant 0 : index
    %get3A_8 = vector.load %arg5[%get3A_6, %get3A_7] : memref<1x128xf32, #tpu.memory_space<vmem>>, vector<1x128xf32>
    %add3A = vector.broadcast %get3A_8 : vector<1x128xf32> to vector<512x128xf32>
    %add3A_9 = arith.addf %dot_general3A_5, %add3A : vector<512x128xf32>
    %swap3A = arith.constant 0 : index
    %swap3A_10 = arith.constant 0 : index
    %swap3A_11 = vector.load %arg11[%swap3A, %swap3A_10] : memref<512x128xf32, #tpu.memory_space<vmem>>, vector<512x128xf32>
    tpu.vector_store %arg11[%swap3A, %swap3A_10], %add3A_9 {strides = array<i32>} : memref<512x128xf32, #tpu.memory_space<vmem>>, vector<512x128xf32>,
    %get3A_12 = arith.constant 0 : index
    %get3A_13 = arith.constant 0 : index
    %get3A_14 = vector.load %arg2[%get3A_12, %get3A_13] : memref<512x128xf32, #tpu.memory_space<vmem>>, vector<512x128xf32>
    %get3A_15 = arith.constant 0 : index
    %get3A_16 = arith.constant 0 : index
    %get3A_17 = vector.load %arg6[%get3A_15, %get3A_16] : memref<128x128xf32, #tpu.memory_space<vmem>>, vector<128x128xf32>
    %dot_general3A_18 = arith.constant dense<0.000000e+00> : vector<512x128xf32>
    %dot_general3A_19 = tpu.matmul %get3A_14, %get3A_17, %dot_general3A_18 {dimension_numbers = #tpu.dot_dimension_numbers<[1], [0], [0], [1], [0, 0, 1, 1], [], []>, transpose_lhs_hint = false} : vector<512x128xf32>, vector<128x128xf32>, vector<512x128xf32> -> vector<512x128xf32>
    %get3A_20 = arith.constant 0 : index
    %get3A_21 = arith.constant 0 : index
    %get3A_22 = vector.load %arg7[%get3A_20, %get3A_21] : memref<1x128xf32, #tpu.memory_space<vmem>>, vector<1x128xf32>
    %add3A_23 = vector.broadcast %get3A_22 : vector<1x128xf32> to vector<512x128xf32>
    %add3A_24 = arith.addf %dot_general3A_19, %add3A_23 : vector<512x128xf32>
    %swap3A_25 = arith.constant 0 : index
    %swap3A_26 = arith.constant 0 : index
    %swap3A_27 = vector.load %arg12[%swap3A_25, %swap3A_26] : memref<512x256xf32, #tpu.memory_space<vmem>>, vector<512x128xf32>
    tpu.vector_store %arg12[%swap3A_25, %swap3A_26], %add3A_24 {strides = array<i32>} : memref<512x256xf32, #tpu.memory_space<vmem>>, vector<512x128xf32>,
    %get3A_28 = arith.constant 0 : index
    %get3A_29 = arith.constant 0 : index
    %get3A_30 = vector.load %arg3[%get3A_28, %get3A_29] : memref<512x128xf32, #tpu.memory_space<vmem>>, vector<512x128xf32>
    %swap3A_31 = arith.constant 0 : index
    %swap3A_32 = arith.constant 128 : index
    %swap3A_33 = vector.load %arg12[%swap3A_31, %swap3A_32] : memref<512x256xf32, #tpu.memory_space<vmem>>, vector<512x128xf32>
    tpu.vector_store %arg12[%swap3A_31, %swap3A_32], %get3A_30 {strides = array<i32>} : memref<512x256xf32, #tpu.memory_space<vmem>>, vector<512x128xf32>,
    %get3A_34 = arith.constant 0 : index
    %get3A_35 = arith.constant 0 : index
    %get3A_36 = vector.load %arg8[%get3A_34, %get3A_35] : memref<128x384xf32, #tpu.memory_space<vmem>>, vector<128x384xf32>
    %dot_general3A_37 = arith.constant dense<0.000000e+00> : vector<512x384xf32>
    %dot_general3A_38 = tpu.matmul %get3A_1, %get3A_36, %dot_general3A_37 {dimension_numbers = #tpu.dot_dimension_numbers<[1], [0], [0], [1], [0, 0, 1, 1], [], []>, transpose_lhs_hint = false} : vector<512x128xf32>, vector<128x384xf32>, vector<512x384xf32> -> vector<512x384xf32>
    %get3A_39 = arith.constant 0 : index
    %get3A_40 = arith.constant 0 : index
    %get3A_41 = vector.load %arg9[%get3A_39, %get3A_40] : memref<1x384xf32, #tpu.memory_space<vmem>>, vector<1x384xf32>
    %add3A_42 = vector.broadcast %get3A_41 : vector<1x384xf32> to vector<512x384xf32>
    %add3A_43 = arith.addf %dot_general3A_38, %add3A_42 : vector<512x384xf32>
    %get3A_44 = arith.constant 0 : index
    %get3A_45 = arith.constant 0 : index
    %get3A_46 = vector.load %arg10[%get3A_44, %get3A_45] : memref<1x384xf32, #tpu.memory_space<vmem>>, vector<1x384xf32>
    %add3A_47 = vector.broadcast %get3A_46 : vector<1x384xf32> to vector<512x384xf32>
    %add3A_48 = arith.addf %add3A_43, %add3A_47 : vector<512x384xf32>
    %swap3A_49 = arith.constant 0 : index
    %swap3A_50 = arith.constant 0 : index
    %swap3A_51 = vector.load %arg13[%swap3A_49, %swap3A_50] : memref<512x384xf32, #tpu.memory_space<vmem>>, vector<512x384xf32>
    tpu.vector_store %arg13[%swap3A_49, %swap3A_50], %add3A_48 {strides = array<i32>} : memref<512x384xf32, #tpu.memory_space<vmem>>, vector<512x384xf32>,
    return
  }
  func.func @transform_0(%arg0: i32) -> (i32, i32) {
    %c0_i32 = arith.constant 0 : i32
    %c0_i32_0 = arith.constant 0 : i32
    return %arg0, %c0_i32 : i32, i32
  }
  func.func @transform_1(%arg0: i32) -> (i32, i32) {
    %c0_i32 = arith.constant 0 : i32
    %c0_i32_0 = arith.constant 0 : i32
    return %arg0, %c0_i32 : i32, i32
  }
  func.func @transform_2(%arg0: i32) -> (i32, i32) {
    %c0_i32 = arith.constant 0 : i32
    %c0_i32_0 = arith.constant 0 : i32
    return %arg0, %c0_i32 : i32, i32
  }
  func.func @transform_3(%arg0: i32) -> (i32, i32) {
    %c0_i32 = arith.constant 0 : i32
    %c0_i32_0 = arith.constant 0 : i32
    %c0_i32_1 = arith.constant 0 : i32
    return %c0_i32, %c0_i32_0 : i32, i32
  }
  func.func @transform_4(%arg0: i32) -> (i32, i32) {
    %c0_i32 = arith.constant 0 : i32
    %c0_i32_0 = arith.constant 0 : i32
    %c0_i32_1 = arith.constant 0 : i32
    return %c0_i32, %c0_i32_0 : i32, i32
  }
  func.func @transform_5(%arg0: i32) -> (i32, i32) {
    %c0_i32 = arith.constant 0 : i32
    %c0_i32_0 = arith.constant 0 : i32
    %c0_i32_1 = arith.constant 0 : i32
    return %c0_i32, %c0_i32_0 : i32, i32
  }
  func.func @transform_6(%arg0: i32) -> (i32, i32) {
    %c0_i32 = arith.constant 0 : i32
    %c0_i32_0 = arith.constant 0 : i32
    %c0_i32_1 = arith.constant 0 : i32
    return %c0_i32, %c0_i32_0 : i32, i32
  }
  func.func @transform_7(%arg0: i32) -> (i32, i32) {
    %c0_i32 = arith.constant 0 : i32
    %c0_i32_0 = arith.constant 0 : i32
    %c0_i32_1 = arith.constant 0 : i32
    return %c0_i32, %c0_i32_0 : i32, i32
  }
  func.func @transform_8(%arg0: i32) -> (i32, i32) {
    %c0_i32 = arith.constant 0 : i32
    %c0_i32_0 = arith.constant 0 : i32
    %c0_i32_1 = arith.constant 0 : i32
    return %c0_i32, %c0_i32_0 : i32, i32
  }
  func.func @transform_9(%arg0: i32) -> (i32, i32) {
    %c0_i32 = arith.constant 0 : i32
    %c0_i32_0 = arith.constant 0 : i32
    %c0_i32_1 = arith.constant 0 : i32
    return %c0_i32, %c0_i32_0 : i32, i32
  }
  func.func @transform_10(%arg0: i32) -> (i32, i32) {
    %c0_i32 = arith.constant 0 : i32
    %c0_i32_0 = arith.constant 0 : i32
    return %arg0, %c0_i32 : i32, i32
  }
  func.func @transform_11(%arg0: i32) -> (i32, i32) {
    %c0_i32 = arith.constant 0 : i32
    %c0_i32_0 = arith.constant 0 : i32
    return %arg0, %c0_i32 : i32, i32
  }
  func.func @transform_12(%arg0: i32) -> (i32, i32) {
    %c0_i32 = arith.constant 0 : i32
    %c0_i32_0 = arith.constant 0 : i32
    return %arg0, %c0_i32 : i32, i32
  }
}

module attributes {stable_mosaic.version = 14 : i64} {
  func.func @_fin_body(%arg0: i32, %arg1: memref<128x128xf32, #tpu.memory_space<vmem>>, %arg2: memref<128x128xf32, #tpu.memory_space<vmem>>, %arg3: memref<128x128xf32, #tpu.memory_space<vmem>>, %arg4: memref<128x128xf32, #tpu.memory_space<vmem>>, %arg5: memref<128x384xf32, #tpu.memory_space<vmem>>, %arg6: memref<128x384xf32, #tpu.memory_space<vmem>>, %arg7: memref<128x128xf32, #tpu.memory_space<vmem>>, %arg8: memref<1x128xf32, #tpu.memory_space<vmem>>, %arg9: memref<128x128xf32, #tpu.memory_space<vmem>>) attributes {dimension_semantics = [#tpu.dimension_semantics<arbitrary>], iteration_bounds = array<i64: 79>, scalar_prefetch = 0 : i64, scratch_operands = 0 : i64, tpu.core_type = #tpu.core_type<tc>, window_params = [{transform_indices = @transform_0, window_bounds = array<i64: 128, 128>}, {transform_indices = @transform_1, window_bounds = array<i64: 128, 128>}, {transform_indices = @transform_2, window_bounds = array<i64: 128, 128>}, {transform_indices = @transform_3, window_bounds = array<i64: 128, 128>}, {transform_indices = @transform_4, window_bounds = array<i64: 128, 384>}, {pipeline_mode = #tpu.pipeline_mode<synchronous>, transform_indices = @transform_5, window_bounds = array<i64: 128, 384>}, {pipeline_mode = #tpu.pipeline_mode<synchronous>, transform_indices = @transform_6, window_bounds = array<i64: 128, 128>}, {pipeline_mode = #tpu.pipeline_mode<synchronous>, transform_indices = @transform_7, window_bounds = array<i64: 1, 128>}, {transform_indices = @transform_8, window_bounds = array<i64: 128, 128>}]} {
    %get3A = arith.constant 0 : index
    %get3A_0 = arith.constant 0 : index
    %get3A_1 = vector.load %arg1[%get3A, %get3A_0] : memref<128x128xf32, #tpu.memory_space<vmem>>, vector<128x128xf32>
    %get3A_2 = arith.constant 0 : index
    %get3A_3 = arith.constant 0 : index
    %get3A_4 = vector.load %arg2[%get3A_2, %get3A_3] : memref<128x128xf32, #tpu.memory_space<vmem>>, vector<128x128xf32>
    %add3A = arith.addf %get3A_1, %get3A_4 : vector<128x128xf32>
    %get3A_5 = arith.constant 0 : index
    %get3A_6 = arith.constant 0 : index
    %get3A_7 = vector.load %arg3[%get3A_5, %get3A_6] : memref<128x128xf32, #tpu.memory_space<vmem>>, vector<128x128xf32>
    %get3A_8 = arith.constant 0 : index
    %get3A_9 = arith.constant 0 : index
    %get3A_10 = vector.load %arg4[%get3A_8, %get3A_9] : memref<128x128xf32, #tpu.memory_space<vmem>>, vector<128x128xf32>
    %add3A_11 = arith.addf %get3A_7, %get3A_10 : vector<128x128xf32>
    %get3A_12 = arith.constant 0 : index
    %get3A_13 = arith.constant 0 : index
    %get3A_14 = vector.load %arg5[%get3A_12, %get3A_13] : memref<128x384xf32, #tpu.memory_space<vmem>>, vector<128x384xf32>
    %get3A_15 = arith.constant 0 : index
    %get3A_16 = arith.constant 0 : index
    %get3A_17 = vector.load %arg6[%get3A_15, %get3A_16] : memref<128x384xf32, #tpu.memory_space<vmem>>, vector<128x384xf32>
    %dot_general3A = arith.constant dense<0.000000e+00> : vector<128x384xf32>
    %dot_general3A_18 = tpu.matmul %add3A, %get3A_17, %dot_general3A {dimension_numbers = #tpu.dot_dimension_numbers<[1], [0], [0], [1], [0, 0, 1, 1], [], []>, transpose_lhs_hint = false} : vector<128x128xf32>, vector<128x384xf32>, vector<128x384xf32> -> vector<128x384xf32>
    %add3A_19 = arith.addf %get3A_14, %dot_general3A_18 : vector<128x384xf32>
    %slice3A = vector.extract_strided_slice %add3A_19 {offsets = [0, 0], sizes = [128, 128], strides = [1, 1]} : vector<128x384xf32> to vector<128x128xf32>
    %logistic3A = arith.negf %slice3A : vector<128x128xf32>
    %logistic3A_20 = math.exp %logistic3A : vector<128x128xf32>
    %logistic3A_21 = arith.constant 1.000000e+00 : f32
    %logistic3A_22 = vector.broadcast %logistic3A_21 : f32 to vector<128x128xf32>
    %logistic3A_23 = arith.addf %logistic3A_22, %logistic3A_20 : vector<128x128xf32>
    %logistic3A_24 = arith.divf %logistic3A_22, %logistic3A_23 : vector<128x128xf32>
    %slice3A_25 = vector.extract_strided_slice %add3A_19 {offsets = [0, 128], sizes = [128, 128], strides = [1, 1]} : vector<128x384xf32> to vector<128x128xf32>
    %logistic3A_26 = arith.negf %slice3A_25 : vector<128x128xf32>
    %logistic3A_27 = math.exp %logistic3A_26 : vector<128x128xf32>
    %logistic3A_28 = arith.constant 1.000000e+00 : f32
    %logistic3A_29 = vector.broadcast %logistic3A_28 : f32 to vector<128x128xf32>
    %logistic3A_30 = arith.addf %logistic3A_29, %logistic3A_27 : vector<128x128xf32>
    %logistic3A_31 = arith.divf %logistic3A_29, %logistic3A_30 : vector<128x128xf32>
    %slice3A_32 = vector.extract_strided_slice %add3A_19 {offsets = [0, 256], sizes = [128, 128], strides = [1, 1]} : vector<128x384xf32> to vector<128x128xf32>
    %tanh3A = math.tanh %slice3A_32 : vector<128x128xf32>
    %mul3A = arith.mulf %logistic3A_24, %tanh3A : vector<128x128xf32>
    %add3A_33 = arith.addf %mul3A, %add3A_11 : vector<128x128xf32>
    %tanh3A_34 = math.tanh %add3A_33 : vector<128x128xf32>
    %mul3A_35 = arith.mulf %logistic3A_31, %tanh3A_34 : vector<128x128xf32>
    %get3A_36 = arith.constant 0 : index
    %get3A_37 = arith.constant 0 : index
    %get3A_38 = vector.load %arg7[%get3A_36, %get3A_37] : memref<128x128xf32, #tpu.memory_space<vmem>>, vector<128x128xf32>
    %dot_general3A_39 = arith.constant dense<0.000000e+00> : vector<128x128xf32>
    %dot_general3A_40 = tpu.matmul %mul3A_35, %get3A_38, %dot_general3A_39 {dimension_numbers = #tpu.dot_dimension_numbers<[1], [0], [0], [1], [0, 0, 1, 1], [], []>, transpose_lhs_hint = false} : vector<128x128xf32>, vector<128x128xf32>, vector<128x128xf32> -> vector<128x128xf32>
    %get3A_41 = arith.constant 0 : index
    %get3A_42 = arith.constant 0 : index
    %get3A_43 = vector.load %arg8[%get3A_41, %get3A_42] : memref<1x128xf32, #tpu.memory_space<vmem>>, vector<1x128xf32>
    %add3A_44 = vector.broadcast %get3A_43 : vector<1x128xf32> to vector<128x128xf32>
    %add3A_45 = arith.addf %dot_general3A_40, %add3A_44 : vector<128x128xf32>
    %swap3A = arith.constant 0 : index
    %swap3A_46 = arith.constant 0 : index
    %swap3A_47 = vector.load %arg9[%swap3A, %swap3A_46] : memref<128x128xf32, #tpu.memory_space<vmem>>, vector<128x128xf32>
    tpu.vector_store %arg9[%swap3A, %swap3A_46], %add3A_45 {strides = array<i32>} : memref<128x128xf32, #tpu.memory_space<vmem>>, vector<128x128xf32>,
    return
  }
  func.func @transform_0(%arg0: i32) -> (i32, i32) {
    %c0_i32 = arith.constant 0 : i32
    %c0_i32_0 = arith.constant 0 : i32
    return %arg0, %c0_i32 : i32, i32
  }
  func.func @transform_1(%arg0: i32) -> (i32, i32) {
    %c0_i32 = arith.constant 0 : i32
    %c0_i32_0 = arith.constant 0 : i32
    return %arg0, %c0_i32 : i32, i32
  }
  func.func @transform_2(%arg0: i32) -> (i32, i32) {
    %c0_i32 = arith.constant 0 : i32
    %c0_i32_0 = arith.constant 0 : i32
    return %arg0, %c0_i32 : i32, i32
  }
  func.func @transform_3(%arg0: i32) -> (i32, i32) {
    %c0_i32 = arith.constant 0 : i32
    %c0_i32_0 = arith.constant 0 : i32
    return %arg0, %c0_i32 : i32, i32
  }
  func.func @transform_4(%arg0: i32) -> (i32, i32) {
    %c0_i32 = arith.constant 0 : i32
    %c0_i32_0 = arith.constant 0 : i32
    return %arg0, %c0_i32 : i32, i32
  }
  func.func @transform_5(%arg0: i32) -> (i32, i32) {
    %c0_i32 = arith.constant 0 : i32
    %c0_i32_0 = arith.constant 0 : i32
    %c0_i32_1 = arith.constant 0 : i32
    return %c0_i32, %c0_i32_0 : i32, i32
  }
  func.func @transform_6(%arg0: i32) -> (i32, i32) {
    %c0_i32 = arith.constant 0 : i32
    %c0_i32_0 = arith.constant 0 : i32
    %c0_i32_1 = arith.constant 0 : i32
    return %c0_i32, %c0_i32_0 : i32, i32
  }
  func.func @transform_7(%arg0: i32) -> (i32, i32) {
    %c0_i32 = arith.constant 0 : i32
    %c0_i32_0 = arith.constant 0 : i32
    %c0_i32_1 = arith.constant 0 : i32
    return %c0_i32, %c0_i32_0 : i32, i32
  }
  func.func @transform_8(%arg0: i32) -> (i32, i32) {
    %c0_i32 = arith.constant 0 : i32
    %c0_i32_0 = arith.constant 0 : i32
    return %arg0, %c0_i32 : i32, i32
  }
}

</mosaic_0001>

<sc_bundles>
// kernel: kernel.10.cloned.1.call-start
scs
__scs_entry_jumppad:
0x0: {  	(pc) =	sbr.rel $0x88, $3  }
0x1: {  	(tag) =	ssettag $0x0;
	lr =	simm.s32 $0x1  }
0x2: {  	[smem:$0x3F92] =	sst lr;
	_ =	strace $0xD0000000  }
0x3: {  	_ = 	snop  }
0x4: {  	_ = 	snop  }
0x5: {  	_ = 	snop  }
0x6: {  	_ = 	snop  }
0x7: {  	_ = 	snop  }
__scs_overlays_trampoline_lowered:
0x8: {  	[smem:$0x3FA1] =	sst s0  }
0x9: {  	[smem:$0x3FA2] =	sst s1  }
0xa: {  	[smem:$0x3FA3] =	sst s2  }
0xb: {  	[smem:$0x3FA4] =	sst s3  }
0xc: {  	[smem:$0x3FA5] =	sst s4  }
0xd: {  	[smem:$0x3FA6] =	sst s5  }
0xe: {  	[smem:$0x3FA7] =	sst s6  }
0xf: {  	[smem:$0x3FA8] =	sst s7  }
0x10: {  	[smem:$0x3FA9] =	sst s8  }
0x11: {  	[smem:$0x3FAA] =	sst s9;
	s0 =	simm.s32 @!p0 $0x0  }
0x12: {  	s1 =	sld [smem:$0x3F90];
	s0 =	simm.s32 @p0 $0x1  }
0x13: {  	[smem:$0x3FAB] =	sst s0;
	s0 =	simm.s32 @!p1 $0x0  }
0x14: {  	s2 =	sld [smem:$0x3F8F];
	s0 =	simm.s32 @p1 $0x1  }
0x15: {  	[smem:$0x3FAC] =	sst s0;
	s0 =	simm.s32 @!p2 $0x0  }
0x16: {  	s3 =	sld [smem:$0x3FDB];
	s0 =	simm.s32 @p2 $0x1  }
0x17: {  	s4 =	simm.s32 $0x1BF5;
	[smem:$0x3FAE] =	sst s0  }
0x18: {  	s0 =	sld [smem:$0x3F91];
	_ =	swait.ge [sflag:s4], $0x0  }
0x19: {  	s7 =	sld [smem:$0x3F92]  }
0x1a: {  	s8 =	sadd.s32 $0xFFFFE003, lr  }
0x1b: {  	s9 =	sadd.s32 $0xFFFFFEF7, lr;
	s5 =	simm.s32 $0xFFFFFFFF;
	p2 =	slt.u32 s8, $0xFFFFF086  }
0x1c: {  	p1 =	slt.u32 s9, $0xF7A;
	s5 =	simm.s32 @!p2 $0x0  }
0x1d: {  	s5 =	simm.s32 @p1 $0x1;
	p0 =	seq.s32 s7, s2  }
0x1e: {  	s7 =	smul.u32 @!p0 $0xF7A, s2;
	p2 =	seq.s32 @!p0 s5, $0x0  }
0x1f: {  	s9 =	smul.u32 $0xF7A, s1;
	s8 =	simm.s32 @!p0 $0x1BF5;
	p2 =	por !p2, p0  }
0x20: {  	[sflag:s8] =	ssyncset.s32 @!p0 $0xFFFFF086;
	s6 =	sadd.s32 @!p0 s3, s7;
	s7 =	simm.s32 @!p0 $0x108  }
0x21: {  	s3 =	sadd.s32 s3, s9;
	s6 =	sadd.s32 @!p0 $0x88, s6;
	s7 =	simm.s32 @p2 $0x1082  }
0x22: {  	[simem:s7], [sflag:s8] =	dma.local @!p0 [hbm:s6], $0xF7A  }
0x23: {  	s9 =	sor.u32 $0xD0000000, s2;
	s6 =	simm.s32 $0x108;
	_ =	swait.ge @!p0 [sflag:s8], $0x0  }
0x24: {  	s3 =	sadd.s32 $0x88, s3;
	s6 =	simm.s32 @!p1 $0x1082;
	[sflag:s4] =	ssyncset.s32 $0xFFFFF086  }
0x25: {  	[simem:s6], [sflag:s4] =	dma.local [hbm:s3], $0xF7A  }
0x26: {  	[smem:$0x3F92] =	sst s1;
	(tag) =	ssettag s2;
	_ =	strace s9  }
0x27: {  	s1 =	sld [smem:$0x3FA2]  }
0x28: {  	s2 =	sld [smem:$0x3FA3]  }
0x29: {  	s4 =	sld [smem:$0x3FA5]  }
0x2a: {  	p0 =	seq.s32 s5, $0x0;
	s5 =	sld [smem:$0x3FA6]  }
0x2b: {  	s6 =	sld [smem:$0x3FA7]  }
0x2c: {  	s7 =	sld [smem:$0x3FA8]  }
0x2d: {  	s3 =	simm.s32 $0x108;
	s8 =	sld [smem:$0x3FA9]  }
0x2e: {  	s3 =	simm.s32 @!p0 $0x1082;
	s9 =	sld [smem:$0x3FAA]  }
0x2f: {  	lr =	sadd.s32 s0, s3;
	s0 =	sld [smem:$0x3FA1]  }
0x30: {  	s3 =	sld [smem:$0x3FA4]  }
0x31: {  	[smem:$0x3FAD] =	sst s10  }
0x32: {  	s10 =	sld [smem:$0x3FAB];
	_ =	sdelay $0x3  }
0x33: {  	p0 =	seq.s32 s10, $0x1;
	s10 =	sld [smem:$0x3FAD];
	_ =	sdelay $0x3  }
0x34: {  	[smem:$0x3FAD] =	sst s10  }
0x35: {  	s10 =	sld [smem:$0x3FAC];
	_ =	sdelay $0x3  }
0x36: {  	p1 =	seq.s32 s10, $0x1;
	s10 =	sld [smem:$0x3FAD];
	_ =	sdelay $0x3  }
0x37: {  	[smem:$0x3FAD] =	sst s10  }
0x38: {  	s10 =	sld [smem:$0x3FAE]  }
0x39: {  	_ = 	snop;
	(pc) =	sbr.ind lr, $3  }
0x3a: {  	_ = 	snop  }
0x3b: {  	_ = 	snop  }
0x3c: {  	p2 =	seq.s32 s10, $0x1;
	s10 =	sld [smem:$0x3FAD]  }
0x3d: {  	_ =	shalt  }
0x3e: {  	_ =	shalt  }
0x3f: {  	_ =	shalt  }
0x40: {  	_ =	shalt  }
0x41: {  	_ =	shalt  }
0x42: {  	_ =	shalt  }
0x43: {  	_ =	shalt  }
0x44: {  	_ =	shalt  }
0x45: {  	_ =	shalt  }
0x46: {  	_ =	shalt  }
0x47: {  	_ =	shalt  }
0x48: {  	_ =	shalt  }
0x49: {  	_ =	shalt  }
0x4a: {  	_ =	shalt  }
0x4b: {  	_ =	shalt  }
0x4c: {  	_ =	shalt  }
0x4d: {  	_ =	shalt  }
0x4e: {  	_ =	shalt  }
0x4f: {  	_ =	shalt  }
0x50: {  	_ =	shalt  }
0x51: {  	_ =	shalt  }
0x52: {  	_ =	shalt  }
0x53: {  	_ =	shalt  }
0x54: {  	_ =	shalt  }
0x55: {  	_ =	shalt  }
0x56: {  	_ =	shalt  }
0x57: {  	_ =	shalt  }
0x58: {  	_ =	shalt  }
0x59: {  	_ =	shalt  }
0x5a: {  	_ =	shalt  }
0x5b: {  	_ =	shalt  }
0x5c: {  	_ =	shalt  }
0x5d: {  	_ =	shalt  }
0x5e: {  	_ =	shalt  }
0x5f: {  	_ =	shalt  }
0x60: {  	_ =	shalt  }
0x61: {  	_ =	shalt  }
0x62: {  	_ =	shalt  }
0x63: {  	_ =	shalt  }
0x64: {  	_ =	shalt  }
0x65: {  	_ =	shalt  }
0x66: {  	_ =	shalt  }
0x67: {  	_ =	shalt  }
0x68: {  	_ =	shalt  }
0x69: {  	_ =	shalt  }
0x6a: {  	_ =	shalt  }
0x6b: {  	_ =	shalt  }
0x6c: {  	_ =	shalt  }
0x6d: {  	_ =	shalt  }
0x6e: {  	_ =	shalt  }
0x6f: {  	_ =	shalt  }
0x70: {  	_ =	shalt  }
0x71: {  	_ =	shalt  }
0x72: {  	_ =	shalt  }
0x73: {  	_ =	shalt  }
0x74: {  	_ =	shalt  }
0x75: {  	_ =	shalt  }
0x76: {  	_ =	shalt  }
0x77: {  	_ =	shalt  }
0x78: {  	_ =	shalt  }
0x79: {  	_ =	shalt  }
0x7a: {  	_ =	shalt  }
0x7b: {  	_ =	shalt  }
0x7c: {  	_ =	shalt  }
0x7d: {  	_ =	shalt  }
0x7e: {  	_ =	shalt  }
0x7f: {  	_ =	shalt  }
0x80: {  	_ =	shalt  }
0x81: {  	_ =	shalt  }
0x82: {  	_ =	shalt  }
0x83: {  	_ =	shalt  }
0x84: {  	_ =	shalt  }
0x85: {  	_ =	shalt  }
0x86: {  	_ =	shalt  }
0x87: {  	_ =	shalt  }
.Lfunc_end0:
.L_simem_size_0:
called_computation.1_lowered:
.L_overlay_start_0:
0x88: {  	s2 =	sld [smem:$0x3FD9]  }
0x89: {  	s3 =	sld [smem:$0x3FFE];
	_ =	sdelay $0x1  }
0x8a: {  	s1 =	srdreg.scid  }
0x8b: {  	s0 =	sand.u32 $0x1, s1  }
0x8c: {  	s17 =	sshll.u32 s0, $0xA;
	s2 =	sadd.s32 s3, s2  }
0x8d: {  	s2 =	sadd.s32 s2, s17  }
0x8e: {  	[smem:$0x3FB9] =	sst s2  }
0x8f: {  	_ = 	snop  }
0x90: {  	s2 =	sld [smem:$0x3FC5]  }
0x91: {  	s18 =	sld [smem:$0x3FD0];
	(tm) =	ssettm $0x1  }
0x92: {  	s4 =	sld [smem:$0x3FFB];
	_ =	sdelay $0x3  }
0x93: {  	_ =	strace s4  }
0x94: {  	s4 =	sld [smem:$0x3FFC];
	_ =	sdelay $0x3  }
0x95: {  	_ =	strace s4  }
0x96: {  	s4 =	sld [smem:$0x3FFD];
	_ =	sdelay $0x3  }
0x97: {  	_ =	strace s4  }
0x98: {  	_ =	strace $0x8FFFFFFF  }
0x99: {  	s19 =	sld [smem:$0x3FDB];
	_ =	sdelay $0x1  }
0x9a: {  	s5 =	simm.s32 $_scs_section_size  }
0x9b: {  	s6 =	simm.s32 $_size__tile_overlayer_lowered;
	s7 =	simm.s32 $_tile_overlayer_lowered  }
0x9c: {  	s22 =	simm.s32 $0x1BFF;
	s21 =	sshll.u32 s7, $0x1;
	s4 =	sadd.s32 s5, s19  }
0x9d: {  	s8 =	simm.s32 $0x0;
	s20 =	sshll.u32 s6, $0x1;
	s6 =	sadd.s32 s21, s4  }
0x9e: {  	[timem:s8], [sflag:s22] =	dma.local [hbm:s6], s20  }
0x9f: {  	_ =	swait.ge [sflag:s22], s20  }
0xa0: {  	s5 =	ssub.s32 $0x0, s20;
	[sflag:s22] =	ssyncset.done $0x0  }
0xa1: {  	[sflag:s22] =	ssyncadd.s32 s5;
	_ =	sdelay $0x1  }
0xa2: {  	s23 =	simm.s32 $0x1B8B  }
0xa3: {  	_ =	swait.ge [sflag:s23], $0x1  }
0xa4: {  	[sflag:s23] =	ssyncset.done $0x0  }
0xa5: {  	s25 =	simm.s32 $0x1B8E;
	s24 =	sld [smem:$0x3FFE];
	[sflag:s23] =	ssyncadd.s32 $0xFFFFFFFF  }
0xa6: {  	s26 =	simm.s32 $execute0_lowered;
	[smem:$0x3FD2] =	sst s25  }
0xa7: {  	s6 =	sshll.u32 s26, $0x1;
	_ =	strace $0x80000046;
	[dreg:$0x1] =	wrdreg $0xFFFFFFFF  }
0xa8: {  	s28 =	simm.s32 $_size_execute0_lowered;
	s4 =	sadd.s32 s4, s6;
	[dreg:$0x0] =	wrdreg $0x0  }
0xa9: {  	s6 =	sshll.u32 s28, $0x1;
	[dreg:$0x2] =	wrdreg s4  }
0xaa: {  	[dreg:$0x3] =	wrdreg s6  }
0xab: {  	[dreg:$0x4] =	wrdreg $0xC0  }
0xac: {  	_ =	task [dreg:s8], $0x5FFFF  }
0xad: {  	[dreg:$0x1] =	wrdreg $0xFFFFFFFF  }
0xae: {  	[dreg:$0x0] =	wrdreg $0x60  }
0xaf: {  	[dreg:$0x2] =	wrdreg s18  }
0xb0: {  	[dreg:$0x3] =	wrdreg s2  }
0xb1: {  	[dreg:$0x4] =	wrdreg s24  }
0xb2: {  	[dreg:$0x5] =	wrdreg $0xA  }
0xb3: {  	_ =	task.clear_ibuf [dreg:s8], $0x6FFFF;
	_ =	strace $0x90000046  }
0xb4: {  	s29 =	simm.s32 $0xA;
	_ =	strace $0x80000048  }
0xb5: {  	_ =	swait.ge [sflag:s29], $0x1  }
0xb6: {  	[sflag:s29] =	ssyncadd.s32 $0xFFFFFFFF  }
0xb7: {  	_ =	strace $0x90000048  }
0xb8: {  	_ =	sfence  }
0xb9: {  	s30 =	sld [smem:$0x0];
	_ =	sdelay $0x2  }
0xba: {  	s31 =	sshll.u32 s1, $0xD;
	s1 =	sshrl.u32 s1, $0x2  }
0xbb: {  	s3 =	sand.u32 $0x4000, s31;
	s1 =	sadd.s32 s1, s30  }
0xbc: {  	s0 =	sor.u32 s3, s0;
	s1 =	sshll.u32 s1, $0x11  }
0xbd: {  	s0 =	sor.u32 s1, s0  }
0xbe: {  	s0 =	sadd.s32 $0x8F2B, s0  }
0xbf: {  	[sflag:s0] =	ssyncadd.remote.s32 $0x1  }
0xc0: {  	_ =	sfence.sel $0xFFFF  }
0xc1: {  	[dreg:$0x0] =	wrdreg $0xFFFFFFFF;
	(pc) =	sbr.abs _section_cstart, $3  }
0xc2: {  	[dreg:$0x1] =	wrdreg $0xFFFFFFFF  }
0xc3: {  	_ =	task.clear_ibuf [dreg:s8], $0x2FFFF;
	_ =	strace $0x9FFFFFFF  }
0xc4: {  	(tm) =	ssettm $0x7FFFFFFF  }
0xc5: {  	_ =	shalt  }
tec
execute0_lowered:
.L_overlay_start_1:
0x0: {  	(tag) =	ssettag $0x1  }
0x1: {  	s0 =	stileid.u32;
	s7 =	rddreg [dreg:$0x0]  }
0x2: {  	s1 =	srdreg.scid;
	s2 =	rddreg [dreg:$0x1]  }
0x3: {  	s6 =	rddreg [dreg:$0x2];
	s10 =	simm.s32 $0x80;
	s3 =	smul.u32 $0x3, s0  }
0x4: {  	s11 =	simm.s32 $0x1;
	s4 =	sand.u32 $0x1, s1;
	s1 =	smul.u32 $0x5, s0  }
0x5: {  	s12 =	simm.s32 $0x0;
	p0 =	seq.s32 s4, $0x0;
	s5 =	sadd.s32 $0x50, s3  }
0x6: {  	s4 =	ssub.s32 $0x2, s4;
	s3 =	simm.s32 $0x0;
	s5 =	smov.u32 @p0 s1  }
0x7: {  	s31 =	sshrl.u32 s4, $0x1;
	[smem:$0x7FF] =	sst s3;
	s8 =	smul.u32 $0x500, s5  }
0x8: {  	s1 =	rddreg [dreg:$0x3];
	_ =	strace $0x80000047;
	s9 =	smul.u32 $0xA, s5  }
0x9: {  	s6 =	sadd.s32 s8, s6;
	s8 =	ssub.s32 s4, s31;
	s4 =	simm.s32 $0x5  }
0xa: {  	s7 =	sadd.s32 s9, s7;
	s9 =	simm.s32 $0x50;
	s4 =	simm.s32 @!p0 $0x3  }
0xb: {  	s5 =	smax.u32 s8, $0x1;
	s6 =	sadd.s32 $0x4200, s6;
	s8 =	simm.s32 $0x2  }
.LBB2_1:
0xc: {  	[tilespmem:s3], [sflag:$0x2] =	stream.linear.gather [hbm4b:s7+s3], $0x50, $0x38;
	[tilespmem:$0x2880] =	vst v63  }
0xd: {  	_ =	swait.ge [sflag:s8], $0x50  }
0xe: {  	[sflag:s8] =	ssyncset.done $0x0  }
0xf: {  	[sflag:s8] =	ssyncadd.s32 $0xFFFFFFB0  }
0x10: {  	[tilespmem:s10], [sflag:$0x1] =	stream.indirect.gather [hbm4b:s2+s9], $0x80, s3, s9, $0xb8;
	[tilespmem:$0x2880] =	vst v63  }
0x11: {  	p0 =	sne.s32 s4, $0x1;
	_ =	swait.ge [sflag:s11], $0x2800  }
.Ltmp0:
0x12: {  	[sflag:s11] =	ssyncset.done $0x0;
	(pc) =	sbr.rel @!p0 .LBB2_3-.Ltmp0, $4  }
0x13: {  	[sflag:s11] =	ssyncadd.s32 $0xFFFFD800  }
0x14: {  	[hbm4b:s6+s3] =	stream.linear.scatter [tilespmem:s10], [sflag:$0x2], $0x2800, $0x38;
	[tilespmem:$0x2880] =	vst v63  }
0x15: {  	s13 =	sadd.s32 $0xFFFFFFFF, s4;
	_ =	swait.ge [sflag:s8], $0x2800  }
0x16: {  	s14 =	smov.u32 s6;
	s15 =	smov.u32 s7;
	[sflag:s8] =	ssyncset.done $0x0  }
.LBB2_2:
0x17: {  	[sflag:s8] =	ssyncadd.s32 $0xFFFFD800;
	s14 =	sadd.s32 $0x500, s14;
	s15 =	sadd.s32 $0xA, s15  }
0x18: {  	[tilespmem:s3], [sflag:$0x2] =	stream.linear.gather [hbm4b:s15+s3], $0x50, $0x38;
	[tilespmem:$0x2880] =	vst v63  }
0x19: {  	p0 =	sne.s32 s13, $0x1;
	s13 =	sadd.s32 $0xFFFFFFFF, s13;
	_ =	swait.ge [sflag:s8], $0x50  }
0x1a: {  	[sflag:s8] =	ssyncset.done $0x0  }
0x1b: {  	[sflag:s8] =	ssyncadd.s32 $0xFFFFFFB0  }
0x1c: {  	[tilespmem:s10], [sflag:$0x1] =	stream.indirect.gather [hbm4b:s2+s9], $0x80, s3, s9, $0xb8;
	[tilespmem:$0x2880] =	vst v63  }
0x1d: {  	_ =	swait.ge [sflag:s11], $0x2800  }
.Ltmp1:
0x1e: {  	[sflag:s11] =	ssyncset.done $0x0;
	(pc) =	sbr.rel @p0 .LBB2_2-.Ltmp1, $4  }
0x1f: {  	[sflag:s11] =	ssyncadd.s32 $0xFFFFD800  }
0x20: {  	[hbm4b:s14+s3] =	stream.linear.scatter [tilespmem:s10], [sflag:$0x2], $0x2800, $0x38;
	[tilespmem:$0x2880] =	vst v63  }
0x21: {  	_ =	swait.ge [sflag:s8], $0x2800  }
0x22: {  	[sflag:s8] =	ssyncset.done $0x0  }
.LBB2_3:
0x23: {  	s12 =	sadd.s32 $0x1, s12  }
0x24: {  	p0 =	sne.s32 s12, s5  }
.Ltmp2:
0x25: {  	_ = 	snop;
	(pc) =	sbr.rel @p0 .LBB2_1-.Ltmp2, $2  }
0x26: {  	_ =	sdelay $0x2  }
0x27: {  	[sflag:s8] =	ssyncadd.s32 $0xFFFFD800  }
0x28: {  	_ =	sfence.sel $0x180000  }
0x29: {  	[bflag:$0x0] =	sbarrier.arrive $0xFFFF  }
0x2a: {  	p0 =	sne.s32 s0, $0x0;
	_ =	strace $0x90000047  }
0x2b: {  	s0 =	sadd.s32 @!p0 $0x100000, s1;
	[bflag:$0x2] =	sbarrier.arrive $0xFFFF  }
0x2c: {  	[sflag:s0] =	ssyncadd.tile.s32 @!p0 $0x1;
	_ =	shalt  }
.Lfunc_end2:
_tile_overlayer_lowered:
.L_overlay_start_2:
0x2d: {  	(tag) =	ssettag $0x2  }
0x2e: {  	s0 =	rddreg [dreg:$0x0];
	s2 =	stileid.u32  }
0x2f: {  	s1 =	rddreg [dreg:$0x1];
	p0 =	sne.s32 s2, $0x0  }
0x30: {  	s3 =	rddreg [dreg:$0x2];
	[bflag:$0x3] =	sbarrier.arrive $0xFFFF;
	s2 =	simm.s32 @!p0 $0x1C02  }
0x31: {  	[timem:s3], [sflag:s2] =	dma.local @!p0 [hbm:s0], s1  }
0x32: {  	s0 =	simm.s32 @!p0 $0x2  }
0x33: {  	_ =	swait.ge @!p0 [sflag:s0], s1  }
0x34: {  	s1 =	ssub.s32 @!p0 $0x0, s1;
	[sflag:s0] =	ssyncset.done @!p0 $0x0  }
0x35: {  	[sflag:s0] =	ssyncadd.s32 @!p0 s1  }
0x36: {  	[bflag:$0x3] =	sbarrier.arrive $0xFFFF  }
0x37: {  	_ =	shalt  }

// kernel: kernel.13.cloned.1.call-start
scs
__scs_entry_jumppad:
0x0: {  	(pc) =	sbr.rel $0x88, $3  }
0x1: {  	(tag) =	ssettag $0x0;
	lr =	simm.s32 $0x1  }
0x2: {  	[smem:$0x3F92] =	sst lr;
	_ =	strace $0xD0000000  }
0x3: {  	_ = 	snop  }
0x4: {  	_ = 	snop  }
0x5: {  	_ = 	snop  }
0x6: {  	_ = 	snop  }
0x7: {  	_ = 	snop  }
__scs_overlays_trampoline_lowered:
0x8: {  	[smem:$0x3FA1] =	sst s0  }
0x9: {  	[smem:$0x3FA2] =	sst s1  }
0xa: {  	[smem:$0x3FA3] =	sst s2  }
0xb: {  	[smem:$0x3FA4] =	sst s3  }
0xc: {  	[smem:$0x3FA5] =	sst s4  }
0xd: {  	[smem:$0x3FA6] =	sst s5  }
0xe: {  	[smem:$0x3FA7] =	sst s6  }
0xf: {  	[smem:$0x3FA8] =	sst s7  }
0x10: {  	[smem:$0x3FA9] =	sst s8  }
0x11: {  	[smem:$0x3FAA] =	sst s9;
	s0 =	simm.s32 @!p0 $0x0  }
0x12: {  	s1 =	sld [smem:$0x3F90];
	s0 =	simm.s32 @p0 $0x1  }
0x13: {  	[smem:$0x3FAB] =	sst s0;
	s0 =	simm.s32 @!p1 $0x0  }
0x14: {  	s2 =	sld [smem:$0x3F8F];
	s0 =	simm.s32 @p1 $0x1  }
0x15: {  	[smem:$0x3FAC] =	sst s0;
	s0 =	simm.s32 @!p2 $0x0  }
0x16: {  	s3 =	sld [smem:$0x3FDB];
	s0 =	simm.s32 @p2 $0x1  }
0x17: {  	s4 =	simm.s32 $0x1BF5;
	[smem:$0x3FAE] =	sst s0  }
0x18: {  	s0 =	sld [smem:$0x3F91];
	_ =	swait.ge [sflag:s4], $0x0  }
0x19: {  	s7 =	sld [smem:$0x3F92]  }
0x1a: {  	s8 =	sadd.s32 $0xFFFFE003, lr  }
0x1b: {  	s9 =	sadd.s32 $0xFFFFFEF7, lr;
	s5 =	simm.s32 $0xFFFFFFFF;
	p2 =	slt.u32 s8, $0xFFFFF086  }
0x1c: {  	p1 =	slt.u32 s9, $0xF7A;
	s5 =	simm.s32 @!p2 $0x0  }
0x1d: {  	s5 =	simm.s32 @p1 $0x1;
	p0 =	seq.s32 s7, s2  }
0x1e: {  	s7 =	smul.u32 @!p0 $0xF7A, s2;
	p2 =	seq.s32 @!p0 s5, $0x0  }
0x1f: {  	s9 =	smul.u32 $0xF7A, s1;
	s8 =	simm.s32 @!p0 $0x1BF5;
	p2 =	por !p2, p0  }
0x20: {  	[sflag:s8] =	ssyncset.s32 @!p0 $0xFFFFF086;
	s6 =	sadd.s32 @!p0 s3, s7;
	s7 =	simm.s32 @!p0 $0x108  }
0x21: {  	s3 =	sadd.s32 s3, s9;
	s6 =	sadd.s32 @!p0 $0x88, s6;
	s7 =	simm.s32 @p2 $0x1082  }
0x22: {  	[simem:s7], [sflag:s8] =	dma.local @!p0 [hbm:s6], $0xF7A  }
0x23: {  	s9 =	sor.u32 $0xD0000000, s2;
	s6 =	simm.s32 $0x108;
	_ =	swait.ge @!p0 [sflag:s8], $0x0  }
0x24: {  	s3 =	sadd.s32 $0x88, s3;
	s6 =	simm.s32 @!p1 $0x1082;
	[sflag:s4] =	ssyncset.s32 $0xFFFFF086  }
0x25: {  	[simem:s6], [sflag:s4] =	dma.local [hbm:s3], $0xF7A  }
0x26: {  	[smem:$0x3F92] =	sst s1;
	(tag) =	ssettag s2;
	_ =	strace s9  }
0x27: {  	s1 =	sld [smem:$0x3FA2]  }
0x28: {  	s2 =	sld [smem:$0x3FA3]  }
0x29: {  	s4 =	sld [smem:$0x3FA5]  }
0x2a: {  	p0 =	seq.s32 s5, $0x0;
	s5 =	sld [smem:$0x3FA6]  }
0x2b: {  	s6 =	sld [smem:$0x3FA7]  }
0x2c: {  	s7 =	sld [smem:$0x3FA8]  }
0x2d: {  	s3 =	simm.s32 $0x108;
	s8 =	sld [smem:$0x3FA9]  }
0x2e: {  	s3 =	simm.s32 @!p0 $0x1082;
	s9 =	sld [smem:$0x3FAA]  }
0x2f: {  	lr =	sadd.s32 s0, s3;
	s0 =	sld [smem:$0x3FA1]  }
0x30: {  	s3 =	sld [smem:$0x3FA4]  }
0x31: {  	[smem:$0x3FAD] =	sst s10  }
0x32: {  	s10 =	sld [smem:$0x3FAB];
	_ =	sdelay $0x3  }
0x33: {  	p0 =	seq.s32 s10, $0x1;
	s10 =	sld [smem:$0x3FAD];
	_ =	sdelay $0x3  }
0x34: {  	[smem:$0x3FAD] =	sst s10  }
0x35: {  	s10 =	sld [smem:$0x3FAC];
	_ =	sdelay $0x3  }
0x36: {  	p1 =	seq.s32 s10, $0x1;
	s10 =	sld [smem:$0x3FAD];
	_ =	sdelay $0x3  }
0x37: {  	[smem:$0x3FAD] =	sst s10  }
0x38: {  	s10 =	sld [smem:$0x3FAE]  }
0x39: {  	_ = 	snop;
	(pc) =	sbr.ind lr, $3  }
0x3a: {  	_ = 	snop  }
0x3b: {  	_ = 	snop  }
0x3c: {  	p2 =	seq.s32 s10, $0x1;
	s10 =	sld [smem:$0x3FAD]  }
0x3d: {  	_ =	shalt  }
0x3e: {  	_ =	shalt  }
0x3f: {  	_ =	shalt  }
0x40: {  	_ =	shalt  }
0x41: {  	_ =	shalt  }
0x42: {  	_ =	shalt  }
0x43: {  	_ =	shalt  }
0x44: {  	_ =	shalt  }
0x45: {  	_ =	shalt  }
0x46: {  	_ =	shalt  }
0x47: {  	_ =	shalt  }
0x48: {  	_ =	shalt  }
0x49: {  	_ =	shalt  }
0x4a: {  	_ =	shalt  }
0x4b: {  	_ =	shalt  }
0x4c: {  	_ =	shalt  }
0x4d: {  	_ =	shalt  }
0x4e: {  	_ =	shalt  }
0x4f: {  	_ =	shalt  }
0x50: {  	_ =	shalt  }
0x51: {  	_ =	shalt  }
0x52: {  	_ =	shalt  }
0x53: {  	_ =	shalt  }
0x54: {  	_ =	shalt  }
0x55: {  	_ =	shalt  }
0x56: {  	_ =	shalt  }
0x57: {  	_ =	shalt  }
0x58: {  	_ =	shalt  }
0x59: {  	_ =	shalt  }
0x5a: {  	_ =	shalt  }
0x5b: {  	_ =	shalt  }
0x5c: {  	_ =	shalt  }
0x5d: {  	_ =	shalt  }
0x5e: {  	_ =	shalt  }
0x5f: {  	_ =	shalt  }
0x60: {  	_ =	shalt  }
0x61: {  	_ =	shalt  }
0x62: {  	_ =	shalt  }
0x63: {  	_ =	shalt  }
0x64: {  	_ =	shalt  }
0x65: {  	_ =	shalt  }
0x66: {  	_ =	shalt  }
0x67: {  	_ =	shalt  }
0x68: {  	_ =	shalt  }
0x69: {  	_ =	shalt  }
0x6a: {  	_ =	shalt  }
0x6b: {  	_ =	shalt  }
0x6c: {  	_ =	shalt  }
0x6d: {  	_ =	shalt  }
0x6e: {  	_ =	shalt  }
0x6f: {  	_ =	shalt  }
0x70: {  	_ =	shalt  }
0x71: {  	_ =	shalt  }
0x72: {  	_ =	shalt  }
0x73: {  	_ =	shalt  }
0x74: {  	_ =	shalt  }
0x75: {  	_ =	shalt  }
0x76: {  	_ =	shalt  }
0x77: {  	_ =	shalt  }
0x78: {  	_ =	shalt  }
0x79: {  	_ =	shalt  }
0x7a: {  	_ =	shalt  }
0x7b: {  	_ =	shalt  }
0x7c: {  	_ =	shalt  }
0x7d: {  	_ =	shalt  }
0x7e: {  	_ =	shalt  }
0x7f: {  	_ =	shalt  }
0x80: {  	_ =	shalt  }
0x81: {  	_ =	shalt  }
0x82: {  	_ =	shalt  }
0x83: {  	_ =	shalt  }
0x84: {  	_ =	shalt  }
0x85: {  	_ =	shalt  }
0x86: {  	_ =	shalt  }
0x87: {  	_ =	shalt  }
.Lfunc_end0:
.L_simem_size_0:
called_computation.2_lowered:
.L_overlay_start_0:
0x88: {  	s2 =	sld [smem:$0x3FD9]  }
0x89: {  	s3 =	sld [smem:$0x3FFE];
	_ =	sdelay $0x1  }
0x8a: {  	s1 =	srdreg.scid  }
0x8b: {  	s0 =	sand.u32 $0x1, s1  }
0x8c: {  	s17 =	sshll.u32 s0, $0xA;
	s2 =	sadd.s32 s3, s2  }
0x8d: {  	s2 =	sadd.s32 s2, s17  }
0x8e: {  	[smem:$0x3FB9] =	sst s2  }
0x8f: {  	_ = 	snop  }
0x90: {  	(tm) =	ssettm $0x1  }
0x91: {  	s18 =	sld [smem:$0x3FFB];
	_ =	sdelay $0x3  }
0x92: {  	_ =	strace s18  }
0x93: {  	s2 =	sld [smem:$0x3FFC];
	_ =	sdelay $0x3  }
0x94: {  	_ =	strace s2  }
0x95: {  	s2 =	sld [smem:$0x3FFD];
	_ =	sdelay $0x3  }
0x96: {  	_ =	strace s2  }
0x97: {  	_ =	strace $0x8FFFFFFF  }
0x98: {  	s19 =	sld [smem:$0x3FDB];
	_ =	sdelay $0x1  }
0x99: {  	s20 =	simm.s32 $_scs_section_size  }
0x9a: {  	s4 =	simm.s32 $_size__tile_overlayer_lowered;
	s5 =	simm.s32 $_tile_overlayer_lowered  }
0x9b: {  	s6 =	simm.s32 $0x1BFF;
	s21 =	sshll.u32 s5, $0x1;
	s3 =	sadd.s32 s20, s19  }
0x9c: {  	s22 =	simm.s32 $0x0;
	s4 =	sshll.u32 s4, $0x1;
	s5 =	sadd.s32 s21, s3  }
0x9d: {  	[timem:s22], [sflag:s6] =	dma.local [hbm:s5], s4  }
0x9e: {  	_ =	swait.ge [sflag:s6], s4  }
0x9f: {  	s4 =	ssub.s32 $0x0, s4;
	[sflag:s6] =	ssyncset.done $0x0  }
0xa0: {  	[sflag:s6] =	ssyncadd.s32 s4;
	_ =	sdelay $0x1  }
0xa1: {  	s23 =	simm.s32 $0x1B8B  }
0xa2: {  	_ =	swait.ge [sflag:s23], $0x1  }
0xa3: {  	[sflag:s23] =	ssyncset.done $0x0  }
0xa4: {  	[sflag:s23] =	ssyncadd.s32 $0xFFFFFFFF  }
0xa5: {  	s4 =	sld [smem:$0x0]  }
0xa6: {  	s5 =	sand.u32 $0xFFFFFFFE, s1  }
0xa7: {  	p0 =	sne.s32 s1, s5  }
0xa8: {  	s5 =	sshll.u32 @p0 s5, $0xE  }
0xa9: {  	s5 =	sadd.s32 @p0 $0x11B8D, s5;
	s6 =	sshll.u32 @p0 s4, $0x11  }
0xaa: {  	s5 =	sor.u32 @p0 s6, s5  }
0xab: {  	[sflag:s5] =	ssyncadd.remote.s32 @p0 $0x1;
	_ =	sdelay $0x1  }
0xac: {  	s5 =	simm.s32 @p0 $0x1B8D  }
0xad: {  	_ =	swait.eq @p0 [sflag:s5], $0x1  }
0xae: {  	[sflag:s5] =	ssyncadd.s32 @p0 $0xFFFFFFFF  }
0xaf: {  	s6 =	sshll.u32 @!p0 s1, $0xE  }
0xb0: {  	s6 =	sor.u32 @!p0 $0x4000, s6;
	s5 =	simm.s32 @!p0 $0x1B8D  }
0xb1: {  	s4 =	sshll.u32 @!p0 s4, $0x11;
	s6 =	sadd.s32 @!p0 $0x11B8D, s6;
	_ =	swait.eq @!p0 [sflag:s5], $0x1  }
0xb2: {  	s4 =	sor.u32 @!p0 s4, s6;
	[sflag:s5] =	ssyncadd.s32 @!p0 $0xFFFFFFFF  }
0xb3: {  	s25 =	simm.s32 $0x1B8E;
	s24 =	sld [smem:$0x3FFE];
	[sflag:s4] =	ssyncadd.remote.s32 @!p0 $0x1  }
0xb4: {  	s26 =	simm.s32 $execute0_lowered;
	[smem:$0x3FD2] =	sst s25  }
0xb5: {  	s5 =	sshll.u32 s26, $0x1;
	_ =	strace $0x8000004C;
	[dreg:$0x1] =	wrdreg $0xFFFFFFFF  }
0xb6: {  	s28 =	simm.s32 $_size_execute0_lowered;
	s3 =	sadd.s32 s3, s5;
	[dreg:$0x0] =	wrdreg $0x0  }
0xb7: {  	s5 =	sshll.u32 s28, $0x1;
	[dreg:$0x2] =	wrdreg s3  }
0xb8: {  	[dreg:$0x3] =	wrdreg s5  }
0xb9: {  	[dreg:$0x4] =	wrdreg $0xC0  }
0xba: {  	_ =	task [dreg:s22], $0x5FFFF  }
0xbb: {  	[dreg:$0x1] =	wrdreg $0xFFFFFFFF  }
0xbc: {  	[dreg:$0x0] =	wrdreg $0x60  }
0xbd: {  	[dreg:$0x2] =	wrdreg s24  }
0xbe: {  	[dreg:$0x3] =	wrdreg $0xC4000  }
0xbf: {  	[dreg:$0x4] =	wrdreg $0xA  }
0xc0: {  	_ =	task.clear_ibuf [dreg:s22], $0x5FFFF;
	_ =	strace $0x9000004C  }
0xc1: {  	s29 =	simm.s32 $0xA;
	_ =	strace $0x8000004E  }
0xc2: {  	_ =	swait.ge [sflag:s29], $0x1  }
0xc3: {  	[sflag:s29] =	ssyncadd.s32 $0xFFFFFFFF  }
0xc4: {  	_ =	strace $0x9000004E  }
0xc5: {  	_ =	sfence  }
0xc6: {  	s30 =	sld [smem:$0x0];
	_ =	sdelay $0x2  }
0xc7: {  	s31 =	sshll.u32 s1, $0xD;
	s1 =	sshrl.u32 s1, $0x2  }
0xc8: {  	s4 =	sand.u32 $0x4000, s31;
	s1 =	sadd.s32 s1, s30  }
0xc9: {  	s0 =	sor.u32 s4, s0;
	s1 =	sshll.u32 s1, $0x11  }
0xca: {  	s0 =	sor.u32 s1, s0  }
0xcb: {  	s0 =	sadd.s32 $0x8F2B, s0  }
0xcc: {  	[sflag:s0] =	ssyncadd.remote.s32 $0x1  }
0xcd: {  	_ =	sfence.sel $0xFFFF  }
0xce: {  	[dreg:$0x0] =	wrdreg $0xFFFFFFFF;
	(pc) =	sbr.abs _section_cstart, $3  }
0xcf: {  	[dreg:$0x1] =	wrdreg $0xFFFFFFFF  }
0xd0: {  	_ =	task.clear_ibuf [dreg:s22], $0x2FFFF;
	_ =	strace $0x9FFFFFFF  }
0xd1: {  	(tm) =	ssettm $0x7FFFFFFF  }
tec
execute0_lowered:
.L_overlay_start_1:
0x0: {  	(tag) =	ssettag $0x1  }
0x1: {  	s0 =	rddreg [dreg:$0x0]  }
0x2: {  	s7 =	rddreg [dreg:$0x1];
	s8 =	simm.s32 $0x0;
	s1 =	srdreg.scid  }
0x3: {  	s5 =	stileid.u32;
	[smem:$0x7FF] =	sst s8  }
0x4: {  	s1 =	sand.u32 $0x1, s1;
	s2 =	smul.u32 $0x2780, s5;
	s9 =	sadd.s32 $0xA2A00, s0  }
0x5: {  	s4 =	sadd.s32 $0x14EE00, s0;
	s10 =	sadd.s32 $0x4200, s0;
	s12 =	smul.u32 $0xC4, s5  }
0x6: {  	s6 =	smul.u32 $0x4F000, s5;
	_ =	strace $0x8000004D;
	[dreg:$0x5] =	wrdreg s4  }
0x7: {  	s3 =	smul.u32 $0x27800, s1;
	[dreg:$0x6] =	wrdreg s10;
	s11 =	ssub.s32 $0x2, s1  }
0x8: {  	p0 =	seq.s32 s1, $0x0;
	s1 =	smul.u32 $0xDE, s5;
	s5 =	simm.s32 $0xDE  }
0x9: {  	[dreg:$0x4] =	wrdreg s9;
	s4 =	sadd.s32 $0xDE0, s12;
	s5 =	simm.s32 @!p0 $0xC4  }
0xa: {  	s14 =	sshrl.u32 s6, $0x2;
	s4 =	smov.u32 @p0 s1;
	[dreg:$0x7] =	wrdreg s5  }
0xb: {  	s2 =	sadd.s32 s2, s3;
	s3 =	sadd.s32 s14, s7;
	[dreg:$0x8] =	wrdreg s4  }
0xc: {  	s15 =	sadd.s32 $0x1800, s3;
	[dreg:$0x9] =	wrdreg s3  }
0xd: {  	s16 =	sadd.s32 $0x3000, s3;
	[dreg:$0xa] =	wrdreg s15  }
0xe: {  	s17 =	sadd.s32 $0x4800, s3;
	[dreg:$0xb] =	wrdreg s16  }
0xf: {  	s18 =	sadd.s32 $0x6000, s3;
	[dreg:$0xc] =	wrdreg s17  }
0x10: {  	s19 =	sadd.s32 $0x7800, s3;
	[dreg:$0xd] =	wrdreg s18  }
0x11: {  	s20 =	sadd.s32 $0x9000, s3;
	[dreg:$0xe] =	wrdreg s19  }
0x12: {  	s21 =	sadd.s32 $0xA800, s3;
	[dreg:$0xf] =	wrdreg s20  }
0x13: {  	s22 =	sadd.s32 $0xC000, s3;
	[dreg:$0x10] =	wrdreg s21  }
0x14: {  	s23 =	sadd.s32 $0xD800, s3;
	[dreg:$0x11] =	wrdreg s22  }
0x15: {  	s24 =	sadd.s32 $0xF000, s3;
	[dreg:$0x12] =	wrdreg s23  }
0x16: {  	s25 =	sadd.s32 $0x10800, s3;
	[dreg:$0x13] =	wrdreg s24  }
0x17: {  	s13 =	sshrl.u32 s11, $0x1;
	s28 =	sadd.s32 $0x12000, s3;
	[dreg:$0x14] =	wrdreg s25  }
0x18: {  	s0 =	sadd.s32 s2, s0;
	s29 =	sadd.s32 $0x13800, s3;
	[dreg:$0x15] =	wrdreg s28  }
0x19: {  	s2 =	ssub.s32 s11, s13;
	[dreg:$0x16] =	wrdreg s29;
	s0 =	sadd.s32 $0x19EE00, s0  }
0x1a: {  	s26 =	sshll.u32 s4, $0x5;
	s30 =	smax.u32 s2, $0x1;
	[dreg:$0x18] =	wrdreg s0  }
0x1b: {  	v3 =	vlaneseq.u32;
	s1 =	sadd.s32 s9, s26;
	[dreg:$0x19] =	wrdreg s30  }
0x1c: {  	v0 =	vimm.f32 $0.0e+00;
	vm0 =	vmmov $0xffff;
	v2 =	vshrl.u32 v3, $0x3;
	[dreg:$0x17] =	wrdreg s1;
	s31 =	sadd.s32 $0x20, s1  }
0x1d: {  	v1 =	vand.u32 $0x7, v3;
	v3 =	vor.u32 $0x8, v3;
	v2 =	vmul.u32 $0x8, v2;
	s2 =	simm.s32 $0xB;
	[dreg:$0x1a] =	wrdreg s31  }
.LBB2_1:
0x1e: {  	[dreg:$0x3] =	wrdreg s8;
	s0 =	simm.s32 $0x9500  }
0x1f: {  	[tilespmem:s0+$0xFFFFFF00] =	vst v0  }
0x20: {  	[tilespmem:s0+$0xF0] =	vst v0  }
0x21: {  	[tilespmem:s0+$0xE0] =	vst v0  }
0x22: {  	[tilespmem:s0+$0xD0] =	vst v0  }
0x23: {  	[tilespmem:s0+$0xC0] =	vst v0  }
0x24: {  	[tilespmem:s0+$0xB0] =	vst v0  }
0x25: {  	[tilespmem:s0+$0xA0] =	vst v0  }
0x26: {  	[tilespmem:s0+$0x90] =	vst v0  }
0x27: {  	[tilespmem:s0+$0x80] =	vst v0  }
0x28: {  	[tilespmem:s0+$0x70] =	vst v0  }
0x29: {  	[tilespmem:s0+$0x60] =	vst v0  }
0x2a: {  	[tilespmem:s0+$0x50] =	vst v0  }
0x2b: {  	[tilespmem:s0+$0x40] =	vst v0  }
0x2c: {  	[tilespmem:s0+$0x30] =	vst v0  }
0x2d: {  	[tilespmem:s0+$0x20] =	vst v0  }
0x2e: {  	[tilespmem:s0+$0x10] =	vst v0  }
0x2f: {  	[tilespmem:s0+$0x0] =	vst v0  }
0x30: {  	[tilespmem:s0+$0xFFFFFFF0] =	vst v0  }
0x31: {  	[tilespmem:s0+$0xFFFFFFE0] =	vst v0  }
0x32: {  	[tilespmem:s0+$0xFFFFFFD0] =	vst v0  }
0x33: {  	[tilespmem:s0+$0xFFFFFFC0] =	vst v0  }
0x34: {  	[tilespmem:s0+$0xFFFFFFB0] =	vst v0  }
0x35: {  	[tilespmem:s0+$0xFFFFFFA0] =	vst v0  }
0x36: {  	[tilespmem:s0+$0xFFFFFF90] =	vst v0  }
0x37: {  	[tilespmem:s0+$0xFFFFFF80] =	vst v0  }
0x38: {  	[tilespmem:s0+$0xFFFFFF70] =	vst v0  }
0x39: {  	[tilespmem:s0+$0xFFFFFF60] =	vst v0  }
0x3a: {  	[tilespmem:s0+$0xFFFFFF50] =	vst v0  }
0x3b: {  	[tilespmem:s0+$0xFFFFFF40] =	vst v0  }
0x3c: {  	[tilespmem:s0+$0xFFFFFF30] =	vst v0  }
0x3d: {  	s1 =	simm.s32 $0x0;
	[tilespmem:s0+$0xFFFFFF20] =	vst v0  }
.LBB2_2:
0x3e: {  	s1 =	sadd.s32 $0x4, s1;
	[tilespmem:s0+$0xFFFFFF10] =	vst v0;
	s0 =	sadd.s32 $0x200, s0  }
0x3f: {  	[tilespmem:s0+$0xFFFFFF00] =	vst v0;
	p0 =	slt.u32 s1, $0x2C  }
0x40: {  	[tilespmem:s0+$0xF0] =	vst v0  }
0x41: {  	[tilespmem:s0+$0xE0] =	vst v0  }
0x42: {  	[tilespmem:s0+$0xD0] =	vst v0  }
0x43: {  	[tilespmem:s0+$0xC0] =	vst v0  }
0x44: {  	[tilespmem:s0+$0xB0] =	vst v0  }
0x45: {  	[tilespmem:s0+$0xA0] =	vst v0  }
0x46: {  	[tilespmem:s0+$0x90] =	vst v0  }
0x47: {  	[tilespmem:s0+$0x80] =	vst v0  }
0x48: {  	[tilespmem:s0+$0x70] =	vst v0  }
0x49: {  	[tilespmem:s0+$0x60] =	vst v0  }
0x4a: {  	[tilespmem:s0+$0x50] =	vst v0  }
0x4b: {  	[tilespmem:s0+$0x40] =	vst v0  }
0x4c: {  	[tilespmem:s0+$0x30] =	vst v0  }
0x4d: {  	[tilespmem:s0+$0x20] =	vst v0  }
0x4e: {  	[tilespmem:s0+$0x10] =	vst v0  }
0x4f: {  	[tilespmem:s0+$0x0] =	vst v0  }
0x50: {  	[tilespmem:s0+$0xFFFFFFF0] =	vst v0  }
0x51: {  	[tilespmem:s0+$0xFFFFFFE0] =	vst v0  }
0x52: {  	[tilespmem:s0+$0xFFFFFFD0] =	vst v0  }
0x53: {  	[tilespmem:s0+$0xFFFFFFC0] =	vst v0  }
0x54: {  	[tilespmem:s0+$0xFFFFFFB0] =	vst v0  }
0x55: {  	[tilespmem:s0+$0xFFFFFFA0] =	vst v0  }
0x56: {  	[tilespmem:s0+$0xFFFFFF90] =	vst v0  }
0x57: {  	[tilespmem:s0+$0xFFFFFF80] =	vst v0  }
0x58: {  	[tilespmem:s0+$0xFFFFFF70] =	vst v0  }
.Ltmp0:
0x59: {  	[tilespmem:s0+$0xFFFFFF60] =	vst v0;
	(pc) =	sbr.rel @p0 .LBB2_2-.Ltmp0, $4  }
0x5a: {  	[tilespmem:s0+$0xFFFFFF50] =	vst v0  }
0x5b: {  	[tilespmem:s0+$0xFFFFFF40] =	vst v0  }
0x5c: {  	[tilespmem:s0+$0xFFFFFF30] =	vst v0  }
0x5d: {  	[tilespmem:s0+$0xFFFFFF20] =	vst v0  }
0x5e: {  	[tilespmem:s0+$0xFFFFFF10] =	vst v0;
	s1 =	simm.s32 $0x9400  }
0x5f: {  	[spmem:s3] =	stream.linear.scatter [tilespmem:s1], [sflag:$0xB], $0x1800, $0x38;
	v63 =	vld [tilespmem:$0x0]  }
0x60: {  	_ =	swait.ge [sflag:s2], $0x1800  }
0x61: {  	[sflag:s2] =	ssyncset.done $0x0  }
0x62: {  	s30 =	rddreg [dreg:$0xa];
	[sflag:s2] =	ssyncadd.s32 $0xFFFFE800  }
0x63: {  	[spmem:s30] =	stream.linear.scatter [tilespmem:s1], [sflag:$0xB], $0x1800, $0x38;
	v63 =	vld [tilespmem:$0x0]  }
0x64: {  	_ =	swait.ge [sflag:s2], $0x1800  }
0x65: {  	[sflag:s2] =	ssyncset.done $0x0  }
0x66: {  	s31 =	rddreg [dreg:$0xb];
	[sflag:s2] =	ssyncadd.s32 $0xFFFFE800  }
0x67: {  	[spmem:s31] =	stream.linear.scatter [tilespmem:s1], [sflag:$0xB], $0x1800, $0x38;
	v63 =	vld [tilespmem:$0x0]  }
0x68: {  	_ =	swait.ge [sflag:s2], $0x1800  }
0x69: {  	[sflag:s2] =	ssyncset.done $0x0  }
0x6a: {  	s3 =	rddreg [dreg:$0xc];
	[sflag:s2] =	ssyncadd.s32 $0xFFFFE800  }
0x6b: {  	[spmem:s3] =	stream.linear.scatter [tilespmem:s1], [sflag:$0xB], $0x1800, $0x38;
	v63 =	vld [tilespmem:$0x0]  }
0x6c: {  	_ =	swait.ge [sflag:s2], $0x1800  }
0x6d: {  	[sflag:s2] =	ssyncset.done $0x0  }
0x6e: {  	s4 =	rddreg [dreg:$0xd];
	[sflag:s2] =	ssyncadd.s32 $0xFFFFE800  }
0x6f: {  	[spmem:s4] =	stream.linear.scatter [tilespmem:s1], [sflag:$0xB], $0x1800, $0x38;
	v63 =	vld [tilespmem:$0x0]  }
0x70: {  	_ =	swait.ge [sflag:s2], $0x1800  }
0x71: {  	[sflag:s2] =	ssyncset.done $0x0  }
0x72: {  	s6 =	rddreg [dreg:$0xe];
	[sflag:s2] =	ssyncadd.s32 $0xFFFFE800  }
0x73: {  	[spmem:s6] =	stream.linear.scatter [tilespmem:s1], [sflag:$0xB], $0x1800, $0x38;
	v63 =	vld [tilespmem:$0x0]  }
0x74: {  	_ =	swait.ge [sflag:s2], $0x1800  }
0x75: {  	[sflag:s2] =	ssyncset.done $0x0  }
0x76: {  	s7 =	rddreg [dreg:$0xf];
	[sflag:s2] =	ssyncadd.s32 $0xFFFFE800  }
0x77: {  	[spmem:s7] =	stream.linear.scatter [tilespmem:s1], [sflag:$0xB], $0x1800, $0x38;
	v63 =	vld [tilespmem:$0x0]  }
0x78: {  	_ =	swait.ge [sflag:s2], $0x1800  }
0x79: {  	[sflag:s2] =	ssyncset.done $0x0  }
0x7a: {  	s8 =	rddreg [dreg:$0x10];
	[sflag:s2] =	ssyncadd.s32 $0xFFFFE800  }
0x7b: {  	[spmem:s8] =	stream.linear.scatter [tilespmem:s1], [sflag:$0xB], $0x1800, $0x38;
	v63 =	vld [tilespmem:$0x0]  }
0x7c: {  	_ =	swait.ge [sflag:s2], $0x1800  }
0x7d: {  	[sflag:s2] =	ssyncset.done $0x0  }
0x7e: {  	s9 =	rddreg [dreg:$0x11];
	[sflag:s2] =	ssyncadd.s32 $0xFFFFE800  }
0x7f: {  	[spmem:s9] =	stream.linear.scatter [tilespmem:s1], [sflag:$0xB], $0x1800, $0x38;
	v63 =	vld [tilespmem:$0x0]  }
0x80: {  	_ =	swait.ge [sflag:s2], $0x1800  }
0x81: {  	[sflag:s2] =	ssyncset.done $0x0  }
0x82: {  	s10 =	rddreg [dreg:$0x12];
	[sflag:s2] =	ssyncadd.s32 $0xFFFFE800  }
0x83: {  	[spmem:s10] =	stream.linear.scatter [tilespmem:s1], [sflag:$0xB], $0x1800, $0x38;
	v63 =	vld [tilespmem:$0x0]  }
0x84: {  	_ =	swait.ge [sflag:s2], $0x1800  }
0x85: {  	[sflag:s2] =	ssyncset.done $0x0  }
0x86: {  	s11 =	rddreg [dreg:$0x13];
	[sflag:s2] =	ssyncadd.s32 $0xFFFFE800  }
0x87: {  	[spmem:s11] =	stream.linear.scatter [tilespmem:s1], [sflag:$0xB], $0x1800, $0x38;
	v63 =	vld [tilespmem:$0x0]  }
0x88: {  	_ =	swait.ge [sflag:s2], $0x1800  }
0x89: {  	[sflag:s2] =	ssyncset.done $0x0  }
0x8a: {  	s12 =	rddreg [dreg:$0x14];
	[sflag:s2] =	ssyncadd.s32 $0xFFFFE800  }
0x8b: {  	[spmem:s12] =	stream.linear.scatter [tilespmem:s1], [sflag:$0xB], $0x1800, $0x38;
	v63 =	vld [tilespmem:$0x0]  }
0x8c: {  	_ =	swait.ge [sflag:s2], $0x1800  }
0x8d: {  	[sflag:s2] =	ssyncset.done $0x0  }
0x8e: {  	s13 =	rddreg [dreg:$0x15];
	[sflag:s2] =	ssyncadd.s32 $0xFFFFE800  }
0x8f: {  	[spmem:s13] =	stream.linear.scatter [tilespmem:s1], [sflag:$0xB], $0x1800, $0x38;
	v63 =	vld [tilespmem:$0x0]  }
0x90: {  	_ =	swait.ge [sflag:s2], $0x1800  }
0x91: {  	[sflag:s2] =	ssyncset.done $0x0  }
0x92: {  	s14 =	rddreg [dreg:$0x16];
	[sflag:s2] =	ssyncadd.s32 $0xFFFFE800  }
0x93: {  	[spmem:s14] =	stream.linear.scatter [tilespmem:s1], [sflag:$0xB], $0x400, $0x38;
	v63 =	vld [tilespmem:$0x0]  }
0x94: {  	_ =	swait.ge [sflag:s2], $0x400  }
0x95: {  	[sflag:s2] =	ssyncset.done $0x0  }
0x96: {  	[sflag:s2] =	ssyncadd.s32 $0xFFFFFC00  }
0x97: {  	[bflag:$0x0] =	sbarrier.arrive $0xFFFF  }
0x98: {  	s15 =	simm.s32 $0x0;
	s16 =	rddreg [dreg:$0x17]  }
0x99: {  	[tilespmem:s15], [sflag:$0x1] =	stream.linear.gather [hbm4b:s16+s15], $0x100, $0x38;
	v63 =	vld [tilespmem:$0x0]  }
0x9a: {  	s18 =	simm.s32 $0x100;
	s19 =	simm.s32 $0x1;
	s17 =	rddreg [dreg:$0x1a]  }
0x9b: {  	[tilespmem:s18], [sflag:$0x2] =	stream.linear.gather [hbm4b:s17+s15], $0x100, $0x38;
	v63 =	vld [tilespmem:$0x0]  }
0x9c: {  	_ =	swait.ge [sflag:s19], $0x100  }
0x9d: {  	[sflag:s19] =	ssyncset.done $0x0  }
0x9e: {  	[sflag:s19] =	ssyncadd.s32 $0xFFFFFF00  }
0x9f: {  	v4 =	vld [tilespmem:$0x0];
	_ =	sdelay $0x4  }
0xa0: {  	v5 =	vshll.u32 v4, $0x1  }
0xa1: {  	v4 =	vand.u32 $0x7, v4;
	v5 =	vand.u32 $0xFFFFFFF0, v5  }
0xa2: {  	v4 =	vor.u32 v4, v5  }
0xa3: {  	v5 =	vperm.xlane v4, v1;
	_ =	sdelay $0x1  }
0xa4: {  	v4 =	vperm.xlane v4, v3;
	v5 =	vadd.s32 v2, v5;
	_ =	sdelay $0x1  }
0xa5: {  	v4 =	vadd.s32 v2, v4;
	_ =	sdelay $0x1  }
0xa6: {  	s21 =	simm.s32 $0x400;
	s20 =	rddreg [dreg:$0x5]  }
0xa7: {  	[tilespmem:s21], [sflag:$0x5] =	stream.indirect_vreg.gather [hbm4b:s20+s15], $0x80, v5, vm0, $0xb8;
	v63 =	vld [tilespmem:$0x0]  }
0xa8: {  	s22 =	simm.s32 $0xC00  }
0xa9: {  	[tilespmem:s22], [sflag:$0x5] =	stream.indirect_vreg.gather [hbm4b:s20+s15], $0x80, v4, vm0, $0xb8;
	v63 =	vld [tilespmem:$0x0]  }
0xaa: {  	v4 =	vld [tilespmem:$0x10];
	_ =	sdelay $0x4  }
0xab: {  	v5 =	vshll.u32 v4, $0x1  }
0xac: {  	v4 =	vand.u32 $0x7, v4;
	v5 =	vand.u32 $0xFFFFFFF0, v5  }
0xad: {  	v4 =	vor.u32 v4, v5  }
0xae: {  	v5 =	vperm.xlane v4, v1;
	_ =	sdelay $0x1  }
0xaf: {  	v4 =	vperm.xlane v4, v3;
	v5 =	vadd.s32 v2, v5;
	_ =	sdelay $0x1  }
0xb0: {  	v4 =	vadd.s32 v2, v4;
	_ =	sdelay $0x1  }
0xb1: {  	s23 =	simm.s32 $0x1400  }
0xb2: {  	[tilespmem:s23], [sflag:$0x5] =	stream.indirect_vreg.gather [hbm4b:s20+s15], $0x80, v5, vm0, $0xb8;
	v63 =	vld [tilespmem:$0x0]  }
0xb3: {  	s24 =	simm.s32 $0x1C00  }
0xb4: {  	[tilespmem:s24], [sflag:$0x5] =	stream.indirect_vreg.gather [hbm4b:s20+s15], $0x80, v4, vm0, $0xb8;
	v63 =	vld [tilespmem:$0x0]  }
0xb5: {  	v4 =	vld [tilespmem:$0x20];
	_ =	sdelay $0x4  }
0xb6: {  	v5 =	vshll.u32 v4, $0x1  }
0xb7: {  	v4 =	vand.u32 $0x7, v4;
	v5 =	vand.u32 $0xFFFFFFF0, v5  }
0xb8: {  	v4 =	vor.u32 v4, v5  }
0xb9: {  	v5 =	vperm.xlane v4, v1;
	_ =	sdelay $0x1  }
0xba: {  	v4 =	vperm.xlane v4, v3;
	v5 =	vadd.s32 v2, v5;
	_ =	sdelay $0x1  }
0xbb: {  	v4 =	vadd.s32 v2, v4;
	_ =	sdelay $0x1  }
0xbc: {  	s25 =	simm.s32 $0x2400;
	s26 =	simm.s32 $0x2C00  }
0xbd: {  	[tilespmem:s25], [sflag:$0x5] =	stream.indirect_vreg.gather [hbm4b:s20+s15], $0x80, v5, vm0, $0xb8;
	v63 =	vld [tilespmem:$0x0]  }
0xbe: {  	s29 =	simm.s32 $0x30;
	p0 =	por $0x0, $0x0;
	s30 =	simm.s32 $0x80  }
0xbf: {  	[tilespmem:s26], [sflag:$0x5] =	stream.indirect_vreg.gather [hbm4b:s20+s15], $0x80, v4, vm0, $0xb8;
	v63 =	vld [tilespmem:$0x0]  }
0xc0: {  	s31 =	simm.s32 $0x6400;
	s12 =	simm.s32 $0x0;
	s28 =	rddreg [dreg:$0x6]  }
0xc1: {  	[tilespmem:s31], [sflag:$0x7] =	stream.indirect.gather [hbm4b:s28+s29], $0x80, s30, s29, $0xb8;
	v63 =	vld [tilespmem:$0x0]  }
.LBB2_4:
0xc2: {  	s11 =	sand.u32 $0x1, s12;
	p1 =	slt.u32 s12, $0x2  }
0xc3: {  	s1 =	sadd.s32 $0x2, s12;
	s0 =	sadd.s32 @!p1 $0x9, s11  }
0xc4: {  	s13 =	sadd.s32 $0x1, s12;
	p2 =	sge.u32 s1, s5;
	_ =	swait.ge @!p1 [sflag:s0], $0x1800  }
0xc5: {  	s2 =	sand.u32 @!p2 $0x3, s1;
	[sflag:s0] =	ssyncset.done @!p1 $0x0;
	s3 =	rddreg [dreg:$0x8]  }
0xc6: {  	s1 =	sadd.s32 @!p2 s3, s1;
	[sflag:s0] =	ssyncadd.s32 @!p1 $0xFFFFE800;
	s0 =	sshll.u32 @!p2 s2, $0x8  }
0xc7: {  	s2 =	sadd.s32 @!p2 $0x1, s2;
	s3 =	rddreg [dreg:$0x4];
	s1 =	sshll.u32 @!p2 s1, $0x5  }
0xc8: {  	p1 =	sge.u32 s13, s5;
	s1 =	sadd.s32 @!p2 s3, s1;
	s3 =	simm.s32 @!p2 $0x0  }
0xc9: {  	[tilespmem:s0], [sflag:s2] =	stream.linear.gather @!p2 [hbm4b:s1+s3], $0x100, $0x38;
	v63 =	vld [tilespmem:$0x0]  }
0xca: {  	s0 =	sand.u32 @!p1 $0x3, s13  }
0xcb: {  	s1 =	sadd.s32 @!p1 $0x1, s0  }
0xcc: {  	_ =	swait.ge @!p1 [sflag:s1], $0x100  }
0xcd: {  	[sflag:s1] =	ssyncset.done @!p1 $0x0  }
0xce: {  	s0 =	sshll.u32 @!p1 s0, $0x8;
	[sflag:s1] =	ssyncadd.s32 @!p1 $0xFFFFFF00  }
0xcf: {  	v4 =	vld @!p1 [tilespmem:s0+$0x0];
	_ =	sdelay $0x4  }
0xd0: {  	v5 =	vshll.u32 @!p1 v4, $0x1  }
0xd1: {  	v6 =	vlaneseq.u32 @!p1;
	v4 =	vand.u32 @!p1 $0x7, v4;
	v5 =	vand.u32 @!p1 $0xFFFFFFF0, v5  }
0xd2: {  	v7 =	vshrl.u32 @!p1 v6, $0x3;
	v4 =	vor.u32 @!p1 v4, v5;
	v5 =	vand.u32 @!p1 $0x7, v6  }
0xd3: {  	v7 =	vmul.u32 @!p1 $0x8, v7;
	v8 =	vperm.xlane @!p1 v4, v5  }
0xd4: {  	v6 =	vor.u32 @!p1 $0x8, v6  }
0xd5: {  	s1 =	sand.u32 @!p1 $0x1, s13;
	v4 =	vperm.xlane @!p1 v4, v6;
	v8 =	vadd.s32 @!p1 v7, v8  }
0xd6: {  	s2 =	smul.u32 @!p1 $0xC000, s1  }
0xd7: {  	v4 =	vadd.s32 @!p1 v7, v4  }
0xd8: {  	s6 =	simm.s32 @!p1 $0x0;
	s2 =	sshrl.u32 @!p1 s2, $0x2  }
0xd9: {  	vm1 =	vmmov @!p1 $0xffff;
	s5 =	rddreg [dreg:$0x5];
	s4 =	sadd.s32 @!p1 $0x5, s1;
	s3 =	sor.u32 @!p1 $0x400, s2  }
0xda: {  	[tilespmem:s3], [sflag:s4] =	stream.indirect_vreg.gather @!p1 [hbm4b:s5+s6], $0x80, v8, vm1, $0xb8;
	v63 =	vld [tilespmem:$0x0]  }
0xdb: {  	s3 =	sor.u32 @!p1 $0xC00, s2  }
0xdc: {  	[tilespmem:s3], [sflag:s4] =	stream.indirect_vreg.gather @!p1 [hbm4b:s5+s6], $0x80, v4, vm1, $0xb8;
	v63 =	vld [tilespmem:$0x0]  }
0xdd: {  	v4 =	vld @!p1 [tilespmem:s0+$0x10];
	_ =	sdelay $0x4  }
0xde: {  	v8 =	vshll.u32 @!p1 v4, $0x1  }
0xdf: {  	v4 =	vand.u32 @!p1 $0x7, v4;
	v8 =	vand.u32 @!p1 $0xFFFFFFF0, v8  }
0xe0: {  	v4 =	vor.u32 @!p1 v4, v8  }
0xe1: {  	v8 =	vperm.xlane @!p1 v4, v5;
	_ =	sdelay $0x1  }
0xe2: {  	v4 =	vperm.xlane @!p1 v4, v6;
	v8 =	vadd.s32 @!p1 v7, v8;
	_ =	sdelay $0x1  }
0xe3: {  	v4 =	vadd.s32 @!p1 v7, v4;
	_ =	sdelay $0x1  }
0xe4: {  	s3 =	sadd.s32 @!p1 $0x1400, s2  }
0xe5: {  	[tilespmem:s3], [sflag:s4] =	stream.indirect_vreg.gather @!p1 [hbm4b:s5+s6], $0x80, v8, vm1, $0xb8;
	v63 =	vld [tilespmem:$0x0]  }
0xe6: {  	s3 =	sadd.s32 @!p1 $0x1C00, s2  }
0xe7: {  	[tilespmem:s3], [sflag:s4] =	stream.indirect_vreg.gather @!p1 [hbm4b:s5+s6], $0x80, v4, vm1, $0xb8;
	v63 =	vld [tilespmem:$0x0]  }
0xe8: {  	v4 =	vld @!p1 [tilespmem:s0+$0x20];
	_ =	sdelay $0x4  }
0xe9: {  	v8 =	vshll.u32 @!p1 v4, $0x1  }
0xea: {  	v4 =	vand.u32 @!p1 $0x7, v4;
	v8 =	vand.u32 @!p1 $0xFFFFFFF0, v8  }
0xeb: {  	v4 =	vor.u32 @!p1 v4, v8  }
0xec: {  	v5 =	vperm.xlane @!p1 v4, v5;
	_ =	sdelay $0x1  }
0xed: {  	v4 =	vperm.xlane @!p1 v4, v6;
	v5 =	vadd.s32 @!p1 v7, v5;
	_ =	sdelay $0x1  }
0xee: {  	v4 =	vadd.s32 @!p1 v7, v4;
	_ =	sdelay $0x1  }
0xef: {  	s22 =	simm.s32 $0x0;
	s25 =	simm.s32 $0x180;
	s3 =	sadd.s32 @!p1 $0x2400, s2  }
0xf0: {  	[tilespmem:s3], [sflag:s4] =	stream.indirect_vreg.gather @!p1 [hbm4b:s5+s6], $0x80, v5, vm1, $0xb8;
	v63 =	vld [tilespmem:$0x0]  }
0xf1: {  	s17 =	sadd.s32 $0x5, s11;
	s2 =	sadd.s32 @!p1 $0x2C00, s2;
	s3 =	smul.u32 @!p1 $0x6000, s1  }
0xf2: {  	[tilespmem:s2], [sflag:s4] =	stream.indirect_vreg.gather @!p1 [hbm4b:s5+s6], $0x80, v4, vm1, $0xb8;
	v63 =	vld [tilespmem:$0x0]  }
0xf3: {  	s0 =	sor.u32 @!p1 $0x80, s0;
	s1 =	sadd.s32 @!p1 $0x7, s1;
	s2 =	sshrl.u32 @!p1 s3, $0x2  }
0xf4: {  	s3 =	simm.s32 @!p1 $0x30;
	s4 =	rddreg [dreg:$0x6];
	s2 =	sor.u32 @!p1 $0x6400, s2  }
0xf5: {  	[tilespmem:s2], [sflag:s1] =	stream.indirect.gather @!p1 [hbm4b:s4+s3], $0x80, s0, s3, $0xb8;
	v63 =	vld [tilespmem:$0x0]  }
0xf6: {  	s19 =	smul.u32 $0xC000, s11;
	s0 =	simm.s32 $0x1;
	_ =	swait.ge [sflag:s17], $0x3000  }
0xf7: {  	s18 =	sadd.s32 $0x7, s11;
	s0 =	simm.s32 @!p0 $0x0;
	[sflag:s17] =	ssyncset.done $0x0  }
0xf8: {  	s21 =	sshrl.u32 s19, $0x2;
	s0 =	smul.u32 $0x6000, s0;
	[sflag:s17] =	ssyncadd.s32 $0xFFFFD000  }
0xf9: {  	s23 =	sand.u32 $0x3800, s22;
	s24 =	sor.u32 $0x400, s21;
	_ =	swait.ge [sflag:s18], $0x1800  }
0xfa: {  	s26 =	sadd.s32 s23, s24;
	s20 =	sshrl.u32 s0, $0x2;
	[sflag:s18] =	ssyncset.done $0x0  }
0xfb: {  	s6 =	sand.u32 $0x380, s25;
	s29 =	sor.u32 $0x6500, s20;
	[sflag:s18] =	ssyncadd.s32 $0xFFFFE800  }
0xfc: {  	s1 =	sadd.s32 s6, s26;
	v4 =	vld [tilespmem:s29+$0x80]  }
0xfd: {  	v5 =	vld [tilespmem:s1+$0x0]  }
0xfe: {  	s7 =	simm.s32 $0x80  }
0xff: {  	s0 =	sand.u32 $0x280, s7  }
0x100: {  	s8 =	simm.s32 $0x100;
	s2 =	sadd.s32 s0, s26  }
0x101: {  	s8 =	sand.u32 $0x300, s8;
	v6 =	vld [tilespmem:s2+$0x0]  }
0x102: {  	s28 =	sadd.s32 s8, s26;
	v7 =	vld [tilespmem:s29+$0xFFFFFF80];
	v4 =	vadd.f32 v5, v4  }
0x103: {  	v8 =	vld [tilespmem:s28+$0x0]  }
0x104: {  	v9 =	vld [tilespmem:s29+$0x0];
	v4 =	vsub.f32 $0.0e+00, v4  }
0x105: {  	s9 =	sand.u32 $0x200, s22  }
0x106: {  	s0 =	sadd.s32 s9, s26;
	v10 =	vld [tilespmem:s29+$0xFFFFFF00];
	v4 =	vmul.f32 $1.442695020e+00, v4  }
0x107: {  	v5 =	vld [tilespmem:s0+$0x0];
	v6 =	vadd.f32 v6, v7  }
0x108: {  	(erf) = vpow2.f32 v4  }
0x109: {  	v4 =	vsub.f32 $0.0e+00, v6;
	v6 =	vadd.f32 v8, v9;
	_ =	sdelay $0x1  }
0x10a: {  	v4 =	vmul.f32 $1.442695020e+00, v4;
	v6 =	vsub.f32 $0.0e+00, v6  }
0x10b: {  	v5 =	vadd.f32 v5, v10  }
0x10c: {  	(erf) = vpow2.f32 v4;
	v4 =	vmul.f32 $1.442695020e+00, v6  }
0x10d: {  	v5 =	vsub.f32 $0.0e+00, v5;
	_ =	sdelay $0x1  }
0x10e: {  	v5 =	vmul.f32 $1.442695020e+00, v5  }
0x10f: {  	(erf) = vpow2.f32 v4;
	v4 =	vpop (erf)  }
0x110: {  	(erf) = vpow2.f32 v5;
	v4 =	vadd.f32 $1.000000000e+00, v4;
	_ =	sdelay $0x3  }
0x111: {  	(erf) = vrcp.f32 v4;
	v4 =	vpop (erf)  }
0x112: {  	v4 =	vadd.f32 $1.000000000e+00, v4;
	_ =	sdelay $0x1  }
0x113: {  	(erf) = vrcp.f32 v4  }
0x114: {  	v5 =	vpop (erf)  }
0x115: {  	v5 =	vadd.f32 $1.000000000e+00, v5;
	v6 =	vpop (erf);
	v4 =	vld [tilespmem:s1+$0x400]  }
0x116: {  	v6 =	vadd.f32 $1.000000000e+00, v6  }
0x117: {  	(erf) = vrcp.f32 v5  }
0x118: {  	(erf) = vrcp.f32 v6;
	v6 =	vld [tilespmem:s2+$0x400]  }
0x119: {  	v5 =	vpop (erf)  }
0x11a: {  	v4 =	vmul.f32 v5, v4  }
0x11b: {  	s14 =	sadd.s32 $0x9500, s20  }
0x11c: {  	v5 =	vld [tilespmem:s0+$0x400];
	[tilespmem:s14+$0x80] =	vst v4;
	v7 =	vpop (erf)  }
0x11d: {  	v4 =	vld [tilespmem:s29+$0x90];
	v6 =	vmul.f32 v7, v6  }
0x11e: {  	v8 =	vld [tilespmem:s1+$0x10]  }
0x11f: {  	v7 =	vld [tilespmem:s28+$0x400]  }
0x120: {  	v9 =	vpop (erf)  }
0x121: {  	[tilespmem:s14+$0xFFFFFF80] =	vst v6;
	v6 =	vpop (erf)  }
0x122: {  	v5 =	vmul.f32 v6, v5  }
0x123: {  	v10 =	vld [tilespmem:s29+$0xFFFFFF90]  }
0x124: {  	v4 =	vadd.f32 v8, v4;
	v6 =	vld [tilespmem:s2+$0x10];
	v7 =	vmul.f32 v9, v7;
	[tilespmem:s14+$0xFFFFFF00] =	vst v5  }
0x125: {  	v5 =	vld [tilespmem:s29+$0xFFFFFF10]  }
0x126: {  	v4 =	vsub.f32 $0.0e+00, v4;
	[tilespmem:s14+$0x0] =	vst v7;
	v7 =	vld [tilespmem:s0+$0x10];
	_ =	sdelay $0x1  }
0x127: {  	v4 =	vmul.f32 $1.442695020e+00, v4;
	v8 =	vld [tilespmem:s29+$0x10]  }
0x128: {  	v9 =	vld [tilespmem:s28+$0x10];
	v6 =	vadd.f32 v6, v10  }
0x129: {  	(erf) = vpow2.f32 v4  }
0x12a: {  	v4 =	vsub.f32 $0.0e+00, v6;
	v5 =	vadd.f32 v7, v5;
	_ =	sdelay $0x1  }
0x12b: {  	v4 =	vmul.f32 $1.442695020e+00, v4;
	v5 =	vsub.f32 $0.0e+00, v5  }
0x12c: {  	v6 =	vadd.f32 v9, v8  }
0x12d: {  	(erf) = vpow2.f32 v4;
	v5 =	vmul.f32 $1.442695020e+00, v5  }
0x12e: {  	v4 =	vsub.f32 $0.0e+00, v6  }
0x12f: {  	(erf) = vpow2.f32 v5  }
0x130: {  	v4 =	vmul.f32 $1.442695020e+00, v4  }
0x131: {  	v5 =	vpop (erf)  }
0x132: {  	(erf) = vpow2.f32 v4;
	v5 =	vadd.f32 $1.000000000e+00, v5;
	_ =	sdelay $0x1  }
0x133: {  	(erf) = vrcp.f32 v5;
	_ =	sdelay $0x1  }
0x134: {  	v4 =	vpop (erf)  }
0x135: {  	v4 =	vadd.f32 $1.000000000e+00, v4  }
0x136: {  	v5 =	vpop (erf)  }
0x137: {  	(erf) = vrcp.f32 v4;
	v4 =	vld [tilespmem:s1+$0x410];
	v5 =	vadd.f32 $1.000000000e+00, v5;
	_ =	sdelay $0x1  }
0x138: {  	v6 =	vpop (erf)  }
0x139: {  	v6 =	vadd.f32 $1.000000000e+00, v6;
	(erf) = vrcp.f32 v5  }
0x13a: {  	v5 =	vpop (erf)  }
0x13b: {  	v7 =	vld [tilespmem:s2+$0x410];
	(erf) = vrcp.f32 v6;
	v4 =	vmul.f32 v5, v4;
	_ =	sdelay $0x1  }
0x13c: {  	v5 =	vld [tilespmem:s0+$0x410];
	[tilespmem:s14+$0x90] =	vst v4  }
0x13d: {  	v4 =	vld [tilespmem:s29+$0xA0]  }
0x13e: {  	v6 =	vpop (erf);
	v8 =	vld [tilespmem:s1+$0x20]  }
0x13f: {  	v6 =	vmul.f32 v6, v7;
	v7 =	vld [tilespmem:s28+$0x410];
	_ =	sdelay $0x1  }
0x140: {  	v9 =	vpop (erf)  }
0x141: {  	[tilespmem:s14+$0xFFFFFF90] =	vst v6;
	v5 =	vmul.f32 v9, v5  }
0x142: {  	v6 =	vld [tilespmem:s29+$0xFFFFFFA0];
	v4 =	vadd.f32 v8, v4;
	v8 =	vpop (erf)  }
0x143: {  	v9 =	vld [tilespmem:s2+$0x20];
	v7 =	vmul.f32 v8, v7;
	[tilespmem:s14+$0xFFFFFF10] =	vst v5  }
0x144: {  	v5 =	vld [tilespmem:s29+$0xFFFFFF20]  }
0x145: {  	v4 =	vsub.f32 $0.0e+00, v4;
	[tilespmem:s14+$0x10] =	vst v7;
	v7 =	vld [tilespmem:s0+$0x20];
	_ =	sdelay $0x1  }
0x146: {  	v4 =	vmul.f32 $1.442695020e+00, v4  }
0x147: {  	v6 =	vadd.f32 v9, v6;
	v8 =	vld [tilespmem:s29+$0x20]  }
0x148: {  	v9 =	vld [tilespmem:s28+$0x20];
	(erf) = vpow2.f32 v4  }
0x149: {  	v4 =	vsub.f32 $0.0e+00, v6;
	v5 =	vadd.f32 v7, v5;
	_ =	sdelay $0x1  }
0x14a: {  	v4 =	vmul.f32 $1.442695020e+00, v4;
	v5 =	vsub.f32 $0.0e+00, v5;
	_ =	sdelay $0x1  }
0x14b: {  	v6 =	vadd.f32 v9, v8;
	(erf) = vpow2.f32 v4;
	v4 =	vmul.f32 $1.442695020e+00, v5;
	_ =	sdelay $0x1  }
0x14c: {  	s10 =	simm.s32 $0x400;
	v5 =	vsub.f32 $0.0e+00, v6  }
0x14d: {  	s15 =	simm.s32 $0x380;
	s3 =	sand.u32 $0x3800, s10  }
0x14e: {  	s4 =	sand.u32 $0x380, s15;
	s3 =	sadd.s32 s3, s24;
	s25 =	sadd.s32 $0x200, s29;
	v5 =	vmul.f32 $1.442695020e+00, v5;
	(erf) = vpow2.f32 v4;
	v4 =	vpop (erf)  }
0x14f: {  	s17 =	sadd.s32 s4, s3;
	v6 =	vld [tilespmem:s25+$0x80];
	v4 =	vadd.f32 $1.000000000e+00, v4  }
0x150: {  	(erf) = vpow2.f32 v5;
	v5 =	vld [tilespmem:s17+$0x0]  }
0x151: {  	s16 =	simm.s32 $0x280;
	v12 =	vld [tilespmem:s25+$0xFFFFFF00];
	(erf) = vrcp.f32 v4  }
0x152: {  	s19 =	simm.s32 $0x300;
	s18 =	sand.u32 $0x280, s16;
	v10 =	vld [tilespmem:s25+$0x0]  }
0x153: {  	s20 =	sand.u32 $0x300, s19;
	s15 =	sadd.s32 s18, s3;
	v9 =	vld [tilespmem:s25+$0xFFFFFF80];
	v7 =	vpop (erf)  }
0x154: {  	s21 =	simm.s32 $0x200;
	s16 =	sadd.s32 s20, s3;
	v4 =	vld [tilespmem:s15+$0x0];
	v7 =	vadd.f32 $1.000000000e+00, v7  }
0x155: {  	s4 =	sand.u32 $0x200, s21;
	v8 =	vld [tilespmem:s16+$0x0];
	v5 =	vadd.f32 v5, v6  }
0x156: {  	s4 =	sadd.s32 s4, s3;
	v6 =	vld [tilespmem:s1+$0x420];
	(erf) = vrcp.f32 v7  }
0x157: {  	v7 =	vld [tilespmem:s4+$0x0];
	v11 =	vpop (erf);
	v5 =	vsub.f32 $0.0e+00, v5  }
0x158: {  	v11 =	vadd.f32 $1.000000000e+00, v11  }
0x159: {  	v4 =	vadd.f32 v4, v9;
	v13 =	vpop (erf);
	v5 =	vmul.f32 $1.442695020e+00, v5  }
0x15a: {  	v8 =	vadd.f32 v8, v10;
	v9 =	vadd.f32 $1.000000000e+00, v13;
	(erf) = vrcp.f32 v11;
	v10 =	vpop (erf)  }
0x15b: {  	v11 =	vld [tilespmem:s2+$0x420];
	v4 =	vsub.f32 $0.0e+00, v4;
	(erf) = vpow2.f32 v5;
	v5 =	vmul.f32 v10, v6  }
0x15c: {  	v7 =	vadd.f32 v7, v12  }
0x15d: {  	v8 =	vsub.f32 $0.0e+00, v8;
	(erf) = vrcp.f32 v9;
	v4 =	vmul.f32 $1.442695020e+00, v4;
	[tilespmem:s14+$0xA0] =	vst v5  }
0x15e: {  	v7 =	vsub.f32 $0.0e+00, v7;
	v5 =	vld [tilespmem:s29+$0xB0]  }
0x15f: {  	v8 =	vmul.f32 $1.442695020e+00, v8;
	v9 =	vpop (erf);
	(erf) = vpow2.f32 v4;
	v4 =	vld [tilespmem:s1+$0x30]  }
0x160: {  	v6 =	vld [tilespmem:s0+$0x420];
	v7 =	vmul.f32 $1.442695020e+00, v7;
	v9 =	vmul.f32 v9, v11;
	_ =	sdelay $0x1  }
0x161: {  	v10 =	vld [tilespmem:s28+$0x420];
	(erf) = vpow2.f32 v8;
	[tilespmem:s14+$0xFFFFFFA0] =	vst v9  }
0x162: {  	v8 =	vld [tilespmem:s29+$0xFFFFFFB0]  }
0x163: {  	(erf) = vpow2.f32 v7;
	v7 =	vpop (erf);
	v4 =	vadd.f32 v4, v5;
	v5 =	vld [tilespmem:s2+$0x30]  }
0x164: {  	v9 =	vpop (erf);
	v6 =	vmul.f32 v7, v6  }
0x165: {  	v7 =	vadd.f32 $1.000000000e+00, v9;
	v9 =	vpop (erf)  }
0x166: {  	[tilespmem:s14+$0xFFFFFF20] =	vst v6;
	v6 =	vmul.f32 v9, v10  }
0x167: {  	v4 =	vsub.f32 $0.0e+00, v4;
	(erf) = vrcp.f32 v7;
	v7 =	vld [tilespmem:s29+$0xFFFFFF30];
	v9 =	vpop (erf)  }
0x168: {  	v10 =	vld [tilespmem:s0+$0x30];
	[tilespmem:s14+$0x20] =	vst v6;
	v6 =	vadd.f32 $1.000000000e+00, v9;
	v5 =	vadd.f32 v5, v8  }
0x169: {  	v4 =	vmul.f32 $1.442695020e+00, v4;
	v9 =	vld [tilespmem:s29+$0x30]  }
0x16a: {  	v11 =	vld [tilespmem:s28+$0x30];
	v8 =	vpop (erf);
	v5 =	vsub.f32 $0.0e+00, v5  }
0x16b: {  	(erf) = vpow2.f32 v4;
	v4 =	vadd.f32 $1.000000000e+00, v8  }
0x16c: {  	v8 =	vld [tilespmem:s17+$0x400];
	(erf) = vrcp.f32 v6;
	v6 =	vpop (erf);
	v5 =	vmul.f32 $1.442695020e+00, v5  }
0x16d: {  	(erf) = vrcp.f32 v4;
	v4 =	vadd.f32 v10, v7;
	v6 =	vadd.f32 $1.000000000e+00, v6;
	_ =	sdelay $0x1  }
0x16e: {  	v4 =	vsub.f32 $0.0e+00, v4;
	(erf) = vrcp.f32 v6;
	v6 =	vadd.f32 v11, v9  }
0x16f: {  	(erf) = vpow2.f32 v5;
	v5 =	vpop (erf)  }
0x170: {  	v4 =	vmul.f32 $1.442695020e+00, v4;
	v6 =	vsub.f32 $0.0e+00, v6;
	v5 =	vmul.f32 v5, v8  }
0x171: {  	s18 =	sadd.s32 $0x200, s14;
	v7 =	vld [tilespmem:s15+$0x400]  }
0x172: {  	v8 =	vld [tilespmem:s16+$0x400];
	[tilespmem:s18+$0x80] =	vst v5;
	v5 =	vmul.f32 $1.442695020e+00, v6  }
0x173: {  	(erf) = vpow2.f32 v4  }
0x174: {  	v4 =	vpop (erf)  }
0x175: {  	v9 =	vld [tilespmem:s4+$0x400];
	v10 =	vpop (erf);
	v4 =	vadd.f32 $1.000000000e+00, v4  }
0x176: {  	v7 =	vmul.f32 v10, v7;
	(erf) = vpow2.f32 v5;
	v5 =	vpop (erf)  }
0x177: {  	v6 =	vld [tilespmem:s25+$0x90];
	(erf) = vrcp.f32 v4;
	v4 =	vmul.f32 v5, v8  }
0x178: {  	v10 =	vld [tilespmem:s17+$0x10];
	[tilespmem:s18+$0xFFFFFF80] =	vst v7  }
0x179: {  	v5 =	vpop (erf);
	v7 =	vld [tilespmem:s25+$0xFFFFFF90]  }
0x17a: {  	v8 =	vld [tilespmem:s15+$0x10];
	v5 =	vmul.f32 v5, v9;
	[tilespmem:s18+$0x0] =	vst v4  }
0x17b: {  	v9 =	vld [tilespmem:s25+$0x10];
	v4 =	vpop (erf)  }
0x17c: {  	[tilespmem:s18+$0xFFFFFF00] =	vst v5;
	v5 =	vld [tilespmem:s1+$0x430];
	v4 =	vadd.f32 $1.000000000e+00, v4;
	v11 =	vpop (erf)  }
0x17d: {  	v6 =	vadd.f32 v10, v6;
	v10 =	vld [tilespmem:s25+$0xFFFFFF10];
	v11 =	vadd.f32 $1.000000000e+00, v11  }
0x17e: {  	(erf) = vrcp.f32 v4;
	v4 =	vld [tilespmem:s4+$0x10]  }
0x17f: {  	v6 =	vsub.f32 $0.0e+00, v6;
	v7 =	vadd.f32 v8, v7;
	v8 =	vld [tilespmem:s16+$0x10]  }
0x180: {  	v12 =	vpop (erf)  }
0x181: {  	v6 =	vmul.f32 $1.442695020e+00, v6;
	(erf) = vrcp.f32 v11;
	v11 =	vpop (erf)  }
0x182: {  	v5 =	vmul.f32 v11, v5  }
0x183: {  	v12 =	vadd.f32 $1.000000000e+00, v12;
	(erf) = vpow2.f32 v6;
	v4 =	vadd.f32 v4, v10  }
0x184: {  	v7 =	vsub.f32 $0.0e+00, v7;
	[tilespmem:s14+$0xB0] =	vst v5;
	v5 =	vadd.f32 v8, v9  }
0x185: {  	v6 =	vld [tilespmem:s2+$0x430];
	v4 =	vsub.f32 $0.0e+00, v4  }
0x186: {  	v7 =	vmul.f32 $1.442695020e+00, v7;
	(erf) = vrcp.f32 v12;
	v11 =	vld [tilespmem:s0+$0x430];
	v5 =	vsub.f32 $0.0e+00, v5  }
0x187: {  	v8 =	vld [tilespmem:s29+$0xC0];
	v4 =	vmul.f32 $1.442695020e+00, v4  }
0x188: {  	(erf) = vpow2.f32 v7;
	v7 =	vld [tilespmem:s1+$0x40];
	v5 =	vmul.f32 $1.442695020e+00, v5  }
0x189: {  	v10 =	vpop (erf)  }
0x18a: {  	v6 =	vmul.f32 v10, v6  }
0x18b: {  	v9 =	vld [tilespmem:s28+$0x430];
	(erf) = vpow2.f32 v4;
	v4 =	vpop (erf)  }
0x18c: {  	[tilespmem:s14+$0xFFFFFFB0] =	vst v6;
	(erf) = vpow2.f32 v5;
	v5 =	vpop (erf);
	v4 =	vmul.f32 v4, v11  }
0x18d: {  	v6 =	vadd.f32 v7, v8;
	v7 =	vld [tilespmem:s29+$0xFFFFFFC0];
	v5 =	vadd.f32 $1.000000000e+00, v5  }
0x18e: {  	v10 =	vld [tilespmem:s2+$0x40];
	[tilespmem:s14+$0xFFFFFF30] =	vst v4  }
0x18f: {  	v8 =	vpop (erf);
	(erf) = vrcp.f32 v5;
	v5 =	vld [tilespmem:s29+$0xFFFFFF40]  }
0x190: {  	v6 =	vsub.f32 $0.0e+00, v6;
	v4 =	vmul.f32 v8, v9;
	v9 =	vld [tilespmem:s0+$0x40];
	_ =	sdelay $0x1  }
0x191: {  	v8 =	vpop (erf);
	[tilespmem:s14+$0x30] =	vst v4;
	v4 =	vmul.f32 $1.442695020e+00, v6  }
0x192: {  	v6 =	vadd.f32 $1.000000000e+00, v8  }
0x193: {  	v8 =	vld [tilespmem:s29+$0x40];
	(erf) = vpow2.f32 v4;
	v4 =	vadd.f32 v10, v7;
	v7 =	vpop (erf)  }
0x194: {  	v11 =	vld [tilespmem:s28+$0x40];
	(erf) = vrcp.f32 v6;
	v7 =	vadd.f32 $1.000000000e+00, v7;
	v10 =	vpop (erf);
	v5 =	vadd.f32 v9, v5  }
0x195: {  	v6 =	vld [tilespmem:s17+$0x410];
	v4 =	vsub.f32 $0.0e+00, v4;
	v9 =	vadd.f32 $1.000000000e+00, v10  }
0x196: {  	v5 =	vsub.f32 $0.0e+00, v5  }
0x197: {  	(erf) = vrcp.f32 v7;
	v4 =	vmul.f32 $1.442695020e+00, v4  }
0x198: {  	(erf) = vrcp.f32 v9;
	v5 =	vmul.f32 $1.442695020e+00, v5  }
0x199: {  	v7 =	vadd.f32 v11, v8;
	v8 =	vld [tilespmem:s15+$0x410];
	v9 =	vpop (erf)  }
0x19a: {  	(erf) = vpow2.f32 v4;
	v6 =	vmul.f32 v9, v6  }
0x19b: {  	v10 =	vld [tilespmem:s4+$0x410];
	v7 =	vsub.f32 $0.0e+00, v7;
	(erf) = vpow2.f32 v5  }
0x19c: {  	v9 =	vld [tilespmem:s16+$0x410];
	[tilespmem:s18+$0x90] =	vst v6;
	v5 =	vpop (erf)  }
0x19d: {  	v6 =	vmul.f32 $1.442695020e+00, v7;
	v7 =	vld [tilespmem:s25+$0xA0];
	v11 =	vpop (erf)  }
0x19e: {  	v5 =	vadd.f32 $1.000000000e+00, v5;
	v8 =	vmul.f32 v11, v8;
	v11 =	vld [tilespmem:s17+$0x20]  }
0x19f: {  	v4 =	vld [tilespmem:s2+$0x440];
	(erf) = vpow2.f32 v6  }
0x1a0: {  	v6 =	vld [tilespmem:s0+$0x440];
	v12 =	vpop (erf);
	(erf) = vrcp.f32 v5  }
0x1a1: {  	v5 =	vld [tilespmem:s28+$0x440];
	[tilespmem:s18+$0xFFFFFF90] =	vst v8;
	v13 =	vpop (erf)  }
0x1a2: {  	v8 =	vld [tilespmem:s25+$0xFFFFFFA0];
	v9 =	vmul.f32 v13, v9  }
0x1a3: {  	v10 =	vmul.f32 v12, v10;
	v12 =	vld [tilespmem:s15+$0x20];
	v7 =	vadd.f32 v11, v7;
	v11 =	vpop (erf)  }
0x1a4: {  	v14 =	vld [tilespmem:s15+$0x420];
	[tilespmem:s18+$0x10] =	vst v9;
	v9 =	vadd.f32 $1.000000000e+00, v11;
	v11 =	vpop (erf)  }
0x1a5: {  	[tilespmem:s18+$0xFFFFFF10] =	vst v10;
	v10 =	vld [tilespmem:s1+$0x440];
	v11 =	vadd.f32 $1.000000000e+00, v11  }
0x1a6: {  	v13 =	vld [tilespmem:s25+$0xFFFFFF20];
	v7 =	vsub.f32 $0.0e+00, v7  }
0x1a7: {  	v15 =	vld [tilespmem:s4+$0x20]  }
0x1a8: {  	v8 =	vadd.f32 v12, v8;
	(erf) = vrcp.f32 v9;
	v7 =	vmul.f32 $1.442695020e+00, v7;
	v9 =	vpop (erf)  }
0x1a9: {  	v16 =	vld [tilespmem:s16+$0x20];
	(erf) = vrcp.f32 v11;
	v11 =	vpop (erf)  }
0x1aa: {  	v12 =	vld [tilespmem:s25+$0x20];
	v8 =	vsub.f32 $0.0e+00, v8;
	(erf) = vpow2.f32 v7;
	v7 =	vmul.f32 v11, v10  }
0x1ab: {  	v9 =	vadd.f32 $1.000000000e+00, v9  }
0x1ac: {  	v8 =	vmul.f32 $1.442695020e+00, v8;
	[tilespmem:s14+$0xC0] =	vst v7;
	v7 =	vadd.f32 v15, v13  }
0x1ad: {  	(erf) = vrcp.f32 v9  }
0x1ae: {  	(erf) = vpow2.f32 v8;
	v9 =	vld [tilespmem:s29+$0xD0];
	v7 =	vsub.f32 $0.0e+00, v7  }
0x1af: {  	v10 =	vadd.f32 v16, v12;
	v8 =	vld [tilespmem:s1+$0x50]  }
0x1b0: {  	v7 =	vmul.f32 $1.442695020e+00, v7  }
0x1b1: {  	s22 =	simm.s32 $0x800;
	v10 =	vsub.f32 $0.0e+00, v10  }
0x1b2: {  	s23 =	simm.s32 $0x580;
	s3 =	sand.u32 $0x3800, s22;
	v11 =	vpop (erf)  }
0x1b3: {  	s6 =	sand.u32 $0x380, s23;
	s26 =	sadd.s32 $0x200, s25;
	s3 =	sadd.s32 s3, s24;
	v10 =	vmul.f32 $1.442695020e+00, v10;
	v12 =	vpop (erf);
	(erf) = vpow2.f32 v7  }
0x1b4: {  	s7 =	simm.s32 $0x500;
	s21 =	sadd.s32 s6, s3;
	v8 =	vadd.f32 v8, v9;
	v9 =	vld [tilespmem:s26+$0x80];
	v7 =	vpop (erf)  }
0x1b5: {  	s6 =	sand.u32 $0x300, s7;
	(erf) = vpow2.f32 v10;
	v10 =	vld [tilespmem:s21+$0x0];
	v7 =	vadd.f32 $1.000000000e+00, v7  }
0x1b6: {  	s20 =	sadd.s32 s6, s3;
	v8 =	vsub.f32 $0.0e+00, v8;
	v13 =	vpop (erf)  }
0x1b7: {  	s5 =	simm.s32 $0x480;
	v17 =	vld [tilespmem:s20+$0x0];
	v16 =	vpop (erf);
	(erf) = vrcp.f32 v7  }
0x1b8: {  	s8 =	sand.u32 $0x280, s5;
	v18 =	vld [tilespmem:s26+$0xFFFFFF80];
	v8 =	vmul.f32 $1.442695020e+00, v8;
	v16 =	vadd.f32 $1.000000000e+00, v16  }
0x1b9: {  	s19 =	sadd.s32 s8, s3;
	v19 =	vld [tilespmem:s26+$0xFFFFFF00]  }
0x1ba: {  	s9 =	simm.s32 $0x400;
	v15 =	vld [tilespmem:s19+$0x0];
	(erf) = vpow2.f32 v8;
	v9 =	vadd.f32 v10, v9  }
0x1bb: {  	s9 =	sand.u32 $0x200, s9;
	v8 =	vld [tilespmem:s26+$0x0];
	(erf) = vrcp.f32 v16  }
0x1bc: {  	s22 =	sadd.s32 s9, s3;
	v10 =	vld [tilespmem:s17+$0x420];
	v9 =	vsub.f32 $0.0e+00, v9;
	v16 =	vpop (erf)  }
0x1bd: {  	v6 =	vmul.f32 v12, v6;
	v7 =	vld [tilespmem:s22+$0x0];
	v12 =	vadd.f32 $1.000000000e+00, v16  }
0x1be: {  	v4 =	vmul.f32 v11, v4;
	v11 =	vpop (erf);
	v9 =	vmul.f32 $1.442695020e+00, v9  }
0x1bf: {  	v15 =	vadd.f32 v15, v18;
	[tilespmem:s14+$0xFFFFFF40] =	vst v6;
	v6 =	vadd.f32 $1.000000000e+00, v11;
	(erf) = vrcp.f32 v12  }
0x1c0: {  	v16 =	vld [tilespmem:s4+$0x420];
	v8 =	vadd.f32 v17, v8;
	(erf) = vpow2.f32 v9;
	v11 =	vpop (erf)  }
0x1c1: {  	v12 =	vsub.f32 $0.0e+00, v15;
	(erf) = vrcp.f32 v6;
	v6 =	vld [tilespmem:s0+$0x50];
	v9 =	vmul.f32 v11, v10  }
0x1c2: {  	[tilespmem:s14+$0xFFFFFFC0] =	vst v4;
	v4 =	vadd.f32 v7, v19;
	v7 =	vsub.f32 $0.0e+00, v8;
	v10 =	vld [tilespmem:s29+$0xFFFFFF50]  }
0x1c3: {  	v8 =	vmul.f32 $1.442695020e+00, v12;
	v11 =	vpop (erf);
	[tilespmem:s18+$0xA0] =	vst v9;
	v9 =	vld [tilespmem:s29+$0xFFFFFFD0]  }
0x1c4: {  	v5 =	vmul.f32 v13, v5;
	v4 =	vsub.f32 $0.0e+00, v4;
	v7 =	vmul.f32 $1.442695020e+00, v7;
	v15 =	vpop (erf);
	v12 =	vld [tilespmem:s25+$0xB0]  }
0x1c5: {  	v11 =	vadd.f32 $1.000000000e+00, v11;
	(erf) = vpow2.f32 v8;
	v8 =	vmul.f32 v15, v14;
	v14 =	vld [tilespmem:s17+$0x30]  }
0x1c6: {  	v15 =	vld [tilespmem:s2+$0x50]  }
0x1c7: {  	[tilespmem:s14+$0x40] =	vst v5;
	v4 =	vmul.f32 $1.442695020e+00, v4;
	(erf) = vrcp.f32 v11;
	v11 =	vld [tilespmem:s16+$0x420]  }
0x1c8: {  	(erf) = vpow2.f32 v7;
	[tilespmem:s18+$0xFFFFFFA0] =	vst v8;
	v8 =	vld [tilespmem:s29+$0x50]  }
0x1c9: {  	v6 =	vadd.f32 v6, v10;
	(erf) = vpow2.f32 v4;
	v4 =	vld [tilespmem:s25+$0xFFFFFFB0];
	v7 =	vpop (erf)  }
0x1ca: {  	v5 =	vld [tilespmem:s15+$0x30];
	v10 =	vpop (erf);
	v7 =	vmul.f32 v7, v16;
	v12 =	vadd.f32 v14, v12  }
0x1cb: {  	v6 =	vsub.f32 $0.0e+00, v6;
	v10 =	vadd.f32 $1.000000000e+00, v10;
	v13 =	vpop (erf);
	v14 =	vld [tilespmem:s1+$0x450]  }
0x1cc: {  	v9 =	vadd.f32 v15, v9;
	[tilespmem:s18+$0xFFFFFF20] =	vst v7;
	v7 =	vmul.f32 v13, v11;
	v11 =	vsub.f32 $0.0e+00, v12;
	v12 =	vld [tilespmem:s28+$0x50]  }
0x1cd: {  	(erf) = vrcp.f32 v10;
	v10 =	vld [tilespmem:s25+$0xFFFFFF30]  }
0x1ce: {  	v6 =	vmul.f32 $1.442695020e+00, v6;
	v9 =	vsub.f32 $0.0e+00, v9;
	v15 =	vld [tilespmem:s4+$0x30];
	[tilespmem:s18+$0x20] =	vst v7  }
0x1cf: {  	v13 =	vpop (erf);
	v4 =	vadd.f32 v5, v4;
	v5 =	vmul.f32 $1.442695020e+00, v11;
	v7 =	vld [tilespmem:s25+$0x30]  }
0x1d0: {  	(erf) = vpow2.f32 v6;
	v6 =	vadd.f32 $1.000000000e+00, v13;
	v9 =	vmul.f32 $1.442695020e+00, v9;
	v16 =	vld [tilespmem:s16+$0x30];
	v11 =	vpop (erf)  }
0x1d1: {  	(erf) = vpow2.f32 v5;
	v5 =	vmul.f32 v11, v14  }
0x1d2: {  	v4 =	vsub.f32 $0.0e+00, v4;
	v13 =	vpop (erf);
	(erf) = vrcp.f32 v6;
	v6 =	vadd.f32 v12, v8  }
0x1d3: {  	v12 =	vld [tilespmem:s21+$0x400];
	v11 =	vadd.f32 $1.000000000e+00, v13;
	v13 =	vpop (erf);
	[tilespmem:s14+$0xD0] =	vst v5;
	v5 =	vadd.f32 v15, v10  }
0x1d4: {  	v4 =	vmul.f32 $1.442695020e+00, v4;
	(erf) = vpow2.f32 v9;
	v8 =	vadd.f32 $1.000000000e+00, v13  }
0x1d5: {  	v7 =	vadd.f32 v16, v7;
	(erf) = vrcp.f32 v11;
	v5 =	vsub.f32 $0.0e+00, v5  }
0x1d6: {  	v6 =	vsub.f32 $0.0e+00, v6;
	(erf) = vrcp.f32 v8  }
0x1d7: {  	v10 =	vld [tilespmem:s29+$0xE0];
	v7 =	vsub.f32 $0.0e+00, v7;
	(erf) = vpow2.f32 v4;
	v11 =	vpop (erf);
	v5 =	vmul.f32 $1.442695020e+00, v5  }
0x1d8: {  	v6 =	vmul.f32 $1.442695020e+00, v6;
	v4 =	vld [tilespmem:s19+$0x400];
	v11 =	vmul.f32 v11, v12  }
0x1d9: {  	v8 =	vld [tilespmem:s1+$0x60];
	v12 =	vpop (erf);
	v7 =	vmul.f32 $1.442695020e+00, v7  }
0x1da: {  	v13 =	vld [tilespmem:s20+$0x400];
	(erf) = vpow2.f32 v6;
	v12 =	vadd.f32 $1.000000000e+00, v12  }
0x1db: {  	s23 =	sadd.s32 $0x200, s18;
	(erf) = vpow2.f32 v5;
	v5 =	vpop (erf)  }
0x1dc: {  	[tilespmem:s23+$0x80] =	vst v11;
	(erf) = vrcp.f32 v12;
	v11 =	vpop (erf)  }
0x1dd: {  	(erf) = vpow2.f32 v7;
	v4 =	vmul.f32 v11, v4;
	v7 =	vpop (erf)  }
0x1de: {  	v8 =	vadd.f32 v8, v10;
	v15 =	vpop (erf)  }
0x1df: {  	[tilespmem:s23+$0xFFFFFF80] =	vst v4;
	v4 =	vmul.f32 v15, v13;
	v13 =	vpop (erf)  }
0x1e0: {  	v9 =	vld [tilespmem:s22+$0x400];
	v5 =	vadd.f32 $1.000000000e+00, v5;
	v8 =	vsub.f32 $0.0e+00, v8;
	v16 =	vpop (erf)  }
0x1e1: {  	v7 =	vadd.f32 $1.000000000e+00, v7;
	[tilespmem:s23+$0x0] =	vst v4;
	v4 =	vadd.f32 $1.000000000e+00, v16  }
0x1e2: {  	v10 =	vld [tilespmem:s26+$0x90];
	(erf) = vrcp.f32 v5;
	v8 =	vmul.f32 $1.442695020e+00, v8  }
0x1e3: {  	v12 =	vld [tilespmem:s0+$0x450];
	(erf) = vrcp.f32 v7  }
0x1e4: {  	v11 =	vld [tilespmem:s21+$0x10];
	(erf) = vpow2.f32 v8  }
0x1e5: {  	v15 =	vld [tilespmem:s26+$0xFFFFFF90];
	v9 =	vmul.f32 v13, v9;
	(erf) = vrcp.f32 v4;
	v4 =	vpop (erf)  }
0x1e6: {  	v7 =	vld [tilespmem:s19+$0x10];
	v13 =	vpop (erf)  }
0x1e7: {  	[tilespmem:s23+$0xFFFFFF00] =	vst v9;
	v9 =	vld [tilespmem:s17+$0x430];
	v13 =	vadd.f32 $1.000000000e+00, v13  }
0x1e8: {  	v8 =	vld [tilespmem:s26+$0x10];
	v4 =	vadd.f32 $1.000000000e+00, v4  }
0x1e9: {  	v10 =	vadd.f32 v11, v10;
	v11 =	vld [tilespmem:s26+$0xFFFFFF10];
	v17 =	vpop (erf)  }
0x1ea: {  	v16 =	vld [tilespmem:s22+$0x10];
	v18 =	vpop (erf);
	(erf) = vrcp.f32 v4  }
0x1eb: {  	v10 =	vsub.f32 $0.0e+00, v10;
	v7 =	vadd.f32 v7, v15;
	v15 =	vld [tilespmem:s20+$0x10];
	(erf) = vrcp.f32 v13;
	v13 =	vpop (erf)  }
0x1ec: {  	v9 =	vmul.f32 v13, v9  }
0x1ed: {  	v5 =	vld [tilespmem:s2+$0x450];
	v10 =	vmul.f32 $1.442695020e+00, v10  }
0x1ee: {  	v7 =	vsub.f32 $0.0e+00, v7;
	v18 =	vadd.f32 $1.000000000e+00, v18  }
0x1ef: {  	v14 =	vld [tilespmem:s15+$0x430];
	v11 =	vadd.f32 v16, v11;
	(erf) = vpow2.f32 v10;
	v10 =	vmul.f32 v17, v12;
	v17 =	vpop (erf)  }
0x1f0: {  	v6 =	vld [tilespmem:s4+$0x430];
	v7 =	vmul.f32 $1.442695020e+00, v7;
	v8 =	vadd.f32 v15, v8;
	(erf) = vrcp.f32 v18;
	[tilespmem:s18+$0xB0] =	vst v9;
	v9 =	vpop (erf)  }
0x1f1: {  	v4 =	vld [tilespmem:s16+$0x430];
	[tilespmem:s14+$0xFFFFFF50] =	vst v10;
	v10 =	vsub.f32 $0.0e+00, v11;
	v9 =	vadd.f32 $1.000000000e+00, v9  }
0x1f2: {  	(erf) = vpow2.f32 v7;
	v8 =	vsub.f32 $0.0e+00, v8;
	v5 =	vmul.f32 v17, v5;
	v15 =	vld [tilespmem:s25+$0xC0]  }
0x1f3: {  	v7 =	vld [tilespmem:s17+$0x40];
	(erf) = vrcp.f32 v9;
	v9 =	vmul.f32 $1.442695020e+00, v10  }
0x1f4: {  	v16 =	vld [tilespmem:s29+$0xFFFFFF60];
	v8 =	vmul.f32 $1.442695020e+00, v8;
	v11 =	vpop (erf)  }
0x1f5: {  	[tilespmem:s14+$0xFFFFFFD0] =	vst v5;
	v5 =	vld [tilespmem:s0+$0x60];
	v11 =	vmul.f32 v11, v14  }
0x1f6: {  	v14 =	vpop (erf);
	v10 =	vld [tilespmem:s29+$0xFFFFFFE0]  }
0x1f7: {  	[tilespmem:s18+$0xFFFFFFB0] =	vst v11;
	v11 =	vld [tilespmem:s2+$0x60];
	(erf) = vpow2.f32 v9;
	v9 =	vpop (erf)  }
0x1f8: {  	v7 =	vadd.f32 v7, v15;
	(erf) = vpow2.f32 v8;
	v8 =	vpop (erf);
	v6 =	vmul.f32 v9, v6  }
0x1f9: {  	v17 =	vld [tilespmem:s25+$0xFFFFFFC0];
	v15 =	vpop (erf)  }
0x1fa: {  	v9 =	vld [tilespmem:s15+$0x40];
	v8 =	vadd.f32 $1.000000000e+00, v8;
	[tilespmem:s18+$0xFFFFFF30] =	vst v6;
	v4 =	vmul.f32 v15, v4;
	v6 =	vsub.f32 $0.0e+00, v7  }
0x1fb: {  	v5 =	vadd.f32 v5, v16;
	v16 =	vld [tilespmem:s1+$0x460]  }
0x1fc: {  	v19 =	vld [tilespmem:s28+$0x450];
	(erf) = vrcp.f32 v8;
	v8 =	vadd.f32 v11, v10;
	v10 =	vpop (erf);
	[tilespmem:s18+$0x30] =	vst v4;
	v4 =	vmul.f32 $1.442695020e+00, v6  }
0x1fd: {  	v7 =	vld [tilespmem:s25+$0xFFFFFF40];
	v6 =	vadd.f32 $1.000000000e+00, v10  }
0x1fe: {  	v11 =	vld [tilespmem:s4+$0x40];
	(erf) = vpow2.f32 v4  }
0x1ff: {  	v5 =	vsub.f32 $0.0e+00, v5;
	v15 =	vpop (erf);
	v10 =	vld [tilespmem:s25+$0x40];
	(erf) = vrcp.f32 v6;
	v6 =	vadd.f32 v9, v17  }
0x200: {  	v18 =	vld [tilespmem:s16+$0x40];
	v15 =	vmul.f32 v15, v16  }
0x201: {  	v5 =	vmul.f32 $1.442695020e+00, v5;
	v16 =	vld [tilespmem:s21+$0x410];
	v6 =	vsub.f32 $0.0e+00, v6  }
0x202: {  	v4 =	vsub.f32 $0.0e+00, v8  }
0x203: {  	v17 =	vpop (erf);
	(erf) = vpow2.f32 v5;
	v5 =	vmul.f32 v14, v19;
	v7 =	vadd.f32 v11, v7  }
0x204: {  	v12 =	vld [tilespmem:s19+$0x410];
	[tilespmem:s14+$0xE0] =	vst v15;
	v4 =	vmul.f32 $1.442695020e+00, v4;
	v14 =	vadd.f32 $1.000000000e+00, v17;
	v15 =	vpop (erf)  }
0x205: {  	v17 =	vld [tilespmem:s29+$0xF0];
	v15 =	vadd.f32 $1.000000000e+00, v15;
	v7 =	vsub.f32 $0.0e+00, v7;
	[tilespmem:s14+$0x50] =	vst v5;
	v5 =	vmul.f32 $1.442695020e+00, v6;
	v6 =	vpop (erf)  }
0x206: {  	(erf) = vpow2.f32 v4;
	v4 =	vld [tilespmem:s1+$0x70];
	v10 =	vadd.f32 v18, v10;
	v6 =	vmul.f32 v6, v16  }
0x207: {  	(erf) = vrcp.f32 v14;
	v14 =	vld [tilespmem:s29+$0x60];
	v7 =	vmul.f32 $1.442695020e+00, v7  }
0x208: {  	(erf) = vrcp.f32 v15;
	v15 =	vsub.f32 $0.0e+00, v10;
	v16 =	vld [tilespmem:s28+$0x60];
	_ =	sdelay $0x1  }
0x209: {  	(erf) = vpow2.f32 v5;
	v5 =	vmul.f32 $1.442695020e+00, v15;
	[tilespmem:s23+$0x90] =	vst v6;
	v6 =	vpop (erf)  }
0x20a: {  	v13 =	vld [tilespmem:s22+$0x410];
	(erf) = vpow2.f32 v7;
	v7 =	vpop (erf)  }
0x20b: {  	v8 =	vld [tilespmem:s20+$0x410];
	v4 =	vadd.f32 v4, v17;
	v7 =	vmul.f32 v7, v12  }
0x20c: {  	v15 =	vld [tilespmem:s26+$0xA0];
	v14 =	vadd.f32 v16, v14  }
0x20d: {  	v4 =	vsub.f32 $0.0e+00, v4;
	(erf) = vpow2.f32 v5;
	v6 =	vadd.f32 $1.000000000e+00, v6;
	v12 =	vld [tilespmem:s21+$0x20];
	v5 =	vpop (erf)  }
0x20e: {  	v5 =	vadd.f32 $1.000000000e+00, v5;
	v14 =	vsub.f32 $0.0e+00, v14  }
0x20f: {  	v4 =	vmul.f32 $1.442695020e+00, v4;
	(erf) = vrcp.f32 v6;
	[tilespmem:s23+$0xFFFFFF90] =	vst v7;
	v7 =	vpop (erf)  }
0x210: {  	v18 =	vpop (erf);
	(erf) = vrcp.f32 v5  }
0x211: {  	v16 =	vld [tilespmem:s26+$0xFFFFFFA0];
	v5 =	vadd.f32 $1.000000000e+00, v7;
	v13 =	vmul.f32 v18, v13;
	v19 =	vpop (erf);
	(erf) = vpow2.f32 v4  }
0x212: {  	v18 =	vld [tilespmem:s19+$0x20];
	v4 =	vmul.f32 v19, v8;
	v8 =	vadd.f32 v12, v15;
	v12 =	vmul.f32 $1.442695020e+00, v14;
	v14 =	vpop (erf)  }
0x213: {  	(erf) = vrcp.f32 v5;
	v14 =	vadd.f32 $1.000000000e+00, v14;
	v15 =	vpop (erf)  }
0x214: {  	s8 =	simm.s32 $0xC00;
	[tilespmem:s23+$0xFFFFFF10] =	vst v13;
	v13 =	vld [tilespmem:s17+$0x440];
	(erf) = vpow2.f32 v12;
	v12 =	vadd.f32 $1.000000000e+00, v15  }
0x215: {  	s10 =	simm.s32 $0x680;
	s3 =	sand.u32 $0x3800, s8;
	v17 =	vld [tilespmem:s0+$0x460];
	v8 =	vsub.f32 $0.0e+00, v8  }
0x216: {  	s8 =	sand.u32 $0x280, s10;
	s3 =	sadd.s32 s3, s24;
	v5 =	vld [tilespmem:s26+$0xFFFFFF20]  }
0x217: {  	s30 =	sadd.s32 s8, s3;
	[tilespmem:s23+$0x10] =	vst v4;
	v4 =	vld [tilespmem:s22+$0x20];
	(erf) = vrcp.f32 v14;
	v15 =	vadd.f32 v18, v16;
	v8 =	vmul.f32 $1.442695020e+00, v8;
	v14 =	vpop (erf)  }
0x218: {  	v24 =	vld [tilespmem:s30+$0x0];
	(erf) = vrcp.f32 v12;
	v12 =	vpop (erf)  }
0x219: {  	v16 =	vld [tilespmem:s26+$0x20];
	v15 =	vsub.f32 $0.0e+00, v15;
	(erf) = vpow2.f32 v8;
	v8 =	vmul.f32 v12, v13  }
0x21a: {  	v18 =	vld [tilespmem:s20+$0x20];
	v14 =	vadd.f32 $1.000000000e+00, v14;
	v20 =	vpop (erf)  }
0x21b: {  	v6 =	vld [tilespmem:s2+$0x460];
	v15 =	vmul.f32 $1.442695020e+00, v15;
	[tilespmem:s18+$0xC0] =	vst v8;
	v8 =	vmul.f32 v20, v17  }
0x21c: {  	v9 =	vld [tilespmem:s15+$0x440];
	v4 =	vadd.f32 v4, v5;
	(erf) = vrcp.f32 v14  }
0x21d: {  	v5 =	vpop (erf);
	v14 =	vld [tilespmem:s25+$0xD0];
	(erf) = vpow2.f32 v15  }
0x21e: {  	v4 =	vsub.f32 $0.0e+00, v4;
	v15 =	vld [tilespmem:s17+$0x50]  }
0x21f: {  	v11 =	vld [tilespmem:s4+$0x440];
	v16 =	vadd.f32 v18, v16;
	[tilespmem:s14+$0xFFFFFF60] =	vst v8;
	v8 =	vpop (erf)  }
0x220: {  	v10 =	vld [tilespmem:s16+$0x440];
	v5 =	vadd.f32 $1.000000000e+00, v5;
	v20 =	vmul.f32 $1.442695020e+00, v4;
	v6 =	vmul.f32 v8, v6  }
0x221: {  	v17 =	vld [tilespmem:s29+$0xFFFFFF70];
	v18 =	vpop (erf);
	v8 =	vsub.f32 $0.0e+00, v16  }
0x222: {  	s9 =	simm.s32 $0x780;
	v4 =	vld [tilespmem:s0+$0x470];
	(erf) = vrcp.f32 v5;
	v21 =	vpop (erf);
	[tilespmem:s14+$0xFFFFFFE0] =	vst v6;
	v6 =	vadd.f32 $1.000000000e+00, v18  }
0x223: {  	s6 =	sand.u32 $0x380, s9;
	v16 =	vld [tilespmem:s0+$0x70];
	s0 =	sadd.s32 $0x200, s26;
	v14 =	vadd.f32 v15, v14;
	v5 =	vmul.f32 $1.442695020e+00, v8;
	v22 =	vpop (erf);
	(erf) = vpow2.f32 v20  }
0x224: {  	s31 =	sadd.s32 s6, s3;
	v18 =	vld [tilespmem:s0+$0x80];
	v20 =	vpop (erf)  }
0x225: {  	v14 =	vsub.f32 $0.0e+00, v14;
	v15 =	vadd.f32 $1.000000000e+00, v20;
	(erf) = vpow2.f32 v5;
	v20 =	vld [tilespmem:s31+$0x0];
	v23 =	vpop (erf)  }
0x226: {  	s7 =	simm.s32 $0x700;
	v25 =	vld [tilespmem:s0+$0xFFFFFF80];
	(erf) = vrcp.f32 v6;
	v6 =	vpop (erf)  }
0x227: {  	v5 =	vld [tilespmem:s1+$0x470];
	s1 =	sand.u32 $0x300, s7;
	v14 =	vmul.f32 $1.442695020e+00, v14;
	(erf) = vrcp.f32 v15;
	v6 =	vadd.f32 $1.000000000e+00, v6  }
0x228: {  	s5 =	simm.s32 $0x600;
	v27 =	vld [tilespmem:s0+$0xFFFFFF00];
	s1 =	sadd.s32 s1, s3;
	v16 =	vadd.f32 v16, v17  }
0x229: {  	s10 =	sand.u32 $0x200, s5;
	v17 =	vld [tilespmem:s1+$0x0];
	(erf) = vpow2.f32 v14  }
0x22a: {  	s9 =	sadd.s32 s10, s3;
	v14 =	vsub.f32 $0.0e+00, v16;
	v16 =	vld [tilespmem:s0+$0x0];
	v18 =	vadd.f32 v20, v18;
	(erf) = vrcp.f32 v6  }
0x22b: {  	v15 =	vld [tilespmem:s9+$0x0];
	v6 =	vpop (erf)  }
0x22c: {  	v9 =	vmul.f32 v21, v9;
	v20 =	vld [tilespmem:s21+$0x420];
	v14 =	vmul.f32 $1.442695020e+00, v14;
	v18 =	vsub.f32 $0.0e+00, v18;
	v26 =	vpop (erf)  }
0x22d: {  	v22 =	vmul.f32 v22, v11;
	v10 =	vmul.f32 v23, v10;
	v21 =	vadd.f32 $1.000000000e+00, v26  }
0x22e: {  	v19 =	vld [tilespmem:s19+$0x420];
	[tilespmem:s18+$0xFFFFFFC0] =	vst v9;
	v24 =	vadd.f32 v24, v25;
	v42 =	vpop (erf);
	(erf) = vpow2.f32 v14;
	v18 =	vmul.f32 $1.442695020e+00, v18  }
0x22f: {  	v13 =	vld [tilespmem:s22+$0x420];
	[tilespmem:s18+$0xFFFFFF40] =	vst v22;
	v16 =	vadd.f32 v17, v16;
	v43 =	vpop (erf);
	(erf) = vrcp.f32 v21  }
0x230: {  	[tilespmem:s18+$0x40] =	vst v10;
	v10 =	vld [tilespmem:s15+$0x50];
	v22 =	vadd.f32 $1.000000000e+00, v42;
	v17 =	vpop (erf);
	(erf) = vpow2.f32 v18;
	v18 =	vsub.f32 $0.0e+00, v24  }
0x231: {  	v9 =	vadd.f32 v15, v27;
	v15 =	vsub.f32 $0.0e+00, v16;
	v16 =	vld [tilespmem:s4+$0x50];
	v17 =	vmul.f32 v17, v20  }
0x232: {  	v20 =	vld [tilespmem:s25+$0xFFFFFF50];
	(erf) = vrcp.f32 v22;
	v21 =	vpop (erf);
	v18 =	vmul.f32 $1.442695020e+00, v18  }
0x233: {  	v9 =	vsub.f32 $0.0e+00, v9;
	[tilespmem:s23+$0xA0] =	vst v17;
	v17 =	vld [tilespmem:s25+$0xFFFFFFD0];
	v23 =	vpop (erf)  }
0x234: {  	v21 =	vadd.f32 $1.000000000e+00, v21;
	v22 =	vld [tilespmem:s26+$0xB0];
	(erf) = vpow2.f32 v18;
	v18 =	vmul.f32 v23, v19  }
0x235: {  	v9 =	vmul.f32 $1.442695020e+00, v9;
	v15 =	vmul.f32 $1.442695020e+00, v15;
	v19 =	vld [tilespmem:s21+$0x30]  }
0x236: {  	(erf) = vrcp.f32 v21  }
0x237: {  	v12 =	vld [tilespmem:s20+$0x420];
	(erf) = vpow2.f32 v15;
	[tilespmem:s23+$0xFFFFFFA0] =	vst v18  }
0x238: {  	v16 =	vadd.f32 v16, v20;
	v20 =	vld [tilespmem:s26+$0xFFFFFFB0];
	v18 =	vpop (erf)  }
0x239: {  	v21 =	vld [tilespmem:s19+$0x30];
	v10 =	vadd.f32 v10, v17;
	(erf) = vpow2.f32 v9;
	v18 =	vadd.f32 $1.000000000e+00, v18;
	v9 =	vpop (erf)  }
0x23a: {  	v15 =	vld [tilespmem:s25+$0x50];
	v19 =	vadd.f32 v19, v22;
	v23 =	vpop (erf);
	v13 =	vmul.f32 v9, v13  }
0x23b: {  	v17 =	vld [tilespmem:s17+$0x450];
	v10 =	vsub.f32 $0.0e+00, v10;
	(erf) = vrcp.f32 v18;
	v18 =	vadd.f32 $1.000000000e+00, v23;
	v22 =	vpop (erf)  }
0x23c: {  	v16 =	vsub.f32 $0.0e+00, v16;
	[tilespmem:s23+$0xFFFFFF20] =	vst v13;
	v12 =	vmul.f32 v22, v12;
	v13 =	vsub.f32 $0.0e+00, v19;
	v19 =	vld [tilespmem:s16+$0x50]  }
0x23d: {  	(erf) = vrcp.f32 v18;
	v18 =	vld [tilespmem:s26+$0xFFFFFF30]  }
0x23e: {  	v16 =	vmul.f32 $1.442695020e+00, v16;
	v22 =	vpop (erf);
	v23 =	vld [tilespmem:s22+$0x30];
	[tilespmem:s23+$0x20] =	vst v12;
	v12 =	vmul.f32 $1.442695020e+00, v13;
	v13 =	vadd.f32 v21, v20  }
0x23f: {  	v21 =	vmul.f32 $1.442695020e+00, v10;
	v10 =	vpop (erf);
	v20 =	vld [tilespmem:s26+$0x30]  }
0x240: {  	(erf) = vpow2.f32 v16;
	v16 =	vadd.f32 $1.000000000e+00, v22;
	v22 =	vpop (erf);
	v44 =	vld [tilespmem:s20+$0x30];
	v13 =	vsub.f32 $0.0e+00, v13  }
0x241: {  	(erf) = vpow2.f32 v12;
	v12 =	vmul.f32 v10, v17;
	v17 =	vadd.f32 $1.000000000e+00, v22  }
0x242: {  	v22 =	vpop (erf);
	(erf) = vrcp.f32 v16;
	v15 =	vadd.f32 v19, v15;
	v19 =	vld [tilespmem:s31+$0x400];
	v13 =	vmul.f32 $1.442695020e+00, v13  }
0x243: {  	v7 =	vld [tilespmem:s28+$0x460];
	v16 =	vadd.f32 $1.000000000e+00, v22;
	[tilespmem:s18+$0xD0] =	vst v12;
	(erf) = vpow2.f32 v21  }
0x244: {  	(erf) = vrcp.f32 v17;
	v17 =	vadd.f32 v23, v18;
	v18 =	vld [tilespmem:s25+$0xE0];
	v15 =	vsub.f32 $0.0e+00, v15  }
0x245: {  	(erf) = vrcp.f32 v16;
	v16 =	vld [tilespmem:s17+$0x60];
	v12 =	vpop (erf);
	v20 =	vadd.f32 v44, v20  }
0x246: {  	(erf) = vpow2.f32 v13;
	v15 =	vmul.f32 $1.442695020e+00, v15;
	v13 =	vpop (erf)  }
0x247: {  	v28 =	vld [tilespmem:s30+$0x400];
	v13 =	vmul.f32 v13, v19;
	v19 =	vsub.f32 $0.0e+00, v20  }
0x248: {  	v45 =	vmul.f32 v43, v7;
	v17 =	vsub.f32 $0.0e+00, v17  }
0x249: {  	v8 =	vld [tilespmem:s29+$0xFFFFFFF0];
	v23 =	vpop (erf)  }
0x24a: {  	v11 =	vld [tilespmem:s9+$0x400];
	s3 =	sadd.s32 $0x200, s23;
	[tilespmem:s14+$0x60] =	vst v45;
	v17 =	vmul.f32 $1.442695020e+00, v17;
	(erf) = vpow2.f32 v15;
	v15 =	vpop (erf);
	v16 =	vadd.f32 v16, v18  }
0x24b: {  	v14 =	vld [tilespmem:s1+$0x400];
	v23 =	vadd.f32 $1.000000000e+00, v23;
	[tilespmem:s3+$0x80] =	vst v13;
	v13 =	vmul.f32 $1.442695020e+00, v19;
	v19 =	vpop (erf)  }
0x24c: {  	v47 =	vld [tilespmem:s28+$0x70];
	(erf) = vpow2.f32 v17;
	v19 =	vmul.f32 v19, v28  }
0x24d: {  	v22 =	vld [tilespmem:s4+$0x450];
	(erf) = vrcp.f32 v23  }
0x24e: {  	v20 =	vld [tilespmem:s15+$0x450];
	v15 =	vadd.f32 $1.000000000e+00, v15;
	(erf) = vpow2.f32 v13;
	v13 =	vsub.f32 $0.0e+00, v16;
	v16 =	vpop (erf)  }
0x24f: {  	v18 =	vld [tilespmem:s0+$0x90];
	v46 =	vpop (erf)  }
0x250: {  	v23 =	vld [tilespmem:s31+$0x10];
	(erf) = vrcp.f32 v15;
	v15 =	vadd.f32 $1.000000000e+00, v16;
	[tilespmem:s3+$0xFFFFFF80] =	vst v19;
	v19 =	vpop (erf)  }
0x251: {  	v17 =	vld [tilespmem:s2+$0x70];
	v13 =	vmul.f32 $1.442695020e+00, v13;
	v11 =	vmul.f32 v19, v11  }
0x252: {  	v14 =	vmul.f32 v46, v14;
	(erf) = vrcp.f32 v15;
	v15 =	vld [tilespmem:s30+$0x10]  }
0x253: {  	v19 =	vld [tilespmem:s0+$0xFFFFFF90]  }
0x254: {  	v16 =	vld [tilespmem:s29+$0x70];
	v48 =	vpop (erf);
	[tilespmem:s3+$0x0] =	vst v14;
	(erf) = vpow2.f32 v13  }
0x255: {  	v13 =	vadd.f32 v23, v18;
	v18 =	vld [tilespmem:s21+$0x430];
	v14 =	vadd.f32 $1.000000000e+00, v48;
	[tilespmem:s3+$0xFFFFFF00] =	vst v11;
	v11 =	vpop (erf)  }
0x256: {  	v8 =	vadd.f32 v17, v8;
	v17 =	vld [tilespmem:s0+$0x10];
	v23 =	vpop (erf);
	v11 =	vadd.f32 $1.000000000e+00, v11  }
0x257: {  	v13 =	vsub.f32 $0.0e+00, v13;
	(erf) = vrcp.f32 v14;
	v14 =	vld [tilespmem:s0+$0xFFFFFF10];
	v23 =	vadd.f32 $1.000000000e+00, v23;
	v50 =	vpop (erf)  }
0x258: {  	v15 =	vadd.f32 v15, v19;
	v19 =	vld [tilespmem:s1+$0x10];
	(erf) = vrcp.f32 v11;
	v51 =	vpop (erf);
	v22 =	vmul.f32 v50, v22  }
0x259: {  	v49 =	vld [tilespmem:s9+$0x10];
	(erf) = vrcp.f32 v23;
	v23 =	vadd.f32 $1.000000000e+00, v51  }
0x25a: {  	v16 =	vadd.f32 v47, v16;
	v13 =	vmul.f32 $1.442695020e+00, v13;
	v52 =	vpop (erf)  }
0x25b: {  	v9 =	vld [tilespmem:s19+$0x430];
	v15 =	vsub.f32 $0.0e+00, v15;
	v18 =	vmul.f32 v52, v18  }
0x25c: {  	v10 =	vld [tilespmem:s22+$0x430];
	v8 =	vsub.f32 $0.0e+00, v8;
	v16 =	vsub.f32 $0.0e+00, v16;
	(erf) = vpow2.f32 v13;
	[tilespmem:s18+$0xFFFFFF50] =	vst v22;
	v22 =	vpop (erf)  }
0x25d: {  	v15 =	vmul.f32 $1.442695020e+00, v15;
	(erf) = vrcp.f32 v23;
	v17 =	vadd.f32 v19, v17;
	[tilespmem:s23+$0xB0] =	vst v18;
	v18 =	vld [tilespmem:s25+$0xFFFFFF60];
	v23 =	vpop (erf)  }
0x25e: {  	v14 =	vadd.f32 v49, v14;
	v20 =	vmul.f32 v22, v20;
	v19 =	vld [tilespmem:s26+$0xC0];
	v22 =	vadd.f32 $1.000000000e+00, v23  }
0x25f: {  	v8 =	vmul.f32 $1.442695020e+00, v8;
	(erf) = vpow2.f32 v15;
	v15 =	vld [tilespmem:s21+$0x40];
	v17 =	vsub.f32 $0.0e+00, v17  }
0x260: {  	v16 =	vmul.f32 $1.442695020e+00, v16;
	v14 =	vsub.f32 $0.0e+00, v14;
	[tilespmem:s18+$0xFFFFFFD0] =	vst v20;
	v20 =	vld [tilespmem:s4+$0x60];
	(erf) = vrcp.f32 v22  }
0x261: {  	v23 =	vpop (erf);
	(erf) = vpow2.f32 v8;
	v8 =	vmul.f32 $1.442695020e+00, v17  }
0x262: {  	v21 =	vld [tilespmem:s20+$0x430];
	v14 =	vmul.f32 $1.442695020e+00, v14  }
0x263: {  	v17 =	vpop (erf);
	(erf) = vpow2.f32 v16  }
0x264: {  	v9 =	vmul.f32 v23, v9;
	v22 =	vld [tilespmem:s25+$0xFFFFFFE0];
	v16 =	vpop (erf);
	v15 =	vadd.f32 v15, v19;
	(erf) = vpow2.f32 v14  }
0x265: {  	v10 =	vmul.f32 v16, v10;
	(erf) = vpow2.f32 v8;
	v18 =	vadd.f32 v20, v18;
	v20 =	vld [tilespmem:s17+$0x460];
	v8 =	vpop (erf)  }
0x266: {  	[tilespmem:s23+$0xFFFFFFB0] =	vst v9;
	v9 =	vld [tilespmem:s15+$0x60];
	v23 =	vpop (erf)  }
0x267: {  	v15 =	vsub.f32 $0.0e+00, v15;
	[tilespmem:s23+$0xFFFFFF30] =	vst v10;
	v10 =	vmul.f32 v23, v21  }
0x268: {  	v7 =	vld [tilespmem:s16+$0x450];
	v19 =	vadd.f32 $1.000000000e+00, v8;
	v21 =	vpop (erf)  }
0x269: {  	v14 =	vld [tilespmem:s26+$0xFFFFFFC0];
	v18 =	vsub.f32 $0.0e+00, v18;
	[tilespmem:s23+$0x30] =	vst v10;
	v10 =	vmul.f32 $1.442695020e+00, v15;
	v15 =	vadd.f32 $1.000000000e+00, v21;
	v23 =	vpop (erf)  }
0x26a: {  	v16 =	vld [tilespmem:s19+$0x40];
	v20 =	vmul.f32 v23, v20  }
0x26b: {  	v9 =	vadd.f32 v9, v22;
	v22 =	vld [tilespmem:s22+$0x40];
	(erf) = vrcp.f32 v19;
	v18 =	vmul.f32 $1.442695020e+00, v18  }
0x26c: {  	v19 =	vld [tilespmem:s26+$0xFFFFFF40];
	v23 =	vpop (erf);
	(erf) = vpow2.f32 v10  }
0x26d: {  	v21 =	vld [tilespmem:s26+$0x40];
	(erf) = vrcp.f32 v15;
	v15 =	vpop (erf)  }
0x26e: {  	v54 =	vld [tilespmem:s20+$0x40];
	v10 =	vsub.f32 $0.0e+00, v9;
	[tilespmem:s18+$0xE0] =	vst v20;
	v20 =	vpop (erf)  }
0x26f: {  	(erf) = vpow2.f32 v18;
	v18 =	vpop (erf)  }
0x270: {  	v14 =	vadd.f32 v16, v14;
	v16 =	vld [tilespmem:s31+$0x410];
	v10 =	vmul.f32 $1.442695020e+00, v10;
	v18 =	vadd.f32 $1.000000000e+00, v18  }
0x271: {  	v7 =	vmul.f32 v17, v7;
	v19 =	vadd.f32 v22, v19;
	v17 =	vadd.f32 $1.000000000e+00, v20  }
0x272: {  	(erf) = vpow2.f32 v10  }
0x273: {  	v62 =	vld [tilespmem:s28+$0x470];
	[tilespmem:s18+$0x50] =	vst v7;
	v7 =	vsub.f32 $0.0e+00, v19;
	(erf) = vrcp.f32 v17;
	v17 =	vadd.f32 v54, v21  }
0x274: {  	v14 =	vsub.f32 $0.0e+00, v14;
	v22 =	vld [tilespmem:s17+$0x70];
	(erf) = vrcp.f32 v18;
	v18 =	vpop (erf)  }
0x275: {  	v20 =	vld [tilespmem:s25+$0xF0];
	v7 =	vmul.f32 $1.442695020e+00, v7;
	v17 =	vsub.f32 $0.0e+00, v17;
	v16 =	vmul.f32 v18, v16  }
0x276: {  	v14 =	vmul.f32 $1.442695020e+00, v14;
	v19 =	vld [tilespmem:s25+$0x60]  }
0x277: {  	v18 =	vld [tilespmem:s16+$0x60];
	[tilespmem:s3+$0x90] =	vst v16;
	v16 =	vmul.f32 $1.442695020e+00, v17  }
0x278: {  	v53 =	vld [tilespmem:s30+$0x410];
	v21 =	vadd.f32 $1.000000000e+00, v23;
	(erf) = vpow2.f32 v14  }
0x279: {  	v11 =	vld [tilespmem:s9+$0x410];
	(erf) = vpow2.f32 v7;
	v7 =	vpop (erf)  }
0x27a: {  	v13 =	vld [tilespmem:s1+$0x410];
	v7 =	vadd.f32 $1.000000000e+00, v7;
	v17 =	vadd.f32 v22, v20;
	v22 =	vpop (erf);
	(erf) = vrcp.f32 v21  }
0x27b: {  	v8 =	vld [tilespmem:s19+$0x440];
	v15 =	vadd.f32 $1.000000000e+00, v15;
	(erf) = vpow2.f32 v16;
	v16 =	vpop (erf)  }
0x27c: {  	v9 =	vld [tilespmem:s22+$0x440];
	v18 =	vadd.f32 v18, v19;
	(erf) = vrcp.f32 v7;
	v16 =	vadd.f32 $1.000000000e+00, v16;
	v19 =	vpop (erf)  }
0x27d: {  	v10 =	vld [tilespmem:s20+$0x440];
	(erf) = vrcp.f32 v15;
	v55 =	vpop (erf)  }
0x27e: {  	v23 =	vld [tilespmem:s15+$0x460];
	(erf) = vrcp.f32 v16;
	v16 =	vadd.f32 $1.000000000e+00, v19;
	v19 =	vmul.f32 v55, v11  }
0x27f: {  	v20 =	vld [tilespmem:s0+$0xA0];
	v21 =	vmul.f32 v22, v53  }
0x280: {  	v22 =	vld [tilespmem:s31+$0x20];
	v17 =	vsub.f32 $0.0e+00, v17  }
0x281: {  	v14 =	vld [tilespmem:s4+$0x460];
	[tilespmem:s3+$0xFFFFFF90] =	vst v21;
	v57 =	vpop (erf)  }
0x282: {  	v21 =	vld [tilespmem:s2+$0x470];
	v15 =	vmul.f32 $1.442695020e+00, v17;
	v18 =	vsub.f32 $0.0e+00, v18;
	[tilespmem:s3+$0xFFFFFF10] =	vst v19;
	v19 =	vpop (erf)  }
0x283: {  	v56 =	vld [tilespmem:s30+$0x20];
	v19 =	vadd.f32 $1.000000000e+00, v19  }
0x284: {  	(erf) = vpow2.f32 v15;
	v15 =	vmul.f32 $1.442695020e+00, v18;
	v18 =	vld [tilespmem:s21+$0x440]  }
0x285: {  	v17 =	vld [tilespmem:s0+$0xFFFFFFA0];
	(erf) = vrcp.f32 v16;
	v16 =	vadd.f32 v22, v20;
	v22 =	vpop (erf)  }
0x286: {  	v13 =	vmul.f32 v57, v13;
	v20 =	vld [tilespmem:s0+$0xFFFFFF20];
	(erf) = vpow2.f32 v15;
	v58 =	vpop (erf)  }
0x287: {  	v15 =	vld [tilespmem:s9+$0x20];
	(erf) = vrcp.f32 v19;
	v19 =	vpop (erf)  }
0x288: {  	v5 =	vmul.f32 v6, v5;
	v7 =	vld [tilespmem:s16+$0x460];
	[tilespmem:s3+$0x10] =	vst v13;
	v6 =	vsub.f32 $0.0e+00, v16;
	v59 =	vpop (erf)  }
0x289: {  	v4 =	vmul.f32 v12, v4;
	v16 =	vld [tilespmem:s0+$0x20];
	v12 =	vadd.f32 $1.000000000e+00, v22;
	v18 =	vmul.f32 v59, v18  }
0x28a: {  	v17 =	vadd.f32 v56, v17;
	v22 =	vld [tilespmem:s1+$0x20];
	v6 =	vmul.f32 $1.442695020e+00, v6  }
0x28b: {  	v11 =	vld [tilespmem:s30+$0x420];
	(erf) = vrcp.f32 v12;
	v60 =	vpop (erf);
	[tilespmem:s23+$0xC0] =	vst v18;
	v18 =	vadd.f32 $1.000000000e+00, v19  }
0x28c: {  	v13 =	vld [tilespmem:s9+$0x420];
	v17 =	vsub.f32 $0.0e+00, v17;
	v20 =	vadd.f32 v15, v20;
	(erf) = vpow2.f32 v6;
	v61 =	vpop (erf)  }
0x28d: {  	[tilespmem:s14+$0xF0] =	vst v5;
	v12 =	vld [tilespmem:s1+$0x420];
	v14 =	vmul.f32 v61, v14;
	(erf) = vrcp.f32 v18  }
0x28e: {  	[tilespmem:s14+$0xFFFFFF70] =	vst v4;
	v5 =	vmul.f32 $1.442695020e+00, v17;
	v6 =	vpop (erf);
	v15 =	vld [tilespmem:s26+$0xD0];
	v18 =	vsub.f32 $0.0e+00, v20  }
0x28f: {  	v21 =	vmul.f32 v58, v21;
	v4 =	vadd.f32 v22, v16;
	v6 =	vadd.f32 $1.000000000e+00, v6;
	v17 =	vld [tilespmem:s21+$0x50];
	v19 =	vpop (erf);
	[tilespmem:s18+$0xFFFFFF60] =	vst v14  }
0x290: {  	(erf) = vpow2.f32 v5;
	v14 =	vld [tilespmem:s25+$0xFFFFFF70];
	v5 =	vmul.f32 v19, v23  }
0x291: {  	s8 =	simm.s32 $0x800;
	[tilespmem:s14+$0xFFFFFFF0] =	vst v21;
	v20 =	vsub.f32 $0.0e+00, v4;
	v19 =	vpop (erf);
	v16 =	vld [tilespmem:s4+$0x70];
	(erf) = vrcp.f32 v6  }
0x292: {  	s28 =	simm.s32 $0xC;
	s29 =	simm.s32 $0x1000;
	s2 =	smov.u32 s0;
	v4 =	vld [tilespmem:s4+$0x470];
	v6 =	vmul.f32 $1.442695020e+00, v18;
	v19 =	vadd.f32 $1.000000000e+00, v19;
	[tilespmem:s18+$0xFFFFFFE0] =	vst v5;
	v5 =	vmul.f32 v60, v62;
	v18 =	vpop (erf)  }
.LBB2_5:
0x293: {  	s4 =	sand.u32 $0x3800, s29  }
0x294: {  	s6 =	sadd.s32 $0x180, s8;
	v20 =	vmul.f32 $1.442695020e+00, v20;
	s0 =	sadd.s32 $0x200, s0;
	(erf) = vpow2.f32 v6;
	v21 =	vpop (erf);
	v6 =	vld [tilespmem:s25+$0xFFFFFFF0]  }
0x295: {  	s10 =	sadd.s32 $0x80, s8;
	v8 =	vmul.f32 v18, v8;
	s4 =	sadd.s32 s4, s24;
	v22 =	vld [tilespmem:s0+$0x80];
	s6 =	sand.u32 $0x380, s6;
	v23 =	vpop (erf);
	v9 =	vmul.f32 v21, v9;
	v15 =	vadd.f32 v17, v15;
	[tilespmem:s14+$0x70] =	vst v5  }
0x296: {  	s10 =	sand.u32 $0x280, s10;
	s14 =	sadd.s32 $0x100, s8;
	s7 =	sadd.s32 s6, s4;
	v5 =	vadd.f32 $1.000000000e+00, v23;
	(erf) = vpow2.f32 v20;
	v17 =	vpop (erf);
	v18 =	vld [tilespmem:s17+$0x470]  }
0x297: {  	s6 =	sand.u32 $0x200, s8;
	s10 =	sadd.s32 s10, s4;
	s14 =	sand.u32 $0x300, s14;
	v20 =	vld [tilespmem:s7+$0x0];
	[tilespmem:s23+$0xFFFFFF40] =	vst v9;
	v9 =	vmul.f32 v17, v10;
	v10 =	vsub.f32 $0.0e+00, v15;
	(erf) = vrcp.f32 v19  }
0x298: {  	s17 =	smov.u32 s21;
	s5 =	sadd.s32 s6, s4;
	s6 =	sadd.s32 s14, s4;
	v15 =	vld [tilespmem:s10+$0x0];
	(erf) = vrcp.f32 v5;
	[tilespmem:s23+$0xFFFFFFC0] =	vst v8;
	v5 =	vadd.f32 v16, v14  }
0x299: {  	s21 =	smov.u32 s31;
	s31 =	smov.u32 s7;
	s4 =	smov.u32 s9;
	v16 =	vld [tilespmem:s5+$0x0];
	v8 =	vpop (erf);
	[tilespmem:s23+$0x40] =	vst v9;
	v9 =	vmul.f32 $1.442695020e+00, v10  }
0x29a: {  	s14 =	smov.u32 s18;
	s18 =	smov.u32 s23;
	s9 =	smov.u32 s5;
	v10 =	vld [tilespmem:s6+$0x0];
	v21 =	vadd.f32 $1.000000000e+00, v8;
	v5 =	vsub.f32 $0.0e+00, v5;
	v14 =	vpop (erf)  }
0x29b: {  	s28 =	sadd.s32 $0x4, s28;
	s23 =	smov.u32 s3;
	v17 =	vld [tilespmem:s0+$0xFFFFFF80];
	(erf) = vpow2.f32 v9;
	v9 =	vmul.f32 v14, v18  }
0x29c: {  	p1 =	slt.u32 s28, $0x2C;
	v18 =	vld [tilespmem:s0+$0x0];
	v14 =	vadd.f32 v20, v22;
	(erf) = vrcp.f32 v21;
	v22 =	vmul.f32 $1.442695020e+00, v5  }
0x29d: {  	v19 =	vld [tilespmem:s21+$0x420];
	v8 =	vpop (erf);
	[tilespmem:s14+$0xF0] =	vst v9  }
0x29e: {  	v20 =	vld [tilespmem:s0+$0xFFFFFF00];
	v9 =	vsub.f32 $0.0e+00, v14;
	v21 =	vadd.f32 $1.000000000e+00, v8;
	(erf) = vpow2.f32 v22  }
0x29f: {  	v8 =	vld [tilespmem:s9+$0x400];
	v5 =	vpop (erf)  }
0x2a0: {  	v14 =	vld [tilespmem:s10+$0x400];
	v15 =	vadd.f32 v15, v17;
	v17 =	vmul.f32 $1.442695020e+00, v9;
	v5 =	vadd.f32 $1.000000000e+00, v5;
	v22 =	vpop (erf)  }
0x2a1: {  	v9 =	vld [tilespmem:s6+$0x400];
	v10 =	vadd.f32 v10, v18;
	(erf) = vrcp.f32 v21;
	v18 =	vpop (erf);
	v7 =	vmul.f32 v22, v7  }
0x2a2: {  	v15 =	vsub.f32 $0.0e+00, v15;
	(erf) = vpow2.f32 v17;
	v19 =	vmul.f32 v18, v19;
	v18 =	vld [tilespmem:s26+$0xFFFFFF50]  }
0x2a3: {  	v16 =	vadd.f32 v16, v20;
	v10 =	vsub.f32 $0.0e+00, v10;
	(erf) = vrcp.f32 v5;
	v5 =	vld [tilespmem:s22+$0x50];
	[tilespmem:s14+$0x60] =	vst v7  }
0x2a4: {  	v7 =	vmul.f32 $1.442695020e+00, v15;
	[tilespmem:s3+$0xA0] =	vst v19;
	v15 =	vld [tilespmem:s26+$0xFFFFFFD0];
	v17 =	vpop (erf)  }
0x2a5: {  	v16 =	vsub.f32 $0.0e+00, v16;
	v10 =	vmul.f32 $1.442695020e+00, v10;
	v19 =	vld [tilespmem:s2+$0xB0];
	v20 =	vpop (erf);
	v21 =	vadd.f32 $1.000000000e+00, v17  }
0x2a6: {  	(erf) = vpow2.f32 v7;
	v7 =	vmul.f32 v20, v11;
	v11 =	vld [tilespmem:s21+$0x30]  }
0x2a7: {  	v16 =	vmul.f32 $1.442695020e+00, v16;
	v20 =	vld [tilespmem:s19+$0x50];
	(erf) = vrcp.f32 v21;
	v17 =	vpop (erf)  }
0x2a8: {  	(erf) = vpow2.f32 v10;
	[tilespmem:s3+$0xFFFFFFA0] =	vst v7;
	v5 =	vadd.f32 v5, v18;
	v10 =	vld [tilespmem:s26+$0x50];
	v22 =	vadd.f32 $1.000000000e+00, v17  }
0x2a9: {  	(erf) = vpow2.f32 v16;
	v16 =	vld [tilespmem:s2+$0xFFFFFFB0]  }
0x2aa: {  	v17 =	vld [tilespmem:s30+$0x30];
	v18 =	vpop (erf);
	v21 =	vsub.f32 $0.0e+00, v5;
	(erf) = vrcp.f32 v22  }
0x2ab: {  	v7 =	vpop (erf);
	v13 =	vmul.f32 v18, v13;
	v5 =	vld [tilespmem:s30+$0x430];
	v11 =	vadd.f32 v11, v19  }
0x2ac: {  	v7 =	vadd.f32 $1.000000000e+00, v7;
	v18 =	vpop (erf);
	v19 =	vmul.f32 $1.442695020e+00, v21;
	v21 =	vadd.f32 v20, v15;
	v20 =	vld [tilespmem:s17+$0x450]  }
0x2ad: {  	[tilespmem:s3+$0xFFFFFF20] =	vst v13;
	v12 =	vmul.f32 v18, v12;
	v11 =	vsub.f32 $0.0e+00, v11;
	v13 =	vld [tilespmem:s20+$0x50]  }
0x2ae: {  	(erf) = vrcp.f32 v7;
	v18 =	vld [tilespmem:s2+$0xFFFFFF30];
	v22 =	vsub.f32 $0.0e+00, v21  }
0x2af: {  	v15 =	vpop (erf);
	v21 =	vld [tilespmem:s4+$0x30];
	v16 =	vadd.f32 v17, v16;
	[tilespmem:s3+$0x20] =	vst v12;
	v11 =	vmul.f32 $1.442695020e+00, v11;
	(erf) = vpow2.f32 v19  }
0x2b0: {  	v12 =	vadd.f32 $1.000000000e+00, v15;
	v15 =	vld [tilespmem:s2+$0x30];
	v17 =	vmul.f32 $1.442695020e+00, v22;
	v7 =	vpop (erf)  }
0x2b1: {  	v19 =	vpop (erf);
	v16 =	vsub.f32 $0.0e+00, v16;
	v22 =	vld [tilespmem:s1+$0x30];
	(erf) = vpow2.f32 v11;
	v23 =	vmul.f32 v7, v20  }
0x2b2: {  	v19 =	vadd.f32 $1.000000000e+00, v19;
	v20 =	vpop (erf);
	(erf) = vrcp.f32 v12;
	v7 =	vld [tilespmem:s4+$0x430];
	v10 =	vadd.f32 v13, v10  }
0x2b3: {  	v12 =	vadd.f32 $1.000000000e+00, v20;
	v13 =	vld [tilespmem:s31+$0x400];
	v16 =	vmul.f32 $1.442695020e+00, v16;
	[tilespmem:s18+$0xD0] =	vst v23;
	(erf) = vpow2.f32 v17;
	v11 =	vpop (erf)  }
0x2b4: {  	(erf) = vrcp.f32 v19;
	v17 =	vadd.f32 v21, v18;
	v18 =	vsub.f32 $0.0e+00, v10;
	v19 =	vld [tilespmem:s26+$0xE0]  }
0x2b5: {  	v4 =	vmul.f32 v11, v4;
	(erf) = vrcp.f32 v12;
	v12 =	vld [tilespmem:s17+$0x60]  }
0x2b6: {  	v11 =	vsub.f32 $0.0e+00, v17;
	v10 =	vld [tilespmem:s1+$0x430];
	v15 =	vadd.f32 v22, v15;
	(erf) = vpow2.f32 v16  }
0x2b7: {  	v18 =	vmul.f32 $1.442695020e+00, v18;
	v16 =	vpop (erf);
	v17 =	vld [tilespmem:s22+$0x450];
	[tilespmem:s14+$0xFFFFFF70] =	vst v4  }
0x2b8: {  	v4 =	vmul.f32 v16, v13;
	v21 =	vmul.f32 $1.442695020e+00, v11;
	v13 =	vsub.f32 $0.0e+00, v15;
	v15 =	vld [tilespmem:s19+$0x450];
	v16 =	vpop (erf)  }
0x2b9: {  	s3 =	sadd.s32 $0x200, s3;
	v16 =	vadd.f32 $1.000000000e+00, v16;
	v20 =	vld [tilespmem:s20+$0x450];
	(erf) = vpow2.f32 v18  }
0x2ba: {  	[tilespmem:s3+$0x80] =	vst v4;
	v4 =	vmul.f32 $1.442695020e+00, v13;
	(erf) = vpow2.f32 v21;
	v11 =	vpop (erf);
	v21 =	vadd.f32 v12, v19;
	v13 =	vld [tilespmem:s15+$0x70]  }
0x2bb: {  	v18 =	vld [tilespmem:s0+$0x90];
	v19 =	vpop (erf);
	v11 =	vadd.f32 $1.000000000e+00, v11;
	(erf) = vrcp.f32 v16  }
0x2bc: {  	v22 =	vmul.f32 v19, v14;
	v16 =	vld [tilespmem:s31+$0x10];
	(erf) = vpow2.f32 v4;
	v4 =	vsub.f32 $0.0e+00, v21;
	v12 =	vpop (erf)  }
0x2bd: {  	v19 =	vpop (erf);
	(erf) = vrcp.f32 v11;
	v11 =	vadd.f32 $1.000000000e+00, v12;
	v12 =	vld [tilespmem:s25+$0x70];
	s25 =	smov.u32 s26;
	s26 =	smov.u32 s2;
	s2 =	smov.u32 s0  }
0x2be: {  	[tilespmem:s3+$0xFFFFFF80] =	vst v22;
	v9 =	vmul.f32 v19, v9;
	v14 =	vpop (erf);
	v4 =	vmul.f32 $1.442695020e+00, v4;
	v19 =	vld [tilespmem:s16+$0x70]  }
0x2bf: {  	v8 =	vmul.f32 v14, v8;
	v14 =	vld [tilespmem:s0+$0xFFFFFF90];
	v21 =	vpop (erf);
	(erf) = vrcp.f32 v11;
	v6 =	vadd.f32 v13, v6  }
0x2c0: {  	v11 =	vld [tilespmem:s10+$0x10];
	[tilespmem:s3+$0x0] =	vst v9;
	v21 =	vadd.f32 $1.000000000e+00, v21;
	(erf) = vpow2.f32 v4  }
0x2c1: {  	[tilespmem:s3+$0xFFFFFF00] =	vst v8;
	v8 =	vld [tilespmem:s0+$0x10];
	v4 =	vadd.f32 v16, v18;
	v6 =	vsub.f32 $0.0e+00, v6  }
0x2c2: {  	v13 =	vld [tilespmem:s21+$0x430];
	(erf) = vrcp.f32 v21;
	v9 =	vpop (erf)  }
0x2c3: {  	v16 =	vld [tilespmem:s0+$0xFFFFFF10];
	v4 =	vsub.f32 $0.0e+00, v4;
	v18 =	vpop (erf);
	v9 =	vadd.f32 $1.000000000e+00, v9;
	v21 =	vmul.f32 $1.442695020e+00, v6  }
0x2c4: {  	v12 =	vadd.f32 v19, v12;
	v22 =	vld [tilespmem:s9+$0x10];
	v24 =	vadd.f32 $1.000000000e+00, v18;
	v18 =	vpop (erf)  }
0x2c5: {  	v14 =	vadd.f32 v11, v14;
	v19 =	vld [tilespmem:s6+$0x10];
	v23 =	vmul.f32 $1.442695020e+00, v4;
	v11 =	vpop (erf);
	(erf) = vrcp.f32 v9  }
0x2c6: {  	v17 =	vmul.f32 v18, v17;
	v4 =	vld [tilespmem:s9+$0x410];
	v25 =	vadd.f32 $1.000000000e+00, v11;
	(erf) = vrcp.f32 v24;
	v6 =	vpop (erf)  }
0x2c7: {  	v11 =	vld [tilespmem:s10+$0x410];
	v14 =	vsub.f32 $0.0e+00, v14;
	(erf) = vpow2.f32 v23;
	v13 =	vmul.f32 v6, v13  }
0x2c8: {  	v12 =	vsub.f32 $0.0e+00, v12;
	v6 =	vld [tilespmem:s6+$0x410];
	(erf) = vrcp.f32 v25;
	[tilespmem:s18+$0xFFFFFF50] =	vst v17;
	v9 =	vpop (erf)  }
0x2c9: {  	v16 =	vadd.f32 v22, v16;
	v14 =	vmul.f32 $1.442695020e+00, v14;
	[tilespmem:s23+$0xB0] =	vst v13;
	v13 =	vld [tilespmem:s25+$0xFFFFFF60];
	v9 =	vmul.f32 v9, v15;
	v15 =	vpop (erf)  }
0x2ca: {  	v12 =	vmul.f32 $1.442695020e+00, v12;
	v8 =	vadd.f32 v19, v8;
	v17 =	vld [tilespmem:s26+$0xC0];
	v15 =	vadd.f32 $1.000000000e+00, v15  }
0x2cb: {  	v16 =	vsub.f32 $0.0e+00, v16;
	(erf) = vpow2.f32 v14;
	v14 =	vld [tilespmem:s21+$0x40];
	v18 =	vpop (erf);
	[tilespmem:s18+$0xFFFFFFD0] =	vst v9  }
0x2cc: {  	v8 =	vsub.f32 $0.0e+00, v8;
	v5 =	vmul.f32 v18, v5;
	v9 =	vld [tilespmem:s22+$0x60];
	(erf) = vrcp.f32 v15  }
0x2cd: {  	v19 =	vmul.f32 $1.442695020e+00, v16;
	v16 =	vld [tilespmem:s25+$0xFFFFFFE0];
	(erf) = vpow2.f32 v21  }
0x2ce: {  	v21 =	vmul.f32 $1.442695020e+00, v8;
	[tilespmem:s23+$0xFFFFFFB0] =	vst v5;
	v5 =	vld [tilespmem:s19+$0x60];
	v18 =	vpop (erf);
	(erf) = vpow2.f32 v12  }
0x2cf: {  	(erf) = vpow2.f32 v19;
	v12 =	vld [tilespmem:s26+$0xFFFFFFC0];
	v15 =	vpop (erf);
	v18 =	vmul.f32 v18, v20  }
0x2d0: {  	(erf) = vpow2.f32 v21;
	v8 =	vpop (erf);
	v7 =	vmul.f32 v15, v7;
	v15 =	vld [tilespmem:s30+$0x40];
	v14 =	vadd.f32 v14, v17  }
0x2d1: {  	v17 =	vadd.f32 $1.000000000e+00, v8;
	v19 =	vpop (erf);
	v9 =	vadd.f32 v9, v13;
	[tilespmem:s18+$0x50] =	vst v18;
	v13 =	vld [tilespmem:s17+$0x460]  }
0x2d2: {  	[tilespmem:s23+$0xFFFFFF30] =	vst v7;
	v8 =	vld [tilespmem:s30+$0x440];
	v7 =	vmul.f32 v19, v10;
	v10 =	vsub.f32 $0.0e+00, v14  }
0x2d3: {  	(erf) = vrcp.f32 v17;
	v14 =	vld [tilespmem:s26+$0xFFFFFF40];
	v18 =	vsub.f32 $0.0e+00, v9;
	v5 =	vadd.f32 v5, v16  }
0x2d4: {  	v16 =	vpop (erf);
	v17 =	vld [tilespmem:s4+$0x40];
	[tilespmem:s23+$0x30] =	vst v7;
	v7 =	vmul.f32 $1.442695020e+00, v10  }
0x2d5: {  	v10 =	vadd.f32 $1.000000000e+00, v16;
	v12 =	vadd.f32 v15, v12;
	v15 =	vld [tilespmem:s26+$0x40];
	v16 =	vmul.f32 $1.442695020e+00, v18;
	v9 =	vpop (erf)  }
0x2d6: {  	v5 =	vsub.f32 $0.0e+00, v5;
	v18 =	vld [tilespmem:s1+$0x40];
	(erf) = vpow2.f32 v7;
	v7 =	vmul.f32 v9, v13;
	v13 =	vpop (erf)  }
0x2d7: {  	(erf) = vrcp.f32 v10;
	v9 =	vld [tilespmem:s4+$0x440];
	v10 =	vsub.f32 $0.0e+00, v12;
	v12 =	vadd.f32 $1.000000000e+00, v13;
	v13 =	vpop (erf)  }
0x2d8: {  	v5 =	vmul.f32 $1.442695020e+00, v5;
	v19 =	vld [tilespmem:s31+$0x410];
	v20 =	vpop (erf);
	[tilespmem:s18+$0xE0] =	vst v7;
	(erf) = vpow2.f32 v16;
	v13 =	vadd.f32 $1.000000000e+00, v13  }
0x2d9: {  	v7 =	vadd.f32 $1.000000000e+00, v20;
	v16 =	vpop (erf);
	v22 =	vadd.f32 v17, v14;
	v17 =	vmul.f32 $1.442695020e+00, v10;
	v20 =	vld [tilespmem:s25+$0xF0]  }
0x2da: {  	v16 =	vadd.f32 $1.000000000e+00, v16;
	v21 =	vld [tilespmem:s17+$0x70];
	(erf) = vpow2.f32 v5  }
0x2db: {  	(erf) = vrcp.f32 v7;
	v5 =	vsub.f32 $0.0e+00, v22;
	v10 =	vld [tilespmem:s1+$0x440];
	v7 =	vadd.f32 v18, v15  }
0x2dc: {  	(erf) = vrcp.f32 v16;
	v14 =	vpop (erf);
	v15 =	vld [tilespmem:s25+$0x60]  }
0x2dd: {  	v14 =	vmul.f32 v14, v19;
	v18 =	vmul.f32 $1.442695020e+00, v5;
	v7 =	vsub.f32 $0.0e+00, v7;
	v16 =	vld [tilespmem:s20+$0x60]  }
0x2de: {  	(erf) = vpow2.f32 v17;
	v17 =	vld [tilespmem:s22+$0x460]  }
0x2df: {  	[tilespmem:s3+$0x90] =	vst v14;
	v22 =	vmul.f32 $1.442695020e+00, v7;
	(erf) = vpow2.f32 v18;
	v5 =	vpop (erf);
	v18 =	vld [tilespmem:s19+$0x460];
	v14 =	vadd.f32 v21, v20  }
0x2e0: {  	v19 =	vld [tilespmem:s0+$0xA0];
	v20 =	vpop (erf);
	v5 =	vadd.f32 $1.000000000e+00, v5;
	(erf) = vrcp.f32 v12  }
0x2e1: {  	v11 =	vmul.f32 v20, v11;
	v12 =	vld [tilespmem:s31+$0x20];
	(erf) = vpow2.f32 v22;
	v21 =	vsub.f32 $0.0e+00, v14;
	v7 =	vpop (erf)  }
0x2e2: {  	(erf) = vrcp.f32 v5;
	v5 =	vadd.f32 $1.000000000e+00, v7;
	v7 =	vld [tilespmem:s20+$0x460];
	v15 =	vadd.f32 v16, v15  }
0x2e3: {  	[tilespmem:s3+$0xFFFFFF90] =	vst v11;
	v11 =	vmul.f32 $1.442695020e+00, v21;
	v14 =	vpop (erf);
	v16 =	vld [tilespmem:s15+$0x470];
	(erf) = vrcp.f32 v13;
	s15 =	smov.u32 s19;
	s19 =	smov.u32 s30;
	s30 =	smov.u32 s10  }
0x2e4: {  	v13 =	vld [tilespmem:s0+$0xFFFFFFA0];
	v20 =	vpop (erf);
	v14 =	vadd.f32 $1.000000000e+00, v14;
	v15 =	vsub.f32 $0.0e+00, v15;
	(erf) = vrcp.f32 v5  }
0x2e5: {  	v4 =	vmul.f32 v20, v4;
	v5 =	vld [tilespmem:s30+$0x20];
	v20 =	vpop (erf);
	(erf) = vpow2.f32 v11  }
0x2e6: {  	v11 =	vld [tilespmem:s30+$0x420];
	v6 =	vmul.f32 v20, v6;
	v12 =	vadd.f32 v12, v19;
	v15 =	vmul.f32 $1.442695020e+00, v15  }
0x2e7: {  	[tilespmem:s3+$0xFFFFFF10] =	vst v4;
	v4 =	vld [tilespmem:s21+$0x440];
	v19 =	vpop (erf);
	(erf) = vrcp.f32 v14  }
0x2e8: {  	v14 =	vld [tilespmem:s0+$0xFFFFFF20];
	[tilespmem:s3+$0x10] =	vst v6;
	v6 =	vsub.f32 $0.0e+00, v12;
	v22 =	vadd.f32 $1.000000000e+00, v19;
	v19 =	vpop (erf);
	(erf) = vpow2.f32 v15  }
0x2e9: {  	v15 =	vld [tilespmem:s9+$0x20];
	v19 =	vadd.f32 $1.000000000e+00, v19;
	v20 =	vpop (erf)  }
0x2ea: {  	v5 =	vadd.f32 v5, v13;
	v21 =	vld [tilespmem:s0+$0x20];
	v25 =	vmul.f32 $1.442695020e+00, v6;
	(erf) = vrcp.f32 v22;
	v12 =	vpop (erf)  }
0x2eb: {  	v16 =	vmul.f32 v20, v16;
	v22 =	vld [tilespmem:s6+$0x20];
	v23 =	vadd.f32 $1.000000000e+00, v12;
	(erf) = vrcp.f32 v19;
	v12 =	vpop (erf)  }
0x2ec: {  	v13 =	vld [tilespmem:s9+$0x420];
	v5 =	vsub.f32 $0.0e+00, v5;
	(erf) = vpow2.f32 v25;
	v4 =	vmul.f32 v12, v4;
	v24 =	vpop (erf)  }
0x2ed: {  	v12 =	vld [tilespmem:s6+$0x420];
	(erf) = vrcp.f32 v23;
	v6 =	vpop (erf);
	[tilespmem:s14+$0xFFFFFFF0] =	vst v16  }
0x2ee: {  	v14 =	vadd.f32 v15, v14;
	v5 =	vmul.f32 $1.442695020e+00, v5;
	[tilespmem:s23+$0xC0] =	vst v4;
	v20 =	vmul.f32 v6, v17;
	v6 =	vpop (erf);
	v23 =	vld [tilespmem:s16+$0x470];
	s16 =	smov.u32 s20;
	s20 =	smov.u32 s1;
	s1 =	smov.u32 s6  }
.Ltmp1:
0x2ef: {  	v15 =	vld [tilespmem:s26+$0xD0];
	v6 =	vadd.f32 $1.000000000e+00, v6;
	(pc) =	sbr.rel @p1 .LBB2_5-.Ltmp1, $4  }
0x2f0: {  	v16 =	vsub.f32 $0.0e+00, v14;
	v19 =	vadd.f32 v22, v21;
	(erf) = vpow2.f32 v5;
	v17 =	vld [tilespmem:s21+$0x50];
	[tilespmem:s18+$0xFFFFFF60] =	vst v20;
	v4 =	vpop (erf)  }
0x2f1: {  	v14 =	vld [tilespmem:s25+$0xFFFFFF70];
	v5 =	vmul.f32 v4, v18;
	v4 =	vpop (erf);
	(erf) = vrcp.f32 v6  }
0x2f2: {  	v6 =	vmul.f32 $1.442695020e+00, v16;
	v20 =	vsub.f32 $0.0e+00, v19;
	v16 =	vld [tilespmem:s22+$0x70];
	v19 =	vadd.f32 $1.000000000e+00, v4  }
0x2f3: {  	s29 =	sadd.s32 $0x400, s29;
	s8 =	sadd.s32 $0x200, s8;
	v18 =	vpop (erf);
	v4 =	vld [tilespmem:s22+$0x470];
	[tilespmem:s18+$0xFFFFFFE0] =	vst v5;
	v5 =	vmul.f32 v24, v23;
	s22 =	smov.u32 s4  }
0x2f4: {  	v20 =	vmul.f32 $1.442695020e+00, v20;
	v21 =	vpop (erf)  }
0x2f5: {  	(erf) = vpow2.f32 v6;
	v26 =	vpop (erf)  }
0x2f6: {  	v6 =	vadd.f32 $1.000000000e+00, v26;
	(erf) = vpow2.f32 v20  }
0x2f7: {  	(erf) = vrcp.f32 v19  }
0x2f8: {  	v15 =	vadd.f32 v17, v15;
	(erf) = vrcp.f32 v6;
	_ =	sdelay $0x1  }
0x2f9: {  	v15 =	vsub.f32 $0.0e+00, v15;
	v28 =	vadd.f32 v16, v14  }
0x2fa: {  	v27 =	vpop (erf)  }
0x2fb: {  	v29 =	vpop (erf);
	v15 =	vmul.f32 $1.442695020e+00, v15;
	v16 =	vsub.f32 $0.0e+00, v28  }
0x2fc: {  	v30 =	vld [tilespmem:s31+$0x420];
	v14 =	vadd.f32 $1.000000000e+00, v29;
	v6 =	vpop (erf)  }
0x2fd: {  	(erf) = vpow2.f32 v15;
	v31 =	vmul.f32 $1.442695020e+00, v16;
	v32 =	vpop (erf)  }
0x2fe: {  	(erf) = vrcp.f32 v14;
	v16 =	vadd.f32 $1.000000000e+00, v32;
	v33 =	vpop (erf)  }
0x2ff: {  	v9 =	vmul.f32 v21, v9;
	(erf) = vpow2.f32 v31;
	v15 =	vpop (erf)  }
0x300: {  	v19 =	vadd.f32 $1.000000000e+00, v33;
	(erf) = vrcp.f32 v16;
	v34 =	vpop (erf)  }
0x301: {  	[tilespmem:s23+$0xFFFFFF40] =	vst v9;
	v35 =	vmul.f32 v34, v30  }
0x302: {  	v36 =	vld [tilespmem:s26+$0xFFFFFF50];
	(erf) = vrcp.f32 v19  }
0x303: {  	v37 =	vld [tilespmem:s22+$0x50];
	[tilespmem:s3+$0xA0] =	vst v35  }
0x304: {  	v8 =	vmul.f32 v18, v8;
	v39 =	vld [tilespmem:s2+$0xB0]  }
0x305: {  	v41 =	vld [tilespmem:s31+$0x30]  }
0x306: {  	v52 =	vld [tilespmem:s21+$0x450];
	[tilespmem:s23+$0xFFFFFFC0] =	vst v8;
	v10 =	vmul.f32 v27, v10;
	v38 =	vpop (erf)  }
0x307: {  	v42 =	vld [tilespmem:s26+$0xFFFFFFD0];
	v40 =	vpop (erf);
	v9 =	vadd.f32 $1.000000000e+00, v38  }
0x308: {  	v43 =	vld [tilespmem:s19+$0x50];
	[tilespmem:s23+$0x40] =	vst v10;
	v45 =	vadd.f32 v37, v36;
	v8 =	vmul.f32 v40, v11;
	v44 =	vpop (erf)  }
0x309: {  	v46 =	vld [tilespmem:s26+$0x50];
	(erf) = vrcp.f32 v9;
	v48 =	vpop (erf)  }
0x30a: {  	v54 =	vld [tilespmem:s20+$0x50];
	[tilespmem:s3+$0xFFFFFFA0] =	vst v8;
	v8 =	vsub.f32 $0.0e+00, v45;
	v13 =	vmul.f32 v48, v13;
	v50 =	vadd.f32 v41, v39  }
0x30b: {  	v47 =	vld [tilespmem:s2+$0xFFFFFFB0];
	v9 =	vadd.f32 $1.000000000e+00, v44;
	v51 =	vpop (erf)  }
0x30c: {  	v49 =	vld [tilespmem:s30+$0x30];
	v8 =	vmul.f32 $1.442695020e+00, v8;
	[tilespmem:s3+$0xFFFFFF20] =	vst v13;
	v12 =	vmul.f32 v51, v12;
	v53 =	vsub.f32 $0.0e+00, v50  }
0x30d: {  	(erf) = vrcp.f32 v9;
	v56 =	vld [tilespmem:s2+$0xFFFFFF30]  }
0x30e: {  	v55 =	vadd.f32 v43, v42;
	(erf) = vpow2.f32 v8;
	v57 =	vld [tilespmem:s9+$0x30];
	[tilespmem:s3+$0x20] =	vst v12;
	v58 =	vmul.f32 $1.442695020e+00, v53  }
0x30f: {  	v60 =	vld [tilespmem:s2+$0x30]  }
0x310: {  	v59 =	vsub.f32 $0.0e+00, v55;
	v62 =	vld [tilespmem:s1+$0x30];
	(erf) = vpow2.f32 v58  }
0x311: {  	v61 =	vadd.f32 v49, v47  }
0x312: {  	v11 =	vadd.f32 v54, v46;
	v8 =	vmul.f32 $1.442695020e+00, v59;
	v19 =	vpop (erf)  }
0x313: {  	v13 =	vsub.f32 $0.0e+00, v61;
	v12 =	vmul.f32 v19, v52;
	v10 =	vadd.f32 v57, v56  }
0x314: {  	v11 =	vsub.f32 $0.0e+00, v11;
	(erf) = vpow2.f32 v8  }
0x315: {  	v13 =	vmul.f32 $1.442695020e+00, v13;
	[tilespmem:s23+$0xD0] =	vst v12;
	v10 =	vsub.f32 $0.0e+00, v10;
	v9 =	vadd.f32 v62, v60  }
0x316: {  	v11 =	vmul.f32 $1.442695020e+00, v11;
	v12 =	vld [tilespmem:s26+$0xE0];
	v8 =	vpop (erf)  }
0x317: {  	v20 =	vld [tilespmem:s21+$0x60];
	(erf) = vpow2.f32 v13;
	v21 =	vpop (erf);
	v10 =	vmul.f32 $1.442695020e+00, v10;
	v9 =	vsub.f32 $0.0e+00, v9  }
0x318: {  	(erf) = vpow2.f32 v11;
	v13 =	vadd.f32 $1.000000000e+00, v21  }
0x319: {  	v9 =	vmul.f32 $1.442695020e+00, v9;
	(erf) = vpow2.f32 v10;
	v22 =	vpop (erf)  }
0x31a: {  	(erf) = vrcp.f32 v13;
	v10 =	vadd.f32 $1.000000000e+00, v22  }
0x31b: {  	(erf) = vpow2.f32 v9  }
0x31c: {  	v23 =	vadd.f32 v20, v12;
	(erf) = vrcp.f32 v10  }
0x31d: {  	v7 =	vmul.f32 v15, v7  }
0x31e: {  	v26 =	vld [tilespmem:s25+$0xFFFFFFF0];
	v25 =	vpop (erf);
	v24 =	vsub.f32 $0.0e+00, v23  }
0x31f: {  	v34 =	vld [tilespmem:s22+$0x450];
	[tilespmem:s18+$0x60] =	vst v7;
	v10 =	vadd.f32 $1.000000000e+00, v25  }
0x320: {  	v42 =	vld [tilespmem:s16+$0x70];
	v9 =	vmul.f32 $1.442695020e+00, v24;
	v27 =	vpop (erf)  }
0x321: {  	v30 =	vld [tilespmem:s31+$0x430];
	(erf) = vrcp.f32 v10;
	v29 =	vadd.f32 $1.000000000e+00, v27;
	v31 =	vpop (erf)  }
0x322: {  	v38 =	vld [tilespmem:s19+$0x450];
	(erf) = vpow2.f32 v9;
	v12 =	vadd.f32 $1.000000000e+00, v31;
	v33 =	vpop (erf)  }
0x323: {  	v40 =	vld [tilespmem:s15+$0x70];
	(erf) = vrcp.f32 v29;
	v10 =	vadd.f32 $1.000000000e+00, v33;
	v35 =	vpop (erf)  }
0x324: {  	v28 =	vld [tilespmem:s30+$0x430];
	(erf) = vrcp.f32 v12;
	v37 =	vpop (erf)  }
0x325: {  	v41 =	vld [tilespmem:s25+$0x70];
	v18 =	vadd.f32 $1.000000000e+00, v37;
	(erf) = vrcp.f32 v10;
	v39 =	vpop (erf)  }
0x326: {  	v32 =	vld [tilespmem:s9+$0x430];
	v9 =	vmul.f32 v39, v30  }
0x327: {  	v36 =	vld [tilespmem:s1+$0x430];
	(erf) = vrcp.f32 v18  }
0x328: {  	v58 =	vld [tilespmem:s21+$0x460];
	[tilespmem:s3+$0xB0] =	vst v9  }
0x329: {  	v16 =	vmul.f32 v35, v34;
	v44 =	vld [tilespmem:s2+$0xC0]  }
0x32a: {  	v43 =	vpop (erf);
	v46 =	vld [tilespmem:s31+$0x40]  }
0x32b: {  	v24 =	vld [tilespmem:s20+$0x450];
	[tilespmem:s23+$0xFFFFFF50] =	vst v16;
	v9 =	vmul.f32 v43, v38;
	v45 =	vpop (erf)  }
0x32c: {  	v47 =	vld [tilespmem:s26+$0xFFFFFF60];
	v48 =	vpop (erf)  }
0x32d: {  	v7 =	vadd.f32 v40, v26;
	v50 =	vld [tilespmem:s22+$0x60];
	[tilespmem:s23+$0xFFFFFFD0] =	vst v9;
	v49 =	vmul.f32 v48, v28;
	v52 =	vpop (erf)  }
0x32e: {  	v10 =	vadd.f32 v42, v41;
	v12 =	vadd.f32 $1.000000000e+00, v45;
	v51 =	vld [tilespmem:s26+$0xFFFFFFE0];
	v54 =	vpop (erf)  }
0x32f: {  	v7 =	vsub.f32 $0.0e+00, v7;
	v53 =	vld [tilespmem:s19+$0x60];
	[tilespmem:s3+$0xFFFFFFB0] =	vst v49;
	v14 =	vmul.f32 v54, v32;
	v16 =	vadd.f32 v46, v44  }
0x330: {  	v10 =	vsub.f32 $0.0e+00, v10;
	(erf) = vrcp.f32 v12;
	v55 =	vld [tilespmem:s2+$0xFFFFFFC0];
	v57 =	vpop (erf)  }
0x331: {  	v7 =	vmul.f32 $1.442695020e+00, v7;
	v56 =	vld [tilespmem:s30+$0x40];
	[tilespmem:s3+$0xFFFFFF30] =	vst v14;
	v59 =	vmul.f32 v57, v36;
	v60 =	vsub.f32 $0.0e+00, v16  }
0x332: {  	v10 =	vmul.f32 $1.442695020e+00, v10;
	v61 =	vld [tilespmem:s2+$0xFFFFFF40]  }
0x333: {  	(erf) = vpow2.f32 v7;
	v62 =	vld [tilespmem:s9+$0x40];
	[tilespmem:s3+$0x30] =	vst v59;
	v18 =	vmul.f32 $1.442695020e+00, v60  }
0x334: {  	v11 =	vadd.f32 v50, v47;
	(erf) = vpow2.f32 v10;
	v22 =	vld [tilespmem:s2+$0x40]  }
0x335: {  	v9 =	vadd.f32 v53, v51;
	v23 =	vld [tilespmem:s1+$0x40];
	(erf) = vpow2.f32 v18  }
0x336: {  	v11 =	vsub.f32 $0.0e+00, v11  }
0x337: {  	v12 =	vadd.f32 v56, v55;
	v9 =	vsub.f32 $0.0e+00, v9  }
0x338: {  	v29 =	vmul.f32 v52, v24;
	v7 =	vadd.f32 v62, v61  }
0x339: {  	v11 =	vmul.f32 $1.442695020e+00, v11;
	v25 =	vpop (erf);
	v12 =	vsub.f32 $0.0e+00, v12;
	v9 =	vmul.f32 $1.442695020e+00, v9  }
0x33a: {  	v14 =	vmul.f32 v25, v58;
	v7 =	vsub.f32 $0.0e+00, v7;
	v10 =	vadd.f32 v23, v22  }
0x33b: {  	(erf) = vpow2.f32 v11;
	v26 =	vmul.f32 $1.442695020e+00, v12  }
0x33c: {  	v27 =	vpop (erf);
	(erf) = vpow2.f32 v9;
	v7 =	vmul.f32 $1.442695020e+00, v7;
	v28 =	vsub.f32 $0.0e+00, v10  }
0x33d: {  	[tilespmem:s23+$0x50] =	vst v29;
	v12 =	vadd.f32 $1.000000000e+00, v27;
	v30 =	vpop (erf);
	(erf) = vpow2.f32 v26  }
0x33e: {  	v33 =	vld [tilespmem:s26+$0x60];
	[tilespmem:s23+$0xE0] =	vst v14;
	v9 =	vmul.f32 $1.442695020e+00, v28;
	(erf) = vpow2.f32 v7;
	v32 =	vpop (erf)  }
0x33f: {  	v31 =	vld [tilespmem:s26+$0xF0];
	(erf) = vrcp.f32 v12;
	v7 =	vadd.f32 $1.000000000e+00, v32  }
0x340: {  	v14 =	vld [tilespmem:s21+$0x70];
	(erf) = vpow2.f32 v9  }
0x341: {  	v34 =	vld [tilespmem:s20+$0x60];
	(erf) = vrcp.f32 v7;
	_ =	sdelay $0x2  }
0x342: {  	v36 =	vpop (erf)  }
0x343: {  	v35 =	vadd.f32 v14, v31;
	v37 =	vpop (erf)  }
0x344: {  	v38 =	vld [tilespmem:s31+$0x440];
	v9 =	vadd.f32 v34, v33;
	v39 =	vpop (erf)  }
0x345: {  	v13 =	vadd.f32 $1.000000000e+00, v30;
	v10 =	vsub.f32 $0.0e+00, v35;
	v40 =	vpop (erf)  }
0x346: {  	v11 =	vadd.f32 $1.000000000e+00, v36;
	v9 =	vsub.f32 $0.0e+00, v9;
	v7 =	vpop (erf)  }
0x347: {  	v10 =	vmul.f32 $1.442695020e+00, v10;
	(erf) = vrcp.f32 v13;
	v41 =	vpop (erf)  }
0x348: {  	v12 =	vadd.f32 $1.000000000e+00, v37;
	(erf) = vrcp.f32 v11;
	v9 =	vmul.f32 $1.442695020e+00, v9;
	v42 =	vpop (erf)  }
0x349: {  	(erf) = vpow2.f32 v10;
	v10 =	vmul.f32 v42, v38  }
0x34a: {  	(erf) = vrcp.f32 v12  }
0x34b: {  	v43 =	vld [tilespmem:s22+$0x460];
	(erf) = vpow2.f32 v9;
	[tilespmem:s3+$0xC0] =	vst v10  }
0x34c: {  	v10 =	vld [tilespmem:s2+$0xD0]  }
0x34d: {  	v44 =	vld [tilespmem:s31+$0x50];
	_ =	sdelay $0x2  }
0x34e: {  	v9 =	vpop (erf)  }
0x34f: {  	v45 =	vadd.f32 $1.000000000e+00, v39;
	v46 =	vpop (erf)  }
0x350: {  	v16 =	vadd.f32 $1.000000000e+00, v40;
	v12 =	vmul.f32 v46, v43;
	v47 =	vpop (erf);
	v10 =	vadd.f32 v44, v10  }
0x351: {  	v11 =	vadd.f32 $1.000000000e+00, v41;
	(erf) = vrcp.f32 v45;
	v48 =	vpop (erf)  }
0x352: {  	(erf) = vrcp.f32 v16;
	[tilespmem:s23+$0xFFFFFF60] =	vst v12;
	v49 =	vadd.f32 $1.000000000e+00, v47;
	v50 =	vpop (erf);
	v10 =	vsub.f32 $0.0e+00, v10  }
0x353: {  	(erf) = vrcp.f32 v11;
	v51 =	vld [tilespmem:s26+$0xFFFFFF70];
	v12 =	vadd.f32 $1.000000000e+00, v50  }
0x354: {  	v52 =	vld [tilespmem:s22+$0x70];
	(erf) = vrcp.f32 v49;
	v10 =	vmul.f32 $1.442695020e+00, v10  }
0x355: {  	(erf) = vrcp.f32 v12  }
0x356: {  	(erf) = vpow2.f32 v10;
	_ =	sdelay $0x1  }
0x357: {  	v53 =	vld [tilespmem:s9+$0x440]  }
0x358: {  	v11 =	vadd.f32 v52, v51  }
0x359: {  	v54 =	vld [tilespmem:s30+$0x440];
	v55 =	vpop (erf)  }
0x35a: {  	v56 =	vpop (erf);
	v11 =	vsub.f32 $0.0e+00, v11  }
0x35b: {  	v57 =	vpop (erf)  }
0x35c: {  	v15 =	vmul.f32 v56, v53;
	v11 =	vmul.f32 $1.442695020e+00, v11;
	v10 =	vpop (erf)  }
0x35d: {  	v58 =	vpop (erf)  }
0x35e: {  	v12 =	vmul.f32 v55, v54;
	[tilespmem:s3+$0xFFFFFF40] =	vst v15;
	(erf) = vpow2.f32 v11;
	v59 =	vpop (erf)  }
0x35f: {  	v60 =	vld [tilespmem:s2+$0xFFFFFF50];
	v11 =	vadd.f32 $1.000000000e+00, v59  }
0x360: {  	[tilespmem:s3+$0xFFFFFFC0] =	vst v12;
	v61 =	vld [tilespmem:s9+$0x50]  }
0x361: {  	v62 =	vld [tilespmem:s2+$0xFFFFFFD0];
	(erf) = vrcp.f32 v11  }
0x362: {  	v21 =	vld [tilespmem:s30+$0x50]  }
0x363: {  	v22 =	vld [tilespmem:s1+$0x440];
	_ =	sdelay $0x2  }
0x364: {  	v23 =	vld [tilespmem:s31+$0x450];
	v12 =	vadd.f32 v61, v60  }
0x365: {  	v24 =	vpop (erf);
	v11 =	vadd.f32 v21, v62  }
0x366: {  	v25 =	vmul.f32 v57, v22;
	v12 =	vsub.f32 $0.0e+00, v12;
	v26 =	vadd.f32 $1.000000000e+00, v24  }
0x367: {  	v11 =	vsub.f32 $0.0e+00, v11  }
0x368: {  	[tilespmem:s3+$0x40] =	vst v25;
	v12 =	vmul.f32 $1.442695020e+00, v12;
	(erf) = vrcp.f32 v26;
	v27 =	vpop (erf)  }
0x369: {  	v28 =	vld [tilespmem:s2+$0x50];
	v11 =	vmul.f32 $1.442695020e+00, v11;
	v14 =	vmul.f32 v27, v23  }
0x36a: {  	v29 =	vld [tilespmem:s1+$0x50];
	(erf) = vpow2.f32 v12  }
0x36b: {  	(erf) = vpow2.f32 v11;
	[tilespmem:s3+$0xD0] =	vst v14  }
0x36c: {  	v30 =	vld [tilespmem:s2+$0xE0]  }
0x36d: {  	v14 =	vld [tilespmem:s31+$0x60];
	_ =	sdelay $0x1  }
0x36e: {  	v31 =	vadd.f32 v29, v28;
	_ =	sdelay $0x1  }
0x36f: {  	v15 =	vsub.f32 $0.0e+00, v31  }
0x370: {  	v11 =	vpop (erf);
	v12 =	vadd.f32 v14, v30  }
0x371: {  	v32 =	vmul.f32 $1.442695020e+00, v15;
	v33 =	vpop (erf)  }
0x372: {  	v15 =	vadd.f32 $1.000000000e+00, v33;
	v34 =	vpop (erf);
	v12 =	vsub.f32 $0.0e+00, v12  }
0x373: {  	(erf) = vpow2.f32 v32;
	v35 =	vadd.f32 $1.000000000e+00, v34  }
0x374: {  	(erf) = vrcp.f32 v15;
	v12 =	vmul.f32 $1.442695020e+00, v12  }
0x375: {  	v36 =	vld [tilespmem:s19+$0x460];
	(erf) = vrcp.f32 v35  }
0x376: {  	(erf) = vpow2.f32 v12  }
0x377: {  	v37 =	vld [tilespmem:s20+$0x460];
	_ =	sdelay $0x1  }
0x378: {  	v38 =	vld [tilespmem:s9+$0x450]  }
0x379: {  	v13 =	vmul.f32 v48, v36;
	_ =	sdelay $0x1  }
0x37a: {  	[tilespmem:s23+$0xFFFFFFE0] =	vst v13;
	v39 =	vld [tilespmem:s30+$0x450];
	v40 =	vpop (erf);
	v12 =	vmul.f32 v58, v37  }
0x37b: {  	v41 =	vld [tilespmem:s26+$0xFFFFFFF0];
	v42 =	vpop (erf)  }
0x37c: {  	v43 =	vld [tilespmem:s19+$0x70];
	v14 =	vmul.f32 v42, v38;
	[tilespmem:s23+$0x60] =	vst v12;
	v44 =	vpop (erf)  }
0x37d: {  	v15 =	vadd.f32 $1.000000000e+00, v40;
	v45 =	vld [tilespmem:s26+$0x70];
	v46 =	vpop (erf)  }
0x37e: {  	v47 =	vld [tilespmem:s20+$0x70];
	[tilespmem:s3+$0xFFFFFF50] =	vst v14;
	v17 =	vadd.f32 $1.000000000e+00, v46  }
0x37f: {  	(erf) = vrcp.f32 v15;
	v13 =	vmul.f32 v44, v39;
	v14 =	vld [tilespmem:s2+$0xFFFFFF60]  }
0x380: {  	v48 =	vld [tilespmem:s9+$0x60];
	(erf) = vrcp.f32 v17  }
0x381: {  	[tilespmem:s3+$0xFFFFFFD0] =	vst v13  }
0x382: {  	v49 =	vld [tilespmem:s2+$0xFFFFFFE0]  }
0x383: {  	v12 =	vadd.f32 v43, v41;
	v51 =	vld [tilespmem:s30+$0x60]  }
0x384: {  	v50 =	vadd.f32 v47, v45  }
0x385: {  	v52 =	vld [tilespmem:s31+$0x460];
	v12 =	vsub.f32 $0.0e+00, v12;
	v13 =	vadd.f32 v48, v14  }
0x386: {  	v53 =	vld [tilespmem:s1+$0x450];
	v16 =	vsub.f32 $0.0e+00, v50  }
0x387: {  	v12 =	vmul.f32 $1.442695020e+00, v12;
	v13 =	vsub.f32 $0.0e+00, v13  }
0x388: {  	v54 =	vmul.f32 $1.442695020e+00, v16;
	v55 =	vpop (erf);
	v15 =	vadd.f32 v51, v49  }
0x389: {  	(erf) = vpow2.f32 v12;
	v13 =	vmul.f32 $1.442695020e+00, v13;
	v56 =	vpop (erf)  }
0x38a: {  	(erf) = vpow2.f32 v54;
	v15 =	vsub.f32 $0.0e+00, v15;
	v14 =	vmul.f32 v56, v52  }
0x38b: {  	v12 =	vmul.f32 v55, v53  }
0x38c: {  	(erf) = vpow2.f32 v13;
	v15 =	vmul.f32 $1.442695020e+00, v15;
	[tilespmem:s3+$0xE0] =	vst v14  }
0x38d: {  	v57 =	vld [tilespmem:s2+$0xF0]  }
0x38e: {  	[tilespmem:s3+$0x50] =	vst v12;
	(erf) = vpow2.f32 v15;
	v58 =	vld [tilespmem:s31+$0x70]  }
0x38f: {  	v59 =	vld [tilespmem:s2+$0x60]  }
0x390: {  	v60 =	vld [tilespmem:s1+$0x60];
	_ =	sdelay $0x1  }
0x391: {  	v61 =	vpop (erf)  }
0x392: {  	v62 =	vpop (erf);
	v12 =	vadd.f32 v58, v57  }
0x393: {  	v20 =	vadd.f32 $1.000000000e+00, v61;
	v21 =	vadd.f32 $1.000000000e+00, v62  }
0x394: {  	v22 =	vpop (erf);
	v14 =	vadd.f32 v60, v59;
	v12 =	vsub.f32 $0.0e+00, v12  }
0x395: {  	(erf) = vrcp.f32 v20;
	v23 =	vadd.f32 $1.000000000e+00, v22  }
0x396: {  	(erf) = vrcp.f32 v21;
	v14 =	vsub.f32 $0.0e+00, v14;
	v24 =	vpop (erf);
	v12 =	vmul.f32 $1.442695020e+00, v12  }
0x397: {  	(erf) = vrcp.f32 v23;
	v15 =	vadd.f32 $1.000000000e+00, v24  }
0x398: {  	v25 =	vmul.f32 $1.442695020e+00, v14;
	(erf) = vpow2.f32 v12  }
0x399: {  	(erf) = vrcp.f32 v15  }
0x39a: {  	(erf) = vpow2.f32 v25;
	_ =	sdelay $0x2  }
0x39b: {  	v26 =	vld [tilespmem:s9+$0x460]  }
0x39c: {  	v27 =	vpop (erf)  }
0x39d: {  	v28 =	vpop (erf)  }
0x39e: {  	v29 =	vpop (erf)  }
0x39f: {  	v30 =	vpop (erf)  }
0x3a0: {  	v12 =	vmul.f32 v29, v26;
	v31 =	vpop (erf)  }
0x3a1: {  	v16 =	vadd.f32 $1.000000000e+00, v30;
	v32 =	vpop (erf)  }
0x3a2: {  	[tilespmem:s3+$0xFFFFFF60] =	vst v12;
	v33 =	vadd.f32 $1.000000000e+00, v32  }
0x3a3: {  	v34 =	vld [tilespmem:s2+$0xFFFFFF70];
	(erf) = vrcp.f32 v16  }
0x3a4: {  	v35 =	vld [tilespmem:s9+$0x70];
	(erf) = vrcp.f32 v33;
	_ =	sdelay $0x2  }
0x3a5: {  	v36 =	vld [tilespmem:s30+$0x460];
	_ =	sdelay $0x1  }
0x3a6: {  	v37 =	vld [tilespmem:s1+$0x460];
	v16 =	vadd.f32 v35, v34;
	_ =	sdelay $0x1  }
0x3a7: {  	v16 =	vsub.f32 $0.0e+00, v16  }
0x3a8: {  	v12 =	vmul.f32 v31, v36;
	v38 =	vpop (erf)  }
0x3a9: {  	v16 =	vmul.f32 $1.442695020e+00, v16;
	v39 =	vpop (erf)  }
0x3aa: {  	[tilespmem:s3+$0xFFFFFFE0] =	vst v12;
	v40 =	vmul.f32 v39, v37  }
0x3ab: {  	v41 =	vld [tilespmem:s2+$0xFFFFFFF0];
	(erf) = vpow2.f32 v16  }
0x3ac: {  	v42 =	vld [tilespmem:s30+$0x70];
	[tilespmem:s3+$0x60] =	vst v40  }
0x3ad: {  	v43 =	vld [tilespmem:s2+$0x70]  }
0x3ae: {  	v44 =	vld [tilespmem:s1+$0x70];
	_ =	sdelay $0x3  }
0x3af: {  	v12 =	vadd.f32 v42, v41  }
0x3b0: {  	v16 =	vadd.f32 v44, v43  }
0x3b1: {  	v12 =	vsub.f32 $0.0e+00, v12;
	v45 =	vpop (erf)  }
0x3b2: {  	v17 =	vadd.f32 $1.000000000e+00, v45;
	v16 =	vsub.f32 $0.0e+00, v16  }
0x3b3: {  	v12 =	vmul.f32 $1.442695020e+00, v12  }
0x3b4: {  	(erf) = vrcp.f32 v17;
	v16 =	vmul.f32 $1.442695020e+00, v16  }
0x3b5: {  	(erf) = vpow2.f32 v12  }
0x3b6: {  	(erf) = vpow2.f32 v16;
	_ =	sdelay $0x6  }
0x3b7: {  	v48 =	vld [tilespmem:s15+$0x470];
	v47 =	vpop (erf)  }
0x3b8: {  	v50 =	vld [tilespmem:s16+$0x470];
	v49 =	vpop (erf)  }
0x3b9: {  	v46 =	vld [tilespmem:s17+$0x470];
	v18 =	vadd.f32 $1.000000000e+00, v49;
	v51 =	vpop (erf)  }
0x3ba: {  	v53 =	vld [tilespmem:s22+$0x470];
	v20 =	vadd.f32 $1.000000000e+00, v51  }
0x3bb: {  	v4 =	vmul.f32 v8, v4;
	v52 =	vld [tilespmem:s21+$0x470];
	(erf) = vrcp.f32 v18  }
0x3bc: {  	[tilespmem:s14+$0x70] =	vst v5;
	v5 =	vld [tilespmem:s19+$0x470];
	v54 =	vmul.f32 v7, v48;
	(erf) = vrcp.f32 v20  }
0x3bd: {  	[tilespmem:s18+$0xFFFFFF70] =	vst v4;
	v55 =	vld [tilespmem:s20+$0x470];
	v4 =	vmul.f32 v9, v50  }
0x3be: {  	v6 =	vmul.f32 v6, v46;
	[tilespmem:s18+$0xFFFFFFF0] =	vst v54;
	v56 =	vld [tilespmem:s31+$0x470]  }
0x3bf: {  	[tilespmem:s18+$0x70] =	vst v4;
	v4 =	vmul.f32 v11, v53;
	v58 =	vld [tilespmem:s9+$0x470]  }
0x3c0: {  	[tilespmem:s18+$0xF0] =	vst v6;
	v57 =	vmul.f32 v10, v52;
	v59 =	vld [tilespmem:s30+$0x470]  }
0x3c1: {  	[tilespmem:s23+$0xFFFFFF70] =	vst v4;
	v5 =	vmul.f32 v27, v5;
	v60 =	vld [tilespmem:s1+$0x470]  }
0x3c2: {  	[tilespmem:s23+$0xF0] =	vst v57;
	v4 =	vmul.f32 v28, v55  }
0x3c3: {  	[tilespmem:s23+$0xFFFFFFF0] =	vst v5;
	v5 =	vmul.f32 v38, v56  }
0x3c4: {  	[tilespmem:s23+$0x70] =	vst v4;
	v4 =	vmul.f32 v47, v58;
	v61 =	vpop (erf)  }
0x3c5: {  	[tilespmem:s3+$0xF0] =	vst v5;
	v5 =	vmul.f32 v61, v59;
	v62 =	vpop (erf)  }
0x3c6: {  	[tilespmem:s3+$0xFFFFFF70] =	vst v4;
	v4 =	vmul.f32 v62, v60  }
0x3c7: {  	[tilespmem:s3+$0xFFFFFFF0] =	vst v5  }
0x3c8: {  	[tilespmem:s3+$0x70] =	vst v4  }
0x3c9: {  	s5 =	rddreg [dreg:$0x7]  }
0x3ca: {  	s0 =	smul.u32 $0x6000, s11;
	p1 =	sne.s32 s13, s5  }
.Ltmp2:
0x3cb: {  	s29 =	sshll.u32 s12, $0x8;
	(pc) =	sbr.rel @p1 .LBB2_4-.Ltmp2, $4  }
0x3cc: {  	s4 =	simm.s32 $0x30;
	p0 =	por !p0, !p0;
	s0 =	sshrl.u32 s0, $0x2  }
0x3cd: {  	s12 =	smov.u32 s13;
	s0 =	sadd.s32 $0x9400, s0;
	s1 =	sand.u32 $0x300, s29  }
0x3ce: {  	s31 =	rddreg [dreg:$0x1];
	s30 =	sadd.s32 $0x9, s11;
	s1 =	sor.u32 $0x80, s1  }
0x3cf: {  	[spmem:s31] =	stream.indirect.scatter.add.f32 [tilespmem:s0], [sflag:s30], $0x80, s1, s4, $0xb8;
	v63 =	vld [tilespmem:$0x0]  }
0x3d0: {  	s0 =	simm.s32 $0x9  }
0x3d1: {  	_ =	swait.ge [sflag:s0], $0x1800  }
0x3d2: {  	[sflag:s0] =	ssyncset.done $0x0  }
0x3d3: {  	s29 =	simm.s32 $0xA;
	[sflag:s0] =	ssyncadd.s32 $0xFFFFE800  }
0x3d4: {  	_ =	swait.ge [sflag:s29], $0x1800  }
0x3d5: {  	[sflag:s29] =	ssyncset.done $0x0  }
0x3d6: {  	[sflag:s29] =	ssyncadd.s32 $0xFFFFE800  }
0x3d7: {  	s30 =	stileid.u32;
	[bflag:$0x0] =	sbarrier.arrive $0xFFFF  }
0x3d8: {  	s0 =	sshll.u32 s30, $0x6;
	s3 =	rddreg [dreg:$0x9]  }
0x3d9: {  	s0 =	sor.u32 $0x1C0B, s0;
	s2 =	rddreg [dreg:$0x18];
	s1 =	sshrl.u32 s3, $0x3  }
0x3da: {  	[hbm:s2], [sflag:s0] =	dma.local [spmem:s1], $0x2780  }
0x3db: {  	s2 =	simm.s32 $0xB  }
0x3dc: {  	_ =	swait.ge [sflag:s2], $0x2780  }
0x3dd: {  	s8 =	rddreg [dreg:$0x3]  }
0x3de: {  	s31 =	rddreg [dreg:$0x19];
	s8 =	sadd.s32 $0x1, s8  }
0x3df: {  	p0 =	sne.s32 s8, s31  }
.Ltmp3:
0x3e0: {  	_ = 	snop;
	(pc) =	sbr.rel @p0 .LBB2_1-.Ltmp3, $3  }
0x3e1: {  	_ =	sdelay $0x1  }
0x3e2: {  	[sflag:s2] =	ssyncset.done $0x0  }
0x3e3: {  	[sflag:s2] =	ssyncadd.s32 $0xFFFFD880  }
0x3e4: {  	_ =	sfence.sel $0x180000  }
0x3e5: {  	[bflag:$0x0] =	sbarrier.arrive $0xFFFF  }
0x3e6: {  	_ =	strace $0x9000004D  }
0x3e7: {  	s0 =	stileid.u32;
	[bflag:$0x2] =	sbarrier.arrive $0xFFFF  }
0x3e8: {  	p0 =	sne.s32 s0, $0x0;
	s0 =	rddreg [dreg:$0x2]  }
0x3e9: {  	s0 =	sadd.s32 @!p0 $0x100000, s0  }
0x3ea: {  	[sflag:s0] =	ssyncadd.tile.s32 @!p0 $0x1;
	_ =	shalt  }
.Lfunc_end2:
_tile_overlayer_lowered:
.L_overlay_start_2:
0x3eb: {  	(tag) =	ssettag $0x2  }
0x3ec: {  	s0 =	rddreg [dreg:$0x0];
	s2 =	stileid.u32  }
0x3ed: {  	s1 =	rddreg [dreg:$0x1];
	p0 =	sne.s32 s2, $0x0  }
0x3ee: {  	s3 =	rddreg [dreg:$0x2];
	[bflag:$0x3] =	sbarrier.arrive $0xFFFF;
	s2 =	simm.s32 @!p0 $0x1C0B  }
0x3ef: {  	[timem:s3], [sflag:s2] =	dma.local @!p0 [hbm:s0], s1  }
0x3f0: {  	s0 =	simm.s32 @!p0 $0xB  }
0x3f1: {  	_ =	swait.ge @!p0 [sflag:s0], s1  }
0x3f2: {  	s1 =	ssub.s32 @!p0 $0x0, s1;
	[sflag:s0] =	ssyncset.done @!p0 $0x0  }
0x3f3: {  	[sflag:s0] =	ssyncadd.s32 @!p0 s1  }
0x3f4: {  	[bflag:$0x3] =	sbarrier.arrive $0xFFFF  }
0x3f5: {  	_ =	shalt  }

// kernel: kernel.7.cloned.1.call-start
scs
__scs_entry_jumppad:
0x0: {  	(pc) =	sbr.rel $0x88, $3  }
0x1: {  	(tag) =	ssettag $0x0;
	lr =	simm.s32 $0x1  }
0x2: {  	[smem:$0x3F92] =	sst lr;
	_ =	strace $0xD0000000  }
0x3: {  	_ = 	snop  }
0x4: {  	_ = 	snop  }
0x5: {  	_ = 	snop  }
0x6: {  	_ = 	snop  }
0x7: {  	_ = 	snop  }
__scs_overlays_trampoline_lowered:
0x8: {  	[smem:$0x3FA1] =	sst s0  }
0x9: {  	[smem:$0x3FA2] =	sst s1  }
0xa: {  	[smem:$0x3FA3] =	sst s2  }
0xb: {  	[smem:$0x3FA4] =	sst s3  }
0xc: {  	[smem:$0x3FA5] =	sst s4  }
0xd: {  	[smem:$0x3FA6] =	sst s5  }
0xe: {  	[smem:$0x3FA7] =	sst s6  }
0xf: {  	[smem:$0x3FA8] =	sst s7  }
0x10: {  	[smem:$0x3FA9] =	sst s8  }
0x11: {  	[smem:$0x3FAA] =	sst s9;
	s0 =	simm.s32 @!p0 $0x0  }
0x12: {  	s1 =	sld [smem:$0x3F90];
	s0 =	simm.s32 @p0 $0x1  }
0x13: {  	[smem:$0x3FAB] =	sst s0;
	s0 =	simm.s32 @!p1 $0x0  }
0x14: {  	s2 =	sld [smem:$0x3F8F];
	s0 =	simm.s32 @p1 $0x1  }
0x15: {  	[smem:$0x3FAC] =	sst s0;
	s0 =	simm.s32 @!p2 $0x0  }
0x16: {  	s3 =	sld [smem:$0x3FDB];
	s0 =	simm.s32 @p2 $0x1  }
0x17: {  	s4 =	simm.s32 $0x1BF5;
	[smem:$0x3FAE] =	sst s0  }
0x18: {  	s0 =	sld [smem:$0x3F91];
	_ =	swait.ge [sflag:s4], $0x0  }
0x19: {  	s7 =	sld [smem:$0x3F92]  }
0x1a: {  	s8 =	sadd.s32 $0xFFFFE003, lr  }
0x1b: {  	s9 =	sadd.s32 $0xFFFFFEF7, lr;
	s5 =	simm.s32 $0xFFFFFFFF;
	p2 =	slt.u32 s8, $0xFFFFF086  }
0x1c: {  	p1 =	slt.u32 s9, $0xF7A;
	s5 =	simm.s32 @!p2 $0x0  }
0x1d: {  	s5 =	simm.s32 @p1 $0x1;
	p0 =	seq.s32 s7, s2  }
0x1e: {  	s7 =	smul.u32 @!p0 $0xF7A, s2;
	p2 =	seq.s32 @!p0 s5, $0x0  }
0x1f: {  	s9 =	smul.u32 $0xF7A, s1;
	s8 =	simm.s32 @!p0 $0x1BF5;
	p2 =	por !p2, p0  }
0x20: {  	[sflag:s8] =	ssyncset.s32 @!p0 $0xFFFFF086;
	s6 =	sadd.s32 @!p0 s3, s7;
	s7 =	simm.s32 @!p0 $0x108  }
0x21: {  	s3 =	sadd.s32 s3, s9;
	s6 =	sadd.s32 @!p0 $0x88, s6;
	s7 =	simm.s32 @p2 $0x1082  }
0x22: {  	[simem:s7], [sflag:s8] =	dma.local @!p0 [hbm:s6], $0xF7A  }
0x23: {  	s9 =	sor.u32 $0xD0000000, s2;
	s6 =	simm.s32 $0x108;
	_ =	swait.ge @!p0 [sflag:s8], $0x0  }
0x24: {  	s3 =	sadd.s32 $0x88, s3;
	s6 =	simm.s32 @!p1 $0x1082;
	[sflag:s4] =	ssyncset.s32 $0xFFFFF086  }
0x25: {  	[simem:s6], [sflag:s4] =	dma.local [hbm:s3], $0xF7A  }
0x26: {  	[smem:$0x3F92] =	sst s1;
	(tag) =	ssettag s2;
	_ =	strace s9  }
0x27: {  	s1 =	sld [smem:$0x3FA2]  }
0x28: {  	s2 =	sld [smem:$0x3FA3]  }
0x29: {  	s4 =	sld [smem:$0x3FA5]  }
0x2a: {  	p0 =	seq.s32 s5, $0x0;
	s5 =	sld [smem:$0x3FA6]  }
0x2b: {  	s6 =	sld [smem:$0x3FA7]  }
0x2c: {  	s7 =	sld [smem:$0x3FA8]  }
0x2d: {  	s3 =	simm.s32 $0x108;
	s8 =	sld [smem:$0x3FA9]  }
0x2e: {  	s3 =	simm.s32 @!p0 $0x1082;
	s9 =	sld [smem:$0x3FAA]  }
0x2f: {  	lr =	sadd.s32 s0, s3;
	s0 =	sld [smem:$0x3FA1]  }
0x30: {  	s3 =	sld [smem:$0x3FA4]  }
0x31: {  	[smem:$0x3FAD] =	sst s10  }
0x32: {  	s10 =	sld [smem:$0x3FAB];
	_ =	sdelay $0x3  }
0x33: {  	p0 =	seq.s32 s10, $0x1;
	s10 =	sld [smem:$0x3FAD];
	_ =	sdelay $0x3  }
0x34: {  	[smem:$0x3FAD] =	sst s10  }
0x35: {  	s10 =	sld [smem:$0x3FAC];
	_ =	sdelay $0x3  }
0x36: {  	p1 =	seq.s32 s10, $0x1;
	s10 =	sld [smem:$0x3FAD];
	_ =	sdelay $0x3  }
0x37: {  	[smem:$0x3FAD] =	sst s10  }
0x38: {  	s10 =	sld [smem:$0x3FAE]  }
0x39: {  	_ = 	snop;
	(pc) =	sbr.ind lr, $3  }
0x3a: {  	_ = 	snop  }
0x3b: {  	_ = 	snop  }
0x3c: {  	p2 =	seq.s32 s10, $0x1;
	s10 =	sld [smem:$0x3FAD]  }
0x3d: {  	_ =	shalt  }
0x3e: {  	_ =	shalt  }
0x3f: {  	_ =	shalt  }
0x40: {  	_ =	shalt  }
0x41: {  	_ =	shalt  }
0x42: {  	_ =	shalt  }
0x43: {  	_ =	shalt  }
0x44: {  	_ =	shalt  }
0x45: {  	_ =	shalt  }
0x46: {  	_ =	shalt  }
0x47: {  	_ =	shalt  }
0x48: {  	_ =	shalt  }
0x49: {  	_ =	shalt  }
0x4a: {  	_ =	shalt  }
0x4b: {  	_ =	shalt  }
0x4c: {  	_ =	shalt  }
0x4d: {  	_ =	shalt  }
0x4e: {  	_ =	shalt  }
0x4f: {  	_ =	shalt  }
0x50: {  	_ =	shalt  }
0x51: {  	_ =	shalt  }
0x52: {  	_ =	shalt  }
0x53: {  	_ =	shalt  }
0x54: {  	_ =	shalt  }
0x55: {  	_ =	shalt  }
0x56: {  	_ =	shalt  }
0x57: {  	_ =	shalt  }
0x58: {  	_ =	shalt  }
0x59: {  	_ =	shalt  }
0x5a: {  	_ =	shalt  }
0x5b: {  	_ =	shalt  }
0x5c: {  	_ =	shalt  }
0x5d: {  	_ =	shalt  }
0x5e: {  	_ =	shalt  }
0x5f: {  	_ =	shalt  }
0x60: {  	_ =	shalt  }
0x61: {  	_ =	shalt  }
0x62: {  	_ =	shalt  }
0x63: {  	_ =	shalt  }
0x64: {  	_ =	shalt  }
0x65: {  	_ =	shalt  }
0x66: {  	_ =	shalt  }
0x67: {  	_ =	shalt  }
0x68: {  	_ =	shalt  }
0x69: {  	_ =	shalt  }
0x6a: {  	_ =	shalt  }
0x6b: {  	_ =	shalt  }
0x6c: {  	_ =	shalt  }
0x6d: {  	_ =	shalt  }
0x6e: {  	_ =	shalt  }
0x6f: {  	_ =	shalt  }
0x70: {  	_ =	shalt  }
0x71: {  	_ =	shalt  }
0x72: {  	_ =	shalt  }
0x73: {  	_ =	shalt  }
0x74: {  	_ =	shalt  }
0x75: {  	_ =	shalt  }
0x76: {  	_ =	shalt  }
0x77: {  	_ =	shalt  }
0x78: {  	_ =	shalt  }
0x79: {  	_ =	shalt  }
0x7a: {  	_ =	shalt  }
0x7b: {  	_ =	shalt  }
0x7c: {  	_ =	shalt  }
0x7d: {  	_ =	shalt  }
0x7e: {  	_ =	shalt  }
0x7f: {  	_ =	shalt  }
0x80: {  	_ =	shalt  }
0x81: {  	_ =	shalt  }
0x82: {  	_ =	shalt  }
0x83: {  	_ =	shalt  }
0x84: {  	_ =	shalt  }
0x85: {  	_ =	shalt  }
0x86: {  	_ =	shalt  }
0x87: {  	_ =	shalt  }
.Lfunc_end0:
.L_simem_size_0:
called_computation_lowered:
.L_overlay_start_0:
0x88: {  	s2 =	sld [smem:$0x3FD9]  }
0x89: {  	s3 =	sld [smem:$0x3FFE];
	_ =	sdelay $0x1  }
0x8a: {  	s1 =	srdreg.scid  }
0x8b: {  	s0 =	sand.u32 $0x1, s1  }
0x8c: {  	s17 =	sshll.u32 s0, $0xA;
	s2 =	sadd.s32 s3, s2  }
0x8d: {  	s2 =	sadd.s32 s2, s17  }
0x8e: {  	[smem:$0x3FB9] =	sst s2  }
0x8f: {  	_ = 	snop  }
0x90: {  	s18 =	sld [smem:$0x3FC7];
	(tm) =	ssettm $0x1  }
0x91: {  	s19 =	sld [smem:$0x3FFB];
	_ =	sdelay $0x3  }
0x92: {  	_ =	strace s19  }
0x93: {  	s2 =	sld [smem:$0x3FFC];
	_ =	sdelay $0x3  }
0x94: {  	_ =	strace s2  }
0x95: {  	s2 =	sld [smem:$0x3FFD];
	_ =	sdelay $0x3  }
0x96: {  	_ =	strace s2  }
0x97: {  	_ =	strace $0x8FFFFFFF  }
0x98: {  	s20 =	sld [smem:$0x3FDB];
	_ =	sdelay $0x1  }
0x99: {  	s4 =	simm.s32 $_scs_section_size  }
0x9a: {  	s5 =	simm.s32 $_size__tile_overlayer_lowered;
	s6 =	simm.s32 $_tile_overlayer_lowered  }
0x9b: {  	s7 =	simm.s32 $0x1BFF;
	s21 =	sshll.u32 s6, $0x1;
	s4 =	sadd.s32 s4, s20  }
0x9c: {  	s22 =	simm.s32 $0x0;
	s5 =	sshll.u32 s5, $0x1;
	s6 =	sadd.s32 s21, s4  }
0x9d: {  	[timem:s22], [sflag:s7] =	dma.local [hbm:s6], s5  }
0x9e: {  	_ =	swait.ge [sflag:s7], s5  }
0x9f: {  	s5 =	ssub.s32 $0x0, s5;
	[sflag:s7] =	ssyncset.done $0x0  }
0xa0: {  	[sflag:s7] =	ssyncadd.s32 s5;
	_ =	sdelay $0x1  }
0xa1: {  	s23 =	simm.s32 $0x1B8B  }
0xa2: {  	_ =	swait.ge [sflag:s23], $0x1  }
0xa3: {  	[sflag:s23] =	ssyncset.done $0x0  }
0xa4: {  	[sflag:s23] =	ssyncadd.s32 $0xFFFFFFFF  }
0xa5: {  	s5 =	sld [smem:$0x0]  }
0xa6: {  	s6 =	sand.u32 $0xFFFFFFFE, s1  }
0xa7: {  	p0 =	sne.s32 s1, s6  }
0xa8: {  	s6 =	sshll.u32 @p0 s6, $0xE  }
0xa9: {  	s6 =	sadd.s32 @p0 $0x11B8D, s6;
	s7 =	sshll.u32 @p0 s5, $0x11  }
0xaa: {  	s6 =	sor.u32 @p0 s7, s6  }
0xab: {  	[sflag:s6] =	ssyncadd.remote.s32 @p0 $0x1;
	_ =	sdelay $0x1  }
0xac: {  	s6 =	simm.s32 @p0 $0x1B8D  }
0xad: {  	_ =	swait.eq @p0 [sflag:s6], $0x1  }
0xae: {  	[sflag:s6] =	ssyncadd.s32 @p0 $0xFFFFFFFF  }
0xaf: {  	s7 =	sshll.u32 @!p0 s1, $0xE  }
0xb0: {  	s7 =	sor.u32 @!p0 $0x4000, s7;
	s6 =	simm.s32 @!p0 $0x1B8D  }
0xb1: {  	s5 =	sshll.u32 @!p0 s5, $0x11;
	s7 =	sadd.s32 @!p0 $0x11B8D, s7;
	_ =	swait.eq @!p0 [sflag:s6], $0x1  }
0xb2: {  	s5 =	sor.u32 @!p0 s5, s7;
	[sflag:s6] =	ssyncadd.s32 @!p0 $0xFFFFFFFF  }
0xb3: {  	s25 =	simm.s32 $0x1B8E;
	s24 =	sld [smem:$0x3FFE];
	[sflag:s5] =	ssyncadd.remote.s32 @!p0 $0x1  }
0xb4: {  	s26 =	simm.s32 $execute0_lowered;
	[smem:$0x3FD2] =	sst s25  }
0xb5: {  	s6 =	sshll.u32 s26, $0x1;
	_ =	strace $0x80000049;
	[dreg:$0x1] =	wrdreg $0xFFFFFFFF  }
0xb6: {  	s28 =	simm.s32 $_size_execute0_lowered;
	s4 =	sadd.s32 s4, s6;
	[dreg:$0x0] =	wrdreg $0x0  }
0xb7: {  	s6 =	sshll.u32 s28, $0x1;
	[dreg:$0x2] =	wrdreg s4  }
0xb8: {  	[dreg:$0x3] =	wrdreg s6  }
0xb9: {  	[dreg:$0x4] =	wrdreg $0xC0  }
0xba: {  	_ =	task [dreg:s22], $0x5FFFF  }
0xbb: {  	[dreg:$0x1] =	wrdreg $0xFFFFFFFF  }
0xbc: {  	[dreg:$0x0] =	wrdreg $0x60  }
0xbd: {  	[dreg:$0x2] =	wrdreg s24  }
0xbe: {  	[dreg:$0x3] =	wrdreg s18  }
0xbf: {  	[dreg:$0x4] =	wrdreg $0x44000  }
0xc0: {  	[dreg:$0x5] =	wrdreg $0x9  }
0xc1: {  	_ =	task.clear_ibuf [dreg:s22], $0x6FFFF;
	_ =	strace $0x90000049  }
0xc2: {  	s29 =	simm.s32 $0x9;
	_ =	strace $0x8000004B  }
0xc3: {  	_ =	swait.ge [sflag:s29], $0x1  }
0xc4: {  	[sflag:s29] =	ssyncadd.s32 $0xFFFFFFFF  }
0xc5: {  	_ =	strace $0x9000004B  }
0xc6: {  	_ =	sfence  }
0xc7: {  	s30 =	sld [smem:$0x0];
	_ =	sdelay $0x2  }
0xc8: {  	s31 =	sshll.u32 s1, $0xD;
	s1 =	sshrl.u32 s1, $0x2  }
0xc9: {  	s4 =	sand.u32 $0x4000, s31;
	s1 =	sadd.s32 s1, s30  }
0xca: {  	s0 =	sor.u32 s4, s0;
	s1 =	sshll.u32 s1, $0x11  }
0xcb: {  	s0 =	sor.u32 s1, s0  }
0xcc: {  	s0 =	sadd.s32 $0x8F2B, s0  }
0xcd: {  	[sflag:s0] =	ssyncadd.remote.s32 $0x1  }
0xce: {  	_ =	sfence.sel $0xFFFF  }
0xcf: {  	[dreg:$0x0] =	wrdreg $0xFFFFFFFF;
	(pc) =	sbr.abs _section_cstart, $3  }
0xd0: {  	[dreg:$0x1] =	wrdreg $0xFFFFFFFF  }
0xd1: {  	_ =	task.clear_ibuf [dreg:s22], $0x2FFFF;
	_ =	strace $0x9FFFFFFF  }
0xd2: {  	(tm) =	ssettm $0x7FFFFFFF  }
0xd3: {  	_ =	shalt  }
tec
execute0_lowered:
.L_overlay_start_1:
0x0: {  	(tag) =	ssettag $0x1  }
0x1: {  	s0 =	rddreg [dreg:$0x0]  }
0x2: {  	s2 =	rddreg [dreg:$0x1];
	s8 =	stileid.u32  }
0x3: {  	s3 =	rddreg [dreg:$0x2];
	s4 =	smul.u32 $0x38, s8  }
0x4: {  	s1 =	srdreg.scid;
	s5 =	smul.u32 $0x104, s8  }
0x5: {  	s29 =	simm.s32 $0x5;
	s1 =	sand.u32 $0x1, s1;
	s7 =	smul.u32 $0x2780, s8  }
0x6: {  	s31 =	simm.s32 $0x8;
	s8 =	smul.u32 $0x4F000, s8;
	p0 =	seq.s32 s1, $0x0  }
0x7: {  	s18 =	smul.u32 $0x27800, s1;
	s1 =	ssub.s32 $0x2, s1;
	s6 =	sadd.s32 $0x1040, s4  }
0x8: {  	s4 =	simm.s32 $0x0;
	s19 =	sshrl.u32 s8, $0x2;
	s20 =	sshrl.u32 s1, $0x1  }
0x9: {  	s6 =	smov.u32 @p0 s5;
	[smem:$0x7FF] =	sst s4;
	s5 =	sadd.s32 s7, s18  }
0xa: {  	s1 =	ssub.s32 s1, s20;
	s6 =	sshll.u32 s6, $0x5;
	_ =	strace $0x8000004A  }
0xb: {  	s9 =	sadd.s32 s6, s0;
	s0 =	sadd.s32 s5, s0;
	s6 =	sadd.s32 s19, s3  }
0xc: {  	s5 =	simm.s32 $0x104;
	s19 =	smax.u32 s1, $0x1;
	s21 =	sadd.s32 $0x2000, s6  }
0xd: {  	s1 =	simm.s32 $0x0;
	s22 =	sadd.s32 $0x4000, s6;
	[dreg:$0x4] =	wrdreg s21  }
0xe: {  	s5 =	simm.s32 @!p0 $0x38;
	s23 =	sadd.s32 $0x6000, s6;
	[dreg:$0x5] =	wrdreg s22  }
0xf: {  	s24 =	sadd.s32 $0x8000, s6;
	s25 =	sadd.s32 $0xA000, s6;
	[dreg:$0x6] =	wrdreg s23  }
0x10: {  	s26 =	sadd.s32 $0xC000, s6;
	s28 =	sadd.s32 $0xE000, s6;
	[dreg:$0x7] =	wrdreg s24  }
0x11: {  	s30 =	sadd.s32 $0x10000, s6;
	s15 =	sadd.s32 $0x12000, s6;
	[dreg:$0x8] =	wrdreg s25  }
0x12: {  	s16 =	sadd.s32 $0x2C200, s9;
	s17 =	sadd.s32 $0x2C220, s9;
	[dreg:$0x9] =	wrdreg s26  }
0x13: {  	s18 =	sadd.s32 $0x53A00, s0;
	s20 =	sadd.s32 $0x2C240, s9;
	[dreg:$0xa] =	wrdreg s28  }
0x14: {  	[dreg:$0xb] =	wrdreg s30;
	s21 =	sadd.s32 $0x2C260, s9;
	s22 =	simm.s32 $0x9  }
0x15: {  	v0 =	vimm.f32 $0.0e+00;
	s23 =	simm.s32 $0x100;
	s24 =	simm.s32 $0x40;
	s26 =	simm.s32 $0x2  }
.LBB2_1:
0x16: {  	s25 =	simm.s32 $0x500  }
0x17: {  	[tilespmem:s25+$0xFFFFFF00] =	vst v0  }
0x18: {  	[tilespmem:s25+$0xF0] =	vst v0  }
0x19: {  	[tilespmem:s25+$0xE0] =	vst v0  }
0x1a: {  	[tilespmem:s25+$0xD0] =	vst v0  }
0x1b: {  	[tilespmem:s25+$0xC0] =	vst v0  }
0x1c: {  	[tilespmem:s25+$0xB0] =	vst v0  }
0x1d: {  	[tilespmem:s25+$0xA0] =	vst v0  }
0x1e: {  	[tilespmem:s25+$0x90] =	vst v0  }
0x1f: {  	[tilespmem:s25+$0x80] =	vst v0  }
0x20: {  	[tilespmem:s25+$0x70] =	vst v0  }
0x21: {  	[tilespmem:s25+$0x60] =	vst v0  }
0x22: {  	[tilespmem:s25+$0x50] =	vst v0  }
0x23: {  	[tilespmem:s25+$0x40] =	vst v0  }
0x24: {  	[tilespmem:s25+$0x30] =	vst v0  }
0x25: {  	[tilespmem:s25+$0x20] =	vst v0  }
0x26: {  	[tilespmem:s25+$0x10] =	vst v0  }
0x27: {  	[tilespmem:s25+$0x0] =	vst v0  }
0x28: {  	[tilespmem:s25+$0xFFFFFFF0] =	vst v0  }
0x29: {  	[tilespmem:s25+$0xFFFFFFE0] =	vst v0  }
0x2a: {  	[tilespmem:s25+$0xFFFFFFD0] =	vst v0  }
0x2b: {  	[tilespmem:s25+$0xFFFFFFC0] =	vst v0  }
0x2c: {  	[tilespmem:s25+$0xFFFFFFB0] =	vst v0  }
0x2d: {  	[tilespmem:s25+$0xFFFFFFA0] =	vst v0  }
0x2e: {  	[tilespmem:s25+$0xFFFFFF90] =	vst v0  }
0x2f: {  	[tilespmem:s25+$0xFFFFFF80] =	vst v0  }
0x30: {  	[tilespmem:s25+$0xFFFFFF70] =	vst v0  }
0x31: {  	[tilespmem:s25+$0xFFFFFF60] =	vst v0  }
0x32: {  	[tilespmem:s25+$0xFFFFFF50] =	vst v0  }
0x33: {  	[tilespmem:s25+$0xFFFFFF40] =	vst v0  }
0x34: {  	[tilespmem:s25+$0xFFFFFF30] =	vst v0  }
0x35: {  	s0 =	simm.s32 $0x0;
	[tilespmem:s25+$0xFFFFFF20] =	vst v0  }
.LBB2_2:
0x36: {  	s0 =	sadd.s32 $0x4, s0;
	[tilespmem:s25+$0xFFFFFF10] =	vst v0;
	s25 =	sadd.s32 $0x200, s25  }
0x37: {  	[tilespmem:s25+$0xFFFFFF00] =	vst v0;
	p0 =	slt.u32 s0, $0x3C  }
0x38: {  	[tilespmem:s25+$0xF0] =	vst v0  }
0x39: {  	[tilespmem:s25+$0xE0] =	vst v0  }
0x3a: {  	[tilespmem:s25+$0xD0] =	vst v0  }
0x3b: {  	[tilespmem:s25+$0xC0] =	vst v0  }
0x3c: {  	[tilespmem:s25+$0xB0] =	vst v0  }
0x3d: {  	[tilespmem:s25+$0xA0] =	vst v0  }
0x3e: {  	[tilespmem:s25+$0x90] =	vst v0  }
0x3f: {  	[tilespmem:s25+$0x80] =	vst v0  }
0x40: {  	[tilespmem:s25+$0x70] =	vst v0  }
0x41: {  	[tilespmem:s25+$0x60] =	vst v0  }
0x42: {  	[tilespmem:s25+$0x50] =	vst v0  }
0x43: {  	[tilespmem:s25+$0x40] =	vst v0  }
0x44: {  	[tilespmem:s25+$0x30] =	vst v0  }
0x45: {  	[tilespmem:s25+$0x20] =	vst v0  }
0x46: {  	[tilespmem:s25+$0x10] =	vst v0  }
0x47: {  	[tilespmem:s25+$0x0] =	vst v0  }
0x48: {  	[tilespmem:s25+$0xFFFFFFF0] =	vst v0  }
0x49: {  	[tilespmem:s25+$0xFFFFFFE0] =	vst v0  }
0x4a: {  	[tilespmem:s25+$0xFFFFFFD0] =	vst v0  }
0x4b: {  	[tilespmem:s25+$0xFFFFFFC0] =	vst v0  }
0x4c: {  	[tilespmem:s25+$0xFFFFFFB0] =	vst v0  }
0x4d: {  	[tilespmem:s25+$0xFFFFFFA0] =	vst v0  }
0x4e: {  	[tilespmem:s25+$0xFFFFFF90] =	vst v0  }
0x4f: {  	[tilespmem:s25+$0xFFFFFF80] =	vst v0  }
0x50: {  	[tilespmem:s25+$0xFFFFFF70] =	vst v0  }
.Ltmp0:
0x51: {  	[tilespmem:s25+$0xFFFFFF60] =	vst v0;
	(pc) =	sbr.rel @p0 .LBB2_2-.Ltmp0, $4  }
0x52: {  	[tilespmem:s25+$0xFFFFFF50] =	vst v0  }
0x53: {  	[tilespmem:s25+$0xFFFFFF40] =	vst v0  }
0x54: {  	[tilespmem:s25+$0xFFFFFF30] =	vst v0  }
0x55: {  	[tilespmem:s25+$0xFFFFFF20] =	vst v0  }
0x56: {  	[tilespmem:s25+$0xFFFFFF10] =	vst v0;
	s0 =	simm.s32 $0x400  }
0x57: {  	[spmem:s6] =	stream.linear.scatter [tilespmem:s0], [sflag:$0x9], $0x2000, $0x38;
	[tilespmem:$0x18000] =	vst v63  }
0x58: {  	_ =	swait.ge [sflag:s22], $0x2000  }
0x59: {  	[sflag:s22] =	ssyncset.done $0x0  }
0x5a: {  	s7 =	rddreg [dreg:$0x4];
	[sflag:s22] =	ssyncadd.s32 $0xFFFFE000  }
0x5b: {  	[spmem:s7] =	stream.linear.scatter [tilespmem:s0], [sflag:$0x9], $0x2000, $0x38;
	[tilespmem:$0x18000] =	vst v63  }
0x5c: {  	_ =	swait.ge [sflag:s22], $0x2000  }
0x5d: {  	[sflag:s22] =	ssyncset.done $0x0  }
0x5e: {  	s11 =	rddreg [dreg:$0x5];
	[sflag:s22] =	ssyncadd.s32 $0xFFFFE000  }
0x5f: {  	[spmem:s11] =	stream.linear.scatter [tilespmem:s0], [sflag:$0x9], $0x2000, $0x38;
	[tilespmem:$0x18000] =	vst v63  }
0x60: {  	_ =	swait.ge [sflag:s22], $0x2000  }
0x61: {  	[sflag:s22] =	ssyncset.done $0x0  }
0x62: {  	s12 =	rddreg [dreg:$0x6];
	[sflag:s22] =	ssyncadd.s32 $0xFFFFE000  }
0x63: {  	[spmem:s12] =	stream.linear.scatter [tilespmem:s0], [sflag:$0x9], $0x2000, $0x38;
	[tilespmem:$0x18000] =	vst v63  }
0x64: {  	_ =	swait.ge [sflag:s22], $0x2000  }
0x65: {  	[sflag:s22] =	ssyncset.done $0x0  }
0x66: {  	s13 =	rddreg [dreg:$0x7];
	[sflag:s22] =	ssyncadd.s32 $0xFFFFE000  }
0x67: {  	[spmem:s13] =	stream.linear.scatter [tilespmem:s0], [sflag:$0x9], $0x2000, $0x38;
	[tilespmem:$0x18000] =	vst v63  }
0x68: {  	_ =	swait.ge [sflag:s22], $0x2000  }
0x69: {  	[sflag:s22] =	ssyncset.done $0x0  }
0x6a: {  	s14 =	rddreg [dreg:$0x8];
	[sflag:s22] =	ssyncadd.s32 $0xFFFFE000  }
0x6b: {  	[spmem:s14] =	stream.linear.scatter [tilespmem:s0], [sflag:$0x9], $0x2000, $0x38;
	[tilespmem:$0x18000] =	vst v63  }
0x6c: {  	_ =	swait.ge [sflag:s22], $0x2000  }
0x6d: {  	[sflag:s22] =	ssyncset.done $0x0  }
0x6e: {  	s25 =	rddreg [dreg:$0x9];
	[sflag:s22] =	ssyncadd.s32 $0xFFFFE000  }
0x6f: {  	[spmem:s25] =	stream.linear.scatter [tilespmem:s0], [sflag:$0x9], $0x2000, $0x38;
	[tilespmem:$0x18000] =	vst v63  }
0x70: {  	_ =	swait.ge [sflag:s22], $0x2000  }
0x71: {  	[sflag:s22] =	ssyncset.done $0x0  }
0x72: {  	s8 =	rddreg [dreg:$0xa];
	[sflag:s22] =	ssyncadd.s32 $0xFFFFE000  }
0x73: {  	[spmem:s8] =	stream.linear.scatter [tilespmem:s0], [sflag:$0x9], $0x2000, $0x38;
	[tilespmem:$0x18000] =	vst v63  }
0x74: {  	_ =	swait.ge [sflag:s22], $0x2000  }
0x75: {  	[sflag:s22] =	ssyncset.done $0x0  }
0x76: {  	s9 =	rddreg [dreg:$0xb];
	[sflag:s22] =	ssyncadd.s32 $0xFFFFE000  }
0x77: {  	[spmem:s9] =	stream.linear.scatter [tilespmem:s0], [sflag:$0x9], $0x2000, $0x38;
	[tilespmem:$0x18000] =	vst v63  }
0x78: {  	_ =	swait.ge [sflag:s22], $0x2000  }
0x79: {  	[sflag:s22] =	ssyncset.done $0x0  }
0x7a: {  	[sflag:s22] =	ssyncadd.s32 $0xFFFFE000  }
0x7b: {  	[spmem:s15] =	stream.linear.scatter [tilespmem:s0], [sflag:$0x9], $0x1C00, $0x38;
	[tilespmem:$0x18000] =	vst v63  }
0x7c: {  	_ =	swait.ge [sflag:s22], $0x1C00  }
0x7d: {  	[sflag:s22] =	ssyncset.done $0x0  }
0x7e: {  	[sflag:s22] =	ssyncadd.s32 $0xFFFFE400  }
0x7f: {  	[bflag:$0x0] =	sbarrier.arrive $0xFFFF  }
0x80: {  	[tilespmem:s4], [sflag:$0x1] =	stream.linear.gather [hbm4b:s16+s4], $0x100, $0x38;
	[tilespmem:$0x18000] =	vst v63  }
0x81: {  	s10 =	simm.s32 $0x1  }
0x82: {  	[tilespmem:s23], [sflag:$0x2] =	stream.linear.gather [hbm4b:s17+s4], $0x100, $0x38;
	[tilespmem:$0x18000] =	vst v63  }
0x83: {  	_ =	swait.ge [sflag:s10], $0x100  }
0x84: {  	[sflag:s10] =	ssyncset.done $0x0  }
0x85: {  	[sflag:s10] =	ssyncadd.s32 $0xFFFFFF00  }
0x86: {  	[tilespmem:s0], [sflag:$0x5] =	stream.indirect.gather [hbm4b:s2+s24], $0x80, s4, s24, $0xb8;
	[tilespmem:$0x18000] =	vst v63  }
0x87: {  	s8 =	simm.s32 $0x200  }
0x88: {  	[tilespmem:s8], [sflag:$0x3] =	stream.linear.gather [hbm4b:s20+s4], $0x100, $0x38;
	[tilespmem:$0x18000] =	vst v63  }
0x89: {  	_ =	swait.ge [sflag:s26], $0x100  }
0x8a: {  	[sflag:s26] =	ssyncset.done $0x0  }
0x8b: {  	s11 =	simm.s32 $0x2400;
	[sflag:s26] =	ssyncadd.s32 $0xFFFFFF00  }
0x8c: {  	[tilespmem:s11], [sflag:$0x6] =	stream.indirect.gather [hbm4b:s2+s24], $0x80, s23, s24, $0xb8;
	[tilespmem:$0x18000] =	vst v63  }
0x8d: {  	p1 =	sle.u32 s5, $0x3;
	s13 =	sand.u32 $0x1, s10;
	_ =	swait.ge [sflag:s29], $0x2000  }
0x8e: {  	p0 =	sle.u32 s5, $0x2;
	s7 =	sxor.u32 $0x1, s13;
	[sflag:s29] =	ssyncset.done $0x0  }
0x8f: {  	s12 =	simm.s32 $0x80;
	s7 =	sadd.s32 $0x7, s7;
	[sflag:s29] =	ssyncadd.s32 $0xFFFFE000  }
0x90: {  	[spmem:s3] =	stream.indirect.scatter.add.f32 [tilespmem:s0], [sflag:$0x7], $0x80, s12, s24, $0xb8;
	[tilespmem:$0x18000] =	vst v63  }
0x91: {  	s28 =	simm.s32 @!p1 $0x0;
	s9 =	simm.s32 $0x3;
	_ =	swait.ge [sflag:s7], $0x2000  }
0x92: {  	s25 =	simm.s32 $0x2;
	s9 =	sand.u32 @!p1 $0x3, s9;
	[sflag:s7] =	ssyncset.done $0x0  }
0x93: {  	[sflag:s7] =	ssyncadd.s32 $0xFFFFE000;
	s7 =	sshll.u32 @!p1 s9, $0x8;
	s9 =	sadd.s32 @!p1 $0x1, s9  }
0x94: {  	[tilespmem:s7], [sflag:s9] =	stream.linear.gather @!p1 [hbm4b:s21+s28], $0x100, $0x38;
	[tilespmem:$0x18000] =	vst v63  }
0x95: {  	s7 =	sand.u32 @!p0 $0x3, s25  }
0x96: {  	s9 =	sand.u32 @!p0 $0x1, s25;
	s28 =	sadd.s32 @!p0 $0x1, s7  }
0x97: {  	s30 =	sshll.u32 @!p0 s9, $0xD;
	_ =	swait.ge @!p0 [sflag:s28], $0x100  }
0x98: {  	s7 =	sshll.u32 @!p0 s7, $0x8;
	s9 =	sadd.s32 @!p0 $0x5, s9;
	[sflag:s28] =	ssyncset.done @!p0 $0x0  }
0x99: {  	s30 =	sor.u32 @!p0 $0x400, s30;
	[sflag:s28] =	ssyncadd.s32 @!p0 $0xFFFFFF00;
	s28 =	simm.s32 @!p0 $0x40  }
0x9a: {  	[tilespmem:s30], [sflag:s9] =	stream.indirect.gather @!p0 [hbm4b:s2+s28], $0x80, s7, s28, $0xb8;
	[tilespmem:$0x18000] =	vst v63  }
0x9b: {  	p0 =	sne.s32 s5, $0x2  }
.Ltmp1:
0x9c: {  	_ = 	snop;
	(pc) =	sbr.rel @!p0 .LBB2_5-.Ltmp1, $4  }
0x9d: {  	_ = 	snop  }
0x9e: {  	s14 =	sand.u32 $0xC00, s0;
	s8 =	sadd.s32 $0x7, s13  }
0x9f: {  	s0 =	sadd.s32 $0x20, s21;
	s30 =	sshll.u32 s13, $0xD;
	s7 =	sadd.s32 $0x5, s13  }
0xa0: {  	s28 =	simm.s32 $0x800;
	s9 =	sshrl.u32 s14, $0x2;
	_ =	swait.ge [sflag:s7], $0x2000  }
.LBB2_4:
0xa1: {  	s30 =	sor.u32 $0x400, s30;
	[sflag:s7] =	ssyncset.done $0x0  }
0xa2: {  	s9 =	sor.u32 $0x80, s9;
	s10 =	smov.u32 s25;
	s11 =	smov.u32 s28  }
0xa3: {  	s25 =	sadd.s32 $0x1, s25;
	s12 =	sand.u32 $0x1, s10;
	[sflag:s7] =	ssyncadd.s32 $0xFFFFE000  }
0xa4: {  	[spmem:s3] =	stream.indirect.scatter.add.f32 [tilespmem:s30], [sflag:s8], $0x80, s9, s24, $0xb8;
	[tilespmem:$0x18000] =	vst v63  }
0xa5: {  	p0 =	sne.s32 s5, s25;
	s7 =	sxor.u32 $0x1, s12;
	s30 =	sshll.u32 s12, $0xD  }
0xa6: {  	s28 =	sadd.s32 $0x400, s28;
	s8 =	sadd.s32 $0x2, s10;
	s7 =	sadd.s32 $0x7, s7  }
0xa7: {  	p1 =	sge.u32 s25, s5;
	p2 =	sge.u32 s8, s5;
	_ =	swait.ge [sflag:s7], $0x2000  }
0xa8: {  	s8 =	sand.u32 @!p2 $0x3, s8;
	s9 =	simm.s32 @!p2 $0x0;
	[sflag:s7] =	ssyncset.done $0x0  }
0xa9: {  	[sflag:s7] =	ssyncadd.s32 $0xFFFFE000;
	s7 =	sshll.u32 @!p2 s8, $0x8;
	s8 =	sadd.s32 @!p2 $0x1, s8  }
0xaa: {  	[tilespmem:s7], [sflag:s8] =	stream.linear.gather @!p2 [hbm4b:s0+s9], $0x100, $0x38;
	[tilespmem:$0x18000] =	vst v63  }
0xab: {  	s8 =	sand.u32 @!p1 $0x3, s25;
	s9 =	sand.u32 @!p1 $0x1, s25;
	s7 =	sadd.s32 $0x5, s12  }
0xac: {  	s10 =	sadd.s32 @!p1 $0x1, s8;
	s13 =	sshll.u32 @!p1 s9, $0xD;
	s8 =	sshll.u32 @!p1 s8, $0x8  }
.Ltmp2:
0xad: {  	s13 =	sor.u32 @!p1 $0x400, s13;
	_ =	swait.ge @!p1 [sflag:s10], $0x100;
	(pc) =	sbr.rel @p0 .LBB2_4-.Ltmp2, $4  }
0xae: {  	s14 =	simm.s32 @!p1 $0x40;
	s9 =	sadd.s32 @!p1 $0x5, s9;
	[sflag:s10] =	ssyncset.done @!p1 $0x0  }
0xaf: {  	s0 =	sadd.s32 $0x20, s0;
	[sflag:s10] =	ssyncadd.s32 @!p1 $0xFFFFFF00;
	s10 =	sand.u32 $0xC00, s11  }
0xb0: {  	[tilespmem:s13], [sflag:s9] =	stream.indirect.gather @!p1 [hbm4b:s2+s14], $0x80, s8, s14, $0xb8;
	[tilespmem:$0x18000] =	vst v63  }
0xb1: {  	s9 =	sshrl.u32 s10, $0x2;
	s8 =	sadd.s32 $0x7, s12;
	_ =	swait.ge [sflag:s7], $0x2000  }
.LBB2_5:
0xb2: {  	[sflag:s7] =	ssyncset.done $0x0  }
0xb3: {  	s0 =	sor.u32 $0x400, s30;
	s9 =	sor.u32 $0x80, s9;
	[sflag:s7] =	ssyncadd.s32 $0xFFFFE000  }
0xb4: {  	[spmem:s3] =	stream.indirect.scatter.add.f32 [tilespmem:s0], [sflag:s8], $0x80, s9, s24, $0xb8;
	[tilespmem:$0x18000] =	vst v63  }
0xb5: {  	s28 =	stileid.u32;
	_ =	swait.ge [sflag:s31], $0x2000  }
0xb6: {  	s30 =	sshrl.u32 s6, $0x3;
	s1 =	sadd.s32 $0x1, s1;
	[sflag:s31] =	ssyncset.done $0x0  }
0xb7: {  	p0 =	sne.s32 s1, s19;
	s0 =	sshll.u32 s28, $0x6;
	[sflag:s31] =	ssyncadd.s32 $0xFFFFE000  }
.Ltmp3:
0xb8: {  	s0 =	sor.u32 $0x1C09, s0;
	[bflag:$0x0] =	sbarrier.arrive $0xFFFF;
	(pc) =	sbr.rel @p0 .LBB2_1-.Ltmp3, $4  }
0xb9: {  	[hbm:s18], [sflag:s0] =	dma.local [spmem:s30], $0x2780  }
0xba: {  	_ =	swait.ge [sflag:s22], $0x2780  }
0xbb: {  	[sflag:s22] =	ssyncset.done $0x0  }
0xbc: {  	[sflag:s22] =	ssyncadd.s32 $0xFFFFD880  }
0xbd: {  	_ =	sfence.sel $0x180000  }
0xbe: {  	[bflag:$0x0] =	sbarrier.arrive $0xFFFF  }
0xbf: {  	_ =	strace $0x9000004A  }
0xc0: {  	s0 =	stileid.u32;
	[bflag:$0x2] =	sbarrier.arrive $0xFFFF  }
0xc1: {  	p0 =	sne.s32 s0, $0x0;
	s0 =	rddreg [dreg:$0x3]  }
0xc2: {  	s0 =	sadd.s32 @!p0 $0x100000, s0  }
0xc3: {  	[sflag:s0] =	ssyncadd.tile.s32 @!p0 $0x1;
	_ =	shalt  }
.Lfunc_end2:
_tile_overlayer_lowered:
.L_overlay_start_2:
0xc4: {  	(tag) =	ssettag $0x2  }
0xc5: {  	s0 =	rddreg [dreg:$0x0];
	s2 =	stileid.u32  }
0xc6: {  	s1 =	rddreg [dreg:$0x1];
	p0 =	sne.s32 s2, $0x0  }
0xc7: {  	s3 =	rddreg [dreg:$0x2];
	[bflag:$0x3] =	sbarrier.arrive $0xFFFF;
	s2 =	simm.s32 @!p0 $0x1C09  }
0xc8: {  	[timem:s3], [sflag:s2] =	dma.local @!p0 [hbm:s0], s1  }
0xc9: {  	s0 =	simm.s32 @!p0 $0x9  }
0xca: {  	_ =	swait.ge @!p0 [sflag:s0], s1  }
0xcb: {  	s1 =	ssub.s32 @!p0 $0x0, s1;
	[sflag:s0] =	ssyncset.done @!p0 $0x0  }
0xcc: {  	[sflag:s0] =	ssyncadd.s32 @!p0 s1  }
0xcd: {  	[bflag:$0x3] =	sbarrier.arrive $0xFFFF  }
0xce: {  	_ =	shalt  }

</sc_bundles>
